<compile_context>
chip_gen: v7x
topology: tpu7x:2x2x1
jax: 0.10.2.dev20260603
libtpu: 0.0.44.dev20260713+nightly
codegen_flags: <defaults>
</compile_context>

<pallas_src>
import functools

import jax
import jax.numpy as jnp
from jax import lax
from jax.experimental import pallas as pl
from jax.experimental.pallas import tpu as pltpu
from jax.experimental.pallas import tpu_sc as plsc

N = 10000
D = 128
H = 16
C = 40
E = 320000

NC = 2
NS = 16
NW = NC * NS
K = 128
NB = 8
NG = 10
CHUNKS = NB * NG
EPW = CHUNKS * K
EPAD = EPW * NW
NACC = 10112
STRIPE = NACC // NS

SEG = 128 // H
RH = N * H // 128
PH = NACC * H // 128

_MESH = plsc.VectorSubcoreMesh(core_axis_name="c", subcore_axis_name="s")


def _sc_agg(width, NB, NG):

    HSTR = STRIPE // 2

    @functools.partial(
        pl.kernel,
        out_type=jax.ShapeDtypeStruct((NC * NACC, width), jnp.float32),
        mesh=_MESH,
        scratch_types=[
            pltpu.VMEM((CHUNKS, K), jnp.int32),
            pltpu.VMEM((CHUNKS, K), jnp.int32),
            [pltpu.VMEM((K, width), jnp.float32) for _ in range(NB)],
            [pltpu.VMEM((K, width), jnp.float32) for _ in range(NB)],
            pltpu.VMEM((HSTR, width), jnp.float32),
            pltpu.SemaphoreType.DMA,
            pltpu.SemaphoreType.DMA,
            pltpu.VMEM_SHARED((NACC, width), jnp.float32),
        ],
        compiler_params=pltpu.CompilerParams(use_tc_tiling_on_sc=False),
    )
    def agg(g_hbm, src_hbm, dst_hbm, zero_hbm, out_hbm, src_v, dst_v, rows_a,
            rows_b, half_v, gsem, ssem, acc):
        cid = lax.axis_index("c")
        sid = lax.axis_index("s")
        wid = sid * NC + cid
        row0 = sid * STRIPE

        def fire_g(bank, c0):
            for b in range(NB):
                pltpu.async_copy(g_hbm.at[src_v.at[c0 + b]], bank[b], gsem)

        def drain_g(bank, c0):
            for b in range(NB):
                pltpu.make_async_copy(g_hbm.at[src_v.at[c0 + b]], bank[b],
                                      gsem).wait()

        def fire_s(bank, c0):
            for b in range(NB):
                pltpu.async_copy(bank[b], acc.at[dst_v.at[c0 + b]], ssem,
                                 add=True)

        def drain_s(bank, c0):
            for b in range(NB):
                pltpu.make_async_copy(bank[b], acc.at[dst_v.at[c0 + b]],
                                      ssem).wait()

        pltpu.async_copy(src_hbm.at[wid], src_v, gsem)
        pltpu.async_copy(dst_hbm.at[wid], dst_v, ssem)
        for h in range(2):
            pltpu.sync_copy(zero_hbm.at[pl.ds(row0 + h * HSTR, HSTR)], half_v)
            pltpu.sync_copy(half_v, acc.at[pl.ds(row0 + h * HSTR, HSTR)])
        pltpu.make_async_copy(src_hbm.at[wid], src_v, gsem).wait()
        pltpu.make_async_copy(dst_hbm.at[wid], dst_v, ssem).wait()
        plsc.subcore_barrier()

        fire_g(rows_a, 0)

        def body(gg, carry):
            c0 = 2 * gg * NB
            drain_g(rows_a, c0)

            @pl.when(gg > 0)
            def _():
                drain_s(rows_b, c0 - NB)

            fire_g(rows_b, c0 + NB)
            fire_s(rows_a, c0)
            drain_g(rows_b, c0 + NB)
            drain_s(rows_a, c0)

            @pl.when(gg + 1 < NG // 2)
            def _():
                fire_g(rows_a, c0 + 2 * NB)

            fire_s(rows_b, c0 + NB)
            return carry

        lax.fori_loop(0, NG // 2, body, 0)
        drain_s(rows_b, CHUNKS - NB)
        plsc.subcore_barrier()
        for h in range(2):
            pltpu.sync_copy(acc.at[pl.ds(row0 + h * HSTR, HSTR)], half_v)
            pltpu.sync_copy(half_v,
                            out_hbm.at[pl.ds(cid * NACC + row0 + h * HSTR,
                                             HSTR)])

    return agg


@functools.partial(
    pl.kernel,
    out_type=jax.ShapeDtypeStruct((NC * NACC,), jnp.float32),
    mesh=_MESH,
    scratch_types=[
        pltpu.VMEM((CHUNKS, K), jnp.int32),
        pltpu.VMEM((K,), jnp.float32),
        pltpu.VMEM((STRIPE,), jnp.float32),
        pltpu.SemaphoreType.DMA,
        pltpu.VMEM_SHARED((NACC,), jnp.float32),
    ],
    compiler_params=pltpu.CompilerParams(use_tc_tiling_on_sc=False),
)
def _sc_deg(dst_hbm, zero_hbm, out_hbm, dst_v, ones, stripe_v, sem, acc):
    cid = lax.axis_index("c")
    sid = lax.axis_index("s")
    wid = sid * NC + cid
    row0 = sid * STRIPE
    pltpu.async_copy(dst_hbm.at[wid], dst_v, sem)
    for i in range(K // 16):
        ones[pl.ds(i * 16, 16)] = jnp.full((16,), 1.0, jnp.float32)
    pltpu.sync_copy(zero_hbm.at[pl.ds(row0, STRIPE)], stripe_v)
    pltpu.sync_copy(stripe_v, acc.at[pl.ds(row0, STRIPE)])
    pltpu.make_async_copy(dst_hbm.at[wid], dst_v, sem).wait()
    plsc.subcore_barrier()

    def body(g, carry):
        c0 = g * NB
        for b in range(NB):
            pltpu.async_copy(ones, acc.at[dst_v.at[c0 + b]], sem, add=True)

        @pl.when(g > 0)
        def _():
            for b in range(NB):
                pltpu.make_async_copy(ones, acc.at[dst_v.at[c0 - NB + b]],
                                      sem).wait()

        return carry

    lax.fori_loop(0, NG, body, 0)
    for b in range(NB):
        pltpu.make_async_copy(ones, acc.at[dst_v.at[CHUNKS - NB + b]],
                              sem).wait()
    plsc.subcore_barrier()
    pltpu.sync_copy(acc.at[pl.ds(row0, STRIPE)], stripe_v)
    pltpu.sync_copy(stripe_v, out_hbm.at[pl.ds(cid * NACC + row0, STRIPE)])


def _tc_a_body(degr_ref, xr_ref, w1b_ref, dinvr_ref, g1r_ref):
    degr = degr_ref[0:RH] + degr_ref[PH:PH + RH] + 1.0
    dinvr = lax.rsqrt(degr)
    dinvr_ref[...] = dinvr
    h1r = jnp.dot(xr_ref[...], w1b_ref[...],
                  preferred_element_type=jnp.float32)
    g1r_ref[...] = h1r * dinvr


def _tc_b_body(p1r_ref, g1r_ref, dinvr_ref, b1b_ref, ga1r_ref):
    s1r = p1r_ref[0:RH] + p1r_ref[PH:PH + RH] + g1r_ref[...]
    dinvr = dinvr_ref[...]
    a1r = jnp.maximum(s1r * dinvr + b1b_ref[...], 0.0)
    ga1r_ref[...] = a1r * dinvr


def _tc_c_body(p2r_ref, ga1r_ref, dinvr_ref, w2b_ref, b2b_ref, out_ref):
    ur = p2r_ref[0:RH] + p2r_ref[PH:PH + RH] + ga1r_ref[...]
    s2r = ur * dinvr_ref[...]
    zr = jnp.dot(s2r, w2b_ref[...], preferred_element_type=jnp.float32) \
        + b2b_ref[...]
    for j in range(SEG):
        zs = zr[:, C * j:C * (j + 1)]
        m = jnp.max(zs, axis=1, keepdims=True)
        lse = jnp.log(jnp.sum(jnp.exp(zs - m), axis=1, keepdims=True)) + m
        out_ref[:, C * j:C * (j + 1)] = zs - lse


_agg16 = _sc_agg(H, 8, 10)


def kernel(x, edge_index, W1, b1, W2, b2):
    ppw = (EPAD - E) // NW
    src_r = edge_index[0].reshape(NW, E // NW)
    dst_r = edge_index[1].reshape(NW, E // NW)
    pad_src = jnp.zeros((NW, ppw), jnp.int32)
    pad_dst = jnp.broadcast_to(
        N + jnp.arange(ppw, dtype=jnp.int32) % (NACC - N), (NW, ppw))
    src_p = jnp.concatenate([src_r, pad_src], axis=1).reshape(NW, CHUNKS, K)
    dst_p = jnp.concatenate([dst_r, pad_dst], axis=1).reshape(NW, CHUNKS, K)
    z1 = jnp.zeros((NACC,), jnp.float32)
    zH = jnp.zeros((NACC, H), jnp.float32)

    degp = _sc_deg(dst_p, z1)
    degr = jnp.broadcast_to(degp[:, None],
                            (NC * NACC, H)).reshape(NC * PH, 128)
    w1b = jnp.kron(jnp.eye(SEG, dtype=jnp.float32), W1)

    dinvr, g1r = pl.pallas_call(
        _tc_a_body,
        out_shape=(jax.ShapeDtypeStruct((RH, 128), jnp.float32),
                   jax.ShapeDtypeStruct((RH, 128), jnp.float32)),
    )(degr, x.reshape(RH, SEG * D), w1b)

    p1 = _agg16(g1r.reshape(N, H), src_p, dst_p, zH)

    ga1r = pl.pallas_call(
        _tc_b_body,
        out_shape=jax.ShapeDtypeStruct((RH, 128), jnp.float32),
    )(p1.reshape(NC * PH, 128), g1r, dinvr,
      jnp.tile(b1, SEG).reshape(1, 128))

    p2 = _agg16(ga1r.reshape(N, H), src_p, dst_p, zH)

    w2b = jnp.kron(jnp.eye(SEG, dtype=jnp.float32), W2)
    outr = pl.pallas_call(
        _tc_c_body,
        out_shape=jax.ShapeDtypeStruct((RH, SEG * C), jnp.float32),
    )(p2.reshape(NC * PH, 128), ga1r, dinvr, w2b,
      jnp.tile(b2, SEG).reshape(1, SEG * C))
    return outr.reshape(N, C)

# --- scband reference (transcript-rebuilt; emitter-appended) ---
"""Pipeline reference for scband-net-62792421867575 (READ-ONLY COPY).

The authoritative reference and input builder live on the scoring server;
editing this copy changes nothing except your own understanding.
"""

import jax, jax.numpy as jnp
import numpy as np

N = 10000
D = 128
H = 16
C = 40
E = 320000


def _gcn_conv(x, edge_index, W, b, num_nodes):
    # GCNConv: x' = D^{-1/2} (A + I) D^{-1/2} X W + b
    src = edge_index[0]
    dst = edge_index[1]
    loop = jnp.arange(num_nodes, dtype=src.dtype)
    src = jnp.concatenate([src, loop])
    dst = jnp.concatenate([dst, loop])
    deg = jnp.zeros((num_nodes,), dtype=jnp.float32).at[dst].add(1.0)
    dinv = 1.0 / jnp.sqrt(jnp.clip(deg, 1.0))
    norm = dinv[src] * dinv[dst]
    h = x @ W
    msg = h[src] * norm[:, None]
    out = jnp.zeros((num_nodes, W.shape[1]), dtype=h.dtype).at[dst].add(msg)
    return out + b


def setup_inputs(seed: int = 0):
    key = jax.random.key(seed)
    k1, k2, k3, k4, k5, k6 = jax.random.split(key, 6)
    x = jax.random.normal(k1, (N, D), dtype=jnp.float32)
    edge_index = jax.random.randint(k2, (2, E), 0, N, dtype=jnp.int32)
    W1 = jax.random.normal(k3, (D, H), dtype=jnp.float32) / np.sqrt(D)
    b1 = jnp.zeros((H,), dtype=jnp.float32)
    W2 = jax.random.normal(k4, (H, C), dtype=jnp.float32) / np.sqrt(H)
    b2 = jnp.zeros((C,), dtype=jnp.float32)
    return {"x": x, "edge_index": edge_index, "W1": W1, "b1": b1, "W2": W2, "b2": b2}


def reference(x, edge_index, W1, b1, W2, b2):
    h = _gcn_conv(x, edge_index, W1, b1, N)
    h = jax.nn.relu(h)
    # F.dropout with training=False is identity (eval mode)
    h = _gcn_conv(h, edge_index, W2, b2, N)
    return jax.nn.log_softmax(h, axis=1)

if __name__ == "__main__":
    import jax
    _d = setup_inputs()
    print(jax.jit(kernel)(*tuple(_d.values())))

</pallas_src>

<mosaic_0001>
#map = affine_map<(d0, d1) -> (0, 0, 0)>
#map1 = affine_map<(d0, d1) -> (0)>
module attributes {stable_mosaic.version = 14 : i64} {
  func.func @_sc_deg(%arg0: i32, %arg1: i32, %arg2: memref<32x80x128xi32, #tpu.memory_space<hbm>>, %arg3: memref<10112xf32, #tpu.memory_space<hbm>>, %arg4: memref<20224xf32, #tpu.memory_space<hbm>>, %arg5: memref<80x128xi32, #tpu.memory_space<vmem>>, %arg6: memref<128xf32, #tpu.memory_space<vmem>>, %arg7: memref<632xf32, #tpu.memory_space<vmem>>, %arg8: memref<!tpu.dma_semaphore, #tpu.memory_space<semaphore_mem>>, %arg9: memref<10112xf32, #tpu.memory_space<vmem_shared>>) attributes {dimension_semantics = [#tpu.dimension_semantics<core_parallel>, #tpu.dimension_semantics<subcore_parallel>], iteration_bounds = array<i64: 2, 16>, scalar_prefetch = 0 : i64, scratch_operands = 5 : i64, tpu.core_type = #tpu.core_type<sc_vector_subcore>, window_params = [{transform_indices = #map}, {transform_indices = #map1}, {transform_indices = #map1}]} {
    %mul3A = arith.constant 2 : i32
    %mul3A_0 = arith.muli %arg1, %mul3A : i32
    %add3A = arith.addi %mul3A_0, %arg0 : i32
    %mul3A_1 = arith.constant 632 : i32
    %mul3A_2 = arith.muli %arg1, %mul3A_1 : i32
    %dma_start3A = arith.constant 0 : i32
    %dma_start3A_3 = arith.constant 0 : i32
    %dma_start3A_4 = tpu.memref_slice %arg2[%add3A, %dma_start3A, %dma_start3A_3] : memref<32x80x128xi32, #tpu.memory_space<hbm>> -> memref<1x80x128xi32, #tpu.memory_space<hbm>>
    %dma_start3A_5 = tpu.memref_squeeze %dma_start3A_4 : memref<1x80x128xi32, #tpu.memory_space<hbm>> -> memref<80x128xi32, #tpu.memory_space<hbm>>
    %dma_start3A_6 = arith.constant 0 : i32
    %dma_start3A_7 = arith.constant 0 : i32
    %dma_start3A_8 = tpu.memref_slice %arg2[%add3A, %dma_start3A_6, %dma_start3A_7] : memref<32x80x128xi32, #tpu.memory_space<hbm>> -> memref<1x80x128xi32, #tpu.memory_space<hbm>>
    %dma_start3A_9 = tpu.memref_squeeze %dma_start3A_8 : memref<1x80x128xi32, #tpu.memory_space<hbm>> -> memref<80x128xi32, #tpu.memory_space<hbm>>
    tpu.enqueue_dma source(%dma_start3A_9 : memref<80x128xi32, #tpu.memory_space<hbm>>) target(%arg5 : memref<80x128xi32, #tpu.memory_space<vmem>>) target_semaphore(%arg8 : memref<!tpu.dma_semaphore, #tpu.memory_space<semaphore_mem>>)
    %broadcast_in_dim3A = arith.constant 1.000000e+00 : f32
    %broadcast_in_dim3A_10 = vector.broadcast %broadcast_in_dim3A : f32 to vector<16xf32>
    %swap3A = arith.constant 0 : index
    %swap3A_11 = tpu.vector_load %arg6[%swap3A] {strides = array<i32>} : memref<128xf32, #tpu.memory_space<vmem>>, vector<16xf32>,
    %swap3A_12 = vector.shape_cast %swap3A_11 : vector<16xf32> to vector<16xf32>
    %swap3A_13 = vector.shape_cast %broadcast_in_dim3A_10 : vector<16xf32> to vector<16xf32>
    tpu.vector_store %arg6[%swap3A], %swap3A_13 {strides = array<i32>} : memref<128xf32, #tpu.memory_space<vmem>>, vector<16xf32>,
    %broadcast_in_dim3A_14 = arith.constant 1.000000e+00 : f32
    %broadcast_in_dim3A_15 = vector.broadcast %broadcast_in_dim3A_14 : f32 to vector<16xf32>
    %swap3A_16 = arith.constant 16 : index
    %swap3A_17 = tpu.vector_load %arg6[%swap3A_16] {strides = array<i32>} : memref<128xf32, #tpu.memory_space<vmem>>, vector<16xf32>,
    %swap3A_18 = vector.shape_cast %swap3A_17 : vector<16xf32> to vector<16xf32>
    %swap3A_19 = vector.shape_cast %broadcast_in_dim3A_15 : vector<16xf32> to vector<16xf32>
    tpu.vector_store %arg6[%swap3A_16], %swap3A_19 {strides = array<i32>} : memref<128xf32, #tpu.memory_space<vmem>>, vector<16xf32>,
    %broadcast_in_dim3A_20 = arith.constant 1.000000e+00 : f32
    %broadcast_in_dim3A_21 = vector.broadcast %broadcast_in_dim3A_20 : f32 to vector<16xf32>
    %swap3A_22 = arith.constant 32 : index
    %swap3A_23 = tpu.vector_load %arg6[%swap3A_22] {strides = array<i32>} : memref<128xf32, #tpu.memory_space<vmem>>, vector<16xf32>,
    %swap3A_24 = vector.shape_cast %swap3A_23 : vector<16xf32> to vector<16xf32>
    %swap3A_25 = vector.shape_cast %broadcast_in_dim3A_21 : vector<16xf32> to vector<16xf32>
    tpu.vector_store %arg6[%swap3A_22], %swap3A_25 {strides = array<i32>} : memref<128xf32, #tpu.memory_space<vmem>>, vector<16xf32>,
    %broadcast_in_dim3A_26 = arith.constant 1.000000e+00 : f32
    %broadcast_in_dim3A_27 = vector.broadcast %broadcast_in_dim3A_26 : f32 to vector<16xf32>
    %swap3A_28 = arith.constant 48 : index
    %swap3A_29 = tpu.vector_load %arg6[%swap3A_28] {strides = array<i32>} : memref<128xf32, #tpu.memory_space<vmem>>, vector<16xf32>,
    %swap3A_30 = vector.shape_cast %swap3A_29 : vector<16xf32> to vector<16xf32>
    %swap3A_31 = vector.shape_cast %broadcast_in_dim3A_27 : vector<16xf32> to vector<16xf32>
    tpu.vector_store %arg6[%swap3A_28], %swap3A_31 {strides = array<i32>} : memref<128xf32, #tpu.memory_space<vmem>>, vector<16xf32>,
    %broadcast_in_dim3A_32 = arith.constant 1.000000e+00 : f32
    %broadcast_in_dim3A_33 = vector.broadcast %broadcast_in_dim3A_32 : f32 to vector<16xf32>
    %swap3A_34 = arith.constant 64 : index
    %swap3A_35 = tpu.vector_load %arg6[%swap3A_34] {strides = array<i32>} : memref<128xf32, #tpu.memory_space<vmem>>, vector<16xf32>,
    %swap3A_36 = vector.shape_cast %swap3A_35 : vector<16xf32> to vector<16xf32>
    %swap3A_37 = vector.shape_cast %broadcast_in_dim3A_33 : vector<16xf32> to vector<16xf32>
    tpu.vector_store %arg6[%swap3A_34], %swap3A_37 {strides = array<i32>} : memref<128xf32, #tpu.memory_space<vmem>>, vector<16xf32>,
    %broadcast_in_dim3A_38 = arith.constant 1.000000e+00 : f32
    %broadcast_in_dim3A_39 = vector.broadcast %broadcast_in_dim3A_38 : f32 to vector<16xf32>
    %swap3A_40 = arith.constant 80 : index
    %swap3A_41 = tpu.vector_load %arg6[%swap3A_40] {strides = array<i32>} : memref<128xf32, #tpu.memory_space<vmem>>, vector<16xf32>,
    %swap3A_42 = vector.shape_cast %swap3A_41 : vector<16xf32> to vector<16xf32>
    %swap3A_43 = vector.shape_cast %broadcast_in_dim3A_39 : vector<16xf32> to vector<16xf32>
    tpu.vector_store %arg6[%swap3A_40], %swap3A_43 {strides = array<i32>} : memref<128xf32, #tpu.memory_space<vmem>>, vector<16xf32>,
    %broadcast_in_dim3A_44 = arith.constant 1.000000e+00 : f32
    %broadcast_in_dim3A_45 = vector.broadcast %broadcast_in_dim3A_44 : f32 to vector<16xf32>
    %swap3A_46 = arith.constant 96 : index
    %swap3A_47 = tpu.vector_load %arg6[%swap3A_46] {strides = array<i32>} : memref<128xf32, #tpu.memory_space<vmem>>, vector<16xf32>,
    %swap3A_48 = vector.shape_cast %swap3A_47 : vector<16xf32> to vector<16xf32>
    %swap3A_49 = vector.shape_cast %broadcast_in_dim3A_45 : vector<16xf32> to vector<16xf32>
    tpu.vector_store %arg6[%swap3A_46], %swap3A_49 {strides = array<i32>} : memref<128xf32, #tpu.memory_space<vmem>>, vector<16xf32>,
    %broadcast_in_dim3A_50 = arith.constant 1.000000e+00 : f32
    %broadcast_in_dim3A_51 = vector.broadcast %broadcast_in_dim3A_50 : f32 to vector<16xf32>
    %swap3A_52 = arith.constant 112 : index
    %swap3A_53 = tpu.vector_load %arg6[%swap3A_52] {strides = array<i32>} : memref<128xf32, #tpu.memory_space<vmem>>, vector<16xf32>,
    %swap3A_54 = vector.shape_cast %swap3A_53 : vector<16xf32> to vector<16xf32>
    %swap3A_55 = vector.shape_cast %broadcast_in_dim3A_51 : vector<16xf32> to vector<16xf32>
    tpu.vector_store %arg6[%swap3A_52], %swap3A_55 {strides = array<i32>} : memref<128xf32, #tpu.memory_space<vmem>>, vector<16xf32>,
    "tpu.region"() ({
      %run_scoped3A = tpu.sem_alloc : memref<!tpu.dma_semaphore, #tpu.memory_space<semaphore_mem>>
      %dma_start3A_120 = tpu.memref_slice %arg3[%mul3A_2] : memref<10112xf32, #tpu.memory_space<hbm>> -> memref<632xf32, #tpu.memory_space<hbm>>
      %dma_start3A_121 = tpu.memref_slice %arg3[%mul3A_2] : memref<10112xf32, #tpu.memory_space<hbm>> -> memref<632xf32, #tpu.memory_space<hbm>>
      tpu.enqueue_dma source(%dma_start3A_121 : memref<632xf32, #tpu.memory_space<hbm>>) target(%arg7 : memref<632xf32, #tpu.memory_space<vmem>>) target_semaphore(%run_scoped3A : memref<!tpu.dma_semaphore, #tpu.memory_space<semaphore_mem>>)
      %dma_wait3A_122 = tpu.memref_slice %arg3[%mul3A_2] : memref<10112xf32, #tpu.memory_space<hbm>> -> memref<632xf32, #tpu.memory_space<hbm>>
      %dma_wait3A_123 = tpu.memref_slice %arg3[%mul3A_2] : memref<10112xf32, #tpu.memory_space<hbm>> -> memref<632xf32, #tpu.memory_space<hbm>>
      tpu.wait_dma2 semaphore(%run_scoped3A : memref<!tpu.dma_semaphore, #tpu.memory_space<semaphore_mem>>) src(%dma_wait3A_123 : memref<632xf32, #tpu.memory_space<hbm>>) dst(%arg7 : memref<632xf32, #tpu.memory_space<vmem>>)
      tpu.yield
    }) : () -> ()
    "tpu.region"() ({
      %run_scoped3A = tpu.sem_alloc : memref<!tpu.dma_semaphore, #tpu.memory_space<semaphore_mem>>
      %dma_start3A_120 = tpu.memref_slice %arg9[%mul3A_2] : memref<10112xf32, #tpu.memory_space<vmem_shared>> -> memref<632xf32, #tpu.memory_space<vmem_shared>>
      %dma_start3A_121 = tpu.memref_slice %arg9[%mul3A_2] : memref<10112xf32, #tpu.memory_space<vmem_shared>> -> memref<632xf32, #tpu.memory_space<vmem_shared>>
      tpu.enqueue_dma source(%arg7 : memref<632xf32, #tpu.memory_space<vmem>>) target(%dma_start3A_121 : memref<632xf32, #tpu.memory_space<vmem_shared>>) target_semaphore(%run_scoped3A : memref<!tpu.dma_semaphore, #tpu.memory_space<semaphore_mem>>)
      %dma_wait3A_122 = tpu.memref_slice %arg9[%mul3A_2] : memref<10112xf32, #tpu.memory_space<vmem_shared>> -> memref<632xf32, #tpu.memory_space<vmem_shared>>
      %dma_wait3A_123 = tpu.memref_slice %arg9[%mul3A_2] : memref<10112xf32, #tpu.memory_space<vmem_shared>> -> memref<632xf32, #tpu.memory_space<vmem_shared>>
      tpu.wait_dma2 semaphore(%run_scoped3A : memref<!tpu.dma_semaphore, #tpu.memory_space<semaphore_mem>>) src(%arg7 : memref<632xf32, #tpu.memory_space<vmem>>) dst(%dma_wait3A_123 : memref<632xf32, #tpu.memory_space<vmem_shared>>)
      tpu.yield
    }) : () -> ()
    %dma_wait3A = arith.constant 0 : i32
    %dma_wait3A_56 = arith.constant 0 : i32
    %dma_wait3A_57 = tpu.memref_slice %arg2[%add3A, %dma_wait3A, %dma_wait3A_56] : memref<32x80x128xi32, #tpu.memory_space<hbm>> -> memref<1x80x128xi32, #tpu.memory_space<hbm>>
    %dma_wait3A_58 = tpu.memref_squeeze %dma_wait3A_57 : memref<1x80x128xi32, #tpu.memory_space<hbm>> -> memref<80x128xi32, #tpu.memory_space<hbm>>
    %dma_wait3A_59 = arith.constant 0 : i32
    %dma_wait3A_60 = arith.constant 0 : i32
    %dma_wait3A_61 = tpu.memref_slice %arg2[%add3A, %dma_wait3A_59, %dma_wait3A_60] : memref<32x80x128xi32, #tpu.memory_space<hbm>> -> memref<1x80x128xi32, #tpu.memory_space<hbm>>
    %dma_wait3A_62 = tpu.memref_squeeze %dma_wait3A_61 : memref<1x80x128xi32, #tpu.memory_space<hbm>> -> memref<80x128xi32, #tpu.memory_space<hbm>>
    tpu.wait_dma2 semaphore(%arg8 : memref<!tpu.dma_semaphore, #tpu.memory_space<semaphore_mem>>) src(%dma_wait3A_62 : memref<80x128xi32, #tpu.memory_space<hbm>>) dst(%arg5 : memref<80x128xi32, #tpu.memory_space<vmem>>)
    %barrier3A = arith.constant 0 : index
    tpu.barrier barrier_id(%barrier3A)
    %scan3A = arith.constant 0 : i32
    %scan3A_63 = arith.constant 0 : i32
    %scan3A_64 = arith.constant 10 : i32
    %scan3A_65 = arith.addi %scan3A_63, %scan3A_64 : i32
    %scan3A_66 = arith.constant 1 : i32
    scf.for %scan3A_120 = %scan3A_63 to %scan3A_65 step %scan3A_66  : i32 {
      %mul3A_121 = arith.constant 8 : i32
      %mul3A_122 = arith.muli %scan3A_120, %mul3A_121 : i32
      %add3A_123 = arith.constant 0 : i32
      %add3A_124 = arith.addi %mul3A_122, %add3A_123 : i32
      %dma_start3A_125 = arith.constant 0 : i32
      %dma_start3A_126 = tpu.memref_slice %arg5[%add3A_124, %dma_start3A_125] : memref<80x128xi32, #tpu.memory_space<vmem>> -> memref<1x128xi32, #tpu.memory_space<vmem>>
      %dma_start3A_127 = tpu.memref_squeeze %dma_start3A_126 : memref<1x128xi32, #tpu.memory_space<vmem>> -> memref<128xi32, #tpu.memory_space<vmem>>
      %dma_start3A_128 = arith.constant 0 : i32
      %dma_start3A_129 = tpu.memref_slice %arg9[%dma_start3A_128] : memref<10112xf32, #tpu.memory_space<vmem_shared>> -> memref<10112xf32, #tpu.memory_space<vmem_shared>>
      tpu.enqueue_indirect_dma source(%arg6 : memref<128xf32, #tpu.memory_space<vmem>>) target(%dma_start3A_129 : memref<10112xf32, #tpu.memory_space<vmem_shared>>) offsets(%dma_start3A_127 : memref<128xi32, #tpu.memory_space<vmem>>) semaphore(%arg8 : memref<!tpu.dma_semaphore, #tpu.memory_space<semaphore_mem>>) {add = true}
      %add3A_130 = arith.constant 1 : i32
      %add3A_131 = arith.addi %mul3A_122, %add3A_130 : i32
      %dma_start3A_132 = arith.constant 0 : i32
      %dma_start3A_133 = tpu.memref_slice %arg5[%add3A_131, %dma_start3A_132] : memref<80x128xi32, #tpu.memory_space<vmem>> -> memref<1x128xi32, #tpu.memory_space<vmem>>
      %dma_start3A_134 = tpu.memref_squeeze %dma_start3A_133 : memref<1x128xi32, #tpu.memory_space<vmem>> -> memref<128xi32, #tpu.memory_space<vmem>>
      %dma_start3A_135 = arith.constant 0 : i32
      %dma_start3A_136 = tpu.memref_slice %arg9[%dma_start3A_135] : memref<10112xf32, #tpu.memory_space<vmem_shared>> -> memref<10112xf32, #tpu.memory_space<vmem_shared>>
      tpu.enqueue_indirect_dma source(%arg6 : memref<128xf32, #tpu.memory_space<vmem>>) target(%dma_start3A_136 : memref<10112xf32, #tpu.memory_space<vmem_shared>>) offsets(%dma_start3A_134 : memref<128xi32, #tpu.memory_space<vmem>>) semaphore(%arg8 : memref<!tpu.dma_semaphore, #tpu.memory_space<semaphore_mem>>) {add = true}
      %add3A_137 = arith.constant 2 : i32
      %add3A_138 = arith.addi %mul3A_122, %add3A_137 : i32
      %dma_start3A_139 = arith.constant 0 : i32
      %dma_start3A_140 = tpu.memref_slice %arg5[%add3A_138, %dma_start3A_139] : memref<80x128xi32, #tpu.memory_space<vmem>> -> memref<1x128xi32, #tpu.memory_space<vmem>>
      %dma_start3A_141 = tpu.memref_squeeze %dma_start3A_140 : memref<1x128xi32, #tpu.memory_space<vmem>> -> memref<128xi32, #tpu.memory_space<vmem>>
      %dma_start3A_142 = arith.constant 0 : i32
      %dma_start3A_143 = tpu.memref_slice %arg9[%dma_start3A_142] : memref<10112xf32, #tpu.memory_space<vmem_shared>> -> memref<10112xf32, #tpu.memory_space<vmem_shared>>
      tpu.enqueue_indirect_dma source(%arg6 : memref<128xf32, #tpu.memory_space<vmem>>) target(%dma_start3A_143 : memref<10112xf32, #tpu.memory_space<vmem_shared>>) offsets(%dma_start3A_141 : memref<128xi32, #tpu.memory_space<vmem>>) semaphore(%arg8 : memref<!tpu.dma_semaphore, #tpu.memory_space<semaphore_mem>>) {add = true}
      %add3A_144 = arith.constant 3 : i32
      %add3A_145 = arith.addi %mul3A_122, %add3A_144 : i32
      %dma_start3A_146 = arith.constant 0 : i32
      %dma_start3A_147 = tpu.memref_slice %arg5[%add3A_145, %dma_start3A_146] : memref<80x128xi32, #tpu.memory_space<vmem>> -> memref<1x128xi32, #tpu.memory_space<vmem>>
      %dma_start3A_148 = tpu.memref_squeeze %dma_start3A_147 : memref<1x128xi32, #tpu.memory_space<vmem>> -> memref<128xi32, #tpu.memory_space<vmem>>
      %dma_start3A_149 = arith.constant 0 : i32
      %dma_start3A_150 = tpu.memref_slice %arg9[%dma_start3A_149] : memref<10112xf32, #tpu.memory_space<vmem_shared>> -> memref<10112xf32, #tpu.memory_space<vmem_shared>>
      tpu.enqueue_indirect_dma source(%arg6 : memref<128xf32, #tpu.memory_space<vmem>>) target(%dma_start3A_150 : memref<10112xf32, #tpu.memory_space<vmem_shared>>) offsets(%dma_start3A_148 : memref<128xi32, #tpu.memory_space<vmem>>) semaphore(%arg8 : memref<!tpu.dma_semaphore, #tpu.memory_space<semaphore_mem>>) {add = true}
      %add3A_151 = arith.constant 4 : i32
      %add3A_152 = arith.addi %mul3A_122, %add3A_151 : i32
      %dma_start3A_153 = arith.constant 0 : i32
      %dma_start3A_154 = tpu.memref_slice %arg5[%add3A_152, %dma_start3A_153] : memref<80x128xi32, #tpu.memory_space<vmem>> -> memref<1x128xi32, #tpu.memory_space<vmem>>
      %dma_start3A_155 = tpu.memref_squeeze %dma_start3A_154 : memref<1x128xi32, #tpu.memory_space<vmem>> -> memref<128xi32, #tpu.memory_space<vmem>>
      %dma_start3A_156 = arith.constant 0 : i32
      %dma_start3A_157 = tpu.memref_slice %arg9[%dma_start3A_156] : memref<10112xf32, #tpu.memory_space<vmem_shared>> -> memref<10112xf32, #tpu.memory_space<vmem_shared>>
      tpu.enqueue_indirect_dma source(%arg6 : memref<128xf32, #tpu.memory_space<vmem>>) target(%dma_start3A_157 : memref<10112xf32, #tpu.memory_space<vmem_shared>>) offsets(%dma_start3A_155 : memref<128xi32, #tpu.memory_space<vmem>>) semaphore(%arg8 : memref<!tpu.dma_semaphore, #tpu.memory_space<semaphore_mem>>) {add = true}
      %add3A_158 = arith.constant 5 : i32
      %add3A_159 = arith.addi %mul3A_122, %add3A_158 : i32
      %dma_start3A_160 = arith.constant 0 : i32
      %dma_start3A_161 = tpu.memref_slice %arg5[%add3A_159, %dma_start3A_160] : memref<80x128xi32, #tpu.memory_space<vmem>> -> memref<1x128xi32, #tpu.memory_space<vmem>>
      %dma_start3A_162 = tpu.memref_squeeze %dma_start3A_161 : memref<1x128xi32, #tpu.memory_space<vmem>> -> memref<128xi32, #tpu.memory_space<vmem>>
      %dma_start3A_163 = arith.constant 0 : i32
      %dma_start3A_164 = tpu.memref_slice %arg9[%dma_start3A_163] : memref<10112xf32, #tpu.memory_space<vmem_shared>> -> memref<10112xf32, #tpu.memory_space<vmem_shared>>
      tpu.enqueue_indirect_dma source(%arg6 : memref<128xf32, #tpu.memory_space<vmem>>) target(%dma_start3A_164 : memref<10112xf32, #tpu.memory_space<vmem_shared>>) offsets(%dma_start3A_162 : memref<128xi32, #tpu.memory_space<vmem>>) semaphore(%arg8 : memref<!tpu.dma_semaphore, #tpu.memory_space<semaphore_mem>>) {add = true}
      %add3A_165 = arith.constant 6 : i32
      %add3A_166 = arith.addi %mul3A_122, %add3A_165 : i32
      %dma_start3A_167 = arith.constant 0 : i32
      %dma_start3A_168 = tpu.memref_slice %arg5[%add3A_166, %dma_start3A_167] : memref<80x128xi32, #tpu.memory_space<vmem>> -> memref<1x128xi32, #tpu.memory_space<vmem>>
      %dma_start3A_169 = tpu.memref_squeeze %dma_start3A_168 : memref<1x128xi32, #tpu.memory_space<vmem>> -> memref<128xi32, #tpu.memory_space<vmem>>
      %dma_start3A_170 = arith.constant 0 : i32
      %dma_start3A_171 = tpu.memref_slice %arg9[%dma_start3A_170] : memref<10112xf32, #tpu.memory_space<vmem_shared>> -> memref<10112xf32, #tpu.memory_space<vmem_shared>>
      tpu.enqueue_indirect_dma source(%arg6 : memref<128xf32, #tpu.memory_space<vmem>>) target(%dma_start3A_171 : memref<10112xf32, #tpu.memory_space<vmem_shared>>) offsets(%dma_start3A_169 : memref<128xi32, #tpu.memory_space<vmem>>) semaphore(%arg8 : memref<!tpu.dma_semaphore, #tpu.memory_space<semaphore_mem>>) {add = true}
      %add3A_172 = arith.constant 7 : i32
      %add3A_173 = arith.addi %mul3A_122, %add3A_172 : i32
      %dma_start3A_174 = arith.constant 0 : i32
      %dma_start3A_175 = tpu.memref_slice %arg5[%add3A_173, %dma_start3A_174] : memref<80x128xi32, #tpu.memory_space<vmem>> -> memref<1x128xi32, #tpu.memory_space<vmem>>
      %dma_start3A_176 = tpu.memref_squeeze %dma_start3A_175 : memref<1x128xi32, #tpu.memory_space<vmem>> -> memref<128xi32, #tpu.memory_space<vmem>>
      %dma_start3A_177 = arith.constant 0 : i32
      %dma_start3A_178 = tpu.memref_slice %arg9[%dma_start3A_177] : memref<10112xf32, #tpu.memory_space<vmem_shared>> -> memref<10112xf32, #tpu.memory_space<vmem_shared>>
      tpu.enqueue_indirect_dma source(%arg6 : memref<128xf32, #tpu.memory_space<vmem>>) target(%dma_start3A_178 : memref<10112xf32, #tpu.memory_space<vmem_shared>>) offsets(%dma_start3A_176 : memref<128xi32, #tpu.memory_space<vmem>>) semaphore(%arg8 : memref<!tpu.dma_semaphore, #tpu.memory_space<semaphore_mem>>) {add = true}
      %gt3A = arith.constant 0 : i32
      %gt3A_179 = arith.cmpi sgt, %scan3A_120, %gt3A : i32
      %convert_element_type3A = arith.extui %gt3A_179 : i1 to i32
      %cond3A = arith.constant 0 : i32
      %cond3A_180 = arith.cmpi ne, %convert_element_type3A, %cond3A : i32
      scf.if %cond3A_180 {
        %sub3A = arith.constant 8 : i32
        %sub3A_181 = arith.subi %mul3A_122, %sub3A : i32
        %add3A_182 = arith.constant 0 : i32
        %add3A_183 = arith.addi %sub3A_181, %add3A_182 : i32
        %dma_wait3A_184 = arith.constant 0 : i32
        %dma_wait3A_185 = tpu.memref_slice %arg5[%add3A_183, %dma_wait3A_184] : memref<80x128xi32, #tpu.memory_space<vmem>> -> memref<1x128xi32, #tpu.memory_space<vmem>>
        %dma_wait3A_186 = tpu.memref_squeeze %dma_wait3A_185 : memref<1x128xi32, #tpu.memory_space<vmem>> -> memref<128xi32, #tpu.memory_space<vmem>>
        %dma_wait3A_187 = arith.constant 0 : i32
        %dma_wait3A_188 = tpu.memref_slice %arg9[%dma_wait3A_187] : memref<10112xf32, #tpu.memory_space<vmem_shared>> -> memref<10112xf32, #tpu.memory_space<vmem_shared>>
        tpu.wait_indirect_dma semaphore(%arg8 : memref<!tpu.dma_semaphore, #tpu.memory_space<semaphore_mem>>) src(%arg6 : memref<128xf32, #tpu.memory_space<vmem>>) dst(%dma_wait3A_188 : memref<10112xf32, #tpu.memory_space<vmem_shared>>)
        %sub3A_189 = arith.constant 8 : i32
        %sub3A_190 = arith.subi %mul3A_122, %sub3A_189 : i32
        %add3A_191 = arith.constant 1 : i32
        %add3A_192 = arith.addi %sub3A_190, %add3A_191 : i32
        %dma_wait3A_193 = arith.constant 0 : i32
        %dma_wait3A_194 = tpu.memref_slice %arg5[%add3A_192, %dma_wait3A_193] : memref<80x128xi32, #tpu.memory_space<vmem>> -> memref<1x128xi32, #tpu.memory_space<vmem>>
        %dma_wait3A_195 = tpu.memref_squeeze %dma_wait3A_194 : memref<1x128xi32, #tpu.memory_space<vmem>> -> memref<128xi32, #tpu.memory_space<vmem>>
        %dma_wait3A_196 = arith.constant 0 : i32
        %dma_wait3A_197 = tpu.memref_slice %arg9[%dma_wait3A_196] : memref<10112xf32, #tpu.memory_space<vmem_shared>> -> memref<10112xf32, #tpu.memory_space<vmem_shared>>
        tpu.wait_indirect_dma semaphore(%arg8 : memref<!tpu.dma_semaphore, #tpu.memory_space<semaphore_mem>>) src(%arg6 : memref<128xf32, #tpu.memory_space<vmem>>) dst(%dma_wait3A_197 : memref<10112xf32, #tpu.memory_space<vmem_shared>>)
        %sub3A_198 = arith.constant 8 : i32
        %sub3A_199 = arith.subi %mul3A_122, %sub3A_198 : i32
        %add3A_200 = arith.constant 2 : i32
        %add3A_201 = arith.addi %sub3A_199, %add3A_200 : i32
        %dma_wait3A_202 = arith.constant 0 : i32
        %dma_wait3A_203 = tpu.memref_slice %arg5[%add3A_201, %dma_wait3A_202] : memref<80x128xi32, #tpu.memory_space<vmem>> -> memref<1x128xi32, #tpu.memory_space<vmem>>
        %dma_wait3A_204 = tpu.memref_squeeze %dma_wait3A_203 : memref<1x128xi32, #tpu.memory_space<vmem>> -> memref<128xi32, #tpu.memory_space<vmem>>
        %dma_wait3A_205 = arith.constant 0 : i32
        %dma_wait3A_206 = tpu.memref_slice %arg9[%dma_wait3A_205] : memref<10112xf32, #tpu.memory_space<vmem_shared>> -> memref<10112xf32, #tpu.memory_space<vmem_shared>>
        tpu.wait_indirect_dma semaphore(%arg8 : memref<!tpu.dma_semaphore, #tpu.memory_space<semaphore_mem>>) src(%arg6 : memref<128xf32, #tpu.memory_space<vmem>>) dst(%dma_wait3A_206 : memref<10112xf32, #tpu.memory_space<vmem_shared>>)
        %sub3A_207 = arith.constant 8 : i32
        %sub3A_208 = arith.subi %mul3A_122, %sub3A_207 : i32
        %add3A_209 = arith.constant 3 : i32
        %add3A_210 = arith.addi %sub3A_208, %add3A_209 : i32
        %dma_wait3A_211 = arith.constant 0 : i32
        %dma_wait3A_212 = tpu.memref_slice %arg5[%add3A_210, %dma_wait3A_211] : memref<80x128xi32, #tpu.memory_space<vmem>> -> memref<1x128xi32, #tpu.memory_space<vmem>>
        %dma_wait3A_213 = tpu.memref_squeeze %dma_wait3A_212 : memref<1x128xi32, #tpu.memory_space<vmem>> -> memref<128xi32, #tpu.memory_space<vmem>>
        %dma_wait3A_214 = arith.constant 0 : i32
        %dma_wait3A_215 = tpu.memref_slice %arg9[%dma_wait3A_214] : memref<10112xf32, #tpu.memory_space<vmem_shared>> -> memref<10112xf32, #tpu.memory_space<vmem_shared>>
        tpu.wait_indirect_dma semaphore(%arg8 : memref<!tpu.dma_semaphore, #tpu.memory_space<semaphore_mem>>) src(%arg6 : memref<128xf32, #tpu.memory_space<vmem>>) dst(%dma_wait3A_215 : memref<10112xf32, #tpu.memory_space<vmem_shared>>)
        %sub3A_216 = arith.constant 8 : i32
        %sub3A_217 = arith.subi %mul3A_122, %sub3A_216 : i32
        %add3A_218 = arith.constant 4 : i32
        %add3A_219 = arith.addi %sub3A_217, %add3A_218 : i32
        %dma_wait3A_220 = arith.constant 0 : i32
        %dma_wait3A_221 = tpu.memref_slice %arg5[%add3A_219, %dma_wait3A_220] : memref<80x128xi32, #tpu.memory_space<vmem>> -> memref<1x128xi32, #tpu.memory_space<vmem>>
        %dma_wait3A_222 = tpu.memref_squeeze %dma_wait3A_221 : memref<1x128xi32, #tpu.memory_space<vmem>> -> memref<128xi32, #tpu.memory_space<vmem>>
        %dma_wait3A_223 = arith.constant 0 : i32
        %dma_wait3A_224 = tpu.memref_slice %arg9[%dma_wait3A_223] : memref<10112xf32, #tpu.memory_space<vmem_shared>> -> memref<10112xf32, #tpu.memory_space<vmem_shared>>
        tpu.wait_indirect_dma semaphore(%arg8 : memref<!tpu.dma_semaphore, #tpu.memory_space<semaphore_mem>>) src(%arg6 : memref<128xf32, #tpu.memory_space<vmem>>) dst(%dma_wait3A_224 : memref<10112xf32, #tpu.memory_space<vmem_shared>>)
        %sub3A_225 = arith.constant 8 : i32
        %sub3A_226 = arith.subi %mul3A_122, %sub3A_225 : i32
        %add3A_227 = arith.constant 5 : i32
        %add3A_228 = arith.addi %sub3A_226, %add3A_227 : i32
        %dma_wait3A_229 = arith.constant 0 : i32
        %dma_wait3A_230 = tpu.memref_slice %arg5[%add3A_228, %dma_wait3A_229] : memref<80x128xi32, #tpu.memory_space<vmem>> -> memref<1x128xi32, #tpu.memory_space<vmem>>
        %dma_wait3A_231 = tpu.memref_squeeze %dma_wait3A_230 : memref<1x128xi32, #tpu.memory_space<vmem>> -> memref<128xi32, #tpu.memory_space<vmem>>
        %dma_wait3A_232 = arith.constant 0 : i32
        %dma_wait3A_233 = tpu.memref_slice %arg9[%dma_wait3A_232] : memref<10112xf32, #tpu.memory_space<vmem_shared>> -> memref<10112xf32, #tpu.memory_space<vmem_shared>>
        tpu.wait_indirect_dma semaphore(%arg8 : memref<!tpu.dma_semaphore, #tpu.memory_space<semaphore_mem>>) src(%arg6 : memref<128xf32, #tpu.memory_space<vmem>>) dst(%dma_wait3A_233 : memref<10112xf32, #tpu.memory_space<vmem_shared>>)
        %sub3A_234 = arith.constant 8 : i32
        %sub3A_235 = arith.subi %mul3A_122, %sub3A_234 : i32
        %add3A_236 = arith.constant 6 : i32
        %add3A_237 = arith.addi %sub3A_235, %add3A_236 : i32
        %dma_wait3A_238 = arith.constant 0 : i32
        %dma_wait3A_239 = tpu.memref_slice %arg5[%add3A_237, %dma_wait3A_238] : memref<80x128xi32, #tpu.memory_space<vmem>> -> memref<1x128xi32, #tpu.memory_space<vmem>>
        %dma_wait3A_240 = tpu.memref_squeeze %dma_wait3A_239 : memref<1x128xi32, #tpu.memory_space<vmem>> -> memref<128xi32, #tpu.memory_space<vmem>>
        %dma_wait3A_241 = arith.constant 0 : i32
        %dma_wait3A_242 = tpu.memref_slice %arg9[%dma_wait3A_241] : memref<10112xf32, #tpu.memory_space<vmem_shared>> -> memref<10112xf32, #tpu.memory_space<vmem_shared>>
        tpu.wait_indirect_dma semaphore(%arg8 : memref<!tpu.dma_semaphore, #tpu.memory_space<semaphore_mem>>) src(%arg6 : memref<128xf32, #tpu.memory_space<vmem>>) dst(%dma_wait3A_242 : memref<10112xf32, #tpu.memory_space<vmem_shared>>)
        %sub3A_243 = arith.constant 8 : i32
        %sub3A_244 = arith.subi %mul3A_122, %sub3A_243 : i32
        %add3A_245 = arith.constant 7 : i32
        %add3A_246 = arith.addi %sub3A_244, %add3A_245 : i32
        %dma_wait3A_247 = arith.constant 0 : i32
        %dma_wait3A_248 = tpu.memref_slice %arg5[%add3A_246, %dma_wait3A_247] : memref<80x128xi32, #tpu.memory_space<vmem>> -> memref<1x128xi32, #tpu.memory_space<vmem>>
        %dma_wait3A_249 = tpu.memref_squeeze %dma_wait3A_248 : memref<1x128xi32, #tpu.memory_space<vmem>> -> memref<128xi32, #tpu.memory_space<vmem>>
        %dma_wait3A_250 = arith.constant 0 : i32
        %dma_wait3A_251 = tpu.memref_slice %arg9[%dma_wait3A_250] : memref<10112xf32, #tpu.memory_space<vmem_shared>> -> memref<10112xf32, #tpu.memory_space<vmem_shared>>
        tpu.wait_indirect_dma semaphore(%arg8 : memref<!tpu.dma_semaphore, #tpu.memory_space<semaphore_mem>>) src(%arg6 : memref<128xf32, #tpu.memory_space<vmem>>) dst(%dma_wait3A_251 : memref<10112xf32, #tpu.memory_space<vmem_shared>>)
      } else {
      }
    }
    %scan3A_67 = arith.constant 10 : i32
    %dma_wait3A_68 = arith.constant 72 : i32
    %dma_wait3A_69 = arith.constant 0 : i32
    %dma_wait3A_70 = tpu.memref_slice %arg5[%dma_wait3A_68, %dma_wait3A_69] : memref<80x128xi32, #tpu.memory_space<vmem>> -> memref<1x128xi32, #tpu.memory_space<vmem>>
    %dma_wait3A_71 = tpu.memref_squeeze %dma_wait3A_70 : memref<1x128xi32, #tpu.memory_space<vmem>> -> memref<128xi32, #tpu.memory_space<vmem>>
    %dma_wait3A_72 = arith.constant 0 : i32
    %dma_wait3A_73 = tpu.memref_slice %arg9[%dma_wait3A_72] : memref<10112xf32, #tpu.memory_space<vmem_shared>> -> memref<10112xf32, #tpu.memory_space<vmem_shared>>
    tpu.wait_indirect_dma semaphore(%arg8 : memref<!tpu.dma_semaphore, #tpu.memory_space<semaphore_mem>>) src(%arg6 : memref<128xf32, #tpu.memory_space<vmem>>) dst(%dma_wait3A_73 : memref<10112xf32, #tpu.memory_space<vmem_shared>>)
    %dma_wait3A_74 = arith.constant 73 : i32
    %dma_wait3A_75 = arith.constant 0 : i32
    %dma_wait3A_76 = tpu.memref_slice %arg5[%dma_wait3A_74, %dma_wait3A_75] : memref<80x128xi32, #tpu.memory_space<vmem>> -> memref<1x128xi32, #tpu.memory_space<vmem>>
    %dma_wait3A_77 = tpu.memref_squeeze %dma_wait3A_76 : memref<1x128xi32, #tpu.memory_space<vmem>> -> memref<128xi32, #tpu.memory_space<vmem>>
    %dma_wait3A_78 = arith.constant 0 : i32
    %dma_wait3A_79 = tpu.memref_slice %arg9[%dma_wait3A_78] : memref<10112xf32, #tpu.memory_space<vmem_shared>> -> memref<10112xf32, #tpu.memory_space<vmem_shared>>
    tpu.wait_indirect_dma semaphore(%arg8 : memref<!tpu.dma_semaphore, #tpu.memory_space<semaphore_mem>>) src(%arg6 : memref<128xf32, #tpu.memory_space<vmem>>) dst(%dma_wait3A_79 : memref<10112xf32, #tpu.memory_space<vmem_shared>>)
    %dma_wait3A_80 = arith.constant 74 : i32
    %dma_wait3A_81 = arith.constant 0 : i32
    %dma_wait3A_82 = tpu.memref_slice %arg5[%dma_wait3A_80, %dma_wait3A_81] : memref<80x128xi32, #tpu.memory_space<vmem>> -> memref<1x128xi32, #tpu.memory_space<vmem>>
    %dma_wait3A_83 = tpu.memref_squeeze %dma_wait3A_82 : memref<1x128xi32, #tpu.memory_space<vmem>> -> memref<128xi32, #tpu.memory_space<vmem>>
    %dma_wait3A_84 = arith.constant 0 : i32
    %dma_wait3A_85 = tpu.memref_slice %arg9[%dma_wait3A_84] : memref<10112xf32, #tpu.memory_space<vmem_shared>> -> memref<10112xf32, #tpu.memory_space<vmem_shared>>
    tpu.wait_indirect_dma semaphore(%arg8 : memref<!tpu.dma_semaphore, #tpu.memory_space<semaphore_mem>>) src(%arg6 : memref<128xf32, #tpu.memory_space<vmem>>) dst(%dma_wait3A_85 : memref<10112xf32, #tpu.memory_space<vmem_shared>>)
    %dma_wait3A_86 = arith.constant 75 : i32
    %dma_wait3A_87 = arith.constant 0 : i32
    %dma_wait3A_88 = tpu.memref_slice %arg5[%dma_wait3A_86, %dma_wait3A_87] : memref<80x128xi32, #tpu.memory_space<vmem>> -> memref<1x128xi32, #tpu.memory_space<vmem>>
    %dma_wait3A_89 = tpu.memref_squeeze %dma_wait3A_88 : memref<1x128xi32, #tpu.memory_space<vmem>> -> memref<128xi32, #tpu.memory_space<vmem>>
    %dma_wait3A_90 = arith.constant 0 : i32
    %dma_wait3A_91 = tpu.memref_slice %arg9[%dma_wait3A_90] : memref<10112xf32, #tpu.memory_space<vmem_shared>> -> memref<10112xf32, #tpu.memory_space<vmem_shared>>
    tpu.wait_indirect_dma semaphore(%arg8 : memref<!tpu.dma_semaphore, #tpu.memory_space<semaphore_mem>>) src(%arg6 : memref<128xf32, #tpu.memory_space<vmem>>) dst(%dma_wait3A_91 : memref<10112xf32, #tpu.memory_space<vmem_shared>>)
    %dma_wait3A_92 = arith.constant 76 : i32
    %dma_wait3A_93 = arith.constant 0 : i32
    %dma_wait3A_94 = tpu.memref_slice %arg5[%dma_wait3A_92, %dma_wait3A_93] : memref<80x128xi32, #tpu.memory_space<vmem>> -> memref<1x128xi32, #tpu.memory_space<vmem>>
    %dma_wait3A_95 = tpu.memref_squeeze %dma_wait3A_94 : memref<1x128xi32, #tpu.memory_space<vmem>> -> memref<128xi32, #tpu.memory_space<vmem>>
    %dma_wait3A_96 = arith.constant 0 : i32
    %dma_wait3A_97 = tpu.memref_slice %arg9[%dma_wait3A_96] : memref<10112xf32, #tpu.memory_space<vmem_shared>> -> memref<10112xf32, #tpu.memory_space<vmem_shared>>
    tpu.wait_indirect_dma semaphore(%arg8 : memref<!tpu.dma_semaphore, #tpu.memory_space<semaphore_mem>>) src(%arg6 : memref<128xf32, #tpu.memory_space<vmem>>) dst(%dma_wait3A_97 : memref<10112xf32, #tpu.memory_space<vmem_shared>>)
    %dma_wait3A_98 = arith.constant 77 : i32
    %dma_wait3A_99 = arith.constant 0 : i32
    %dma_wait3A_100 = tpu.memref_slice %arg5[%dma_wait3A_98, %dma_wait3A_99] : memref<80x128xi32, #tpu.memory_space<vmem>> -> memref<1x128xi32, #tpu.memory_space<vmem>>
    %dma_wait3A_101 = tpu.memref_squeeze %dma_wait3A_100 : memref<1x128xi32, #tpu.memory_space<vmem>> -> memref<128xi32, #tpu.memory_space<vmem>>
    %dma_wait3A_102 = arith.constant 0 : i32
    %dma_wait3A_103 = tpu.memref_slice %arg9[%dma_wait3A_102] : memref<10112xf32, #tpu.memory_space<vmem_shared>> -> memref<10112xf32, #tpu.memory_space<vmem_shared>>
    tpu.wait_indirect_dma semaphore(%arg8 : memref<!tpu.dma_semaphore, #tpu.memory_space<semaphore_mem>>) src(%arg6 : memref<128xf32, #tpu.memory_space<vmem>>) dst(%dma_wait3A_103 : memref<10112xf32, #tpu.memory_space<vmem_shared>>)
    %dma_wait3A_104 = arith.constant 78 : i32
    %dma_wait3A_105 = arith.constant 0 : i32
    %dma_wait3A_106 = tpu.memref_slice %arg5[%dma_wait3A_104, %dma_wait3A_105] : memref<80x128xi32, #tpu.memory_space<vmem>> -> memref<1x128xi32, #tpu.memory_space<vmem>>
    %dma_wait3A_107 = tpu.memref_squeeze %dma_wait3A_106 : memref<1x128xi32, #tpu.memory_space<vmem>> -> memref<128xi32, #tpu.memory_space<vmem>>
    %dma_wait3A_108 = arith.constant 0 : i32
    %dma_wait3A_109 = tpu.memref_slice %arg9[%dma_wait3A_108] : memref<10112xf32, #tpu.memory_space<vmem_shared>> -> memref<10112xf32, #tpu.memory_space<vmem_shared>>
    tpu.wait_indirect_dma semaphore(%arg8 : memref<!tpu.dma_semaphore, #tpu.memory_space<semaphore_mem>>) src(%arg6 : memref<128xf32, #tpu.memory_space<vmem>>) dst(%dma_wait3A_109 : memref<10112xf32, #tpu.memory_space<vmem_shared>>)
    %dma_wait3A_110 = arith.constant 79 : i32
    %dma_wait3A_111 = arith.constant 0 : i32
    %dma_wait3A_112 = tpu.memref_slice %arg5[%dma_wait3A_110, %dma_wait3A_111] : memref<80x128xi32, #tpu.memory_space<vmem>> -> memref<1x128xi32, #tpu.memory_space<vmem>>
    %dma_wait3A_113 = tpu.memref_squeeze %dma_wait3A_112 : memref<1x128xi32, #tpu.memory_space<vmem>> -> memref<128xi32, #tpu.memory_space<vmem>>
    %dma_wait3A_114 = arith.constant 0 : i32
    %dma_wait3A_115 = tpu.memref_slice %arg9[%dma_wait3A_114] : memref<10112xf32, #tpu.memory_space<vmem_shared>> -> memref<10112xf32, #tpu.memory_space<vmem_shared>>
    tpu.wait_indirect_dma semaphore(%arg8 : memref<!tpu.dma_semaphore, #tpu.memory_space<semaphore_mem>>) src(%arg6 : memref<128xf32, #tpu.memory_space<vmem>>) dst(%dma_wait3A_115 : memref<10112xf32, #tpu.memory_space<vmem_shared>>)
    %barrier3A_116 = arith.constant 0 : index
    tpu.barrier barrier_id(%barrier3A_116)
    "tpu.region"() ({
      %run_scoped3A = tpu.sem_alloc : memref<!tpu.dma_semaphore, #tpu.memory_space<semaphore_mem>>
      %dma_start3A_120 = tpu.memref_slice %arg9[%mul3A_2] : memref<10112xf32, #tpu.memory_space<vmem_shared>> -> memref<632xf32, #tpu.memory_space<vmem_shared>>
      %dma_start3A_121 = tpu.memref_slice %arg9[%mul3A_2] : memref<10112xf32, #tpu.memory_space<vmem_shared>> -> memref<632xf32, #tpu.memory_space<vmem_shared>>
      tpu.enqueue_dma source(%dma_start3A_121 : memref<632xf32, #tpu.memory_space<vmem_shared>>) target(%arg7 : memref<632xf32, #tpu.memory_space<vmem>>) target_semaphore(%run_scoped3A : memref<!tpu.dma_semaphore, #tpu.memory_space<semaphore_mem>>)
      %dma_wait3A_122 = tpu.memref_slice %arg9[%mul3A_2] : memref<10112xf32, #tpu.memory_space<vmem_shared>> -> memref<632xf32, #tpu.memory_space<vmem_shared>>
      %dma_wait3A_123 = tpu.memref_slice %arg9[%mul3A_2] : memref<10112xf32, #tpu.memory_space<vmem_shared>> -> memref<632xf32, #tpu.memory_space<vmem_shared>>
      tpu.wait_dma2 semaphore(%run_scoped3A : memref<!tpu.dma_semaphore, #tpu.memory_space<semaphore_mem>>) src(%dma_wait3A_123 : memref<632xf32, #tpu.memory_space<vmem_shared>>) dst(%arg7 : memref<632xf32, #tpu.memory_space<vmem>>)
      tpu.yield
    }) : () -> ()
    %mul3A_117 = arith.constant 10112 : i32
    %mul3A_118 = arith.muli %arg0, %mul3A_117 : i32
    %add3A_119 = arith.addi %mul3A_118, %mul3A_2 : i32
    "tpu.region"() ({
      %run_scoped3A = tpu.sem_alloc : memref<!tpu.dma_semaphore, #tpu.memory_space<semaphore_mem>>
      %dma_start3A_120 = tpu.memref_slice %arg4[%add3A_119] : memref<20224xf32, #tpu.memory_space<hbm>> -> memref<632xf32, #tpu.memory_space<hbm>>
      %dma_start3A_121 = tpu.memref_slice %arg4[%add3A_119] : memref<20224xf32, #tpu.memory_space<hbm>> -> memref<632xf32, #tpu.memory_space<hbm>>
      tpu.enqueue_dma source(%arg7 : memref<632xf32, #tpu.memory_space<vmem>>) target(%dma_start3A_121 : memref<632xf32, #tpu.memory_space<hbm>>) target_semaphore(%run_scoped3A : memref<!tpu.dma_semaphore, #tpu.memory_space<semaphore_mem>>)
      %dma_wait3A_122 = tpu.memref_slice %arg4[%add3A_119] : memref<20224xf32, #tpu.memory_space<hbm>> -> memref<632xf32, #tpu.memory_space<hbm>>
      %dma_wait3A_123 = tpu.memref_slice %arg4[%add3A_119] : memref<20224xf32, #tpu.memory_space<hbm>> -> memref<632xf32, #tpu.memory_space<hbm>>
      tpu.wait_dma2 semaphore(%run_scoped3A : memref<!tpu.dma_semaphore, #tpu.memory_space<semaphore_mem>>) src(%arg7 : memref<632xf32, #tpu.memory_space<vmem>>) dst(%dma_wait3A_123 : memref<632xf32, #tpu.memory_space<hbm>>)
      tpu.yield
    }) : () -> ()
    return
  }
}

#map = affine_map<(d0, d1) -> (0, 0)>
#map1 = affine_map<(d0, d1) -> (0, 0, 0)>
module attributes {stable_mosaic.version = 14 : i64} {
  func.func @agg(%arg0: i32, %arg1: i32, %arg2: memref<10000x16xf32, #tpu.memory_space<hbm>>, %arg3: memref<32x80x128xi32, #tpu.memory_space<hbm>>, %arg4: memref<32x80x128xi32, #tpu.memory_space<hbm>>, %arg5: memref<10112x16xf32, #tpu.memory_space<hbm>>, %arg6: memref<20224x16xf32, #tpu.memory_space<hbm>>, %arg7: memref<80x128xi32, #tpu.memory_space<vmem>>, %arg8: memref<80x128xi32, #tpu.memory_space<vmem>>, %arg9: memref<128x16xf32, #tpu.memory_space<vmem>>, %arg10: memref<128x16xf32, #tpu.memory_space<vmem>>, %arg11: memref<128x16xf32, #tpu.memory_space<vmem>>, %arg12: memref<128x16xf32, #tpu.memory_space<vmem>>, %arg13: memref<128x16xf32, #tpu.memory_space<vmem>>, %arg14: memref<128x16xf32, #tpu.memory_space<vmem>>, %arg15: memref<128x16xf32, #tpu.memory_space<vmem>>, %arg16: memref<128x16xf32, #tpu.memory_space<vmem>>, %arg17: memref<128x16xf32, #tpu.memory_space<vmem>>, %arg18: memref<128x16xf32, #tpu.memory_space<vmem>>, %arg19: memref<128x16xf32, #tpu.memory_space<vmem>>, %arg20: memref<128x16xf32, #tpu.memory_space<vmem>>, %arg21: memref<128x16xf32, #tpu.memory_space<vmem>>, %arg22: memref<128x16xf32, #tpu.memory_space<vmem>>, %arg23: memref<128x16xf32, #tpu.memory_space<vmem>>, %arg24: memref<128x16xf32, #tpu.memory_space<vmem>>, %arg25: memref<316x16xf32, #tpu.memory_space<vmem>>, %arg26: memref<!tpu.dma_semaphore, #tpu.memory_space<semaphore_mem>>, %arg27: memref<!tpu.dma_semaphore, #tpu.memory_space<semaphore_mem>>, %arg28: memref<10112x16xf32, #tpu.memory_space<vmem_shared>>) attributes {dimension_semantics = [#tpu.dimension_semantics<core_parallel>, #tpu.dimension_semantics<subcore_parallel>], iteration_bounds = array<i64: 2, 16>, scalar_prefetch = 0 : i64, scratch_operands = 22 : i64, tpu.core_type = #tpu.core_type<sc_vector_subcore>, window_params = [{transform_indices = #map}, {transform_indices = #map1}, {transform_indices = #map1}, {transform_indices = #map}, {transform_indices = #map}]} {
    %mul3A = arith.constant 2 : i32
    %mul3A_0 = arith.muli %arg1, %mul3A : i32
    %add3A = arith.addi %mul3A_0, %arg0 : i32
    %mul3A_1 = arith.constant 632 : i32
    %mul3A_2 = arith.muli %arg1, %mul3A_1 : i32
    %dma_start3A = arith.constant 0 : i32
    %dma_start3A_3 = arith.constant 0 : i32
    %dma_start3A_4 = tpu.memref_slice %arg3[%add3A, %dma_start3A, %dma_start3A_3] : memref<32x80x128xi32, #tpu.memory_space<hbm>> -> memref<1x80x128xi32, #tpu.memory_space<hbm>>
    %dma_start3A_5 = tpu.memref_squeeze %dma_start3A_4 : memref<1x80x128xi32, #tpu.memory_space<hbm>> -> memref<80x128xi32, #tpu.memory_space<hbm>>
    %dma_start3A_6 = arith.constant 0 : i32
    %dma_start3A_7 = arith.constant 0 : i32
    %dma_start3A_8 = tpu.memref_slice %arg3[%add3A, %dma_start3A_6, %dma_start3A_7] : memref<32x80x128xi32, #tpu.memory_space<hbm>> -> memref<1x80x128xi32, #tpu.memory_space<hbm>>
    %dma_start3A_9 = tpu.memref_squeeze %dma_start3A_8 : memref<1x80x128xi32, #tpu.memory_space<hbm>> -> memref<80x128xi32, #tpu.memory_space<hbm>>
    tpu.enqueue_dma source(%dma_start3A_9 : memref<80x128xi32, #tpu.memory_space<hbm>>) target(%arg7 : memref<80x128xi32, #tpu.memory_space<vmem>>) target_semaphore(%arg26 : memref<!tpu.dma_semaphore, #tpu.memory_space<semaphore_mem>>)
    %dma_start3A_10 = arith.constant 0 : i32
    %dma_start3A_11 = arith.constant 0 : i32
    %dma_start3A_12 = tpu.memref_slice %arg4[%add3A, %dma_start3A_10, %dma_start3A_11] : memref<32x80x128xi32, #tpu.memory_space<hbm>> -> memref<1x80x128xi32, #tpu.memory_space<hbm>>
    %dma_start3A_13 = tpu.memref_squeeze %dma_start3A_12 : memref<1x80x128xi32, #tpu.memory_space<hbm>> -> memref<80x128xi32, #tpu.memory_space<hbm>>
    %dma_start3A_14 = arith.constant 0 : i32
    %dma_start3A_15 = arith.constant 0 : i32
    %dma_start3A_16 = tpu.memref_slice %arg4[%add3A, %dma_start3A_14, %dma_start3A_15] : memref<32x80x128xi32, #tpu.memory_space<hbm>> -> memref<1x80x128xi32, #tpu.memory_space<hbm>>
    %dma_start3A_17 = tpu.memref_squeeze %dma_start3A_16 : memref<1x80x128xi32, #tpu.memory_space<hbm>> -> memref<80x128xi32, #tpu.memory_space<hbm>>
    tpu.enqueue_dma source(%dma_start3A_17 : memref<80x128xi32, #tpu.memory_space<hbm>>) target(%arg8 : memref<80x128xi32, #tpu.memory_space<vmem>>) target_semaphore(%arg27 : memref<!tpu.dma_semaphore, #tpu.memory_space<semaphore_mem>>)
    %add3A_18 = arith.constant 0 : i32
    %add3A_19 = arith.addi %mul3A_2, %add3A_18 : i32
    "tpu.region"() ({
      %run_scoped3A = tpu.sem_alloc : memref<!tpu.dma_semaphore, #tpu.memory_space<semaphore_mem>>
      %dma_start3A_173 = arith.constant 0 : i32
      %dma_start3A_174 = tpu.memref_slice %arg5[%add3A_19, %dma_start3A_173] : memref<10112x16xf32, #tpu.memory_space<hbm>> -> memref<316x16xf32, #tpu.memory_space<hbm>>
      %dma_start3A_175 = arith.constant 0 : i32
      %dma_start3A_176 = tpu.memref_slice %arg5[%add3A_19, %dma_start3A_175] : memref<10112x16xf32, #tpu.memory_space<hbm>> -> memref<316x16xf32, #tpu.memory_space<hbm>>
      tpu.enqueue_dma source(%dma_start3A_176 : memref<316x16xf32, #tpu.memory_space<hbm>>) target(%arg25 : memref<316x16xf32, #tpu.memory_space<vmem>>) target_semaphore(%run_scoped3A : memref<!tpu.dma_semaphore, #tpu.memory_space<semaphore_mem>>)
      %dma_wait3A_177 = arith.constant 0 : i32
      %dma_wait3A_178 = tpu.memref_slice %arg5[%add3A_19, %dma_wait3A_177] : memref<10112x16xf32, #tpu.memory_space<hbm>> -> memref<316x16xf32, #tpu.memory_space<hbm>>
      %dma_wait3A_179 = arith.constant 0 : i32
      %dma_wait3A_180 = tpu.memref_slice %arg5[%add3A_19, %dma_wait3A_179] : memref<10112x16xf32, #tpu.memory_space<hbm>> -> memref<316x16xf32, #tpu.memory_space<hbm>>
      tpu.wait_dma2 semaphore(%run_scoped3A : memref<!tpu.dma_semaphore, #tpu.memory_space<semaphore_mem>>) src(%dma_wait3A_180 : memref<316x16xf32, #tpu.memory_space<hbm>>) dst(%arg25 : memref<316x16xf32, #tpu.memory_space<vmem>>)
      tpu.yield
    }) : () -> ()
    %add3A_20 = arith.constant 0 : i32
    %add3A_21 = arith.addi %mul3A_2, %add3A_20 : i32
    "tpu.region"() ({
      %run_scoped3A = tpu.sem_alloc : memref<!tpu.dma_semaphore, #tpu.memory_space<semaphore_mem>>
      %dma_start3A_173 = arith.constant 0 : i32
      %dma_start3A_174 = tpu.memref_slice %arg28[%add3A_21, %dma_start3A_173] : memref<10112x16xf32, #tpu.memory_space<vmem_shared>> -> memref<316x16xf32, #tpu.memory_space<vmem_shared>>
      %dma_start3A_175 = arith.constant 0 : i32
      %dma_start3A_176 = tpu.memref_slice %arg28[%add3A_21, %dma_start3A_175] : memref<10112x16xf32, #tpu.memory_space<vmem_shared>> -> memref<316x16xf32, #tpu.memory_space<vmem_shared>>
      tpu.enqueue_dma source(%arg25 : memref<316x16xf32, #tpu.memory_space<vmem>>) target(%dma_start3A_176 : memref<316x16xf32, #tpu.memory_space<vmem_shared>>) target_semaphore(%run_scoped3A : memref<!tpu.dma_semaphore, #tpu.memory_space<semaphore_mem>>)
      %dma_wait3A_177 = arith.constant 0 : i32
      %dma_wait3A_178 = tpu.memref_slice %arg28[%add3A_21, %dma_wait3A_177] : memref<10112x16xf32, #tpu.memory_space<vmem_shared>> -> memref<316x16xf32, #tpu.memory_space<vmem_shared>>
      %dma_wait3A_179 = arith.constant 0 : i32
      %dma_wait3A_180 = tpu.memref_slice %arg28[%add3A_21, %dma_wait3A_179] : memref<10112x16xf32, #tpu.memory_space<vmem_shared>> -> memref<316x16xf32, #tpu.memory_space<vmem_shared>>
      tpu.wait_dma2 semaphore(%run_scoped3A : memref<!tpu.dma_semaphore, #tpu.memory_space<semaphore_mem>>) src(%arg25 : memref<316x16xf32, #tpu.memory_space<vmem>>) dst(%dma_wait3A_180 : memref<316x16xf32, #tpu.memory_space<vmem_shared>>)
      tpu.yield
    }) : () -> ()
    %add3A_22 = arith.constant 316 : i32
    %add3A_23 = arith.addi %mul3A_2, %add3A_22 : i32
    "tpu.region"() ({
      %run_scoped3A = tpu.sem_alloc : memref<!tpu.dma_semaphore, #tpu.memory_space<semaphore_mem>>
      %dma_start3A_173 = arith.constant 0 : i32
      %dma_start3A_174 = tpu.memref_slice %arg5[%add3A_23, %dma_start3A_173] : memref<10112x16xf32, #tpu.memory_space<hbm>> -> memref<316x16xf32, #tpu.memory_space<hbm>>
      %dma_start3A_175 = arith.constant 0 : i32
      %dma_start3A_176 = tpu.memref_slice %arg5[%add3A_23, %dma_start3A_175] : memref<10112x16xf32, #tpu.memory_space<hbm>> -> memref<316x16xf32, #tpu.memory_space<hbm>>
      tpu.enqueue_dma source(%dma_start3A_176 : memref<316x16xf32, #tpu.memory_space<hbm>>) target(%arg25 : memref<316x16xf32, #tpu.memory_space<vmem>>) target_semaphore(%run_scoped3A : memref<!tpu.dma_semaphore, #tpu.memory_space<semaphore_mem>>)
      %dma_wait3A_177 = arith.constant 0 : i32
      %dma_wait3A_178 = tpu.memref_slice %arg5[%add3A_23, %dma_wait3A_177] : memref<10112x16xf32, #tpu.memory_space<hbm>> -> memref<316x16xf32, #tpu.memory_space<hbm>>
      %dma_wait3A_179 = arith.constant 0 : i32
      %dma_wait3A_180 = tpu.memref_slice %arg5[%add3A_23, %dma_wait3A_179] : memref<10112x16xf32, #tpu.memory_space<hbm>> -> memref<316x16xf32, #tpu.memory_space<hbm>>
      tpu.wait_dma2 semaphore(%run_scoped3A : memref<!tpu.dma_semaphore, #tpu.memory_space<semaphore_mem>>) src(%dma_wait3A_180 : memref<316x16xf32, #tpu.memory_space<hbm>>) dst(%arg25 : memref<316x16xf32, #tpu.memory_space<vmem>>)
      tpu.yield
    }) : () -> ()
    %add3A_24 = arith.constant 316 : i32
    %add3A_25 = arith.addi %mul3A_2, %add3A_24 : i32
    "tpu.region"() ({
      %run_scoped3A = tpu.sem_alloc : memref<!tpu.dma_semaphore, #tpu.memory_space<semaphore_mem>>
      %dma_start3A_173 = arith.constant 0 : i32
      %dma_start3A_174 = tpu.memref_slice %arg28[%add3A_25, %dma_start3A_173] : memref<10112x16xf32, #tpu.memory_space<vmem_shared>> -> memref<316x16xf32, #tpu.memory_space<vmem_shared>>
      %dma_start3A_175 = arith.constant 0 : i32
      %dma_start3A_176 = tpu.memref_slice %arg28[%add3A_25, %dma_start3A_175] : memref<10112x16xf32, #tpu.memory_space<vmem_shared>> -> memref<316x16xf32, #tpu.memory_space<vmem_shared>>
      tpu.enqueue_dma source(%arg25 : memref<316x16xf32, #tpu.memory_space<vmem>>) target(%dma_start3A_176 : memref<316x16xf32, #tpu.memory_space<vmem_shared>>) target_semaphore(%run_scoped3A : memref<!tpu.dma_semaphore, #tpu.memory_space<semaphore_mem>>)
      %dma_wait3A_177 = arith.constant 0 : i32
      %dma_wait3A_178 = tpu.memref_slice %arg28[%add3A_25, %dma_wait3A_177] : memref<10112x16xf32, #tpu.memory_space<vmem_shared>> -> memref<316x16xf32, #tpu.memory_space<vmem_shared>>
      %dma_wait3A_179 = arith.constant 0 : i32
      %dma_wait3A_180 = tpu.memref_slice %arg28[%add3A_25, %dma_wait3A_179] : memref<10112x16xf32, #tpu.memory_space<vmem_shared>> -> memref<316x16xf32, #tpu.memory_space<vmem_shared>>
      tpu.wait_dma2 semaphore(%run_scoped3A : memref<!tpu.dma_semaphore, #tpu.memory_space<semaphore_mem>>) src(%arg25 : memref<316x16xf32, #tpu.memory_space<vmem>>) dst(%dma_wait3A_180 : memref<316x16xf32, #tpu.memory_space<vmem_shared>>)
      tpu.yield
    }) : () -> ()
    %dma_wait3A = arith.constant 0 : i32
    %dma_wait3A_26 = arith.constant 0 : i32
    %dma_wait3A_27 = tpu.memref_slice %arg3[%add3A, %dma_wait3A, %dma_wait3A_26] : memref<32x80x128xi32, #tpu.memory_space<hbm>> -> memref<1x80x128xi32, #tpu.memory_space<hbm>>
    %dma_wait3A_28 = tpu.memref_squeeze %dma_wait3A_27 : memref<1x80x128xi32, #tpu.memory_space<hbm>> -> memref<80x128xi32, #tpu.memory_space<hbm>>
    %dma_wait3A_29 = arith.constant 0 : i32
    %dma_wait3A_30 = arith.constant 0 : i32
    %dma_wait3A_31 = tpu.memref_slice %arg3[%add3A, %dma_wait3A_29, %dma_wait3A_30] : memref<32x80x128xi32, #tpu.memory_space<hbm>> -> memref<1x80x128xi32, #tpu.memory_space<hbm>>
    %dma_wait3A_32 = tpu.memref_squeeze %dma_wait3A_31 : memref<1x80x128xi32, #tpu.memory_space<hbm>> -> memref<80x128xi32, #tpu.memory_space<hbm>>
    tpu.wait_dma2 semaphore(%arg26 : memref<!tpu.dma_semaphore, #tpu.memory_space<semaphore_mem>>) src(%dma_wait3A_32 : memref<80x128xi32, #tpu.memory_space<hbm>>) dst(%arg7 : memref<80x128xi32, #tpu.memory_space<vmem>>)
    %dma_wait3A_33 = arith.constant 0 : i32
    %dma_wait3A_34 = arith.constant 0 : i32
    %dma_wait3A_35 = tpu.memref_slice %arg4[%add3A, %dma_wait3A_33, %dma_wait3A_34] : memref<32x80x128xi32, #tpu.memory_space<hbm>> -> memref<1x80x128xi32, #tpu.memory_space<hbm>>
    %dma_wait3A_36 = tpu.memref_squeeze %dma_wait3A_35 : memref<1x80x128xi32, #tpu.memory_space<hbm>> -> memref<80x128xi32, #tpu.memory_space<hbm>>
    %dma_wait3A_37 = arith.constant 0 : i32
    %dma_wait3A_38 = arith.constant 0 : i32
    %dma_wait3A_39 = tpu.memref_slice %arg4[%add3A, %dma_wait3A_37, %dma_wait3A_38] : memref<32x80x128xi32, #tpu.memory_space<hbm>> -> memref<1x80x128xi32, #tpu.memory_space<hbm>>
    %dma_wait3A_40 = tpu.memref_squeeze %dma_wait3A_39 : memref<1x80x128xi32, #tpu.memory_space<hbm>> -> memref<80x128xi32, #tpu.memory_space<hbm>>
    tpu.wait_dma2 semaphore(%arg27 : memref<!tpu.dma_semaphore, #tpu.memory_space<semaphore_mem>>) src(%dma_wait3A_40 : memref<80x128xi32, #tpu.memory_space<hbm>>) dst(%arg8 : memref<80x128xi32, #tpu.memory_space<vmem>>)
    %barrier3A = arith.constant 0 : index
    tpu.barrier barrier_id(%barrier3A)
    %dma_start3A_41 = arith.constant 0 : i32
    %dma_start3A_42 = arith.constant 0 : i32
    %dma_start3A_43 = tpu.memref_slice %arg7[%dma_start3A_41, %dma_start3A_42] : memref<80x128xi32, #tpu.memory_space<vmem>> -> memref<1x128xi32, #tpu.memory_space<vmem>>
    %dma_start3A_44 = tpu.memref_squeeze %dma_start3A_43 : memref<1x128xi32, #tpu.memory_space<vmem>> -> memref<128xi32, #tpu.memory_space<vmem>>
    %dma_start3A_45 = arith.constant 0 : i32
    %dma_start3A_46 = arith.constant 0 : i32
    %dma_start3A_47 = tpu.memref_slice %arg2[%dma_start3A_45, %dma_start3A_46] : memref<10000x16xf32, #tpu.memory_space<hbm>> -> memref<10000x16xf32, #tpu.memory_space<hbm>>
    tpu.enqueue_indirect_dma source(%dma_start3A_47 : memref<10000x16xf32, #tpu.memory_space<hbm>>) target(%arg9 : memref<128x16xf32, #tpu.memory_space<vmem>>) offsets(%dma_start3A_44 : memref<128xi32, #tpu.memory_space<vmem>>) semaphore(%arg26 : memref<!tpu.dma_semaphore, #tpu.memory_space<semaphore_mem>>)
    %dma_start3A_48 = arith.constant 1 : i32
    %dma_start3A_49 = arith.constant 0 : i32
    %dma_start3A_50 = tpu.memref_slice %arg7[%dma_start3A_48, %dma_start3A_49] : memref<80x128xi32, #tpu.memory_space<vmem>> -> memref<1x128xi32, #tpu.memory_space<vmem>>
    %dma_start3A_51 = tpu.memref_squeeze %dma_start3A_50 : memref<1x128xi32, #tpu.memory_space<vmem>> -> memref<128xi32, #tpu.memory_space<vmem>>
    %dma_start3A_52 = arith.constant 0 : i32
    %dma_start3A_53 = arith.constant 0 : i32
    %dma_start3A_54 = tpu.memref_slice %arg2[%dma_start3A_52, %dma_start3A_53] : memref<10000x16xf32, #tpu.memory_space<hbm>> -> memref<10000x16xf32, #tpu.memory_space<hbm>>
    tpu.enqueue_indirect_dma source(%dma_start3A_54 : memref<10000x16xf32, #tpu.memory_space<hbm>>) target(%arg10 : memref<128x16xf32, #tpu.memory_space<vmem>>) offsets(%dma_start3A_51 : memref<128xi32, #tpu.memory_space<vmem>>) semaphore(%arg26 : memref<!tpu.dma_semaphore, #tpu.memory_space<semaphore_mem>>)
    %dma_start3A_55 = arith.constant 2 : i32
    %dma_start3A_56 = arith.constant 0 : i32
    %dma_start3A_57 = tpu.memref_slice %arg7[%dma_start3A_55, %dma_start3A_56] : memref<80x128xi32, #tpu.memory_space<vmem>> -> memref<1x128xi32, #tpu.memory_space<vmem>>
    %dma_start3A_58 = tpu.memref_squeeze %dma_start3A_57 : memref<1x128xi32, #tpu.memory_space<vmem>> -> memref<128xi32, #tpu.memory_space<vmem>>
    %dma_start3A_59 = arith.constant 0 : i32
    %dma_start3A_60 = arith.constant 0 : i32
    %dma_start3A_61 = tpu.memref_slice %arg2[%dma_start3A_59, %dma_start3A_60] : memref<10000x16xf32, #tpu.memory_space<hbm>> -> memref<10000x16xf32, #tpu.memory_space<hbm>>
    tpu.enqueue_indirect_dma source(%dma_start3A_61 : memref<10000x16xf32, #tpu.memory_space<hbm>>) target(%arg11 : memref<128x16xf32, #tpu.memory_space<vmem>>) offsets(%dma_start3A_58 : memref<128xi32, #tpu.memory_space<vmem>>) semaphore(%arg26 : memref<!tpu.dma_semaphore, #tpu.memory_space<semaphore_mem>>)
    %dma_start3A_62 = arith.constant 3 : i32
    %dma_start3A_63 = arith.constant 0 : i32
    %dma_start3A_64 = tpu.memref_slice %arg7[%dma_start3A_62, %dma_start3A_63] : memref<80x128xi32, #tpu.memory_space<vmem>> -> memref<1x128xi32, #tpu.memory_space<vmem>>
    %dma_start3A_65 = tpu.memref_squeeze %dma_start3A_64 : memref<1x128xi32, #tpu.memory_space<vmem>> -> memref<128xi32, #tpu.memory_space<vmem>>
    %dma_start3A_66 = arith.constant 0 : i32
    %dma_start3A_67 = arith.constant 0 : i32
    %dma_start3A_68 = tpu.memref_slice %arg2[%dma_start3A_66, %dma_start3A_67] : memref<10000x16xf32, #tpu.memory_space<hbm>> -> memref<10000x16xf32, #tpu.memory_space<hbm>>
    tpu.enqueue_indirect_dma source(%dma_start3A_68 : memref<10000x16xf32, #tpu.memory_space<hbm>>) target(%arg12 : memref<128x16xf32, #tpu.memory_space<vmem>>) offsets(%dma_start3A_65 : memref<128xi32, #tpu.memory_space<vmem>>) semaphore(%arg26 : memref<!tpu.dma_semaphore, #tpu.memory_space<semaphore_mem>>)
    %dma_start3A_69 = arith.constant 4 : i32
    %dma_start3A_70 = arith.constant 0 : i32
    %dma_start3A_71 = tpu.memref_slice %arg7[%dma_start3A_69, %dma_start3A_70] : memref<80x128xi32, #tpu.memory_space<vmem>> -> memref<1x128xi32, #tpu.memory_space<vmem>>
    %dma_start3A_72 = tpu.memref_squeeze %dma_start3A_71 : memref<1x128xi32, #tpu.memory_space<vmem>> -> memref<128xi32, #tpu.memory_space<vmem>>
    %dma_start3A_73 = arith.constant 0 : i32
    %dma_start3A_74 = arith.constant 0 : i32
    %dma_start3A_75 = tpu.memref_slice %arg2[%dma_start3A_73, %dma_start3A_74] : memref<10000x16xf32, #tpu.memory_space<hbm>> -> memref<10000x16xf32, #tpu.memory_space<hbm>>
    tpu.enqueue_indirect_dma source(%dma_start3A_75 : memref<10000x16xf32, #tpu.memory_space<hbm>>) target(%arg13 : memref<128x16xf32, #tpu.memory_space<vmem>>) offsets(%dma_start3A_72 : memref<128xi32, #tpu.memory_space<vmem>>) semaphore(%arg26 : memref<!tpu.dma_semaphore, #tpu.memory_space<semaphore_mem>>)
    %dma_start3A_76 = arith.constant 5 : i32
    %dma_start3A_77 = arith.constant 0 : i32
    %dma_start3A_78 = tpu.memref_slice %arg7[%dma_start3A_76, %dma_start3A_77] : memref<80x128xi32, #tpu.memory_space<vmem>> -> memref<1x128xi32, #tpu.memory_space<vmem>>
    %dma_start3A_79 = tpu.memref_squeeze %dma_start3A_78 : memref<1x128xi32, #tpu.memory_space<vmem>> -> memref<128xi32, #tpu.memory_space<vmem>>
    %dma_start3A_80 = arith.constant 0 : i32
    %dma_start3A_81 = arith.constant 0 : i32
    %dma_start3A_82 = tpu.memref_slice %arg2[%dma_start3A_80, %dma_start3A_81] : memref<10000x16xf32, #tpu.memory_space<hbm>> -> memref<10000x16xf32, #tpu.memory_space<hbm>>
    tpu.enqueue_indirect_dma source(%dma_start3A_82 : memref<10000x16xf32, #tpu.memory_space<hbm>>) target(%arg14 : memref<128x16xf32, #tpu.memory_space<vmem>>) offsets(%dma_start3A_79 : memref<128xi32, #tpu.memory_space<vmem>>) semaphore(%arg26 : memref<!tpu.dma_semaphore, #tpu.memory_space<semaphore_mem>>)
    %dma_start3A_83 = arith.constant 6 : i32
    %dma_start3A_84 = arith.constant 0 : i32
    %dma_start3A_85 = tpu.memref_slice %arg7[%dma_start3A_83, %dma_start3A_84] : memref<80x128xi32, #tpu.memory_space<vmem>> -> memref<1x128xi32, #tpu.memory_space<vmem>>
    %dma_start3A_86 = tpu.memref_squeeze %dma_start3A_85 : memref<1x128xi32, #tpu.memory_space<vmem>> -> memref<128xi32, #tpu.memory_space<vmem>>
    %dma_start3A_87 = arith.constant 0 : i32
    %dma_start3A_88 = arith.constant 0 : i32
    %dma_start3A_89 = tpu.memref_slice %arg2[%dma_start3A_87, %dma_start3A_88] : memref<10000x16xf32, #tpu.memory_space<hbm>> -> memref<10000x16xf32, #tpu.memory_space<hbm>>
    tpu.enqueue_indirect_dma source(%dma_start3A_89 : memref<10000x16xf32, #tpu.memory_space<hbm>>) target(%arg15 : memref<128x16xf32, #tpu.memory_space<vmem>>) offsets(%dma_start3A_86 : memref<128xi32, #tpu.memory_space<vmem>>) semaphore(%arg26 : memref<!tpu.dma_semaphore, #tpu.memory_space<semaphore_mem>>)
    %dma_start3A_90 = arith.constant 7 : i32
    %dma_start3A_91 = arith.constant 0 : i32
    %dma_start3A_92 = tpu.memref_slice %arg7[%dma_start3A_90, %dma_start3A_91] : memref<80x128xi32, #tpu.memory_space<vmem>> -> memref<1x128xi32, #tpu.memory_space<vmem>>
    %dma_start3A_93 = tpu.memref_squeeze %dma_start3A_92 : memref<1x128xi32, #tpu.memory_space<vmem>> -> memref<128xi32, #tpu.memory_space<vmem>>
    %dma_start3A_94 = arith.constant 0 : i32
    %dma_start3A_95 = arith.constant 0 : i32
    %dma_start3A_96 = tpu.memref_slice %arg2[%dma_start3A_94, %dma_start3A_95] : memref<10000x16xf32, #tpu.memory_space<hbm>> -> memref<10000x16xf32, #tpu.memory_space<hbm>>
    tpu.enqueue_indirect_dma source(%dma_start3A_96 : memref<10000x16xf32, #tpu.memory_space<hbm>>) target(%arg16 : memref<128x16xf32, #tpu.memory_space<vmem>>) offsets(%dma_start3A_93 : memref<128xi32, #tpu.memory_space<vmem>>) semaphore(%arg26 : memref<!tpu.dma_semaphore, #tpu.memory_space<semaphore_mem>>)
    %scan3A = arith.constant 0 : i32
    %scan3A_97 = arith.constant 0 : i32
    %scan3A_98 = arith.constant 5 : i32
    %scan3A_99 = arith.addi %scan3A_97, %scan3A_98 : i32
    %scan3A_100 = arith.constant 1 : i32
    scf.for %scan3A_173 = %scan3A_97 to %scan3A_99 step %scan3A_100  : i32 {
      %mul3A_174 = arith.constant 2 : i32
      %mul3A_175 = arith.muli %mul3A_174, %scan3A_173 : i32
      %mul3A_176 = arith.constant 8 : i32
      %mul3A_177 = arith.muli %mul3A_175, %mul3A_176 : i32
      %add3A_178 = arith.constant 0 : i32
      %add3A_179 = arith.addi %mul3A_177, %add3A_178 : i32
      %dma_wait3A_180 = arith.constant 0 : i32
      %dma_wait3A_181 = tpu.memref_slice %arg7[%add3A_179, %dma_wait3A_180] : memref<80x128xi32, #tpu.memory_space<vmem>> -> memref<1x128xi32, #tpu.memory_space<vmem>>
      %dma_wait3A_182 = tpu.memref_squeeze %dma_wait3A_181 : memref<1x128xi32, #tpu.memory_space<vmem>> -> memref<128xi32, #tpu.memory_space<vmem>>
      %dma_wait3A_183 = arith.constant 0 : i32
      %dma_wait3A_184 = arith.constant 0 : i32
      %dma_wait3A_185 = tpu.memref_slice %arg2[%dma_wait3A_183, %dma_wait3A_184] : memref<10000x16xf32, #tpu.memory_space<hbm>> -> memref<10000x16xf32, #tpu.memory_space<hbm>>
      tpu.wait_indirect_dma semaphore(%arg26 : memref<!tpu.dma_semaphore, #tpu.memory_space<semaphore_mem>>) src(%dma_wait3A_185 : memref<10000x16xf32, #tpu.memory_space<hbm>>) dst(%arg9 : memref<128x16xf32, #tpu.memory_space<vmem>>)
      %add3A_186 = arith.constant 1 : i32
      %add3A_187 = arith.addi %mul3A_177, %add3A_186 : i32
      %dma_wait3A_188 = arith.constant 0 : i32
      %dma_wait3A_189 = tpu.memref_slice %arg7[%add3A_187, %dma_wait3A_188] : memref<80x128xi32, #tpu.memory_space<vmem>> -> memref<1x128xi32, #tpu.memory_space<vmem>>
      %dma_wait3A_190 = tpu.memref_squeeze %dma_wait3A_189 : memref<1x128xi32, #tpu.memory_space<vmem>> -> memref<128xi32, #tpu.memory_space<vmem>>
      %dma_wait3A_191 = arith.constant 0 : i32
      %dma_wait3A_192 = arith.constant 0 : i32
      %dma_wait3A_193 = tpu.memref_slice %arg2[%dma_wait3A_191, %dma_wait3A_192] : memref<10000x16xf32, #tpu.memory_space<hbm>> -> memref<10000x16xf32, #tpu.memory_space<hbm>>
      tpu.wait_indirect_dma semaphore(%arg26 : memref<!tpu.dma_semaphore, #tpu.memory_space<semaphore_mem>>) src(%dma_wait3A_193 : memref<10000x16xf32, #tpu.memory_space<hbm>>) dst(%arg10 : memref<128x16xf32, #tpu.memory_space<vmem>>)
      %add3A_194 = arith.constant 2 : i32
      %add3A_195 = arith.addi %mul3A_177, %add3A_194 : i32
      %dma_wait3A_196 = arith.constant 0 : i32
      %dma_wait3A_197 = tpu.memref_slice %arg7[%add3A_195, %dma_wait3A_196] : memref<80x128xi32, #tpu.memory_space<vmem>> -> memref<1x128xi32, #tpu.memory_space<vmem>>
      %dma_wait3A_198 = tpu.memref_squeeze %dma_wait3A_197 : memref<1x128xi32, #tpu.memory_space<vmem>> -> memref<128xi32, #tpu.memory_space<vmem>>
      %dma_wait3A_199 = arith.constant 0 : i32
      %dma_wait3A_200 = arith.constant 0 : i32
      %dma_wait3A_201 = tpu.memref_slice %arg2[%dma_wait3A_199, %dma_wait3A_200] : memref<10000x16xf32, #tpu.memory_space<hbm>> -> memref<10000x16xf32, #tpu.memory_space<hbm>>
      tpu.wait_indirect_dma semaphore(%arg26 : memref<!tpu.dma_semaphore, #tpu.memory_space<semaphore_mem>>) src(%dma_wait3A_201 : memref<10000x16xf32, #tpu.memory_space<hbm>>) dst(%arg11 : memref<128x16xf32, #tpu.memory_space<vmem>>)
      %add3A_202 = arith.constant 3 : i32
      %add3A_203 = arith.addi %mul3A_177, %add3A_202 : i32
      %dma_wait3A_204 = arith.constant 0 : i32
      %dma_wait3A_205 = tpu.memref_slice %arg7[%add3A_203, %dma_wait3A_204] : memref<80x128xi32, #tpu.memory_space<vmem>> -> memref<1x128xi32, #tpu.memory_space<vmem>>
      %dma_wait3A_206 = tpu.memref_squeeze %dma_wait3A_205 : memref<1x128xi32, #tpu.memory_space<vmem>> -> memref<128xi32, #tpu.memory_space<vmem>>
      %dma_wait3A_207 = arith.constant 0 : i32
      %dma_wait3A_208 = arith.constant 0 : i32
      %dma_wait3A_209 = tpu.memref_slice %arg2[%dma_wait3A_207, %dma_wait3A_208] : memref<10000x16xf32, #tpu.memory_space<hbm>> -> memref<10000x16xf32, #tpu.memory_space<hbm>>
      tpu.wait_indirect_dma semaphore(%arg26 : memref<!tpu.dma_semaphore, #tpu.memory_space<semaphore_mem>>) src(%dma_wait3A_209 : memref<10000x16xf32, #tpu.memory_space<hbm>>) dst(%arg12 : memref<128x16xf32, #tpu.memory_space<vmem>>)
      %add3A_210 = arith.constant 4 : i32
      %add3A_211 = arith.addi %mul3A_177, %add3A_210 : i32
      %dma_wait3A_212 = arith.constant 0 : i32
      %dma_wait3A_213 = tpu.memref_slice %arg7[%add3A_211, %dma_wait3A_212] : memref<80x128xi32, #tpu.memory_space<vmem>> -> memref<1x128xi32, #tpu.memory_space<vmem>>
      %dma_wait3A_214 = tpu.memref_squeeze %dma_wait3A_213 : memref<1x128xi32, #tpu.memory_space<vmem>> -> memref<128xi32, #tpu.memory_space<vmem>>
      %dma_wait3A_215 = arith.constant 0 : i32
      %dma_wait3A_216 = arith.constant 0 : i32
      %dma_wait3A_217 = tpu.memref_slice %arg2[%dma_wait3A_215, %dma_wait3A_216] : memref<10000x16xf32, #tpu.memory_space<hbm>> -> memref<10000x16xf32, #tpu.memory_space<hbm>>
      tpu.wait_indirect_dma semaphore(%arg26 : memref<!tpu.dma_semaphore, #tpu.memory_space<semaphore_mem>>) src(%dma_wait3A_217 : memref<10000x16xf32, #tpu.memory_space<hbm>>) dst(%arg13 : memref<128x16xf32, #tpu.memory_space<vmem>>)
      %add3A_218 = arith.constant 5 : i32
      %add3A_219 = arith.addi %mul3A_177, %add3A_218 : i32
      %dma_wait3A_220 = arith.constant 0 : i32
      %dma_wait3A_221 = tpu.memref_slice %arg7[%add3A_219, %dma_wait3A_220] : memref<80x128xi32, #tpu.memory_space<vmem>> -> memref<1x128xi32, #tpu.memory_space<vmem>>
      %dma_wait3A_222 = tpu.memref_squeeze %dma_wait3A_221 : memref<1x128xi32, #tpu.memory_space<vmem>> -> memref<128xi32, #tpu.memory_space<vmem>>
      %dma_wait3A_223 = arith.constant 0 : i32
      %dma_wait3A_224 = arith.constant 0 : i32
      %dma_wait3A_225 = tpu.memref_slice %arg2[%dma_wait3A_223, %dma_wait3A_224] : memref<10000x16xf32, #tpu.memory_space<hbm>> -> memref<10000x16xf32, #tpu.memory_space<hbm>>
      tpu.wait_indirect_dma semaphore(%arg26 : memref<!tpu.dma_semaphore, #tpu.memory_space<semaphore_mem>>) src(%dma_wait3A_225 : memref<10000x16xf32, #tpu.memory_space<hbm>>) dst(%arg14 : memref<128x16xf32, #tpu.memory_space<vmem>>)
      %add3A_226 = arith.constant 6 : i32
      %add3A_227 = arith.addi %mul3A_177, %add3A_226 : i32
      %dma_wait3A_228 = arith.constant 0 : i32
      %dma_wait3A_229 = tpu.memref_slice %arg7[%add3A_227, %dma_wait3A_228] : memref<80x128xi32, #tpu.memory_space<vmem>> -> memref<1x128xi32, #tpu.memory_space<vmem>>
      %dma_wait3A_230 = tpu.memref_squeeze %dma_wait3A_229 : memref<1x128xi32, #tpu.memory_space<vmem>> -> memref<128xi32, #tpu.memory_space<vmem>>
      %dma_wait3A_231 = arith.constant 0 : i32
      %dma_wait3A_232 = arith.constant 0 : i32
      %dma_wait3A_233 = tpu.memref_slice %arg2[%dma_wait3A_231, %dma_wait3A_232] : memref<10000x16xf32, #tpu.memory_space<hbm>> -> memref<10000x16xf32, #tpu.memory_space<hbm>>
      tpu.wait_indirect_dma semaphore(%arg26 : memref<!tpu.dma_semaphore, #tpu.memory_space<semaphore_mem>>) src(%dma_wait3A_233 : memref<10000x16xf32, #tpu.memory_space<hbm>>) dst(%arg15 : memref<128x16xf32, #tpu.memory_space<vmem>>)
      %add3A_234 = arith.constant 7 : i32
      %add3A_235 = arith.addi %mul3A_177, %add3A_234 : i32
      %dma_wait3A_236 = arith.constant 0 : i32
      %dma_wait3A_237 = tpu.memref_slice %arg7[%add3A_235, %dma_wait3A_236] : memref<80x128xi32, #tpu.memory_space<vmem>> -> memref<1x128xi32, #tpu.memory_space<vmem>>
      %dma_wait3A_238 = tpu.memref_squeeze %dma_wait3A_237 : memref<1x128xi32, #tpu.memory_space<vmem>> -> memref<128xi32, #tpu.memory_space<vmem>>
      %dma_wait3A_239 = arith.constant 0 : i32
      %dma_wait3A_240 = arith.constant 0 : i32
      %dma_wait3A_241 = tpu.memref_slice %arg2[%dma_wait3A_239, %dma_wait3A_240] : memref<10000x16xf32, #tpu.memory_space<hbm>> -> memref<10000x16xf32, #tpu.memory_space<hbm>>
      tpu.wait_indirect_dma semaphore(%arg26 : memref<!tpu.dma_semaphore, #tpu.memory_space<semaphore_mem>>) src(%dma_wait3A_241 : memref<10000x16xf32, #tpu.memory_space<hbm>>) dst(%arg16 : memref<128x16xf32, #tpu.memory_space<vmem>>)
      %gt3A = arith.constant 0 : i32
      %gt3A_242 = arith.cmpi sgt, %scan3A_173, %gt3A : i32
      %convert_element_type3A = arith.extui %gt3A_242 : i1 to i32
      %cond3A = arith.constant 0 : i32
      %cond3A_243 = arith.cmpi ne, %convert_element_type3A, %cond3A : i32
      scf.if %cond3A_243 {
        %sub3A = arith.constant 8 : i32
        %sub3A_576 = arith.subi %mul3A_177, %sub3A : i32
        %add3A_577 = arith.constant 0 : i32
        %add3A_578 = arith.addi %sub3A_576, %add3A_577 : i32
        %dma_wait3A_579 = arith.constant 0 : i32
        %dma_wait3A_580 = tpu.memref_slice %arg8[%add3A_578, %dma_wait3A_579] : memref<80x128xi32, #tpu.memory_space<vmem>> -> memref<1x128xi32, #tpu.memory_space<vmem>>
        %dma_wait3A_581 = tpu.memref_squeeze %dma_wait3A_580 : memref<1x128xi32, #tpu.memory_space<vmem>> -> memref<128xi32, #tpu.memory_space<vmem>>
        %dma_wait3A_582 = arith.constant 0 : i32
        %dma_wait3A_583 = arith.constant 0 : i32
        %dma_wait3A_584 = tpu.memref_slice %arg28[%dma_wait3A_582, %dma_wait3A_583] : memref<10112x16xf32, #tpu.memory_space<vmem_shared>> -> memref<10112x16xf32, #tpu.memory_space<vmem_shared>>
        tpu.wait_indirect_dma semaphore(%arg27 : memref<!tpu.dma_semaphore, #tpu.memory_space<semaphore_mem>>) src(%arg17 : memref<128x16xf32, #tpu.memory_space<vmem>>) dst(%dma_wait3A_584 : memref<10112x16xf32, #tpu.memory_space<vmem_shared>>)
        %add3A_585 = arith.constant 1 : i32
        %add3A_586 = arith.addi %sub3A_576, %add3A_585 : i32
        %dma_wait3A_587 = arith.constant 0 : i32
        %dma_wait3A_588 = tpu.memref_slice %arg8[%add3A_586, %dma_wait3A_587] : memref<80x128xi32, #tpu.memory_space<vmem>> -> memref<1x128xi32, #tpu.memory_space<vmem>>
        %dma_wait3A_589 = tpu.memref_squeeze %dma_wait3A_588 : memref<1x128xi32, #tpu.memory_space<vmem>> -> memref<128xi32, #tpu.memory_space<vmem>>
        %dma_wait3A_590 = arith.constant 0 : i32
        %dma_wait3A_591 = arith.constant 0 : i32
        %dma_wait3A_592 = tpu.memref_slice %arg28[%dma_wait3A_590, %dma_wait3A_591] : memref<10112x16xf32, #tpu.memory_space<vmem_shared>> -> memref<10112x16xf32, #tpu.memory_space<vmem_shared>>
        tpu.wait_indirect_dma semaphore(%arg27 : memref<!tpu.dma_semaphore, #tpu.memory_space<semaphore_mem>>) src(%arg18 : memref<128x16xf32, #tpu.memory_space<vmem>>) dst(%dma_wait3A_592 : memref<10112x16xf32, #tpu.memory_space<vmem_shared>>)
        %add3A_593 = arith.constant 2 : i32
        %add3A_594 = arith.addi %sub3A_576, %add3A_593 : i32
        %dma_wait3A_595 = arith.constant 0 : i32
        %dma_wait3A_596 = tpu.memref_slice %arg8[%add3A_594, %dma_wait3A_595] : memref<80x128xi32, #tpu.memory_space<vmem>> -> memref<1x128xi32, #tpu.memory_space<vmem>>
        %dma_wait3A_597 = tpu.memref_squeeze %dma_wait3A_596 : memref<1x128xi32, #tpu.memory_space<vmem>> -> memref<128xi32, #tpu.memory_space<vmem>>
        %dma_wait3A_598 = arith.constant 0 : i32
        %dma_wait3A_599 = arith.constant 0 : i32
        %dma_wait3A_600 = tpu.memref_slice %arg28[%dma_wait3A_598, %dma_wait3A_599] : memref<10112x16xf32, #tpu.memory_space<vmem_shared>> -> memref<10112x16xf32, #tpu.memory_space<vmem_shared>>
        tpu.wait_indirect_dma semaphore(%arg27 : memref<!tpu.dma_semaphore, #tpu.memory_space<semaphore_mem>>) src(%arg19 : memref<128x16xf32, #tpu.memory_space<vmem>>) dst(%dma_wait3A_600 : memref<10112x16xf32, #tpu.memory_space<vmem_shared>>)
        %add3A_601 = arith.constant 3 : i32
        %add3A_602 = arith.addi %sub3A_576, %add3A_601 : i32
        %dma_wait3A_603 = arith.constant 0 : i32
        %dma_wait3A_604 = tpu.memref_slice %arg8[%add3A_602, %dma_wait3A_603] : memref<80x128xi32, #tpu.memory_space<vmem>> -> memref<1x128xi32, #tpu.memory_space<vmem>>
        %dma_wait3A_605 = tpu.memref_squeeze %dma_wait3A_604 : memref<1x128xi32, #tpu.memory_space<vmem>> -> memref<128xi32, #tpu.memory_space<vmem>>
        %dma_wait3A_606 = arith.constant 0 : i32
        %dma_wait3A_607 = arith.constant 0 : i32
        %dma_wait3A_608 = tpu.memref_slice %arg28[%dma_wait3A_606, %dma_wait3A_607] : memref<10112x16xf32, #tpu.memory_space<vmem_shared>> -> memref<10112x16xf32, #tpu.memory_space<vmem_shared>>
        tpu.wait_indirect_dma semaphore(%arg27 : memref<!tpu.dma_semaphore, #tpu.memory_space<semaphore_mem>>) src(%arg20 : memref<128x16xf32, #tpu.memory_space<vmem>>) dst(%dma_wait3A_608 : memref<10112x16xf32, #tpu.memory_space<vmem_shared>>)
        %add3A_609 = arith.constant 4 : i32
        %add3A_610 = arith.addi %sub3A_576, %add3A_609 : i32
        %dma_wait3A_611 = arith.constant 0 : i32
        %dma_wait3A_612 = tpu.memref_slice %arg8[%add3A_610, %dma_wait3A_611] : memref<80x128xi32, #tpu.memory_space<vmem>> -> memref<1x128xi32, #tpu.memory_space<vmem>>
        %dma_wait3A_613 = tpu.memref_squeeze %dma_wait3A_612 : memref<1x128xi32, #tpu.memory_space<vmem>> -> memref<128xi32, #tpu.memory_space<vmem>>
        %dma_wait3A_614 = arith.constant 0 : i32
        %dma_wait3A_615 = arith.constant 0 : i32
        %dma_wait3A_616 = tpu.memref_slice %arg28[%dma_wait3A_614, %dma_wait3A_615] : memref<10112x16xf32, #tpu.memory_space<vmem_shared>> -> memref<10112x16xf32, #tpu.memory_space<vmem_shared>>
        tpu.wait_indirect_dma semaphore(%arg27 : memref<!tpu.dma_semaphore, #tpu.memory_space<semaphore_mem>>) src(%arg21 : memref<128x16xf32, #tpu.memory_space<vmem>>) dst(%dma_wait3A_616 : memref<10112x16xf32, #tpu.memory_space<vmem_shared>>)
        %add3A_617 = arith.constant 5 : i32
        %add3A_618 = arith.addi %sub3A_576, %add3A_617 : i32
        %dma_wait3A_619 = arith.constant 0 : i32
        %dma_wait3A_620 = tpu.memref_slice %arg8[%add3A_618, %dma_wait3A_619] : memref<80x128xi32, #tpu.memory_space<vmem>> -> memref<1x128xi32, #tpu.memory_space<vmem>>
        %dma_wait3A_621 = tpu.memref_squeeze %dma_wait3A_620 : memref<1x128xi32, #tpu.memory_space<vmem>> -> memref<128xi32, #tpu.memory_space<vmem>>
        %dma_wait3A_622 = arith.constant 0 : i32
        %dma_wait3A_623 = arith.constant 0 : i32
        %dma_wait3A_624 = tpu.memref_slice %arg28[%dma_wait3A_622, %dma_wait3A_623] : memref<10112x16xf32, #tpu.memory_space<vmem_shared>> -> memref<10112x16xf32, #tpu.memory_space<vmem_shared>>
        tpu.wait_indirect_dma semaphore(%arg27 : memref<!tpu.dma_semaphore, #tpu.memory_space<semaphore_mem>>) src(%arg22 : memref<128x16xf32, #tpu.memory_space<vmem>>) dst(%dma_wait3A_624 : memref<10112x16xf32, #tpu.memory_space<vmem_shared>>)
        %add3A_625 = arith.constant 6 : i32
        %add3A_626 = arith.addi %sub3A_576, %add3A_625 : i32
        %dma_wait3A_627 = arith.constant 0 : i32
        %dma_wait3A_628 = tpu.memref_slice %arg8[%add3A_626, %dma_wait3A_627] : memref<80x128xi32, #tpu.memory_space<vmem>> -> memref<1x128xi32, #tpu.memory_space<vmem>>
        %dma_wait3A_629 = tpu.memref_squeeze %dma_wait3A_628 : memref<1x128xi32, #tpu.memory_space<vmem>> -> memref<128xi32, #tpu.memory_space<vmem>>
        %dma_wait3A_630 = arith.constant 0 : i32
        %dma_wait3A_631 = arith.constant 0 : i32
        %dma_wait3A_632 = tpu.memref_slice %arg28[%dma_wait3A_630, %dma_wait3A_631] : memref<10112x16xf32, #tpu.memory_space<vmem_shared>> -> memref<10112x16xf32, #tpu.memory_space<vmem_shared>>
        tpu.wait_indirect_dma semaphore(%arg27 : memref<!tpu.dma_semaphore, #tpu.memory_space<semaphore_mem>>) src(%arg23 : memref<128x16xf32, #tpu.memory_space<vmem>>) dst(%dma_wait3A_632 : memref<10112x16xf32, #tpu.memory_space<vmem_shared>>)
        %add3A_633 = arith.constant 7 : i32
        %add3A_634 = arith.addi %sub3A_576, %add3A_633 : i32
        %dma_wait3A_635 = arith.constant 0 : i32
        %dma_wait3A_636 = tpu.memref_slice %arg8[%add3A_634, %dma_wait3A_635] : memref<80x128xi32, #tpu.memory_space<vmem>> -> memref<1x128xi32, #tpu.memory_space<vmem>>
        %dma_wait3A_637 = tpu.memref_squeeze %dma_wait3A_636 : memref<1x128xi32, #tpu.memory_space<vmem>> -> memref<128xi32, #tpu.memory_space<vmem>>
        %dma_wait3A_638 = arith.constant 0 : i32
        %dma_wait3A_639 = arith.constant 0 : i32
        %dma_wait3A_640 = tpu.memref_slice %arg28[%dma_wait3A_638, %dma_wait3A_639] : memref<10112x16xf32, #tpu.memory_space<vmem_shared>> -> memref<10112x16xf32, #tpu.memory_space<vmem_shared>>
        tpu.wait_indirect_dma semaphore(%arg27 : memref<!tpu.dma_semaphore, #tpu.memory_space<semaphore_mem>>) src(%arg24 : memref<128x16xf32, #tpu.memory_space<vmem>>) dst(%dma_wait3A_640 : memref<10112x16xf32, #tpu.memory_space<vmem_shared>>)
      } else {
      }
      %add3A_244 = arith.constant 8 : i32
      %add3A_245 = arith.addi %mul3A_177, %add3A_244 : i32
      %add3A_246 = arith.constant 0 : i32
      %add3A_247 = arith.addi %add3A_245, %add3A_246 : i32
      %dma_start3A_248 = arith.constant 0 : i32
      %dma_start3A_249 = tpu.memref_slice %arg7[%add3A_247, %dma_start3A_248] : memref<80x128xi32, #tpu.memory_space<vmem>> -> memref<1x128xi32, #tpu.memory_space<vmem>>
      %dma_start3A_250 = tpu.memref_squeeze %dma_start3A_249 : memref<1x128xi32, #tpu.memory_space<vmem>> -> memref<128xi32, #tpu.memory_space<vmem>>
      %dma_start3A_251 = arith.constant 0 : i32
      %dma_start3A_252 = arith.constant 0 : i32
      %dma_start3A_253 = tpu.memref_slice %arg2[%dma_start3A_251, %dma_start3A_252] : memref<10000x16xf32, #tpu.memory_space<hbm>> -> memref<10000x16xf32, #tpu.memory_space<hbm>>
      tpu.enqueue_indirect_dma source(%dma_start3A_253 : memref<10000x16xf32, #tpu.memory_space<hbm>>) target(%arg17 : memref<128x16xf32, #tpu.memory_space<vmem>>) offsets(%dma_start3A_250 : memref<128xi32, #tpu.memory_space<vmem>>) semaphore(%arg26 : memref<!tpu.dma_semaphore, #tpu.memory_space<semaphore_mem>>)
      %add3A_254 = arith.constant 1 : i32
      %add3A_255 = arith.addi %add3A_245, %add3A_254 : i32
      %dma_start3A_256 = arith.constant 0 : i32
      %dma_start3A_257 = tpu.memref_slice %arg7[%add3A_255, %dma_start3A_256] : memref<80x128xi32, #tpu.memory_space<vmem>> -> memref<1x128xi32, #tpu.memory_space<vmem>>
      %dma_start3A_258 = tpu.memref_squeeze %dma_start3A_257 : memref<1x128xi32, #tpu.memory_space<vmem>> -> memref<128xi32, #tpu.memory_space<vmem>>
      %dma_start3A_259 = arith.constant 0 : i32
      %dma_start3A_260 = arith.constant 0 : i32
      %dma_start3A_261 = tpu.memref_slice %arg2[%dma_start3A_259, %dma_start3A_260] : memref<10000x16xf32, #tpu.memory_space<hbm>> -> memref<10000x16xf32, #tpu.memory_space<hbm>>
      tpu.enqueue_indirect_dma source(%dma_start3A_261 : memref<10000x16xf32, #tpu.memory_space<hbm>>) target(%arg18 : memref<128x16xf32, #tpu.memory_space<vmem>>) offsets(%dma_start3A_258 : memref<128xi32, #tpu.memory_space<vmem>>) semaphore(%arg26 : memref<!tpu.dma_semaphore, #tpu.memory_space<semaphore_mem>>)
      %add3A_262 = arith.constant 2 : i32
      %add3A_263 = arith.addi %add3A_245, %add3A_262 : i32
      %dma_start3A_264 = arith.constant 0 : i32
      %dma_start3A_265 = tpu.memref_slice %arg7[%add3A_263, %dma_start3A_264] : memref<80x128xi32, #tpu.memory_space<vmem>> -> memref<1x128xi32, #tpu.memory_space<vmem>>
      %dma_start3A_266 = tpu.memref_squeeze %dma_start3A_265 : memref<1x128xi32, #tpu.memory_space<vmem>> -> memref<128xi32, #tpu.memory_space<vmem>>
      %dma_start3A_267 = arith.constant 0 : i32
      %dma_start3A_268 = arith.constant 0 : i32
      %dma_start3A_269 = tpu.memref_slice %arg2[%dma_start3A_267, %dma_start3A_268] : memref<10000x16xf32, #tpu.memory_space<hbm>> -> memref<10000x16xf32, #tpu.memory_space<hbm>>
      tpu.enqueue_indirect_dma source(%dma_start3A_269 : memref<10000x16xf32, #tpu.memory_space<hbm>>) target(%arg19 : memref<128x16xf32, #tpu.memory_space<vmem>>) offsets(%dma_start3A_266 : memref<128xi32, #tpu.memory_space<vmem>>) semaphore(%arg26 : memref<!tpu.dma_semaphore, #tpu.memory_space<semaphore_mem>>)
      %add3A_270 = arith.constant 3 : i32
      %add3A_271 = arith.addi %add3A_245, %add3A_270 : i32
      %dma_start3A_272 = arith.constant 0 : i32
      %dma_start3A_273 = tpu.memref_slice %arg7[%add3A_271, %dma_start3A_272] : memref<80x128xi32, #tpu.memory_space<vmem>> -> memref<1x128xi32, #tpu.memory_space<vmem>>
      %dma_start3A_274 = tpu.memref_squeeze %dma_start3A_273 : memref<1x128xi32, #tpu.memory_space<vmem>> -> memref<128xi32, #tpu.memory_space<vmem>>
      %dma_start3A_275 = arith.constant 0 : i32
      %dma_start3A_276 = arith.constant 0 : i32
      %dma_start3A_277 = tpu.memref_slice %arg2[%dma_start3A_275, %dma_start3A_276] : memref<10000x16xf32, #tpu.memory_space<hbm>> -> memref<10000x16xf32, #tpu.memory_space<hbm>>
      tpu.enqueue_indirect_dma source(%dma_start3A_277 : memref<10000x16xf32, #tpu.memory_space<hbm>>) target(%arg20 : memref<128x16xf32, #tpu.memory_space<vmem>>) offsets(%dma_start3A_274 : memref<128xi32, #tpu.memory_space<vmem>>) semaphore(%arg26 : memref<!tpu.dma_semaphore, #tpu.memory_space<semaphore_mem>>)
      %add3A_278 = arith.constant 4 : i32
      %add3A_279 = arith.addi %add3A_245, %add3A_278 : i32
      %dma_start3A_280 = arith.constant 0 : i32
      %dma_start3A_281 = tpu.memref_slice %arg7[%add3A_279, %dma_start3A_280] : memref<80x128xi32, #tpu.memory_space<vmem>> -> memref<1x128xi32, #tpu.memory_space<vmem>>
      %dma_start3A_282 = tpu.memref_squeeze %dma_start3A_281 : memref<1x128xi32, #tpu.memory_space<vmem>> -> memref<128xi32, #tpu.memory_space<vmem>>
      %dma_start3A_283 = arith.constant 0 : i32
      %dma_start3A_284 = arith.constant 0 : i32
      %dma_start3A_285 = tpu.memref_slice %arg2[%dma_start3A_283, %dma_start3A_284] : memref<10000x16xf32, #tpu.memory_space<hbm>> -> memref<10000x16xf32, #tpu.memory_space<hbm>>
      tpu.enqueue_indirect_dma source(%dma_start3A_285 : memref<10000x16xf32, #tpu.memory_space<hbm>>) target(%arg21 : memref<128x16xf32, #tpu.memory_space<vmem>>) offsets(%dma_start3A_282 : memref<128xi32, #tpu.memory_space<vmem>>) semaphore(%arg26 : memref<!tpu.dma_semaphore, #tpu.memory_space<semaphore_mem>>)
      %add3A_286 = arith.constant 5 : i32
      %add3A_287 = arith.addi %add3A_245, %add3A_286 : i32
      %dma_start3A_288 = arith.constant 0 : i32
      %dma_start3A_289 = tpu.memref_slice %arg7[%add3A_287, %dma_start3A_288] : memref<80x128xi32, #tpu.memory_space<vmem>> -> memref<1x128xi32, #tpu.memory_space<vmem>>
      %dma_start3A_290 = tpu.memref_squeeze %dma_start3A_289 : memref<1x128xi32, #tpu.memory_space<vmem>> -> memref<128xi32, #tpu.memory_space<vmem>>
      %dma_start3A_291 = arith.constant 0 : i32
      %dma_start3A_292 = arith.constant 0 : i32
      %dma_start3A_293 = tpu.memref_slice %arg2[%dma_start3A_291, %dma_start3A_292] : memref<10000x16xf32, #tpu.memory_space<hbm>> -> memref<10000x16xf32, #tpu.memory_space<hbm>>
      tpu.enqueue_indirect_dma source(%dma_start3A_293 : memref<10000x16xf32, #tpu.memory_space<hbm>>) target(%arg22 : memref<128x16xf32, #tpu.memory_space<vmem>>) offsets(%dma_start3A_290 : memref<128xi32, #tpu.memory_space<vmem>>) semaphore(%arg26 : memref<!tpu.dma_semaphore, #tpu.memory_space<semaphore_mem>>)
      %add3A_294 = arith.constant 6 : i32
      %add3A_295 = arith.addi %add3A_245, %add3A_294 : i32
      %dma_start3A_296 = arith.constant 0 : i32
      %dma_start3A_297 = tpu.memref_slice %arg7[%add3A_295, %dma_start3A_296] : memref<80x128xi32, #tpu.memory_space<vmem>> -> memref<1x128xi32, #tpu.memory_space<vmem>>
      %dma_start3A_298 = tpu.memref_squeeze %dma_start3A_297 : memref<1x128xi32, #tpu.memory_space<vmem>> -> memref<128xi32, #tpu.memory_space<vmem>>
      %dma_start3A_299 = arith.constant 0 : i32
      %dma_start3A_300 = arith.constant 0 : i32
      %dma_start3A_301 = tpu.memref_slice %arg2[%dma_start3A_299, %dma_start3A_300] : memref<10000x16xf32, #tpu.memory_space<hbm>> -> memref<10000x16xf32, #tpu.memory_space<hbm>>
      tpu.enqueue_indirect_dma source(%dma_start3A_301 : memref<10000x16xf32, #tpu.memory_space<hbm>>) target(%arg23 : memref<128x16xf32, #tpu.memory_space<vmem>>) offsets(%dma_start3A_298 : memref<128xi32, #tpu.memory_space<vmem>>) semaphore(%arg26 : memref<!tpu.dma_semaphore, #tpu.memory_space<semaphore_mem>>)
      %add3A_302 = arith.constant 7 : i32
      %add3A_303 = arith.addi %add3A_245, %add3A_302 : i32
      %dma_start3A_304 = arith.constant 0 : i32
      %dma_start3A_305 = tpu.memref_slice %arg7[%add3A_303, %dma_start3A_304] : memref<80x128xi32, #tpu.memory_space<vmem>> -> memref<1x128xi32, #tpu.memory_space<vmem>>
      %dma_start3A_306 = tpu.memref_squeeze %dma_start3A_305 : memref<1x128xi32, #tpu.memory_space<vmem>> -> memref<128xi32, #tpu.memory_space<vmem>>
      %dma_start3A_307 = arith.constant 0 : i32
      %dma_start3A_308 = arith.constant 0 : i32
      %dma_start3A_309 = tpu.memref_slice %arg2[%dma_start3A_307, %dma_start3A_308] : memref<10000x16xf32, #tpu.memory_space<hbm>> -> memref<10000x16xf32, #tpu.memory_space<hbm>>
      tpu.enqueue_indirect_dma source(%dma_start3A_309 : memref<10000x16xf32, #tpu.memory_space<hbm>>) target(%arg24 : memref<128x16xf32, #tpu.memory_space<vmem>>) offsets(%dma_start3A_306 : memref<128xi32, #tpu.memory_space<vmem>>) semaphore(%arg26 : memref<!tpu.dma_semaphore, #tpu.memory_space<semaphore_mem>>)
      %add3A_310 = arith.constant 0 : i32
      %add3A_311 = arith.addi %mul3A_177, %add3A_310 : i32
      %dma_start3A_312 = arith.constant 0 : i32
      %dma_start3A_313 = tpu.memref_slice %arg8[%add3A_311, %dma_start3A_312] : memref<80x128xi32, #tpu.memory_space<vmem>> -> memref<1x128xi32, #tpu.memory_space<vmem>>
      %dma_start3A_314 = tpu.memref_squeeze %dma_start3A_313 : memref<1x128xi32, #tpu.memory_space<vmem>> -> memref<128xi32, #tpu.memory_space<vmem>>
      %dma_start3A_315 = arith.constant 0 : i32
      %dma_start3A_316 = arith.constant 0 : i32
      %dma_start3A_317 = tpu.memref_slice %arg28[%dma_start3A_315, %dma_start3A_316] : memref<10112x16xf32, #tpu.memory_space<vmem_shared>> -> memref<10112x16xf32, #tpu.memory_space<vmem_shared>>
      tpu.enqueue_indirect_dma source(%arg9 : memref<128x16xf32, #tpu.memory_space<vmem>>) target(%dma_start3A_317 : memref<10112x16xf32, #tpu.memory_space<vmem_shared>>) offsets(%dma_start3A_314 : memref<128xi32, #tpu.memory_space<vmem>>) semaphore(%arg27 : memref<!tpu.dma_semaphore, #tpu.memory_space<semaphore_mem>>) {add = true}
      %add3A_318 = arith.constant 1 : i32
      %add3A_319 = arith.addi %mul3A_177, %add3A_318 : i32
      %dma_start3A_320 = arith.constant 0 : i32
      %dma_start3A_321 = tpu.memref_slice %arg8[%add3A_319, %dma_start3A_320] : memref<80x128xi32, #tpu.memory_space<vmem>> -> memref<1x128xi32, #tpu.memory_space<vmem>>
      %dma_start3A_322 = tpu.memref_squeeze %dma_start3A_321 : memref<1x128xi32, #tpu.memory_space<vmem>> -> memref<128xi32, #tpu.memory_space<vmem>>
      %dma_start3A_323 = arith.constant 0 : i32
      %dma_start3A_324 = arith.constant 0 : i32
      %dma_start3A_325 = tpu.memref_slice %arg28[%dma_start3A_323, %dma_start3A_324] : memref<10112x16xf32, #tpu.memory_space<vmem_shared>> -> memref<10112x16xf32, #tpu.memory_space<vmem_shared>>
      tpu.enqueue_indirect_dma source(%arg10 : memref<128x16xf32, #tpu.memory_space<vmem>>) target(%dma_start3A_325 : memref<10112x16xf32, #tpu.memory_space<vmem_shared>>) offsets(%dma_start3A_322 : memref<128xi32, #tpu.memory_space<vmem>>) semaphore(%arg27 : memref<!tpu.dma_semaphore, #tpu.memory_space<semaphore_mem>>) {add = true}
      %add3A_326 = arith.constant 2 : i32
      %add3A_327 = arith.addi %mul3A_177, %add3A_326 : i32
      %dma_start3A_328 = arith.constant 0 : i32
      %dma_start3A_329 = tpu.memref_slice %arg8[%add3A_327, %dma_start3A_328] : memref<80x128xi32, #tpu.memory_space<vmem>> -> memref<1x128xi32, #tpu.memory_space<vmem>>
      %dma_start3A_330 = tpu.memref_squeeze %dma_start3A_329 : memref<1x128xi32, #tpu.memory_space<vmem>> -> memref<128xi32, #tpu.memory_space<vmem>>
      %dma_start3A_331 = arith.constant 0 : i32
      %dma_start3A_332 = arith.constant 0 : i32
      %dma_start3A_333 = tpu.memref_slice %arg28[%dma_start3A_331, %dma_start3A_332] : memref<10112x16xf32, #tpu.memory_space<vmem_shared>> -> memref<10112x16xf32, #tpu.memory_space<vmem_shared>>
      tpu.enqueue_indirect_dma source(%arg11 : memref<128x16xf32, #tpu.memory_space<vmem>>) target(%dma_start3A_333 : memref<10112x16xf32, #tpu.memory_space<vmem_shared>>) offsets(%dma_start3A_330 : memref<128xi32, #tpu.memory_space<vmem>>) semaphore(%arg27 : memref<!tpu.dma_semaphore, #tpu.memory_space<semaphore_mem>>) {add = true}
      %add3A_334 = arith.constant 3 : i32
      %add3A_335 = arith.addi %mul3A_177, %add3A_334 : i32
      %dma_start3A_336 = arith.constant 0 : i32
      %dma_start3A_337 = tpu.memref_slice %arg8[%add3A_335, %dma_start3A_336] : memref<80x128xi32, #tpu.memory_space<vmem>> -> memref<1x128xi32, #tpu.memory_space<vmem>>
      %dma_start3A_338 = tpu.memref_squeeze %dma_start3A_337 : memref<1x128xi32, #tpu.memory_space<vmem>> -> memref<128xi32, #tpu.memory_space<vmem>>
      %dma_start3A_339 = arith.constant 0 : i32
      %dma_start3A_340 = arith.constant 0 : i32
      %dma_start3A_341 = tpu.memref_slice %arg28[%dma_start3A_339, %dma_start3A_340] : memref<10112x16xf32, #tpu.memory_space<vmem_shared>> -> memref<10112x16xf32, #tpu.memory_space<vmem_shared>>
      tpu.enqueue_indirect_dma source(%arg12 : memref<128x16xf32, #tpu.memory_space<vmem>>) target(%dma_start3A_341 : memref<10112x16xf32, #tpu.memory_space<vmem_shared>>) offsets(%dma_start3A_338 : memref<128xi32, #tpu.memory_space<vmem>>) semaphore(%arg27 : memref<!tpu.dma_semaphore, #tpu.memory_space<semaphore_mem>>) {add = true}
      %add3A_342 = arith.constant 4 : i32
      %add3A_343 = arith.addi %mul3A_177, %add3A_342 : i32
      %dma_start3A_344 = arith.constant 0 : i32
      %dma_start3A_345 = tpu.memref_slice %arg8[%add3A_343, %dma_start3A_344] : memref<80x128xi32, #tpu.memory_space<vmem>> -> memref<1x128xi32, #tpu.memory_space<vmem>>
      %dma_start3A_346 = tpu.memref_squeeze %dma_start3A_345 : memref<1x128xi32, #tpu.memory_space<vmem>> -> memref<128xi32, #tpu.memory_space<vmem>>
      %dma_start3A_347 = arith.constant 0 : i32
      %dma_start3A_348 = arith.constant 0 : i32
      %dma_start3A_349 = tpu.memref_slice %arg28[%dma_start3A_347, %dma_start3A_348] : memref<10112x16xf32, #tpu.memory_space<vmem_shared>> -> memref<10112x16xf32, #tpu.memory_space<vmem_shared>>
      tpu.enqueue_indirect_dma source(%arg13 : memref<128x16xf32, #tpu.memory_space<vmem>>) target(%dma_start3A_349 : memref<10112x16xf32, #tpu.memory_space<vmem_shared>>) offsets(%dma_start3A_346 : memref<128xi32, #tpu.memory_space<vmem>>) semaphore(%arg27 : memref<!tpu.dma_semaphore, #tpu.memory_space<semaphore_mem>>) {add = true}
      %add3A_350 = arith.constant 5 : i32
      %add3A_351 = arith.addi %mul3A_177, %add3A_350 : i32
      %dma_start3A_352 = arith.constant 0 : i32
      %dma_start3A_353 = tpu.memref_slice %arg8[%add3A_351, %dma_start3A_352] : memref<80x128xi32, #tpu.memory_space<vmem>> -> memref<1x128xi32, #tpu.memory_space<vmem>>
      %dma_start3A_354 = tpu.memref_squeeze %dma_start3A_353 : memref<1x128xi32, #tpu.memory_space<vmem>> -> memref<128xi32, #tpu.memory_space<vmem>>
      %dma_start3A_355 = arith.constant 0 : i32
      %dma_start3A_356 = arith.constant 0 : i32
      %dma_start3A_357 = tpu.memref_slice %arg28[%dma_start3A_355, %dma_start3A_356] : memref<10112x16xf32, #tpu.memory_space<vmem_shared>> -> memref<10112x16xf32, #tpu.memory_space<vmem_shared>>
      tpu.enqueue_indirect_dma source(%arg14 : memref<128x16xf32, #tpu.memory_space<vmem>>) target(%dma_start3A_357 : memref<10112x16xf32, #tpu.memory_space<vmem_shared>>) offsets(%dma_start3A_354 : memref<128xi32, #tpu.memory_space<vmem>>) semaphore(%arg27 : memref<!tpu.dma_semaphore, #tpu.memory_space<semaphore_mem>>) {add = true}
      %add3A_358 = arith.constant 6 : i32
      %add3A_359 = arith.addi %mul3A_177, %add3A_358 : i32
      %dma_start3A_360 = arith.constant 0 : i32
      %dma_start3A_361 = tpu.memref_slice %arg8[%add3A_359, %dma_start3A_360] : memref<80x128xi32, #tpu.memory_space<vmem>> -> memref<1x128xi32, #tpu.memory_space<vmem>>
      %dma_start3A_362 = tpu.memref_squeeze %dma_start3A_361 : memref<1x128xi32, #tpu.memory_space<vmem>> -> memref<128xi32, #tpu.memory_space<vmem>>
      %dma_start3A_363 = arith.constant 0 : i32
      %dma_start3A_364 = arith.constant 0 : i32
      %dma_start3A_365 = tpu.memref_slice %arg28[%dma_start3A_363, %dma_start3A_364] : memref<10112x16xf32, #tpu.memory_space<vmem_shared>> -> memref<10112x16xf32, #tpu.memory_space<vmem_shared>>
      tpu.enqueue_indirect_dma source(%arg15 : memref<128x16xf32, #tpu.memory_space<vmem>>) target(%dma_start3A_365 : memref<10112x16xf32, #tpu.memory_space<vmem_shared>>) offsets(%dma_start3A_362 : memref<128xi32, #tpu.memory_space<vmem>>) semaphore(%arg27 : memref<!tpu.dma_semaphore, #tpu.memory_space<semaphore_mem>>) {add = true}
      %add3A_366 = arith.constant 7 : i32
      %add3A_367 = arith.addi %mul3A_177, %add3A_366 : i32
      %dma_start3A_368 = arith.constant 0 : i32
      %dma_start3A_369 = tpu.memref_slice %arg8[%add3A_367, %dma_start3A_368] : memref<80x128xi32, #tpu.memory_space<vmem>> -> memref<1x128xi32, #tpu.memory_space<vmem>>
      %dma_start3A_370 = tpu.memref_squeeze %dma_start3A_369 : memref<1x128xi32, #tpu.memory_space<vmem>> -> memref<128xi32, #tpu.memory_space<vmem>>
      %dma_start3A_371 = arith.constant 0 : i32
      %dma_start3A_372 = arith.constant 0 : i32
      %dma_start3A_373 = tpu.memref_slice %arg28[%dma_start3A_371, %dma_start3A_372] : memref<10112x16xf32, #tpu.memory_space<vmem_shared>> -> memref<10112x16xf32, #tpu.memory_space<vmem_shared>>
      tpu.enqueue_indirect_dma source(%arg16 : memref<128x16xf32, #tpu.memory_space<vmem>>) target(%dma_start3A_373 : memref<10112x16xf32, #tpu.memory_space<vmem_shared>>) offsets(%dma_start3A_370 : memref<128xi32, #tpu.memory_space<vmem>>) semaphore(%arg27 : memref<!tpu.dma_semaphore, #tpu.memory_space<semaphore_mem>>) {add = true}
      %add3A_374 = arith.constant 8 : i32
      %add3A_375 = arith.addi %mul3A_177, %add3A_374 : i32
      %add3A_376 = arith.constant 0 : i32
      %add3A_377 = arith.addi %add3A_375, %add3A_376 : i32
      %dma_wait3A_378 = arith.constant 0 : i32
      %dma_wait3A_379 = tpu.memref_slice %arg7[%add3A_377, %dma_wait3A_378] : memref<80x128xi32, #tpu.memory_space<vmem>> -> memref<1x128xi32, #tpu.memory_space<vmem>>
      %dma_wait3A_380 = tpu.memref_squeeze %dma_wait3A_379 : memref<1x128xi32, #tpu.memory_space<vmem>> -> memref<128xi32, #tpu.memory_space<vmem>>
      %dma_wait3A_381 = arith.constant 0 : i32
      %dma_wait3A_382 = arith.constant 0 : i32
      %dma_wait3A_383 = tpu.memref_slice %arg2[%dma_wait3A_381, %dma_wait3A_382] : memref<10000x16xf32, #tpu.memory_space<hbm>> -> memref<10000x16xf32, #tpu.memory_space<hbm>>
      tpu.wait_indirect_dma semaphore(%arg26 : memref<!tpu.dma_semaphore, #tpu.memory_space<semaphore_mem>>) src(%dma_wait3A_383 : memref<10000x16xf32, #tpu.memory_space<hbm>>) dst(%arg17 : memref<128x16xf32, #tpu.memory_space<vmem>>)
      %add3A_384 = arith.constant 1 : i32
      %add3A_385 = arith.addi %add3A_375, %add3A_384 : i32
      %dma_wait3A_386 = arith.constant 0 : i32
      %dma_wait3A_387 = tpu.memref_slice %arg7[%add3A_385, %dma_wait3A_386] : memref<80x128xi32, #tpu.memory_space<vmem>> -> memref<1x128xi32, #tpu.memory_space<vmem>>
      %dma_wait3A_388 = tpu.memref_squeeze %dma_wait3A_387 : memref<1x128xi32, #tpu.memory_space<vmem>> -> memref<128xi32, #tpu.memory_space<vmem>>
      %dma_wait3A_389 = arith.constant 0 : i32
      %dma_wait3A_390 = arith.constant 0 : i32
      %dma_wait3A_391 = tpu.memref_slice %arg2[%dma_wait3A_389, %dma_wait3A_390] : memref<10000x16xf32, #tpu.memory_space<hbm>> -> memref<10000x16xf32, #tpu.memory_space<hbm>>
      tpu.wait_indirect_dma semaphore(%arg26 : memref<!tpu.dma_semaphore, #tpu.memory_space<semaphore_mem>>) src(%dma_wait3A_391 : memref<10000x16xf32, #tpu.memory_space<hbm>>) dst(%arg18 : memref<128x16xf32, #tpu.memory_space<vmem>>)
      %add3A_392 = arith.constant 2 : i32
      %add3A_393 = arith.addi %add3A_375, %add3A_392 : i32
      %dma_wait3A_394 = arith.constant 0 : i32
      %dma_wait3A_395 = tpu.memref_slice %arg7[%add3A_393, %dma_wait3A_394] : memref<80x128xi32, #tpu.memory_space<vmem>> -> memref<1x128xi32, #tpu.memory_space<vmem>>
      %dma_wait3A_396 = tpu.memref_squeeze %dma_wait3A_395 : memref<1x128xi32, #tpu.memory_space<vmem>> -> memref<128xi32, #tpu.memory_space<vmem>>
      %dma_wait3A_397 = arith.constant 0 : i32
      %dma_wait3A_398 = arith.constant 0 : i32
      %dma_wait3A_399 = tpu.memref_slice %arg2[%dma_wait3A_397, %dma_wait3A_398] : memref<10000x16xf32, #tpu.memory_space<hbm>> -> memref<10000x16xf32, #tpu.memory_space<hbm>>
      tpu.wait_indirect_dma semaphore(%arg26 : memref<!tpu.dma_semaphore, #tpu.memory_space<semaphore_mem>>) src(%dma_wait3A_399 : memref<10000x16xf32, #tpu.memory_space<hbm>>) dst(%arg19 : memref<128x16xf32, #tpu.memory_space<vmem>>)
      %add3A_400 = arith.constant 3 : i32
      %add3A_401 = arith.addi %add3A_375, %add3A_400 : i32
      %dma_wait3A_402 = arith.constant 0 : i32
      %dma_wait3A_403 = tpu.memref_slice %arg7[%add3A_401, %dma_wait3A_402] : memref<80x128xi32, #tpu.memory_space<vmem>> -> memref<1x128xi32, #tpu.memory_space<vmem>>
      %dma_wait3A_404 = tpu.memref_squeeze %dma_wait3A_403 : memref<1x128xi32, #tpu.memory_space<vmem>> -> memref<128xi32, #tpu.memory_space<vmem>>
      %dma_wait3A_405 = arith.constant 0 : i32
      %dma_wait3A_406 = arith.constant 0 : i32
      %dma_wait3A_407 = tpu.memref_slice %arg2[%dma_wait3A_405, %dma_wait3A_406] : memref<10000x16xf32, #tpu.memory_space<hbm>> -> memref<10000x16xf32, #tpu.memory_space<hbm>>
      tpu.wait_indirect_dma semaphore(%arg26 : memref<!tpu.dma_semaphore, #tpu.memory_space<semaphore_mem>>) src(%dma_wait3A_407 : memref<10000x16xf32, #tpu.memory_space<hbm>>) dst(%arg20 : memref<128x16xf32, #tpu.memory_space<vmem>>)
      %add3A_408 = arith.constant 4 : i32
      %add3A_409 = arith.addi %add3A_375, %add3A_408 : i32
      %dma_wait3A_410 = arith.constant 0 : i32
      %dma_wait3A_411 = tpu.memref_slice %arg7[%add3A_409, %dma_wait3A_410] : memref<80x128xi32, #tpu.memory_space<vmem>> -> memref<1x128xi32, #tpu.memory_space<vmem>>
      %dma_wait3A_412 = tpu.memref_squeeze %dma_wait3A_411 : memref<1x128xi32, #tpu.memory_space<vmem>> -> memref<128xi32, #tpu.memory_space<vmem>>
      %dma_wait3A_413 = arith.constant 0 : i32
      %dma_wait3A_414 = arith.constant 0 : i32
      %dma_wait3A_415 = tpu.memref_slice %arg2[%dma_wait3A_413, %dma_wait3A_414] : memref<10000x16xf32, #tpu.memory_space<hbm>> -> memref<10000x16xf32, #tpu.memory_space<hbm>>
      tpu.wait_indirect_dma semaphore(%arg26 : memref<!tpu.dma_semaphore, #tpu.memory_space<semaphore_mem>>) src(%dma_wait3A_415 : memref<10000x16xf32, #tpu.memory_space<hbm>>) dst(%arg21 : memref<128x16xf32, #tpu.memory_space<vmem>>)
      %add3A_416 = arith.constant 5 : i32
      %add3A_417 = arith.addi %add3A_375, %add3A_416 : i32
      %dma_wait3A_418 = arith.constant 0 : i32
      %dma_wait3A_419 = tpu.memref_slice %arg7[%add3A_417, %dma_wait3A_418] : memref<80x128xi32, #tpu.memory_space<vmem>> -> memref<1x128xi32, #tpu.memory_space<vmem>>
      %dma_wait3A_420 = tpu.memref_squeeze %dma_wait3A_419 : memref<1x128xi32, #tpu.memory_space<vmem>> -> memref<128xi32, #tpu.memory_space<vmem>>
      %dma_wait3A_421 = arith.constant 0 : i32
      %dma_wait3A_422 = arith.constant 0 : i32
      %dma_wait3A_423 = tpu.memref_slice %arg2[%dma_wait3A_421, %dma_wait3A_422] : memref<10000x16xf32, #tpu.memory_space<hbm>> -> memref<10000x16xf32, #tpu.memory_space<hbm>>
      tpu.wait_indirect_dma semaphore(%arg26 : memref<!tpu.dma_semaphore, #tpu.memory_space<semaphore_mem>>) src(%dma_wait3A_423 : memref<10000x16xf32, #tpu.memory_space<hbm>>) dst(%arg22 : memref<128x16xf32, #tpu.memory_space<vmem>>)
      %add3A_424 = arith.constant 6 : i32
      %add3A_425 = arith.addi %add3A_375, %add3A_424 : i32
      %dma_wait3A_426 = arith.constant 0 : i32
      %dma_wait3A_427 = tpu.memref_slice %arg7[%add3A_425, %dma_wait3A_426] : memref<80x128xi32, #tpu.memory_space<vmem>> -> memref<1x128xi32, #tpu.memory_space<vmem>>
      %dma_wait3A_428 = tpu.memref_squeeze %dma_wait3A_427 : memref<1x128xi32, #tpu.memory_space<vmem>> -> memref<128xi32, #tpu.memory_space<vmem>>
      %dma_wait3A_429 = arith.constant 0 : i32
      %dma_wait3A_430 = arith.constant 0 : i32
      %dma_wait3A_431 = tpu.memref_slice %arg2[%dma_wait3A_429, %dma_wait3A_430] : memref<10000x16xf32, #tpu.memory_space<hbm>> -> memref<10000x16xf32, #tpu.memory_space<hbm>>
      tpu.wait_indirect_dma semaphore(%arg26 : memref<!tpu.dma_semaphore, #tpu.memory_space<semaphore_mem>>) src(%dma_wait3A_431 : memref<10000x16xf32, #tpu.memory_space<hbm>>) dst(%arg23 : memref<128x16xf32, #tpu.memory_space<vmem>>)
      %add3A_432 = arith.constant 7 : i32
      %add3A_433 = arith.addi %add3A_375, %add3A_432 : i32
      %dma_wait3A_434 = arith.constant 0 : i32
      %dma_wait3A_435 = tpu.memref_slice %arg7[%add3A_433, %dma_wait3A_434] : memref<80x128xi32, #tpu.memory_space<vmem>> -> memref<1x128xi32, #tpu.memory_space<vmem>>
      %dma_wait3A_436 = tpu.memref_squeeze %dma_wait3A_435 : memref<1x128xi32, #tpu.memory_space<vmem>> -> memref<128xi32, #tpu.memory_space<vmem>>
      %dma_wait3A_437 = arith.constant 0 : i32
      %dma_wait3A_438 = arith.constant 0 : i32
      %dma_wait3A_439 = tpu.memref_slice %arg2[%dma_wait3A_437, %dma_wait3A_438] : memref<10000x16xf32, #tpu.memory_space<hbm>> -> memref<10000x16xf32, #tpu.memory_space<hbm>>
      tpu.wait_indirect_dma semaphore(%arg26 : memref<!tpu.dma_semaphore, #tpu.memory_space<semaphore_mem>>) src(%dma_wait3A_439 : memref<10000x16xf32, #tpu.memory_space<hbm>>) dst(%arg24 : memref<128x16xf32, #tpu.memory_space<vmem>>)
      %add3A_440 = arith.constant 0 : i32
      %add3A_441 = arith.addi %mul3A_177, %add3A_440 : i32
      %dma_wait3A_442 = arith.constant 0 : i32
      %dma_wait3A_443 = tpu.memref_slice %arg8[%add3A_441, %dma_wait3A_442] : memref<80x128xi32, #tpu.memory_space<vmem>> -> memref<1x128xi32, #tpu.memory_space<vmem>>
      %dma_wait3A_444 = tpu.memref_squeeze %dma_wait3A_443 : memref<1x128xi32, #tpu.memory_space<vmem>> -> memref<128xi32, #tpu.memory_space<vmem>>
      %dma_wait3A_445 = arith.constant 0 : i32
      %dma_wait3A_446 = arith.constant 0 : i32
      %dma_wait3A_447 = tpu.memref_slice %arg28[%dma_wait3A_445, %dma_wait3A_446] : memref<10112x16xf32, #tpu.memory_space<vmem_shared>> -> memref<10112x16xf32, #tpu.memory_space<vmem_shared>>
      tpu.wait_indirect_dma semaphore(%arg27 : memref<!tpu.dma_semaphore, #tpu.memory_space<semaphore_mem>>) src(%arg9 : memref<128x16xf32, #tpu.memory_space<vmem>>) dst(%dma_wait3A_447 : memref<10112x16xf32, #tpu.memory_space<vmem_shared>>)
      %add3A_448 = arith.constant 1 : i32
      %add3A_449 = arith.addi %mul3A_177, %add3A_448 : i32
      %dma_wait3A_450 = arith.constant 0 : i32
      %dma_wait3A_451 = tpu.memref_slice %arg8[%add3A_449, %dma_wait3A_450] : memref<80x128xi32, #tpu.memory_space<vmem>> -> memref<1x128xi32, #tpu.memory_space<vmem>>
      %dma_wait3A_452 = tpu.memref_squeeze %dma_wait3A_451 : memref<1x128xi32, #tpu.memory_space<vmem>> -> memref<128xi32, #tpu.memory_space<vmem>>
      %dma_wait3A_453 = arith.constant 0 : i32
      %dma_wait3A_454 = arith.constant 0 : i32
      %dma_wait3A_455 = tpu.memref_slice %arg28[%dma_wait3A_453, %dma_wait3A_454] : memref<10112x16xf32, #tpu.memory_space<vmem_shared>> -> memref<10112x16xf32, #tpu.memory_space<vmem_shared>>
      tpu.wait_indirect_dma semaphore(%arg27 : memref<!tpu.dma_semaphore, #tpu.memory_space<semaphore_mem>>) src(%arg10 : memref<128x16xf32, #tpu.memory_space<vmem>>) dst(%dma_wait3A_455 : memref<10112x16xf32, #tpu.memory_space<vmem_shared>>)
      %add3A_456 = arith.constant 2 : i32
      %add3A_457 = arith.addi %mul3A_177, %add3A_456 : i32
      %dma_wait3A_458 = arith.constant 0 : i32
      %dma_wait3A_459 = tpu.memref_slice %arg8[%add3A_457, %dma_wait3A_458] : memref<80x128xi32, #tpu.memory_space<vmem>> -> memref<1x128xi32, #tpu.memory_space<vmem>>
      %dma_wait3A_460 = tpu.memref_squeeze %dma_wait3A_459 : memref<1x128xi32, #tpu.memory_space<vmem>> -> memref<128xi32, #tpu.memory_space<vmem>>
      %dma_wait3A_461 = arith.constant 0 : i32
      %dma_wait3A_462 = arith.constant 0 : i32
      %dma_wait3A_463 = tpu.memref_slice %arg28[%dma_wait3A_461, %dma_wait3A_462] : memref<10112x16xf32, #tpu.memory_space<vmem_shared>> -> memref<10112x16xf32, #tpu.memory_space<vmem_shared>>
      tpu.wait_indirect_dma semaphore(%arg27 : memref<!tpu.dma_semaphore, #tpu.memory_space<semaphore_mem>>) src(%arg11 : memref<128x16xf32, #tpu.memory_space<vmem>>) dst(%dma_wait3A_463 : memref<10112x16xf32, #tpu.memory_space<vmem_shared>>)
      %add3A_464 = arith.constant 3 : i32
      %add3A_465 = arith.addi %mul3A_177, %add3A_464 : i32
      %dma_wait3A_466 = arith.constant 0 : i32
      %dma_wait3A_467 = tpu.memref_slice %arg8[%add3A_465, %dma_wait3A_466] : memref<80x128xi32, #tpu.memory_space<vmem>> -> memref<1x128xi32, #tpu.memory_space<vmem>>
      %dma_wait3A_468 = tpu.memref_squeeze %dma_wait3A_467 : memref<1x128xi32, #tpu.memory_space<vmem>> -> memref<128xi32, #tpu.memory_space<vmem>>
      %dma_wait3A_469 = arith.constant 0 : i32
      %dma_wait3A_470 = arith.constant 0 : i32
      %dma_wait3A_471 = tpu.memref_slice %arg28[%dma_wait3A_469, %dma_wait3A_470] : memref<10112x16xf32, #tpu.memory_space<vmem_shared>> -> memref<10112x16xf32, #tpu.memory_space<vmem_shared>>
      tpu.wait_indirect_dma semaphore(%arg27 : memref<!tpu.dma_semaphore, #tpu.memory_space<semaphore_mem>>) src(%arg12 : memref<128x16xf32, #tpu.memory_space<vmem>>) dst(%dma_wait3A_471 : memref<10112x16xf32, #tpu.memory_space<vmem_shared>>)
      %add3A_472 = arith.constant 4 : i32
      %add3A_473 = arith.addi %mul3A_177, %add3A_472 : i32
      %dma_wait3A_474 = arith.constant 0 : i32
      %dma_wait3A_475 = tpu.memref_slice %arg8[%add3A_473, %dma_wait3A_474] : memref<80x128xi32, #tpu.memory_space<vmem>> -> memref<1x128xi32, #tpu.memory_space<vmem>>
      %dma_wait3A_476 = tpu.memref_squeeze %dma_wait3A_475 : memref<1x128xi32, #tpu.memory_space<vmem>> -> memref<128xi32, #tpu.memory_space<vmem>>
      %dma_wait3A_477 = arith.constant 0 : i32
      %dma_wait3A_478 = arith.constant 0 : i32
      %dma_wait3A_479 = tpu.memref_slice %arg28[%dma_wait3A_477, %dma_wait3A_478] : memref<10112x16xf32, #tpu.memory_space<vmem_shared>> -> memref<10112x16xf32, #tpu.memory_space<vmem_shared>>
      tpu.wait_indirect_dma semaphore(%arg27 : memref<!tpu.dma_semaphore, #tpu.memory_space<semaphore_mem>>) src(%arg13 : memref<128x16xf32, #tpu.memory_space<vmem>>) dst(%dma_wait3A_479 : memref<10112x16xf32, #tpu.memory_space<vmem_shared>>)
      %add3A_480 = arith.constant 5 : i32
      %add3A_481 = arith.addi %mul3A_177, %add3A_480 : i32
      %dma_wait3A_482 = arith.constant 0 : i32
      %dma_wait3A_483 = tpu.memref_slice %arg8[%add3A_481, %dma_wait3A_482] : memref<80x128xi32, #tpu.memory_space<vmem>> -> memref<1x128xi32, #tpu.memory_space<vmem>>
      %dma_wait3A_484 = tpu.memref_squeeze %dma_wait3A_483 : memref<1x128xi32, #tpu.memory_space<vmem>> -> memref<128xi32, #tpu.memory_space<vmem>>
      %dma_wait3A_485 = arith.constant 0 : i32
      %dma_wait3A_486 = arith.constant 0 : i32
      %dma_wait3A_487 = tpu.memref_slice %arg28[%dma_wait3A_485, %dma_wait3A_486] : memref<10112x16xf32, #tpu.memory_space<vmem_shared>> -> memref<10112x16xf32, #tpu.memory_space<vmem_shared>>
      tpu.wait_indirect_dma semaphore(%arg27 : memref<!tpu.dma_semaphore, #tpu.memory_space<semaphore_mem>>) src(%arg14 : memref<128x16xf32, #tpu.memory_space<vmem>>) dst(%dma_wait3A_487 : memref<10112x16xf32, #tpu.memory_space<vmem_shared>>)
      %add3A_488 = arith.constant 6 : i32
      %add3A_489 = arith.addi %mul3A_177, %add3A_488 : i32
      %dma_wait3A_490 = arith.constant 0 : i32
      %dma_wait3A_491 = tpu.memref_slice %arg8[%add3A_489, %dma_wait3A_490] : memref<80x128xi32, #tpu.memory_space<vmem>> -> memref<1x128xi32, #tpu.memory_space<vmem>>
      %dma_wait3A_492 = tpu.memref_squeeze %dma_wait3A_491 : memref<1x128xi32, #tpu.memory_space<vmem>> -> memref<128xi32, #tpu.memory_space<vmem>>
      %dma_wait3A_493 = arith.constant 0 : i32
      %dma_wait3A_494 = arith.constant 0 : i32
      %dma_wait3A_495 = tpu.memref_slice %arg28[%dma_wait3A_493, %dma_wait3A_494] : memref<10112x16xf32, #tpu.memory_space<vmem_shared>> -> memref<10112x16xf32, #tpu.memory_space<vmem_shared>>
      tpu.wait_indirect_dma semaphore(%arg27 : memref<!tpu.dma_semaphore, #tpu.memory_space<semaphore_mem>>) src(%arg15 : memref<128x16xf32, #tpu.memory_space<vmem>>) dst(%dma_wait3A_495 : memref<10112x16xf32, #tpu.memory_space<vmem_shared>>)
      %add3A_496 = arith.constant 7 : i32
      %add3A_497 = arith.addi %mul3A_177, %add3A_496 : i32
      %dma_wait3A_498 = arith.constant 0 : i32
      %dma_wait3A_499 = tpu.memref_slice %arg8[%add3A_497, %dma_wait3A_498] : memref<80x128xi32, #tpu.memory_space<vmem>> -> memref<1x128xi32, #tpu.memory_space<vmem>>
      %dma_wait3A_500 = tpu.memref_squeeze %dma_wait3A_499 : memref<1x128xi32, #tpu.memory_space<vmem>> -> memref<128xi32, #tpu.memory_space<vmem>>
      %dma_wait3A_501 = arith.constant 0 : i32
      %dma_wait3A_502 = arith.constant 0 : i32
      %dma_wait3A_503 = tpu.memref_slice %arg28[%dma_wait3A_501, %dma_wait3A_502] : memref<10112x16xf32, #tpu.memory_space<vmem_shared>> -> memref<10112x16xf32, #tpu.memory_space<vmem_shared>>
      tpu.wait_indirect_dma semaphore(%arg27 : memref<!tpu.dma_semaphore, #tpu.memory_space<semaphore_mem>>) src(%arg16 : memref<128x16xf32, #tpu.memory_space<vmem>>) dst(%dma_wait3A_503 : memref<10112x16xf32, #tpu.memory_space<vmem_shared>>)
      %add3A_504 = arith.constant 1 : i32
      %add3A_505 = arith.addi %scan3A_173, %add3A_504 : i32
      %lt3A = arith.constant 5 : i32
      %lt3A_506 = arith.cmpi slt, %add3A_505, %lt3A : i32
      %convert_element_type3A_507 = arith.extui %lt3A_506 : i1 to i32
      %cond3A_508 = arith.constant 0 : i32
      %cond3A_509 = arith.cmpi ne, %convert_element_type3A_507, %cond3A_508 : i32
      scf.if %cond3A_509 {
        %add3A_576 = arith.constant 16 : i32
        %add3A_577 = arith.addi %mul3A_177, %add3A_576 : i32
        %add3A_578 = arith.constant 0 : i32
        %add3A_579 = arith.addi %add3A_577, %add3A_578 : i32
        %dma_start3A_580 = arith.constant 0 : i32
        %dma_start3A_581 = tpu.memref_slice %arg7[%add3A_579, %dma_start3A_580] : memref<80x128xi32, #tpu.memory_space<vmem>> -> memref<1x128xi32, #tpu.memory_space<vmem>>
        %dma_start3A_582 = tpu.memref_squeeze %dma_start3A_581 : memref<1x128xi32, #tpu.memory_space<vmem>> -> memref<128xi32, #tpu.memory_space<vmem>>
        %dma_start3A_583 = arith.constant 0 : i32
        %dma_start3A_584 = arith.constant 0 : i32
        %dma_start3A_585 = tpu.memref_slice %arg2[%dma_start3A_583, %dma_start3A_584] : memref<10000x16xf32, #tpu.memory_space<hbm>> -> memref<10000x16xf32, #tpu.memory_space<hbm>>
        tpu.enqueue_indirect_dma source(%dma_start3A_585 : memref<10000x16xf32, #tpu.memory_space<hbm>>) target(%arg9 : memref<128x16xf32, #tpu.memory_space<vmem>>) offsets(%dma_start3A_582 : memref<128xi32, #tpu.memory_space<vmem>>) semaphore(%arg26 : memref<!tpu.dma_semaphore, #tpu.memory_space<semaphore_mem>>)
        %add3A_586 = arith.constant 1 : i32
        %add3A_587 = arith.addi %add3A_577, %add3A_586 : i32
        %dma_start3A_588 = arith.constant 0 : i32
        %dma_start3A_589 = tpu.memref_slice %arg7[%add3A_587, %dma_start3A_588] : memref<80x128xi32, #tpu.memory_space<vmem>> -> memref<1x128xi32, #tpu.memory_space<vmem>>
        %dma_start3A_590 = tpu.memref_squeeze %dma_start3A_589 : memref<1x128xi32, #tpu.memory_space<vmem>> -> memref<128xi32, #tpu.memory_space<vmem>>
        %dma_start3A_591 = arith.constant 0 : i32
        %dma_start3A_592 = arith.constant 0 : i32
        %dma_start3A_593 = tpu.memref_slice %arg2[%dma_start3A_591, %dma_start3A_592] : memref<10000x16xf32, #tpu.memory_space<hbm>> -> memref<10000x16xf32, #tpu.memory_space<hbm>>
        tpu.enqueue_indirect_dma source(%dma_start3A_593 : memref<10000x16xf32, #tpu.memory_space<hbm>>) target(%arg10 : memref<128x16xf32, #tpu.memory_space<vmem>>) offsets(%dma_start3A_590 : memref<128xi32, #tpu.memory_space<vmem>>) semaphore(%arg26 : memref<!tpu.dma_semaphore, #tpu.memory_space<semaphore_mem>>)
        %add3A_594 = arith.constant 2 : i32
        %add3A_595 = arith.addi %add3A_577, %add3A_594 : i32
        %dma_start3A_596 = arith.constant 0 : i32
        %dma_start3A_597 = tpu.memref_slice %arg7[%add3A_595, %dma_start3A_596] : memref<80x128xi32, #tpu.memory_space<vmem>> -> memref<1x128xi32, #tpu.memory_space<vmem>>
        %dma_start3A_598 = tpu.memref_squeeze %dma_start3A_597 : memref<1x128xi32, #tpu.memory_space<vmem>> -> memref<128xi32, #tpu.memory_space<vmem>>
        %dma_start3A_599 = arith.constant 0 : i32
        %dma_start3A_600 = arith.constant 0 : i32
        %dma_start3A_601 = tpu.memref_slice %arg2[%dma_start3A_599, %dma_start3A_600] : memref<10000x16xf32, #tpu.memory_space<hbm>> -> memref<10000x16xf32, #tpu.memory_space<hbm>>
        tpu.enqueue_indirect_dma source(%dma_start3A_601 : memref<10000x16xf32, #tpu.memory_space<hbm>>) target(%arg11 : memref<128x16xf32, #tpu.memory_space<vmem>>) offsets(%dma_start3A_598 : memref<128xi32, #tpu.memory_space<vmem>>) semaphore(%arg26 : memref<!tpu.dma_semaphore, #tpu.memory_space<semaphore_mem>>)
        %add3A_602 = arith.constant 3 : i32
        %add3A_603 = arith.addi %add3A_577, %add3A_602 : i32
        %dma_start3A_604 = arith.constant 0 : i32
        %dma_start3A_605 = tpu.memref_slice %arg7[%add3A_603, %dma_start3A_604] : memref<80x128xi32, #tpu.memory_space<vmem>> -> memref<1x128xi32, #tpu.memory_space<vmem>>
        %dma_start3A_606 = tpu.memref_squeeze %dma_start3A_605 : memref<1x128xi32, #tpu.memory_space<vmem>> -> memref<128xi32, #tpu.memory_space<vmem>>
        %dma_start3A_607 = arith.constant 0 : i32
        %dma_start3A_608 = arith.constant 0 : i32
        %dma_start3A_609 = tpu.memref_slice %arg2[%dma_start3A_607, %dma_start3A_608] : memref<10000x16xf32, #tpu.memory_space<hbm>> -> memref<10000x16xf32, #tpu.memory_space<hbm>>
        tpu.enqueue_indirect_dma source(%dma_start3A_609 : memref<10000x16xf32, #tpu.memory_space<hbm>>) target(%arg12 : memref<128x16xf32, #tpu.memory_space<vmem>>) offsets(%dma_start3A_606 : memref<128xi32, #tpu.memory_space<vmem>>) semaphore(%arg26 : memref<!tpu.dma_semaphore, #tpu.memory_space<semaphore_mem>>)
        %add3A_610 = arith.constant 4 : i32
        %add3A_611 = arith.addi %add3A_577, %add3A_610 : i32
        %dma_start3A_612 = arith.constant 0 : i32
        %dma_start3A_613 = tpu.memref_slice %arg7[%add3A_611, %dma_start3A_612] : memref<80x128xi32, #tpu.memory_space<vmem>> -> memref<1x128xi32, #tpu.memory_space<vmem>>
        %dma_start3A_614 = tpu.memref_squeeze %dma_start3A_613 : memref<1x128xi32, #tpu.memory_space<vmem>> -> memref<128xi32, #tpu.memory_space<vmem>>
        %dma_start3A_615 = arith.constant 0 : i32
        %dma_start3A_616 = arith.constant 0 : i32
        %dma_start3A_617 = tpu.memref_slice %arg2[%dma_start3A_615, %dma_start3A_616] : memref<10000x16xf32, #tpu.memory_space<hbm>> -> memref<10000x16xf32, #tpu.memory_space<hbm>>
        tpu.enqueue_indirect_dma source(%dma_start3A_617 : memref<10000x16xf32, #tpu.memory_space<hbm>>) target(%arg13 : memref<128x16xf32, #tpu.memory_space<vmem>>) offsets(%dma_start3A_614 : memref<128xi32, #tpu.memory_space<vmem>>) semaphore(%arg26 : memref<!tpu.dma_semaphore, #tpu.memory_space<semaphore_mem>>)
        %add3A_618 = arith.constant 5 : i32
        %add3A_619 = arith.addi %add3A_577, %add3A_618 : i32
        %dma_start3A_620 = arith.constant 0 : i32
        %dma_start3A_621 = tpu.memref_slice %arg7[%add3A_619, %dma_start3A_620] : memref<80x128xi32, #tpu.memory_space<vmem>> -> memref<1x128xi32, #tpu.memory_space<vmem>>
        %dma_start3A_622 = tpu.memref_squeeze %dma_start3A_621 : memref<1x128xi32, #tpu.memory_space<vmem>> -> memref<128xi32, #tpu.memory_space<vmem>>
        %dma_start3A_623 = arith.constant 0 : i32
        %dma_start3A_624 = arith.constant 0 : i32
        %dma_start3A_625 = tpu.memref_slice %arg2[%dma_start3A_623, %dma_start3A_624] : memref<10000x16xf32, #tpu.memory_space<hbm>> -> memref<10000x16xf32, #tpu.memory_space<hbm>>
        tpu.enqueue_indirect_dma source(%dma_start3A_625 : memref<10000x16xf32, #tpu.memory_space<hbm>>) target(%arg14 : memref<128x16xf32, #tpu.memory_space<vmem>>) offsets(%dma_start3A_622 : memref<128xi32, #tpu.memory_space<vmem>>) semaphore(%arg26 : memref<!tpu.dma_semaphore, #tpu.memory_space<semaphore_mem>>)
        %add3A_626 = arith.constant 6 : i32
        %add3A_627 = arith.addi %add3A_577, %add3A_626 : i32
        %dma_start3A_628 = arith.constant 0 : i32
        %dma_start3A_629 = tpu.memref_slice %arg7[%add3A_627, %dma_start3A_628] : memref<80x128xi32, #tpu.memory_space<vmem>> -> memref<1x128xi32, #tpu.memory_space<vmem>>
        %dma_start3A_630 = tpu.memref_squeeze %dma_start3A_629 : memref<1x128xi32, #tpu.memory_space<vmem>> -> memref<128xi32, #tpu.memory_space<vmem>>
        %dma_start3A_631 = arith.constant 0 : i32
        %dma_start3A_632 = arith.constant 0 : i32
        %dma_start3A_633 = tpu.memref_slice %arg2[%dma_start3A_631, %dma_start3A_632] : memref<10000x16xf32, #tpu.memory_space<hbm>> -> memref<10000x16xf32, #tpu.memory_space<hbm>>
        tpu.enqueue_indirect_dma source(%dma_start3A_633 : memref<10000x16xf32, #tpu.memory_space<hbm>>) target(%arg15 : memref<128x16xf32, #tpu.memory_space<vmem>>) offsets(%dma_start3A_630 : memref<128xi32, #tpu.memory_space<vmem>>) semaphore(%arg26 : memref<!tpu.dma_semaphore, #tpu.memory_space<semaphore_mem>>)
        %add3A_634 = arith.constant 7 : i32
        %add3A_635 = arith.addi %add3A_577, %add3A_634 : i32
        %dma_start3A_636 = arith.constant 0 : i32
        %dma_start3A_637 = tpu.memref_slice %arg7[%add3A_635, %dma_start3A_636] : memref<80x128xi32, #tpu.memory_space<vmem>> -> memref<1x128xi32, #tpu.memory_space<vmem>>
        %dma_start3A_638 = tpu.memref_squeeze %dma_start3A_637 : memref<1x128xi32, #tpu.memory_space<vmem>> -> memref<128xi32, #tpu.memory_space<vmem>>
        %dma_start3A_639 = arith.constant 0 : i32
        %dma_start3A_640 = arith.constant 0 : i32
        %dma_start3A_641 = tpu.memref_slice %arg2[%dma_start3A_639, %dma_start3A_640] : memref<10000x16xf32, #tpu.memory_space<hbm>> -> memref<10000x16xf32, #tpu.memory_space<hbm>>
        tpu.enqueue_indirect_dma source(%dma_start3A_641 : memref<10000x16xf32, #tpu.memory_space<hbm>>) target(%arg16 : memref<128x16xf32, #tpu.memory_space<vmem>>) offsets(%dma_start3A_638 : memref<128xi32, #tpu.memory_space<vmem>>) semaphore(%arg26 : memref<!tpu.dma_semaphore, #tpu.memory_space<semaphore_mem>>)
      } else {
      }
      %add3A_510 = arith.constant 8 : i32
      %add3A_511 = arith.addi %mul3A_177, %add3A_510 : i32
      %add3A_512 = arith.constant 0 : i32
      %add3A_513 = arith.addi %add3A_511, %add3A_512 : i32
      %dma_start3A_514 = arith.constant 0 : i32
      %dma_start3A_515 = tpu.memref_slice %arg8[%add3A_513, %dma_start3A_514] : memref<80x128xi32, #tpu.memory_space<vmem>> -> memref<1x128xi32, #tpu.memory_space<vmem>>
      %dma_start3A_516 = tpu.memref_squeeze %dma_start3A_515 : memref<1x128xi32, #tpu.memory_space<vmem>> -> memref<128xi32, #tpu.memory_space<vmem>>
      %dma_start3A_517 = arith.constant 0 : i32
      %dma_start3A_518 = arith.constant 0 : i32
      %dma_start3A_519 = tpu.memref_slice %arg28[%dma_start3A_517, %dma_start3A_518] : memref<10112x16xf32, #tpu.memory_space<vmem_shared>> -> memref<10112x16xf32, #tpu.memory_space<vmem_shared>>
      tpu.enqueue_indirect_dma source(%arg17 : memref<128x16xf32, #tpu.memory_space<vmem>>) target(%dma_start3A_519 : memref<10112x16xf32, #tpu.memory_space<vmem_shared>>) offsets(%dma_start3A_516 : memref<128xi32, #tpu.memory_space<vmem>>) semaphore(%arg27 : memref<!tpu.dma_semaphore, #tpu.memory_space<semaphore_mem>>) {add = true}
      %add3A_520 = arith.constant 1 : i32
      %add3A_521 = arith.addi %add3A_511, %add3A_520 : i32
      %dma_start3A_522 = arith.constant 0 : i32
      %dma_start3A_523 = tpu.memref_slice %arg8[%add3A_521, %dma_start3A_522] : memref<80x128xi32, #tpu.memory_space<vmem>> -> memref<1x128xi32, #tpu.memory_space<vmem>>
      %dma_start3A_524 = tpu.memref_squeeze %dma_start3A_523 : memref<1x128xi32, #tpu.memory_space<vmem>> -> memref<128xi32, #tpu.memory_space<vmem>>
      %dma_start3A_525 = arith.constant 0 : i32
      %dma_start3A_526 = arith.constant 0 : i32
      %dma_start3A_527 = tpu.memref_slice %arg28[%dma_start3A_525, %dma_start3A_526] : memref<10112x16xf32, #tpu.memory_space<vmem_shared>> -> memref<10112x16xf32, #tpu.memory_space<vmem_shared>>
      tpu.enqueue_indirect_dma source(%arg18 : memref<128x16xf32, #tpu.memory_space<vmem>>) target(%dma_start3A_527 : memref<10112x16xf32, #tpu.memory_space<vmem_shared>>) offsets(%dma_start3A_524 : memref<128xi32, #tpu.memory_space<vmem>>) semaphore(%arg27 : memref<!tpu.dma_semaphore, #tpu.memory_space<semaphore_mem>>) {add = true}
      %add3A_528 = arith.constant 2 : i32
      %add3A_529 = arith.addi %add3A_511, %add3A_528 : i32
      %dma_start3A_530 = arith.constant 0 : i32
      %dma_start3A_531 = tpu.memref_slice %arg8[%add3A_529, %dma_start3A_530] : memref<80x128xi32, #tpu.memory_space<vmem>> -> memref<1x128xi32, #tpu.memory_space<vmem>>
      %dma_start3A_532 = tpu.memref_squeeze %dma_start3A_531 : memref<1x128xi32, #tpu.memory_space<vmem>> -> memref<128xi32, #tpu.memory_space<vmem>>
      %dma_start3A_533 = arith.constant 0 : i32
      %dma_start3A_534 = arith.constant 0 : i32
      %dma_start3A_535 = tpu.memref_slice %arg28[%dma_start3A_533, %dma_start3A_534] : memref<10112x16xf32, #tpu.memory_space<vmem_shared>> -> memref<10112x16xf32, #tpu.memory_space<vmem_shared>>
      tpu.enqueue_indirect_dma source(%arg19 : memref<128x16xf32, #tpu.memory_space<vmem>>) target(%dma_start3A_535 : memref<10112x16xf32, #tpu.memory_space<vmem_shared>>) offsets(%dma_start3A_532 : memref<128xi32, #tpu.memory_space<vmem>>) semaphore(%arg27 : memref<!tpu.dma_semaphore, #tpu.memory_space<semaphore_mem>>) {add = true}
      %add3A_536 = arith.constant 3 : i32
      %add3A_537 = arith.addi %add3A_511, %add3A_536 : i32
      %dma_start3A_538 = arith.constant 0 : i32
      %dma_start3A_539 = tpu.memref_slice %arg8[%add3A_537, %dma_start3A_538] : memref<80x128xi32, #tpu.memory_space<vmem>> -> memref<1x128xi32, #tpu.memory_space<vmem>>
      %dma_start3A_540 = tpu.memref_squeeze %dma_start3A_539 : memref<1x128xi32, #tpu.memory_space<vmem>> -> memref<128xi32, #tpu.memory_space<vmem>>
      %dma_start3A_541 = arith.constant 0 : i32
      %dma_start3A_542 = arith.constant 0 : i32
      %dma_start3A_543 = tpu.memref_slice %arg28[%dma_start3A_541, %dma_start3A_542] : memref<10112x16xf32, #tpu.memory_space<vmem_shared>> -> memref<10112x16xf32, #tpu.memory_space<vmem_shared>>
      tpu.enqueue_indirect_dma source(%arg20 : memref<128x16xf32, #tpu.memory_space<vmem>>) target(%dma_start3A_543 : memref<10112x16xf32, #tpu.memory_space<vmem_shared>>) offsets(%dma_start3A_540 : memref<128xi32, #tpu.memory_space<vmem>>) semaphore(%arg27 : memref<!tpu.dma_semaphore, #tpu.memory_space<semaphore_mem>>) {add = true}
      %add3A_544 = arith.constant 4 : i32
      %add3A_545 = arith.addi %add3A_511, %add3A_544 : i32
      %dma_start3A_546 = arith.constant 0 : i32
      %dma_start3A_547 = tpu.memref_slice %arg8[%add3A_545, %dma_start3A_546] : memref<80x128xi32, #tpu.memory_space<vmem>> -> memref<1x128xi32, #tpu.memory_space<vmem>>
      %dma_start3A_548 = tpu.memref_squeeze %dma_start3A_547 : memref<1x128xi32, #tpu.memory_space<vmem>> -> memref<128xi32, #tpu.memory_space<vmem>>
      %dma_start3A_549 = arith.constant 0 : i32
      %dma_start3A_550 = arith.constant 0 : i32
      %dma_start3A_551 = tpu.memref_slice %arg28[%dma_start3A_549, %dma_start3A_550] : memref<10112x16xf32, #tpu.memory_space<vmem_shared>> -> memref<10112x16xf32, #tpu.memory_space<vmem_shared>>
      tpu.enqueue_indirect_dma source(%arg21 : memref<128x16xf32, #tpu.memory_space<vmem>>) target(%dma_start3A_551 : memref<10112x16xf32, #tpu.memory_space<vmem_shared>>) offsets(%dma_start3A_548 : memref<128xi32, #tpu.memory_space<vmem>>) semaphore(%arg27 : memref<!tpu.dma_semaphore, #tpu.memory_space<semaphore_mem>>) {add = true}
      %add3A_552 = arith.constant 5 : i32
      %add3A_553 = arith.addi %add3A_511, %add3A_552 : i32
      %dma_start3A_554 = arith.constant 0 : i32
      %dma_start3A_555 = tpu.memref_slice %arg8[%add3A_553, %dma_start3A_554] : memref<80x128xi32, #tpu.memory_space<vmem>> -> memref<1x128xi32, #tpu.memory_space<vmem>>
      %dma_start3A_556 = tpu.memref_squeeze %dma_start3A_555 : memref<1x128xi32, #tpu.memory_space<vmem>> -> memref<128xi32, #tpu.memory_space<vmem>>
      %dma_start3A_557 = arith.constant 0 : i32
      %dma_start3A_558 = arith.constant 0 : i32
      %dma_start3A_559 = tpu.memref_slice %arg28[%dma_start3A_557, %dma_start3A_558] : memref<10112x16xf32, #tpu.memory_space<vmem_shared>> -> memref<10112x16xf32, #tpu.memory_space<vmem_shared>>
      tpu.enqueue_indirect_dma source(%arg22 : memref<128x16xf32, #tpu.memory_space<vmem>>) target(%dma_start3A_559 : memref<10112x16xf32, #tpu.memory_space<vmem_shared>>) offsets(%dma_start3A_556 : memref<128xi32, #tpu.memory_space<vmem>>) semaphore(%arg27 : memref<!tpu.dma_semaphore, #tpu.memory_space<semaphore_mem>>) {add = true}
      %add3A_560 = arith.constant 6 : i32
      %add3A_561 = arith.addi %add3A_511, %add3A_560 : i32
      %dma_start3A_562 = arith.constant 0 : i32
      %dma_start3A_563 = tpu.memref_slice %arg8[%add3A_561, %dma_start3A_562] : memref<80x128xi32, #tpu.memory_space<vmem>> -> memref<1x128xi32, #tpu.memory_space<vmem>>
      %dma_start3A_564 = tpu.memref_squeeze %dma_start3A_563 : memref<1x128xi32, #tpu.memory_space<vmem>> -> memref<128xi32, #tpu.memory_space<vmem>>
      %dma_start3A_565 = arith.constant 0 : i32
      %dma_start3A_566 = arith.constant 0 : i32
      %dma_start3A_567 = tpu.memref_slice %arg28[%dma_start3A_565, %dma_start3A_566] : memref<10112x16xf32, #tpu.memory_space<vmem_shared>> -> memref<10112x16xf32, #tpu.memory_space<vmem_shared>>
      tpu.enqueue_indirect_dma source(%arg23 : memref<128x16xf32, #tpu.memory_space<vmem>>) target(%dma_start3A_567 : memref<10112x16xf32, #tpu.memory_space<vmem_shared>>) offsets(%dma_start3A_564 : memref<128xi32, #tpu.memory_space<vmem>>) semaphore(%arg27 : memref<!tpu.dma_semaphore, #tpu.memory_space<semaphore_mem>>) {add = true}
      %add3A_568 = arith.constant 7 : i32
      %add3A_569 = arith.addi %add3A_511, %add3A_568 : i32
      %dma_start3A_570 = arith.constant 0 : i32
      %dma_start3A_571 = tpu.memref_slice %arg8[%add3A_569, %dma_start3A_570] : memref<80x128xi32, #tpu.memory_space<vmem>> -> memref<1x128xi32, #tpu.memory_space<vmem>>
      %dma_start3A_572 = tpu.memref_squeeze %dma_start3A_571 : memref<1x128xi32, #tpu.memory_space<vmem>> -> memref<128xi32, #tpu.memory_space<vmem>>
      %dma_start3A_573 = arith.constant 0 : i32
      %dma_start3A_574 = arith.constant 0 : i32
      %dma_start3A_575 = tpu.memref_slice %arg28[%dma_start3A_573, %dma_start3A_574] : memref<10112x16xf32, #tpu.memory_space<vmem_shared>> -> memref<10112x16xf32, #tpu.memory_space<vmem_shared>>
      tpu.enqueue_indirect_dma source(%arg24 : memref<128x16xf32, #tpu.memory_space<vmem>>) target(%dma_start3A_575 : memref<10112x16xf32, #tpu.memory_space<vmem_shared>>) offsets(%dma_start3A_572 : memref<128xi32, #tpu.memory_space<vmem>>) semaphore(%arg27 : memref<!tpu.dma_semaphore, #tpu.memory_space<semaphore_mem>>) {add = true}
    }
    %scan3A_101 = arith.constant 5 : i32
    %dma_wait3A_102 = arith.constant 72 : i32
    %dma_wait3A_103 = arith.constant 0 : i32
    %dma_wait3A_104 = tpu.memref_slice %arg8[%dma_wait3A_102, %dma_wait3A_103] : memref<80x128xi32, #tpu.memory_space<vmem>> -> memref<1x128xi32, #tpu.memory_space<vmem>>
    %dma_wait3A_105 = tpu.memref_squeeze %dma_wait3A_104 : memref<1x128xi32, #tpu.memory_space<vmem>> -> memref<128xi32, #tpu.memory_space<vmem>>
    %dma_wait3A_106 = arith.constant 0 : i32
    %dma_wait3A_107 = arith.constant 0 : i32
    %dma_wait3A_108 = tpu.memref_slice %arg28[%dma_wait3A_106, %dma_wait3A_107] : memref<10112x16xf32, #tpu.memory_space<vmem_shared>> -> memref<10112x16xf32, #tpu.memory_space<vmem_shared>>
    tpu.wait_indirect_dma semaphore(%arg27 : memref<!tpu.dma_semaphore, #tpu.memory_space<semaphore_mem>>) src(%arg17 : memref<128x16xf32, #tpu.memory_space<vmem>>) dst(%dma_wait3A_108 : memref<10112x16xf32, #tpu.memory_space<vmem_shared>>)
    %dma_wait3A_109 = arith.constant 73 : i32
    %dma_wait3A_110 = arith.constant 0 : i32
    %dma_wait3A_111 = tpu.memref_slice %arg8[%dma_wait3A_109, %dma_wait3A_110] : memref<80x128xi32, #tpu.memory_space<vmem>> -> memref<1x128xi32, #tpu.memory_space<vmem>>
    %dma_wait3A_112 = tpu.memref_squeeze %dma_wait3A_111 : memref<1x128xi32, #tpu.memory_space<vmem>> -> memref<128xi32, #tpu.memory_space<vmem>>
    %dma_wait3A_113 = arith.constant 0 : i32
    %dma_wait3A_114 = arith.constant 0 : i32
    %dma_wait3A_115 = tpu.memref_slice %arg28[%dma_wait3A_113, %dma_wait3A_114] : memref<10112x16xf32, #tpu.memory_space<vmem_shared>> -> memref<10112x16xf32, #tpu.memory_space<vmem_shared>>
    tpu.wait_indirect_dma semaphore(%arg27 : memref<!tpu.dma_semaphore, #tpu.memory_space<semaphore_mem>>) src(%arg18 : memref<128x16xf32, #tpu.memory_space<vmem>>) dst(%dma_wait3A_115 : memref<10112x16xf32, #tpu.memory_space<vmem_shared>>)
    %dma_wait3A_116 = arith.constant 74 : i32
    %dma_wait3A_117 = arith.constant 0 : i32
    %dma_wait3A_118 = tpu.memref_slice %arg8[%dma_wait3A_116, %dma_wait3A_117] : memref<80x128xi32, #tpu.memory_space<vmem>> -> memref<1x128xi32, #tpu.memory_space<vmem>>
    %dma_wait3A_119 = tpu.memref_squeeze %dma_wait3A_118 : memref<1x128xi32, #tpu.memory_space<vmem>> -> memref<128xi32, #tpu.memory_space<vmem>>
    %dma_wait3A_120 = arith.constant 0 : i32
    %dma_wait3A_121 = arith.constant 0 : i32
    %dma_wait3A_122 = tpu.memref_slice %arg28[%dma_wait3A_120, %dma_wait3A_121] : memref<10112x16xf32, #tpu.memory_space<vmem_shared>> -> memref<10112x16xf32, #tpu.memory_space<vmem_shared>>
    tpu.wait_indirect_dma semaphore(%arg27 : memref<!tpu.dma_semaphore, #tpu.memory_space<semaphore_mem>>) src(%arg19 : memref<128x16xf32, #tpu.memory_space<vmem>>) dst(%dma_wait3A_122 : memref<10112x16xf32, #tpu.memory_space<vmem_shared>>)
    %dma_wait3A_123 = arith.constant 75 : i32
    %dma_wait3A_124 = arith.constant 0 : i32
    %dma_wait3A_125 = tpu.memref_slice %arg8[%dma_wait3A_123, %dma_wait3A_124] : memref<80x128xi32, #tpu.memory_space<vmem>> -> memref<1x128xi32, #tpu.memory_space<vmem>>
    %dma_wait3A_126 = tpu.memref_squeeze %dma_wait3A_125 : memref<1x128xi32, #tpu.memory_space<vmem>> -> memref<128xi32, #tpu.memory_space<vmem>>
    %dma_wait3A_127 = arith.constant 0 : i32
    %dma_wait3A_128 = arith.constant 0 : i32
    %dma_wait3A_129 = tpu.memref_slice %arg28[%dma_wait3A_127, %dma_wait3A_128] : memref<10112x16xf32, #tpu.memory_space<vmem_shared>> -> memref<10112x16xf32, #tpu.memory_space<vmem_shared>>
    tpu.wait_indirect_dma semaphore(%arg27 : memref<!tpu.dma_semaphore, #tpu.memory_space<semaphore_mem>>) src(%arg20 : memref<128x16xf32, #tpu.memory_space<vmem>>) dst(%dma_wait3A_129 : memref<10112x16xf32, #tpu.memory_space<vmem_shared>>)
    %dma_wait3A_130 = arith.constant 76 : i32
    %dma_wait3A_131 = arith.constant 0 : i32
    %dma_wait3A_132 = tpu.memref_slice %arg8[%dma_wait3A_130, %dma_wait3A_131] : memref<80x128xi32, #tpu.memory_space<vmem>> -> memref<1x128xi32, #tpu.memory_space<vmem>>
    %dma_wait3A_133 = tpu.memref_squeeze %dma_wait3A_132 : memref<1x128xi32, #tpu.memory_space<vmem>> -> memref<128xi32, #tpu.memory_space<vmem>>
    %dma_wait3A_134 = arith.constant 0 : i32
    %dma_wait3A_135 = arith.constant 0 : i32
    %dma_wait3A_136 = tpu.memref_slice %arg28[%dma_wait3A_134, %dma_wait3A_135] : memref<10112x16xf32, #tpu.memory_space<vmem_shared>> -> memref<10112x16xf32, #tpu.memory_space<vmem_shared>>
    tpu.wait_indirect_dma semaphore(%arg27 : memref<!tpu.dma_semaphore, #tpu.memory_space<semaphore_mem>>) src(%arg21 : memref<128x16xf32, #tpu.memory_space<vmem>>) dst(%dma_wait3A_136 : memref<10112x16xf32, #tpu.memory_space<vmem_shared>>)
    %dma_wait3A_137 = arith.constant 77 : i32
    %dma_wait3A_138 = arith.constant 0 : i32
    %dma_wait3A_139 = tpu.memref_slice %arg8[%dma_wait3A_137, %dma_wait3A_138] : memref<80x128xi32, #tpu.memory_space<vmem>> -> memref<1x128xi32, #tpu.memory_space<vmem>>
    %dma_wait3A_140 = tpu.memref_squeeze %dma_wait3A_139 : memref<1x128xi32, #tpu.memory_space<vmem>> -> memref<128xi32, #tpu.memory_space<vmem>>
    %dma_wait3A_141 = arith.constant 0 : i32
    %dma_wait3A_142 = arith.constant 0 : i32
    %dma_wait3A_143 = tpu.memref_slice %arg28[%dma_wait3A_141, %dma_wait3A_142] : memref<10112x16xf32, #tpu.memory_space<vmem_shared>> -> memref<10112x16xf32, #tpu.memory_space<vmem_shared>>
    tpu.wait_indirect_dma semaphore(%arg27 : memref<!tpu.dma_semaphore, #tpu.memory_space<semaphore_mem>>) src(%arg22 : memref<128x16xf32, #tpu.memory_space<vmem>>) dst(%dma_wait3A_143 : memref<10112x16xf32, #tpu.memory_space<vmem_shared>>)
    %dma_wait3A_144 = arith.constant 78 : i32
    %dma_wait3A_145 = arith.constant 0 : i32
    %dma_wait3A_146 = tpu.memref_slice %arg8[%dma_wait3A_144, %dma_wait3A_145] : memref<80x128xi32, #tpu.memory_space<vmem>> -> memref<1x128xi32, #tpu.memory_space<vmem>>
    %dma_wait3A_147 = tpu.memref_squeeze %dma_wait3A_146 : memref<1x128xi32, #tpu.memory_space<vmem>> -> memref<128xi32, #tpu.memory_space<vmem>>
    %dma_wait3A_148 = arith.constant 0 : i32
    %dma_wait3A_149 = arith.constant 0 : i32
    %dma_wait3A_150 = tpu.memref_slice %arg28[%dma_wait3A_148, %dma_wait3A_149] : memref<10112x16xf32, #tpu.memory_space<vmem_shared>> -> memref<10112x16xf32, #tpu.memory_space<vmem_shared>>
    tpu.wait_indirect_dma semaphore(%arg27 : memref<!tpu.dma_semaphore, #tpu.memory_space<semaphore_mem>>) src(%arg23 : memref<128x16xf32, #tpu.memory_space<vmem>>) dst(%dma_wait3A_150 : memref<10112x16xf32, #tpu.memory_space<vmem_shared>>)
    %dma_wait3A_151 = arith.constant 79 : i32
    %dma_wait3A_152 = arith.constant 0 : i32
    %dma_wait3A_153 = tpu.memref_slice %arg8[%dma_wait3A_151, %dma_wait3A_152] : memref<80x128xi32, #tpu.memory_space<vmem>> -> memref<1x128xi32, #tpu.memory_space<vmem>>
    %dma_wait3A_154 = tpu.memref_squeeze %dma_wait3A_153 : memref<1x128xi32, #tpu.memory_space<vmem>> -> memref<128xi32, #tpu.memory_space<vmem>>
    %dma_wait3A_155 = arith.constant 0 : i32
    %dma_wait3A_156 = arith.constant 0 : i32
    %dma_wait3A_157 = tpu.memref_slice %arg28[%dma_wait3A_155, %dma_wait3A_156] : memref<10112x16xf32, #tpu.memory_space<vmem_shared>> -> memref<10112x16xf32, #tpu.memory_space<vmem_shared>>
    tpu.wait_indirect_dma semaphore(%arg27 : memref<!tpu.dma_semaphore, #tpu.memory_space<semaphore_mem>>) src(%arg24 : memref<128x16xf32, #tpu.memory_space<vmem>>) dst(%dma_wait3A_157 : memref<10112x16xf32, #tpu.memory_space<vmem_shared>>)
    %barrier3A_158 = arith.constant 0 : index
    tpu.barrier barrier_id(%barrier3A_158)
    %add3A_159 = arith.constant 0 : i32
    %add3A_160 = arith.addi %mul3A_2, %add3A_159 : i32
    "tpu.region"() ({
      %run_scoped3A = tpu.sem_alloc : memref<!tpu.dma_semaphore, #tpu.memory_space<semaphore_mem>>
      %dma_start3A_173 = arith.constant 0 : i32
      %dma_start3A_174 = tpu.memref_slice %arg28[%add3A_160, %dma_start3A_173] : memref<10112x16xf32, #tpu.memory_space<vmem_shared>> -> memref<316x16xf32, #tpu.memory_space<vmem_shared>>
      %dma_start3A_175 = arith.constant 0 : i32
      %dma_start3A_176 = tpu.memref_slice %arg28[%add3A_160, %dma_start3A_175] : memref<10112x16xf32, #tpu.memory_space<vmem_shared>> -> memref<316x16xf32, #tpu.memory_space<vmem_shared>>
      tpu.enqueue_dma source(%dma_start3A_176 : memref<316x16xf32, #tpu.memory_space<vmem_shared>>) target(%arg25 : memref<316x16xf32, #tpu.memory_space<vmem>>) target_semaphore(%run_scoped3A : memref<!tpu.dma_semaphore, #tpu.memory_space<semaphore_mem>>)
      %dma_wait3A_177 = arith.constant 0 : i32
      %dma_wait3A_178 = tpu.memref_slice %arg28[%add3A_160, %dma_wait3A_177] : memref<10112x16xf32, #tpu.memory_space<vmem_shared>> -> memref<316x16xf32, #tpu.memory_space<vmem_shared>>
      %dma_wait3A_179 = arith.constant 0 : i32
      %dma_wait3A_180 = tpu.memref_slice %arg28[%add3A_160, %dma_wait3A_179] : memref<10112x16xf32, #tpu.memory_space<vmem_shared>> -> memref<316x16xf32, #tpu.memory_space<vmem_shared>>
      tpu.wait_dma2 semaphore(%run_scoped3A : memref<!tpu.dma_semaphore, #tpu.memory_space<semaphore_mem>>) src(%dma_wait3A_180 : memref<316x16xf32, #tpu.memory_space<vmem_shared>>) dst(%arg25 : memref<316x16xf32, #tpu.memory_space<vmem>>)
      tpu.yield
    }) : () -> ()
    %mul3A_161 = arith.constant 10112 : i32
    %mul3A_162 = arith.muli %arg0, %mul3A_161 : i32
    %add3A_163 = arith.addi %mul3A_162, %mul3A_2 : i32
    %add3A_164 = arith.constant 0 : i32
    %add3A_165 = arith.addi %add3A_163, %add3A_164 : i32
    "tpu.region"() ({
      %run_scoped3A = tpu.sem_alloc : memref<!tpu.dma_semaphore, #tpu.memory_space<semaphore_mem>>
      %dma_start3A_173 = arith.constant 0 : i32
      %dma_start3A_174 = tpu.memref_slice %arg6[%add3A_165, %dma_start3A_173] : memref<20224x16xf32, #tpu.memory_space<hbm>> -> memref<316x16xf32, #tpu.memory_space<hbm>>
      %dma_start3A_175 = arith.constant 0 : i32
      %dma_start3A_176 = tpu.memref_slice %arg6[%add3A_165, %dma_start3A_175] : memref<20224x16xf32, #tpu.memory_space<hbm>> -> memref<316x16xf32, #tpu.memory_space<hbm>>
      tpu.enqueue_dma source(%arg25 : memref<316x16xf32, #tpu.memory_space<vmem>>) target(%dma_start3A_176 : memref<316x16xf32, #tpu.memory_space<hbm>>) target_semaphore(%run_scoped3A : memref<!tpu.dma_semaphore, #tpu.memory_space<semaphore_mem>>)
      %dma_wait3A_177 = arith.constant 0 : i32
      %dma_wait3A_178 = tpu.memref_slice %arg6[%add3A_165, %dma_wait3A_177] : memref<20224x16xf32, #tpu.memory_space<hbm>> -> memref<316x16xf32, #tpu.memory_space<hbm>>
      %dma_wait3A_179 = arith.constant 0 : i32
      %dma_wait3A_180 = tpu.memref_slice %arg6[%add3A_165, %dma_wait3A_179] : memref<20224x16xf32, #tpu.memory_space<hbm>> -> memref<316x16xf32, #tpu.memory_space<hbm>>
      tpu.wait_dma2 semaphore(%run_scoped3A : memref<!tpu.dma_semaphore, #tpu.memory_space<semaphore_mem>>) src(%arg25 : memref<316x16xf32, #tpu.memory_space<vmem>>) dst(%dma_wait3A_180 : memref<316x16xf32, #tpu.memory_space<hbm>>)
      tpu.yield
    }) : () -> ()
    %add3A_166 = arith.constant 316 : i32
    %add3A_167 = arith.addi %mul3A_2, %add3A_166 : i32
    "tpu.region"() ({
      %run_scoped3A = tpu.sem_alloc : memref<!tpu.dma_semaphore, #tpu.memory_space<semaphore_mem>>
      %dma_start3A_173 = arith.constant 0 : i32
      %dma_start3A_174 = tpu.memref_slice %arg28[%add3A_167, %dma_start3A_173] : memref<10112x16xf32, #tpu.memory_space<vmem_shared>> -> memref<316x16xf32, #tpu.memory_space<vmem_shared>>
      %dma_start3A_175 = arith.constant 0 : i32
      %dma_start3A_176 = tpu.memref_slice %arg28[%add3A_167, %dma_start3A_175] : memref<10112x16xf32, #tpu.memory_space<vmem_shared>> -> memref<316x16xf32, #tpu.memory_space<vmem_shared>>
      tpu.enqueue_dma source(%dma_start3A_176 : memref<316x16xf32, #tpu.memory_space<vmem_shared>>) target(%arg25 : memref<316x16xf32, #tpu.memory_space<vmem>>) target_semaphore(%run_scoped3A : memref<!tpu.dma_semaphore, #tpu.memory_space<semaphore_mem>>)
      %dma_wait3A_177 = arith.constant 0 : i32
      %dma_wait3A_178 = tpu.memref_slice %arg28[%add3A_167, %dma_wait3A_177] : memref<10112x16xf32, #tpu.memory_space<vmem_shared>> -> memref<316x16xf32, #tpu.memory_space<vmem_shared>>
      %dma_wait3A_179 = arith.constant 0 : i32
      %dma_wait3A_180 = tpu.memref_slice %arg28[%add3A_167, %dma_wait3A_179] : memref<10112x16xf32, #tpu.memory_space<vmem_shared>> -> memref<316x16xf32, #tpu.memory_space<vmem_shared>>
      tpu.wait_dma2 semaphore(%run_scoped3A : memref<!tpu.dma_semaphore, #tpu.memory_space<semaphore_mem>>) src(%dma_wait3A_180 : memref<316x16xf32, #tpu.memory_space<vmem_shared>>) dst(%arg25 : memref<316x16xf32, #tpu.memory_space<vmem>>)
      tpu.yield
    }) : () -> ()
    %mul3A_168 = arith.constant 10112 : i32
    %mul3A_169 = arith.muli %arg0, %mul3A_168 : i32
    %add3A_170 = arith.addi %mul3A_169, %mul3A_2 : i32
    %add3A_171 = arith.constant 316 : i32
    %add3A_172 = arith.addi %add3A_170, %add3A_171 : i32
    "tpu.region"() ({
      %run_scoped3A = tpu.sem_alloc : memref<!tpu.dma_semaphore, #tpu.memory_space<semaphore_mem>>
      %dma_start3A_173 = arith.constant 0 : i32
      %dma_start3A_174 = tpu.memref_slice %arg6[%add3A_172, %dma_start3A_173] : memref<20224x16xf32, #tpu.memory_space<hbm>> -> memref<316x16xf32, #tpu.memory_space<hbm>>
      %dma_start3A_175 = arith.constant 0 : i32
      %dma_start3A_176 = tpu.memref_slice %arg6[%add3A_172, %dma_start3A_175] : memref<20224x16xf32, #tpu.memory_space<hbm>> -> memref<316x16xf32, #tpu.memory_space<hbm>>
      tpu.enqueue_dma source(%arg25 : memref<316x16xf32, #tpu.memory_space<vmem>>) target(%dma_start3A_176 : memref<316x16xf32, #tpu.memory_space<hbm>>) target_semaphore(%run_scoped3A : memref<!tpu.dma_semaphore, #tpu.memory_space<semaphore_mem>>)
      %dma_wait3A_177 = arith.constant 0 : i32
      %dma_wait3A_178 = tpu.memref_slice %arg6[%add3A_172, %dma_wait3A_177] : memref<20224x16xf32, #tpu.memory_space<hbm>> -> memref<316x16xf32, #tpu.memory_space<hbm>>
      %dma_wait3A_179 = arith.constant 0 : i32
      %dma_wait3A_180 = tpu.memref_slice %arg6[%add3A_172, %dma_wait3A_179] : memref<20224x16xf32, #tpu.memory_space<hbm>> -> memref<316x16xf32, #tpu.memory_space<hbm>>
      tpu.wait_dma2 semaphore(%run_scoped3A : memref<!tpu.dma_semaphore, #tpu.memory_space<semaphore_mem>>) src(%arg25 : memref<316x16xf32, #tpu.memory_space<vmem>>) dst(%dma_wait3A_180 : memref<316x16xf32, #tpu.memory_space<hbm>>)
      tpu.yield
    }) : () -> ()
    return
  }
}

#map = affine_map<(d0, d1) -> (0, 0)>
#map1 = affine_map<(d0, d1) -> (0, 0, 0)>
module attributes {stable_mosaic.version = 14 : i64} {
  func.func @agg(%arg0: i32, %arg1: i32, %arg2: memref<10000x16xf32, #tpu.memory_space<hbm>>, %arg3: memref<32x80x128xi32, #tpu.memory_space<hbm>>, %arg4: memref<32x80x128xi32, #tpu.memory_space<hbm>>, %arg5: memref<10112x16xf32, #tpu.memory_space<hbm>>, %arg6: memref<20224x16xf32, #tpu.memory_space<hbm>>, %arg7: memref<80x128xi32, #tpu.memory_space<vmem>>, %arg8: memref<80x128xi32, #tpu.memory_space<vmem>>, %arg9: memref<128x16xf32, #tpu.memory_space<vmem>>, %arg10: memref<128x16xf32, #tpu.memory_space<vmem>>, %arg11: memref<128x16xf32, #tpu.memory_space<vmem>>, %arg12: memref<128x16xf32, #tpu.memory_space<vmem>>, %arg13: memref<128x16xf32, #tpu.memory_space<vmem>>, %arg14: memref<128x16xf32, #tpu.memory_space<vmem>>, %arg15: memref<128x16xf32, #tpu.memory_space<vmem>>, %arg16: memref<128x16xf32, #tpu.memory_space<vmem>>, %arg17: memref<128x16xf32, #tpu.memory_space<vmem>>, %arg18: memref<128x16xf32, #tpu.memory_space<vmem>>, %arg19: memref<128x16xf32, #tpu.memory_space<vmem>>, %arg20: memref<128x16xf32, #tpu.memory_space<vmem>>, %arg21: memref<128x16xf32, #tpu.memory_space<vmem>>, %arg22: memref<128x16xf32, #tpu.memory_space<vmem>>, %arg23: memref<128x16xf32, #tpu.memory_space<vmem>>, %arg24: memref<128x16xf32, #tpu.memory_space<vmem>>, %arg25: memref<316x16xf32, #tpu.memory_space<vmem>>, %arg26: memref<!tpu.dma_semaphore, #tpu.memory_space<semaphore_mem>>, %arg27: memref<!tpu.dma_semaphore, #tpu.memory_space<semaphore_mem>>, %arg28: memref<10112x16xf32, #tpu.memory_space<vmem_shared>>) attributes {dimension_semantics = [#tpu.dimension_semantics<core_parallel>, #tpu.dimension_semantics<subcore_parallel>], iteration_bounds = array<i64: 2, 16>, scalar_prefetch = 0 : i64, scratch_operands = 22 : i64, tpu.core_type = #tpu.core_type<sc_vector_subcore>, window_params = [{transform_indices = #map}, {transform_indices = #map1}, {transform_indices = #map1}, {transform_indices = #map}, {transform_indices = #map}]} {
    %mul3A = arith.constant 2 : i32
    %mul3A_0 = arith.muli %arg1, %mul3A : i32
    %add3A = arith.addi %mul3A_0, %arg0 : i32
    %mul3A_1 = arith.constant 632 : i32
    %mul3A_2 = arith.muli %arg1, %mul3A_1 : i32
    %dma_start3A = arith.constant 0 : i32
    %dma_start3A_3 = arith.constant 0 : i32
    %dma_start3A_4 = tpu.memref_slice %arg3[%add3A, %dma_start3A, %dma_start3A_3] : memref<32x80x128xi32, #tpu.memory_space<hbm>> -> memref<1x80x128xi32, #tpu.memory_space<hbm>>
    %dma_start3A_5 = tpu.memref_squeeze %dma_start3A_4 : memref<1x80x128xi32, #tpu.memory_space<hbm>> -> memref<80x128xi32, #tpu.memory_space<hbm>>
    %dma_start3A_6 = arith.constant 0 : i32
    %dma_start3A_7 = arith.constant 0 : i32
    %dma_start3A_8 = tpu.memref_slice %arg3[%add3A, %dma_start3A_6, %dma_start3A_7] : memref<32x80x128xi32, #tpu.memory_space<hbm>> -> memref<1x80x128xi32, #tpu.memory_space<hbm>>
    %dma_start3A_9 = tpu.memref_squeeze %dma_start3A_8 : memref<1x80x128xi32, #tpu.memory_space<hbm>> -> memref<80x128xi32, #tpu.memory_space<hbm>>
    tpu.enqueue_dma source(%dma_start3A_9 : memref<80x128xi32, #tpu.memory_space<hbm>>) target(%arg7 : memref<80x128xi32, #tpu.memory_space<vmem>>) target_semaphore(%arg26 : memref<!tpu.dma_semaphore, #tpu.memory_space<semaphore_mem>>)
    %dma_start3A_10 = arith.constant 0 : i32
    %dma_start3A_11 = arith.constant 0 : i32
    %dma_start3A_12 = tpu.memref_slice %arg4[%add3A, %dma_start3A_10, %dma_start3A_11] : memref<32x80x128xi32, #tpu.memory_space<hbm>> -> memref<1x80x128xi32, #tpu.memory_space<hbm>>
    %dma_start3A_13 = tpu.memref_squeeze %dma_start3A_12 : memref<1x80x128xi32, #tpu.memory_space<hbm>> -> memref<80x128xi32, #tpu.memory_space<hbm>>
    %dma_start3A_14 = arith.constant 0 : i32
    %dma_start3A_15 = arith.constant 0 : i32
    %dma_start3A_16 = tpu.memref_slice %arg4[%add3A, %dma_start3A_14, %dma_start3A_15] : memref<32x80x128xi32, #tpu.memory_space<hbm>> -> memref<1x80x128xi32, #tpu.memory_space<hbm>>
    %dma_start3A_17 = tpu.memref_squeeze %dma_start3A_16 : memref<1x80x128xi32, #tpu.memory_space<hbm>> -> memref<80x128xi32, #tpu.memory_space<hbm>>
    tpu.enqueue_dma source(%dma_start3A_17 : memref<80x128xi32, #tpu.memory_space<hbm>>) target(%arg8 : memref<80x128xi32, #tpu.memory_space<vmem>>) target_semaphore(%arg27 : memref<!tpu.dma_semaphore, #tpu.memory_space<semaphore_mem>>)
    %add3A_18 = arith.constant 0 : i32
    %add3A_19 = arith.addi %mul3A_2, %add3A_18 : i32
    "tpu.region"() ({
      %run_scoped3A = tpu.sem_alloc : memref<!tpu.dma_semaphore, #tpu.memory_space<semaphore_mem>>
      %dma_start3A_173 = arith.constant 0 : i32
      %dma_start3A_174 = tpu.memref_slice %arg5[%add3A_19, %dma_start3A_173] : memref<10112x16xf32, #tpu.memory_space<hbm>> -> memref<316x16xf32, #tpu.memory_space<hbm>>
      %dma_start3A_175 = arith.constant 0 : i32
      %dma_start3A_176 = tpu.memref_slice %arg5[%add3A_19, %dma_start3A_175] : memref<10112x16xf32, #tpu.memory_space<hbm>> -> memref<316x16xf32, #tpu.memory_space<hbm>>
      tpu.enqueue_dma source(%dma_start3A_176 : memref<316x16xf32, #tpu.memory_space<hbm>>) target(%arg25 : memref<316x16xf32, #tpu.memory_space<vmem>>) target_semaphore(%run_scoped3A : memref<!tpu.dma_semaphore, #tpu.memory_space<semaphore_mem>>)
      %dma_wait3A_177 = arith.constant 0 : i32
      %dma_wait3A_178 = tpu.memref_slice %arg5[%add3A_19, %dma_wait3A_177] : memref<10112x16xf32, #tpu.memory_space<hbm>> -> memref<316x16xf32, #tpu.memory_space<hbm>>
      %dma_wait3A_179 = arith.constant 0 : i32
      %dma_wait3A_180 = tpu.memref_slice %arg5[%add3A_19, %dma_wait3A_179] : memref<10112x16xf32, #tpu.memory_space<hbm>> -> memref<316x16xf32, #tpu.memory_space<hbm>>
      tpu.wait_dma2 semaphore(%run_scoped3A : memref<!tpu.dma_semaphore, #tpu.memory_space<semaphore_mem>>) src(%dma_wait3A_180 : memref<316x16xf32, #tpu.memory_space<hbm>>) dst(%arg25 : memref<316x16xf32, #tpu.memory_space<vmem>>)
      tpu.yield
    }) : () -> ()
    %add3A_20 = arith.constant 0 : i32
    %add3A_21 = arith.addi %mul3A_2, %add3A_20 : i32
    "tpu.region"() ({
      %run_scoped3A = tpu.sem_alloc : memref<!tpu.dma_semaphore, #tpu.memory_space<semaphore_mem>>
      %dma_start3A_173 = arith.constant 0 : i32
      %dma_start3A_174 = tpu.memref_slice %arg28[%add3A_21, %dma_start3A_173] : memref<10112x16xf32, #tpu.memory_space<vmem_shared>> -> memref<316x16xf32, #tpu.memory_space<vmem_shared>>
      %dma_start3A_175 = arith.constant 0 : i32
      %dma_start3A_176 = tpu.memref_slice %arg28[%add3A_21, %dma_start3A_175] : memref<10112x16xf32, #tpu.memory_space<vmem_shared>> -> memref<316x16xf32, #tpu.memory_space<vmem_shared>>
      tpu.enqueue_dma source(%arg25 : memref<316x16xf32, #tpu.memory_space<vmem>>) target(%dma_start3A_176 : memref<316x16xf32, #tpu.memory_space<vmem_shared>>) target_semaphore(%run_scoped3A : memref<!tpu.dma_semaphore, #tpu.memory_space<semaphore_mem>>)
      %dma_wait3A_177 = arith.constant 0 : i32
      %dma_wait3A_178 = tpu.memref_slice %arg28[%add3A_21, %dma_wait3A_177] : memref<10112x16xf32, #tpu.memory_space<vmem_shared>> -> memref<316x16xf32, #tpu.memory_space<vmem_shared>>
      %dma_wait3A_179 = arith.constant 0 : i32
      %dma_wait3A_180 = tpu.memref_slice %arg28[%add3A_21, %dma_wait3A_179] : memref<10112x16xf32, #tpu.memory_space<vmem_shared>> -> memref<316x16xf32, #tpu.memory_space<vmem_shared>>
      tpu.wait_dma2 semaphore(%run_scoped3A : memref<!tpu.dma_semaphore, #tpu.memory_space<semaphore_mem>>) src(%arg25 : memref<316x16xf32, #tpu.memory_space<vmem>>) dst(%dma_wait3A_180 : memref<316x16xf32, #tpu.memory_space<vmem_shared>>)
      tpu.yield
    }) : () -> ()
    %add3A_22 = arith.constant 316 : i32
    %add3A_23 = arith.addi %mul3A_2, %add3A_22 : i32
    "tpu.region"() ({
      %run_scoped3A = tpu.sem_alloc : memref<!tpu.dma_semaphore, #tpu.memory_space<semaphore_mem>>
      %dma_start3A_173 = arith.constant 0 : i32
      %dma_start3A_174 = tpu.memref_slice %arg5[%add3A_23, %dma_start3A_173] : memref<10112x16xf32, #tpu.memory_space<hbm>> -> memref<316x16xf32, #tpu.memory_space<hbm>>
      %dma_start3A_175 = arith.constant 0 : i32
      %dma_start3A_176 = tpu.memref_slice %arg5[%add3A_23, %dma_start3A_175] : memref<10112x16xf32, #tpu.memory_space<hbm>> -> memref<316x16xf32, #tpu.memory_space<hbm>>
      tpu.enqueue_dma source(%dma_start3A_176 : memref<316x16xf32, #tpu.memory_space<hbm>>) target(%arg25 : memref<316x16xf32, #tpu.memory_space<vmem>>) target_semaphore(%run_scoped3A : memref<!tpu.dma_semaphore, #tpu.memory_space<semaphore_mem>>)
      %dma_wait3A_177 = arith.constant 0 : i32
      %dma_wait3A_178 = tpu.memref_slice %arg5[%add3A_23, %dma_wait3A_177] : memref<10112x16xf32, #tpu.memory_space<hbm>> -> memref<316x16xf32, #tpu.memory_space<hbm>>
      %dma_wait3A_179 = arith.constant 0 : i32
      %dma_wait3A_180 = tpu.memref_slice %arg5[%add3A_23, %dma_wait3A_179] : memref<10112x16xf32, #tpu.memory_space<hbm>> -> memref<316x16xf32, #tpu.memory_space<hbm>>
      tpu.wait_dma2 semaphore(%run_scoped3A : memref<!tpu.dma_semaphore, #tpu.memory_space<semaphore_mem>>) src(%dma_wait3A_180 : memref<316x16xf32, #tpu.memory_space<hbm>>) dst(%arg25 : memref<316x16xf32, #tpu.memory_space<vmem>>)
      tpu.yield
    }) : () -> ()
    %add3A_24 = arith.constant 316 : i32
    %add3A_25 = arith.addi %mul3A_2, %add3A_24 : i32
    "tpu.region"() ({
      %run_scoped3A = tpu.sem_alloc : memref<!tpu.dma_semaphore, #tpu.memory_space<semaphore_mem>>
      %dma_start3A_173 = arith.constant 0 : i32
      %dma_start3A_174 = tpu.memref_slice %arg28[%add3A_25, %dma_start3A_173] : memref<10112x16xf32, #tpu.memory_space<vmem_shared>> -> memref<316x16xf32, #tpu.memory_space<vmem_shared>>
      %dma_start3A_175 = arith.constant 0 : i32
      %dma_start3A_176 = tpu.memref_slice %arg28[%add3A_25, %dma_start3A_175] : memref<10112x16xf32, #tpu.memory_space<vmem_shared>> -> memref<316x16xf32, #tpu.memory_space<vmem_shared>>
      tpu.enqueue_dma source(%arg25 : memref<316x16xf32, #tpu.memory_space<vmem>>) target(%dma_start3A_176 : memref<316x16xf32, #tpu.memory_space<vmem_shared>>) target_semaphore(%run_scoped3A : memref<!tpu.dma_semaphore, #tpu.memory_space<semaphore_mem>>)
      %dma_wait3A_177 = arith.constant 0 : i32
      %dma_wait3A_178 = tpu.memref_slice %arg28[%add3A_25, %dma_wait3A_177] : memref<10112x16xf32, #tpu.memory_space<vmem_shared>> -> memref<316x16xf32, #tpu.memory_space<vmem_shared>>
      %dma_wait3A_179 = arith.constant 0 : i32
      %dma_wait3A_180 = tpu.memref_slice %arg28[%add3A_25, %dma_wait3A_179] : memref<10112x16xf32, #tpu.memory_space<vmem_shared>> -> memref<316x16xf32, #tpu.memory_space<vmem_shared>>
      tpu.wait_dma2 semaphore(%run_scoped3A : memref<!tpu.dma_semaphore, #tpu.memory_space<semaphore_mem>>) src(%arg25 : memref<316x16xf32, #tpu.memory_space<vmem>>) dst(%dma_wait3A_180 : memref<316x16xf32, #tpu.memory_space<vmem_shared>>)
      tpu.yield
    }) : () -> ()
    %dma_wait3A = arith.constant 0 : i32
    %dma_wait3A_26 = arith.constant 0 : i32
    %dma_wait3A_27 = tpu.memref_slice %arg3[%add3A, %dma_wait3A, %dma_wait3A_26] : memref<32x80x128xi32, #tpu.memory_space<hbm>> -> memref<1x80x128xi32, #tpu.memory_space<hbm>>
    %dma_wait3A_28 = tpu.memref_squeeze %dma_wait3A_27 : memref<1x80x128xi32, #tpu.memory_space<hbm>> -> memref<80x128xi32, #tpu.memory_space<hbm>>
    %dma_wait3A_29 = arith.constant 0 : i32
    %dma_wait3A_30 = arith.constant 0 : i32
    %dma_wait3A_31 = tpu.memref_slice %arg3[%add3A, %dma_wait3A_29, %dma_wait3A_30] : memref<32x80x128xi32, #tpu.memory_space<hbm>> -> memref<1x80x128xi32, #tpu.memory_space<hbm>>
    %dma_wait3A_32 = tpu.memref_squeeze %dma_wait3A_31 : memref<1x80x128xi32, #tpu.memory_space<hbm>> -> memref<80x128xi32, #tpu.memory_space<hbm>>
    tpu.wait_dma2 semaphore(%arg26 : memref<!tpu.dma_semaphore, #tpu.memory_space<semaphore_mem>>) src(%dma_wait3A_32 : memref<80x128xi32, #tpu.memory_space<hbm>>) dst(%arg7 : memref<80x128xi32, #tpu.memory_space<vmem>>)
    %dma_wait3A_33 = arith.constant 0 : i32
    %dma_wait3A_34 = arith.constant 0 : i32
    %dma_wait3A_35 = tpu.memref_slice %arg4[%add3A, %dma_wait3A_33, %dma_wait3A_34] : memref<32x80x128xi32, #tpu.memory_space<hbm>> -> memref<1x80x128xi32, #tpu.memory_space<hbm>>
    %dma_wait3A_36 = tpu.memref_squeeze %dma_wait3A_35 : memref<1x80x128xi32, #tpu.memory_space<hbm>> -> memref<80x128xi32, #tpu.memory_space<hbm>>
    %dma_wait3A_37 = arith.constant 0 : i32
    %dma_wait3A_38 = arith.constant 0 : i32
    %dma_wait3A_39 = tpu.memref_slice %arg4[%add3A, %dma_wait3A_37, %dma_wait3A_38] : memref<32x80x128xi32, #tpu.memory_space<hbm>> -> memref<1x80x128xi32, #tpu.memory_space<hbm>>
    %dma_wait3A_40 = tpu.memref_squeeze %dma_wait3A_39 : memref<1x80x128xi32, #tpu.memory_space<hbm>> -> memref<80x128xi32, #tpu.memory_space<hbm>>
    tpu.wait_dma2 semaphore(%arg27 : memref<!tpu.dma_semaphore, #tpu.memory_space<semaphore_mem>>) src(%dma_wait3A_40 : memref<80x128xi32, #tpu.memory_space<hbm>>) dst(%arg8 : memref<80x128xi32, #tpu.memory_space<vmem>>)
    %barrier3A = arith.constant 0 : index
    tpu.barrier barrier_id(%barrier3A)
    %dma_start3A_41 = arith.constant 0 : i32
    %dma_start3A_42 = arith.constant 0 : i32
    %dma_start3A_43 = tpu.memref_slice %arg7[%dma_start3A_41, %dma_start3A_42] : memref<80x128xi32, #tpu.memory_space<vmem>> -> memref<1x128xi32, #tpu.memory_space<vmem>>
    %dma_start3A_44 = tpu.memref_squeeze %dma_start3A_43 : memref<1x128xi32, #tpu.memory_space<vmem>> -> memref<128xi32, #tpu.memory_space<vmem>>
    %dma_start3A_45 = arith.constant 0 : i32
    %dma_start3A_46 = arith.constant 0 : i32
    %dma_start3A_47 = tpu.memref_slice %arg2[%dma_start3A_45, %dma_start3A_46] : memref<10000x16xf32, #tpu.memory_space<hbm>> -> memref<10000x16xf32, #tpu.memory_space<hbm>>
    tpu.enqueue_indirect_dma source(%dma_start3A_47 : memref<10000x16xf32, #tpu.memory_space<hbm>>) target(%arg9 : memref<128x16xf32, #tpu.memory_space<vmem>>) offsets(%dma_start3A_44 : memref<128xi32, #tpu.memory_space<vmem>>) semaphore(%arg26 : memref<!tpu.dma_semaphore, #tpu.memory_space<semaphore_mem>>)
    %dma_start3A_48 = arith.constant 1 : i32
    %dma_start3A_49 = arith.constant 0 : i32
    %dma_start3A_50 = tpu.memref_slice %arg7[%dma_start3A_48, %dma_start3A_49] : memref<80x128xi32, #tpu.memory_space<vmem>> -> memref<1x128xi32, #tpu.memory_space<vmem>>
    %dma_start3A_51 = tpu.memref_squeeze %dma_start3A_50 : memref<1x128xi32, #tpu.memory_space<vmem>> -> memref<128xi32, #tpu.memory_space<vmem>>
    %dma_start3A_52 = arith.constant 0 : i32
    %dma_start3A_53 = arith.constant 0 : i32
    %dma_start3A_54 = tpu.memref_slice %arg2[%dma_start3A_52, %dma_start3A_53] : memref<10000x16xf32, #tpu.memory_space<hbm>> -> memref<10000x16xf32, #tpu.memory_space<hbm>>
    tpu.enqueue_indirect_dma source(%dma_start3A_54 : memref<10000x16xf32, #tpu.memory_space<hbm>>) target(%arg10 : memref<128x16xf32, #tpu.memory_space<vmem>>) offsets(%dma_start3A_51 : memref<128xi32, #tpu.memory_space<vmem>>) semaphore(%arg26 : memref<!tpu.dma_semaphore, #tpu.memory_space<semaphore_mem>>)
    %dma_start3A_55 = arith.constant 2 : i32
    %dma_start3A_56 = arith.constant 0 : i32
    %dma_start3A_57 = tpu.memref_slice %arg7[%dma_start3A_55, %dma_start3A_56] : memref<80x128xi32, #tpu.memory_space<vmem>> -> memref<1x128xi32, #tpu.memory_space<vmem>>
    %dma_start3A_58 = tpu.memref_squeeze %dma_start3A_57 : memref<1x128xi32, #tpu.memory_space<vmem>> -> memref<128xi32, #tpu.memory_space<vmem>>
    %dma_start3A_59 = arith.constant 0 : i32
    %dma_start3A_60 = arith.constant 0 : i32
    %dma_start3A_61 = tpu.memref_slice %arg2[%dma_start3A_59, %dma_start3A_60] : memref<10000x16xf32, #tpu.memory_space<hbm>> -> memref<10000x16xf32, #tpu.memory_space<hbm>>
    tpu.enqueue_indirect_dma source(%dma_start3A_61 : memref<10000x16xf32, #tpu.memory_space<hbm>>) target(%arg11 : memref<128x16xf32, #tpu.memory_space<vmem>>) offsets(%dma_start3A_58 : memref<128xi32, #tpu.memory_space<vmem>>) semaphore(%arg26 : memref<!tpu.dma_semaphore, #tpu.memory_space<semaphore_mem>>)
    %dma_start3A_62 = arith.constant 3 : i32
    %dma_start3A_63 = arith.constant 0 : i32
    %dma_start3A_64 = tpu.memref_slice %arg7[%dma_start3A_62, %dma_start3A_63] : memref<80x128xi32, #tpu.memory_space<vmem>> -> memref<1x128xi32, #tpu.memory_space<vmem>>
    %dma_start3A_65 = tpu.memref_squeeze %dma_start3A_64 : memref<1x128xi32, #tpu.memory_space<vmem>> -> memref<128xi32, #tpu.memory_space<vmem>>
    %dma_start3A_66 = arith.constant 0 : i32
    %dma_start3A_67 = arith.constant 0 : i32
    %dma_start3A_68 = tpu.memref_slice %arg2[%dma_start3A_66, %dma_start3A_67] : memref<10000x16xf32, #tpu.memory_space<hbm>> -> memref<10000x16xf32, #tpu.memory_space<hbm>>
    tpu.enqueue_indirect_dma source(%dma_start3A_68 : memref<10000x16xf32, #tpu.memory_space<hbm>>) target(%arg12 : memref<128x16xf32, #tpu.memory_space<vmem>>) offsets(%dma_start3A_65 : memref<128xi32, #tpu.memory_space<vmem>>) semaphore(%arg26 : memref<!tpu.dma_semaphore, #tpu.memory_space<semaphore_mem>>)
    %dma_start3A_69 = arith.constant 4 : i32
    %dma_start3A_70 = arith.constant 0 : i32
    %dma_start3A_71 = tpu.memref_slice %arg7[%dma_start3A_69, %dma_start3A_70] : memref<80x128xi32, #tpu.memory_space<vmem>> -> memref<1x128xi32, #tpu.memory_space<vmem>>
    %dma_start3A_72 = tpu.memref_squeeze %dma_start3A_71 : memref<1x128xi32, #tpu.memory_space<vmem>> -> memref<128xi32, #tpu.memory_space<vmem>>
    %dma_start3A_73 = arith.constant 0 : i32
    %dma_start3A_74 = arith.constant 0 : i32
    %dma_start3A_75 = tpu.memref_slice %arg2[%dma_start3A_73, %dma_start3A_74] : memref<10000x16xf32, #tpu.memory_space<hbm>> -> memref<10000x16xf32, #tpu.memory_space<hbm>>
    tpu.enqueue_indirect_dma source(%dma_start3A_75 : memref<10000x16xf32, #tpu.memory_space<hbm>>) target(%arg13 : memref<128x16xf32, #tpu.memory_space<vmem>>) offsets(%dma_start3A_72 : memref<128xi32, #tpu.memory_space<vmem>>) semaphore(%arg26 : memref<!tpu.dma_semaphore, #tpu.memory_space<semaphore_mem>>)
    %dma_start3A_76 = arith.constant 5 : i32
    %dma_start3A_77 = arith.constant 0 : i32
    %dma_start3A_78 = tpu.memref_slice %arg7[%dma_start3A_76, %dma_start3A_77] : memref<80x128xi32, #tpu.memory_space<vmem>> -> memref<1x128xi32, #tpu.memory_space<vmem>>
    %dma_start3A_79 = tpu.memref_squeeze %dma_start3A_78 : memref<1x128xi32, #tpu.memory_space<vmem>> -> memref<128xi32, #tpu.memory_space<vmem>>
    %dma_start3A_80 = arith.constant 0 : i32
    %dma_start3A_81 = arith.constant 0 : i32
    %dma_start3A_82 = tpu.memref_slice %arg2[%dma_start3A_80, %dma_start3A_81] : memref<10000x16xf32, #tpu.memory_space<hbm>> -> memref<10000x16xf32, #tpu.memory_space<hbm>>
    tpu.enqueue_indirect_dma source(%dma_start3A_82 : memref<10000x16xf32, #tpu.memory_space<hbm>>) target(%arg14 : memref<128x16xf32, #tpu.memory_space<vmem>>) offsets(%dma_start3A_79 : memref<128xi32, #tpu.memory_space<vmem>>) semaphore(%arg26 : memref<!tpu.dma_semaphore, #tpu.memory_space<semaphore_mem>>)
    %dma_start3A_83 = arith.constant 6 : i32
    %dma_start3A_84 = arith.constant 0 : i32
    %dma_start3A_85 = tpu.memref_slice %arg7[%dma_start3A_83, %dma_start3A_84] : memref<80x128xi32, #tpu.memory_space<vmem>> -> memref<1x128xi32, #tpu.memory_space<vmem>>
    %dma_start3A_86 = tpu.memref_squeeze %dma_start3A_85 : memref<1x128xi32, #tpu.memory_space<vmem>> -> memref<128xi32, #tpu.memory_space<vmem>>
    %dma_start3A_87 = arith.constant 0 : i32
    %dma_start3A_88 = arith.constant 0 : i32
    %dma_start3A_89 = tpu.memref_slice %arg2[%dma_start3A_87, %dma_start3A_88] : memref<10000x16xf32, #tpu.memory_space<hbm>> -> memref<10000x16xf32, #tpu.memory_space<hbm>>
    tpu.enqueue_indirect_dma source(%dma_start3A_89 : memref<10000x16xf32, #tpu.memory_space<hbm>>) target(%arg15 : memref<128x16xf32, #tpu.memory_space<vmem>>) offsets(%dma_start3A_86 : memref<128xi32, #tpu.memory_space<vmem>>) semaphore(%arg26 : memref<!tpu.dma_semaphore, #tpu.memory_space<semaphore_mem>>)
    %dma_start3A_90 = arith.constant 7 : i32
    %dma_start3A_91 = arith.constant 0 : i32
    %dma_start3A_92 = tpu.memref_slice %arg7[%dma_start3A_90, %dma_start3A_91] : memref<80x128xi32, #tpu.memory_space<vmem>> -> memref<1x128xi32, #tpu.memory_space<vmem>>
    %dma_start3A_93 = tpu.memref_squeeze %dma_start3A_92 : memref<1x128xi32, #tpu.memory_space<vmem>> -> memref<128xi32, #tpu.memory_space<vmem>>
    %dma_start3A_94 = arith.constant 0 : i32
    %dma_start3A_95 = arith.constant 0 : i32
    %dma_start3A_96 = tpu.memref_slice %arg2[%dma_start3A_94, %dma_start3A_95] : memref<10000x16xf32, #tpu.memory_space<hbm>> -> memref<10000x16xf32, #tpu.memory_space<hbm>>
    tpu.enqueue_indirect_dma source(%dma_start3A_96 : memref<10000x16xf32, #tpu.memory_space<hbm>>) target(%arg16 : memref<128x16xf32, #tpu.memory_space<vmem>>) offsets(%dma_start3A_93 : memref<128xi32, #tpu.memory_space<vmem>>) semaphore(%arg26 : memref<!tpu.dma_semaphore, #tpu.memory_space<semaphore_mem>>)
    %scan3A = arith.constant 0 : i32
    %scan3A_97 = arith.constant 0 : i32
    %scan3A_98 = arith.constant 5 : i32
    %scan3A_99 = arith.addi %scan3A_97, %scan3A_98 : i32
    %scan3A_100 = arith.constant 1 : i32
    scf.for %scan3A_173 = %scan3A_97 to %scan3A_99 step %scan3A_100  : i32 {
      %mul3A_174 = arith.constant 2 : i32
      %mul3A_175 = arith.muli %mul3A_174, %scan3A_173 : i32
      %mul3A_176 = arith.constant 8 : i32
      %mul3A_177 = arith.muli %mul3A_175, %mul3A_176 : i32
      %add3A_178 = arith.constant 0 : i32
      %add3A_179 = arith.addi %mul3A_177, %add3A_178 : i32
      %dma_wait3A_180 = arith.constant 0 : i32
      %dma_wait3A_181 = tpu.memref_slice %arg7[%add3A_179, %dma_wait3A_180] : memref<80x128xi32, #tpu.memory_space<vmem>> -> memref<1x128xi32, #tpu.memory_space<vmem>>
      %dma_wait3A_182 = tpu.memref_squeeze %dma_wait3A_181 : memref<1x128xi32, #tpu.memory_space<vmem>> -> memref<128xi32, #tpu.memory_space<vmem>>
      %dma_wait3A_183 = arith.constant 0 : i32
      %dma_wait3A_184 = arith.constant 0 : i32
      %dma_wait3A_185 = tpu.memref_slice %arg2[%dma_wait3A_183, %dma_wait3A_184] : memref<10000x16xf32, #tpu.memory_space<hbm>> -> memref<10000x16xf32, #tpu.memory_space<hbm>>
      tpu.wait_indirect_dma semaphore(%arg26 : memref<!tpu.dma_semaphore, #tpu.memory_space<semaphore_mem>>) src(%dma_wait3A_185 : memref<10000x16xf32, #tpu.memory_space<hbm>>) dst(%arg9 : memref<128x16xf32, #tpu.memory_space<vmem>>)
      %add3A_186 = arith.constant 1 : i32
      %add3A_187 = arith.addi %mul3A_177, %add3A_186 : i32
      %dma_wait3A_188 = arith.constant 0 : i32
      %dma_wait3A_189 = tpu.memref_slice %arg7[%add3A_187, %dma_wait3A_188] : memref<80x128xi32, #tpu.memory_space<vmem>> -> memref<1x128xi32, #tpu.memory_space<vmem>>
      %dma_wait3A_190 = tpu.memref_squeeze %dma_wait3A_189 : memref<1x128xi32, #tpu.memory_space<vmem>> -> memref<128xi32, #tpu.memory_space<vmem>>
      %dma_wait3A_191 = arith.constant 0 : i32
      %dma_wait3A_192 = arith.constant 0 : i32
      %dma_wait3A_193 = tpu.memref_slice %arg2[%dma_wait3A_191, %dma_wait3A_192] : memref<10000x16xf32, #tpu.memory_space<hbm>> -> memref<10000x16xf32, #tpu.memory_space<hbm>>
      tpu.wait_indirect_dma semaphore(%arg26 : memref<!tpu.dma_semaphore, #tpu.memory_space<semaphore_mem>>) src(%dma_wait3A_193 : memref<10000x16xf32, #tpu.memory_space<hbm>>) dst(%arg10 : memref<128x16xf32, #tpu.memory_space<vmem>>)
      %add3A_194 = arith.constant 2 : i32
      %add3A_195 = arith.addi %mul3A_177, %add3A_194 : i32
      %dma_wait3A_196 = arith.constant 0 : i32
      %dma_wait3A_197 = tpu.memref_slice %arg7[%add3A_195, %dma_wait3A_196] : memref<80x128xi32, #tpu.memory_space<vmem>> -> memref<1x128xi32, #tpu.memory_space<vmem>>
      %dma_wait3A_198 = tpu.memref_squeeze %dma_wait3A_197 : memref<1x128xi32, #tpu.memory_space<vmem>> -> memref<128xi32, #tpu.memory_space<vmem>>
      %dma_wait3A_199 = arith.constant 0 : i32
      %dma_wait3A_200 = arith.constant 0 : i32
      %dma_wait3A_201 = tpu.memref_slice %arg2[%dma_wait3A_199, %dma_wait3A_200] : memref<10000x16xf32, #tpu.memory_space<hbm>> -> memref<10000x16xf32, #tpu.memory_space<hbm>>
      tpu.wait_indirect_dma semaphore(%arg26 : memref<!tpu.dma_semaphore, #tpu.memory_space<semaphore_mem>>) src(%dma_wait3A_201 : memref<10000x16xf32, #tpu.memory_space<hbm>>) dst(%arg11 : memref<128x16xf32, #tpu.memory_space<vmem>>)
      %add3A_202 = arith.constant 3 : i32
      %add3A_203 = arith.addi %mul3A_177, %add3A_202 : i32
      %dma_wait3A_204 = arith.constant 0 : i32
      %dma_wait3A_205 = tpu.memref_slice %arg7[%add3A_203, %dma_wait3A_204] : memref<80x128xi32, #tpu.memory_space<vmem>> -> memref<1x128xi32, #tpu.memory_space<vmem>>
      %dma_wait3A_206 = tpu.memref_squeeze %dma_wait3A_205 : memref<1x128xi32, #tpu.memory_space<vmem>> -> memref<128xi32, #tpu.memory_space<vmem>>
      %dma_wait3A_207 = arith.constant 0 : i32
      %dma_wait3A_208 = arith.constant 0 : i32
      %dma_wait3A_209 = tpu.memref_slice %arg2[%dma_wait3A_207, %dma_wait3A_208] : memref<10000x16xf32, #tpu.memory_space<hbm>> -> memref<10000x16xf32, #tpu.memory_space<hbm>>
      tpu.wait_indirect_dma semaphore(%arg26 : memref<!tpu.dma_semaphore, #tpu.memory_space<semaphore_mem>>) src(%dma_wait3A_209 : memref<10000x16xf32, #tpu.memory_space<hbm>>) dst(%arg12 : memref<128x16xf32, #tpu.memory_space<vmem>>)
      %add3A_210 = arith.constant 4 : i32
      %add3A_211 = arith.addi %mul3A_177, %add3A_210 : i32
      %dma_wait3A_212 = arith.constant 0 : i32
      %dma_wait3A_213 = tpu.memref_slice %arg7[%add3A_211, %dma_wait3A_212] : memref<80x128xi32, #tpu.memory_space<vmem>> -> memref<1x128xi32, #tpu.memory_space<vmem>>
      %dma_wait3A_214 = tpu.memref_squeeze %dma_wait3A_213 : memref<1x128xi32, #tpu.memory_space<vmem>> -> memref<128xi32, #tpu.memory_space<vmem>>
      %dma_wait3A_215 = arith.constant 0 : i32
      %dma_wait3A_216 = arith.constant 0 : i32
      %dma_wait3A_217 = tpu.memref_slice %arg2[%dma_wait3A_215, %dma_wait3A_216] : memref<10000x16xf32, #tpu.memory_space<hbm>> -> memref<10000x16xf32, #tpu.memory_space<hbm>>
      tpu.wait_indirect_dma semaphore(%arg26 : memref<!tpu.dma_semaphore, #tpu.memory_space<semaphore_mem>>) src(%dma_wait3A_217 : memref<10000x16xf32, #tpu.memory_space<hbm>>) dst(%arg13 : memref<128x16xf32, #tpu.memory_space<vmem>>)
      %add3A_218 = arith.constant 5 : i32
      %add3A_219 = arith.addi %mul3A_177, %add3A_218 : i32
      %dma_wait3A_220 = arith.constant 0 : i32
      %dma_wait3A_221 = tpu.memref_slice %arg7[%add3A_219, %dma_wait3A_220] : memref<80x128xi32, #tpu.memory_space<vmem>> -> memref<1x128xi32, #tpu.memory_space<vmem>>
      %dma_wait3A_222 = tpu.memref_squeeze %dma_wait3A_221 : memref<1x128xi32, #tpu.memory_space<vmem>> -> memref<128xi32, #tpu.memory_space<vmem>>
      %dma_wait3A_223 = arith.constant 0 : i32
      %dma_wait3A_224 = arith.constant 0 : i32
      %dma_wait3A_225 = tpu.memref_slice %arg2[%dma_wait3A_223, %dma_wait3A_224] : memref<10000x16xf32, #tpu.memory_space<hbm>> -> memref<10000x16xf32, #tpu.memory_space<hbm>>
      tpu.wait_indirect_dma semaphore(%arg26 : memref<!tpu.dma_semaphore, #tpu.memory_space<semaphore_mem>>) src(%dma_wait3A_225 : memref<10000x16xf32, #tpu.memory_space<hbm>>) dst(%arg14 : memref<128x16xf32, #tpu.memory_space<vmem>>)
      %add3A_226 = arith.constant 6 : i32
      %add3A_227 = arith.addi %mul3A_177, %add3A_226 : i32
      %dma_wait3A_228 = arith.constant 0 : i32
      %dma_wait3A_229 = tpu.memref_slice %arg7[%add3A_227, %dma_wait3A_228] : memref<80x128xi32, #tpu.memory_space<vmem>> -> memref<1x128xi32, #tpu.memory_space<vmem>>
      %dma_wait3A_230 = tpu.memref_squeeze %dma_wait3A_229 : memref<1x128xi32, #tpu.memory_space<vmem>> -> memref<128xi32, #tpu.memory_space<vmem>>
      %dma_wait3A_231 = arith.constant 0 : i32
      %dma_wait3A_232 = arith.constant 0 : i32
      %dma_wait3A_233 = tpu.memref_slice %arg2[%dma_wait3A_231, %dma_wait3A_232] : memref<10000x16xf32, #tpu.memory_space<hbm>> -> memref<10000x16xf32, #tpu.memory_space<hbm>>
      tpu.wait_indirect_dma semaphore(%arg26 : memref<!tpu.dma_semaphore, #tpu.memory_space<semaphore_mem>>) src(%dma_wait3A_233 : memref<10000x16xf32, #tpu.memory_space<hbm>>) dst(%arg15 : memref<128x16xf32, #tpu.memory_space<vmem>>)
      %add3A_234 = arith.constant 7 : i32
      %add3A_235 = arith.addi %mul3A_177, %add3A_234 : i32
      %dma_wait3A_236 = arith.constant 0 : i32
      %dma_wait3A_237 = tpu.memref_slice %arg7[%add3A_235, %dma_wait3A_236] : memref<80x128xi32, #tpu.memory_space<vmem>> -> memref<1x128xi32, #tpu.memory_space<vmem>>
      %dma_wait3A_238 = tpu.memref_squeeze %dma_wait3A_237 : memref<1x128xi32, #tpu.memory_space<vmem>> -> memref<128xi32, #tpu.memory_space<vmem>>
      %dma_wait3A_239 = arith.constant 0 : i32
      %dma_wait3A_240 = arith.constant 0 : i32
      %dma_wait3A_241 = tpu.memref_slice %arg2[%dma_wait3A_239, %dma_wait3A_240] : memref<10000x16xf32, #tpu.memory_space<hbm>> -> memref<10000x16xf32, #tpu.memory_space<hbm>>
      tpu.wait_indirect_dma semaphore(%arg26 : memref<!tpu.dma_semaphore, #tpu.memory_space<semaphore_mem>>) src(%dma_wait3A_241 : memref<10000x16xf32, #tpu.memory_space<hbm>>) dst(%arg16 : memref<128x16xf32, #tpu.memory_space<vmem>>)
      %gt3A = arith.constant 0 : i32
      %gt3A_242 = arith.cmpi sgt, %scan3A_173, %gt3A : i32
      %convert_element_type3A = arith.extui %gt3A_242 : i1 to i32
      %cond3A = arith.constant 0 : i32
      %cond3A_243 = arith.cmpi ne, %convert_element_type3A, %cond3A : i32
      scf.if %cond3A_243 {
        %sub3A = arith.constant 8 : i32
        %sub3A_576 = arith.subi %mul3A_177, %sub3A : i32
        %add3A_577 = arith.constant 0 : i32
        %add3A_578 = arith.addi %sub3A_576, %add3A_577 : i32
        %dma_wait3A_579 = arith.constant 0 : i32
        %dma_wait3A_580 = tpu.memref_slice %arg8[%add3A_578, %dma_wait3A_579] : memref<80x128xi32, #tpu.memory_space<vmem>> -> memref<1x128xi32, #tpu.memory_space<vmem>>
        %dma_wait3A_581 = tpu.memref_squeeze %dma_wait3A_580 : memref<1x128xi32, #tpu.memory_space<vmem>> -> memref<128xi32, #tpu.memory_space<vmem>>
        %dma_wait3A_582 = arith.constant 0 : i32
        %dma_wait3A_583 = arith.constant 0 : i32
        %dma_wait3A_584 = tpu.memref_slice %arg28[%dma_wait3A_582, %dma_wait3A_583] : memref<10112x16xf32, #tpu.memory_space<vmem_shared>> -> memref<10112x16xf32, #tpu.memory_space<vmem_shared>>
        tpu.wait_indirect_dma semaphore(%arg27 : memref<!tpu.dma_semaphore, #tpu.memory_space<semaphore_mem>>) src(%arg17 : memref<128x16xf32, #tpu.memory_space<vmem>>) dst(%dma_wait3A_584 : memref<10112x16xf32, #tpu.memory_space<vmem_shared>>)
        %add3A_585 = arith.constant 1 : i32
        %add3A_586 = arith.addi %sub3A_576, %add3A_585 : i32
        %dma_wait3A_587 = arith.constant 0 : i32
        %dma_wait3A_588 = tpu.memref_slice %arg8[%add3A_586, %dma_wait3A_587] : memref<80x128xi32, #tpu.memory_space<vmem>> -> memref<1x128xi32, #tpu.memory_space<vmem>>
        %dma_wait3A_589 = tpu.memref_squeeze %dma_wait3A_588 : memref<1x128xi32, #tpu.memory_space<vmem>> -> memref<128xi32, #tpu.memory_space<vmem>>
        %dma_wait3A_590 = arith.constant 0 : i32
        %dma_wait3A_591 = arith.constant 0 : i32
        %dma_wait3A_592 = tpu.memref_slice %arg28[%dma_wait3A_590, %dma_wait3A_591] : memref<10112x16xf32, #tpu.memory_space<vmem_shared>> -> memref<10112x16xf32, #tpu.memory_space<vmem_shared>>
        tpu.wait_indirect_dma semaphore(%arg27 : memref<!tpu.dma_semaphore, #tpu.memory_space<semaphore_mem>>) src(%arg18 : memref<128x16xf32, #tpu.memory_space<vmem>>) dst(%dma_wait3A_592 : memref<10112x16xf32, #tpu.memory_space<vmem_shared>>)
        %add3A_593 = arith.constant 2 : i32
        %add3A_594 = arith.addi %sub3A_576, %add3A_593 : i32
        %dma_wait3A_595 = arith.constant 0 : i32
        %dma_wait3A_596 = tpu.memref_slice %arg8[%add3A_594, %dma_wait3A_595] : memref<80x128xi32, #tpu.memory_space<vmem>> -> memref<1x128xi32, #tpu.memory_space<vmem>>
        %dma_wait3A_597 = tpu.memref_squeeze %dma_wait3A_596 : memref<1x128xi32, #tpu.memory_space<vmem>> -> memref<128xi32, #tpu.memory_space<vmem>>
        %dma_wait3A_598 = arith.constant 0 : i32
        %dma_wait3A_599 = arith.constant 0 : i32
        %dma_wait3A_600 = tpu.memref_slice %arg28[%dma_wait3A_598, %dma_wait3A_599] : memref<10112x16xf32, #tpu.memory_space<vmem_shared>> -> memref<10112x16xf32, #tpu.memory_space<vmem_shared>>
        tpu.wait_indirect_dma semaphore(%arg27 : memref<!tpu.dma_semaphore, #tpu.memory_space<semaphore_mem>>) src(%arg19 : memref<128x16xf32, #tpu.memory_space<vmem>>) dst(%dma_wait3A_600 : memref<10112x16xf32, #tpu.memory_space<vmem_shared>>)
        %add3A_601 = arith.constant 3 : i32
        %add3A_602 = arith.addi %sub3A_576, %add3A_601 : i32
        %dma_wait3A_603 = arith.constant 0 : i32
        %dma_wait3A_604 = tpu.memref_slice %arg8[%add3A_602, %dma_wait3A_603] : memref<80x128xi32, #tpu.memory_space<vmem>> -> memref<1x128xi32, #tpu.memory_space<vmem>>
        %dma_wait3A_605 = tpu.memref_squeeze %dma_wait3A_604 : memref<1x128xi32, #tpu.memory_space<vmem>> -> memref<128xi32, #tpu.memory_space<vmem>>
        %dma_wait3A_606 = arith.constant 0 : i32
        %dma_wait3A_607 = arith.constant 0 : i32
        %dma_wait3A_608 = tpu.memref_slice %arg28[%dma_wait3A_606, %dma_wait3A_607] : memref<10112x16xf32, #tpu.memory_space<vmem_shared>> -> memref<10112x16xf32, #tpu.memory_space<vmem_shared>>
        tpu.wait_indirect_dma semaphore(%arg27 : memref<!tpu.dma_semaphore, #tpu.memory_space<semaphore_mem>>) src(%arg20 : memref<128x16xf32, #tpu.memory_space<vmem>>) dst(%dma_wait3A_608 : memref<10112x16xf32, #tpu.memory_space<vmem_shared>>)
        %add3A_609 = arith.constant 4 : i32
        %add3A_610 = arith.addi %sub3A_576, %add3A_609 : i32
        %dma_wait3A_611 = arith.constant 0 : i32
        %dma_wait3A_612 = tpu.memref_slice %arg8[%add3A_610, %dma_wait3A_611] : memref<80x128xi32, #tpu.memory_space<vmem>> -> memref<1x128xi32, #tpu.memory_space<vmem>>
        %dma_wait3A_613 = tpu.memref_squeeze %dma_wait3A_612 : memref<1x128xi32, #tpu.memory_space<vmem>> -> memref<128xi32, #tpu.memory_space<vmem>>
        %dma_wait3A_614 = arith.constant 0 : i32
        %dma_wait3A_615 = arith.constant 0 : i32
        %dma_wait3A_616 = tpu.memref_slice %arg28[%dma_wait3A_614, %dma_wait3A_615] : memref<10112x16xf32, #tpu.memory_space<vmem_shared>> -> memref<10112x16xf32, #tpu.memory_space<vmem_shared>>
        tpu.wait_indirect_dma semaphore(%arg27 : memref<!tpu.dma_semaphore, #tpu.memory_space<semaphore_mem>>) src(%arg21 : memref<128x16xf32, #tpu.memory_space<vmem>>) dst(%dma_wait3A_616 : memref<10112x16xf32, #tpu.memory_space<vmem_shared>>)
        %add3A_617 = arith.constant 5 : i32
        %add3A_618 = arith.addi %sub3A_576, %add3A_617 : i32
        %dma_wait3A_619 = arith.constant 0 : i32
        %dma_wait3A_620 = tpu.memref_slice %arg8[%add3A_618, %dma_wait3A_619] : memref<80x128xi32, #tpu.memory_space<vmem>> -> memref<1x128xi32, #tpu.memory_space<vmem>>
        %dma_wait3A_621 = tpu.memref_squeeze %dma_wait3A_620 : memref<1x128xi32, #tpu.memory_space<vmem>> -> memref<128xi32, #tpu.memory_space<vmem>>
        %dma_wait3A_622 = arith.constant 0 : i32
        %dma_wait3A_623 = arith.constant 0 : i32
        %dma_wait3A_624 = tpu.memref_slice %arg28[%dma_wait3A_622, %dma_wait3A_623] : memref<10112x16xf32, #tpu.memory_space<vmem_shared>> -> memref<10112x16xf32, #tpu.memory_space<vmem_shared>>
        tpu.wait_indirect_dma semaphore(%arg27 : memref<!tpu.dma_semaphore, #tpu.memory_space<semaphore_mem>>) src(%arg22 : memref<128x16xf32, #tpu.memory_space<vmem>>) dst(%dma_wait3A_624 : memref<10112x16xf32, #tpu.memory_space<vmem_shared>>)
        %add3A_625 = arith.constant 6 : i32
        %add3A_626 = arith.addi %sub3A_576, %add3A_625 : i32
        %dma_wait3A_627 = arith.constant 0 : i32
        %dma_wait3A_628 = tpu.memref_slice %arg8[%add3A_626, %dma_wait3A_627] : memref<80x128xi32, #tpu.memory_space<vmem>> -> memref<1x128xi32, #tpu.memory_space<vmem>>
        %dma_wait3A_629 = tpu.memref_squeeze %dma_wait3A_628 : memref<1x128xi32, #tpu.memory_space<vmem>> -> memref<128xi32, #tpu.memory_space<vmem>>
        %dma_wait3A_630 = arith.constant 0 : i32
        %dma_wait3A_631 = arith.constant 0 : i32
        %dma_wait3A_632 = tpu.memref_slice %arg28[%dma_wait3A_630, %dma_wait3A_631] : memref<10112x16xf32, #tpu.memory_space<vmem_shared>> -> memref<10112x16xf32, #tpu.memory_space<vmem_shared>>
        tpu.wait_indirect_dma semaphore(%arg27 : memref<!tpu.dma_semaphore, #tpu.memory_space<semaphore_mem>>) src(%arg23 : memref<128x16xf32, #tpu.memory_space<vmem>>) dst(%dma_wait3A_632 : memref<10112x16xf32, #tpu.memory_space<vmem_shared>>)
        %add3A_633 = arith.constant 7 : i32
        %add3A_634 = arith.addi %sub3A_576, %add3A_633 : i32
        %dma_wait3A_635 = arith.constant 0 : i32
        %dma_wait3A_636 = tpu.memref_slice %arg8[%add3A_634, %dma_wait3A_635] : memref<80x128xi32, #tpu.memory_space<vmem>> -> memref<1x128xi32, #tpu.memory_space<vmem>>
        %dma_wait3A_637 = tpu.memref_squeeze %dma_wait3A_636 : memref<1x128xi32, #tpu.memory_space<vmem>> -> memref<128xi32, #tpu.memory_space<vmem>>
        %dma_wait3A_638 = arith.constant 0 : i32
        %dma_wait3A_639 = arith.constant 0 : i32
        %dma_wait3A_640 = tpu.memref_slice %arg28[%dma_wait3A_638, %dma_wait3A_639] : memref<10112x16xf32, #tpu.memory_space<vmem_shared>> -> memref<10112x16xf32, #tpu.memory_space<vmem_shared>>
        tpu.wait_indirect_dma semaphore(%arg27 : memref<!tpu.dma_semaphore, #tpu.memory_space<semaphore_mem>>) src(%arg24 : memref<128x16xf32, #tpu.memory_space<vmem>>) dst(%dma_wait3A_640 : memref<10112x16xf32, #tpu.memory_space<vmem_shared>>)
      } else {
      }
      %add3A_244 = arith.constant 8 : i32
      %add3A_245 = arith.addi %mul3A_177, %add3A_244 : i32
      %add3A_246 = arith.constant 0 : i32
      %add3A_247 = arith.addi %add3A_245, %add3A_246 : i32
      %dma_start3A_248 = arith.constant 0 : i32
      %dma_start3A_249 = tpu.memref_slice %arg7[%add3A_247, %dma_start3A_248] : memref<80x128xi32, #tpu.memory_space<vmem>> -> memref<1x128xi32, #tpu.memory_space<vmem>>
      %dma_start3A_250 = tpu.memref_squeeze %dma_start3A_249 : memref<1x128xi32, #tpu.memory_space<vmem>> -> memref<128xi32, #tpu.memory_space<vmem>>
      %dma_start3A_251 = arith.constant 0 : i32
      %dma_start3A_252 = arith.constant 0 : i32
      %dma_start3A_253 = tpu.memref_slice %arg2[%dma_start3A_251, %dma_start3A_252] : memref<10000x16xf32, #tpu.memory_space<hbm>> -> memref<10000x16xf32, #tpu.memory_space<hbm>>
      tpu.enqueue_indirect_dma source(%dma_start3A_253 : memref<10000x16xf32, #tpu.memory_space<hbm>>) target(%arg17 : memref<128x16xf32, #tpu.memory_space<vmem>>) offsets(%dma_start3A_250 : memref<128xi32, #tpu.memory_space<vmem>>) semaphore(%arg26 : memref<!tpu.dma_semaphore, #tpu.memory_space<semaphore_mem>>)
      %add3A_254 = arith.constant 1 : i32
      %add3A_255 = arith.addi %add3A_245, %add3A_254 : i32
      %dma_start3A_256 = arith.constant 0 : i32
      %dma_start3A_257 = tpu.memref_slice %arg7[%add3A_255, %dma_start3A_256] : memref<80x128xi32, #tpu.memory_space<vmem>> -> memref<1x128xi32, #tpu.memory_space<vmem>>
      %dma_start3A_258 = tpu.memref_squeeze %dma_start3A_257 : memref<1x128xi32, #tpu.memory_space<vmem>> -> memref<128xi32, #tpu.memory_space<vmem>>
      %dma_start3A_259 = arith.constant 0 : i32
      %dma_start3A_260 = arith.constant 0 : i32
      %dma_start3A_261 = tpu.memref_slice %arg2[%dma_start3A_259, %dma_start3A_260] : memref<10000x16xf32, #tpu.memory_space<hbm>> -> memref<10000x16xf32, #tpu.memory_space<hbm>>
      tpu.enqueue_indirect_dma source(%dma_start3A_261 : memref<10000x16xf32, #tpu.memory_space<hbm>>) target(%arg18 : memref<128x16xf32, #tpu.memory_space<vmem>>) offsets(%dma_start3A_258 : memref<128xi32, #tpu.memory_space<vmem>>) semaphore(%arg26 : memref<!tpu.dma_semaphore, #tpu.memory_space<semaphore_mem>>)
      %add3A_262 = arith.constant 2 : i32
      %add3A_263 = arith.addi %add3A_245, %add3A_262 : i32
      %dma_start3A_264 = arith.constant 0 : i32
      %dma_start3A_265 = tpu.memref_slice %arg7[%add3A_263, %dma_start3A_264] : memref<80x128xi32, #tpu.memory_space<vmem>> -> memref<1x128xi32, #tpu.memory_space<vmem>>
      %dma_start3A_266 = tpu.memref_squeeze %dma_start3A_265 : memref<1x128xi32, #tpu.memory_space<vmem>> -> memref<128xi32, #tpu.memory_space<vmem>>
      %dma_start3A_267 = arith.constant 0 : i32
      %dma_start3A_268 = arith.constant 0 : i32
      %dma_start3A_269 = tpu.memref_slice %arg2[%dma_start3A_267, %dma_start3A_268] : memref<10000x16xf32, #tpu.memory_space<hbm>> -> memref<10000x16xf32, #tpu.memory_space<hbm>>
      tpu.enqueue_indirect_dma source(%dma_start3A_269 : memref<10000x16xf32, #tpu.memory_space<hbm>>) target(%arg19 : memref<128x16xf32, #tpu.memory_space<vmem>>) offsets(%dma_start3A_266 : memref<128xi32, #tpu.memory_space<vmem>>) semaphore(%arg26 : memref<!tpu.dma_semaphore, #tpu.memory_space<semaphore_mem>>)
      %add3A_270 = arith.constant 3 : i32
      %add3A_271 = arith.addi %add3A_245, %add3A_270 : i32
      %dma_start3A_272 = arith.constant 0 : i32
      %dma_start3A_273 = tpu.memref_slice %arg7[%add3A_271, %dma_start3A_272] : memref<80x128xi32, #tpu.memory_space<vmem>> -> memref<1x128xi32, #tpu.memory_space<vmem>>
      %dma_start3A_274 = tpu.memref_squeeze %dma_start3A_273 : memref<1x128xi32, #tpu.memory_space<vmem>> -> memref<128xi32, #tpu.memory_space<vmem>>
      %dma_start3A_275 = arith.constant 0 : i32
      %dma_start3A_276 = arith.constant 0 : i32
      %dma_start3A_277 = tpu.memref_slice %arg2[%dma_start3A_275, %dma_start3A_276] : memref<10000x16xf32, #tpu.memory_space<hbm>> -> memref<10000x16xf32, #tpu.memory_space<hbm>>
      tpu.enqueue_indirect_dma source(%dma_start3A_277 : memref<10000x16xf32, #tpu.memory_space<hbm>>) target(%arg20 : memref<128x16xf32, #tpu.memory_space<vmem>>) offsets(%dma_start3A_274 : memref<128xi32, #tpu.memory_space<vmem>>) semaphore(%arg26 : memref<!tpu.dma_semaphore, #tpu.memory_space<semaphore_mem>>)
      %add3A_278 = arith.constant 4 : i32
      %add3A_279 = arith.addi %add3A_245, %add3A_278 : i32
      %dma_start3A_280 = arith.constant 0 : i32
      %dma_start3A_281 = tpu.memref_slice %arg7[%add3A_279, %dma_start3A_280] : memref<80x128xi32, #tpu.memory_space<vmem>> -> memref<1x128xi32, #tpu.memory_space<vmem>>
      %dma_start3A_282 = tpu.memref_squeeze %dma_start3A_281 : memref<1x128xi32, #tpu.memory_space<vmem>> -> memref<128xi32, #tpu.memory_space<vmem>>
      %dma_start3A_283 = arith.constant 0 : i32
      %dma_start3A_284 = arith.constant 0 : i32
      %dma_start3A_285 = tpu.memref_slice %arg2[%dma_start3A_283, %dma_start3A_284] : memref<10000x16xf32, #tpu.memory_space<hbm>> -> memref<10000x16xf32, #tpu.memory_space<hbm>>
      tpu.enqueue_indirect_dma source(%dma_start3A_285 : memref<10000x16xf32, #tpu.memory_space<hbm>>) target(%arg21 : memref<128x16xf32, #tpu.memory_space<vmem>>) offsets(%dma_start3A_282 : memref<128xi32, #tpu.memory_space<vmem>>) semaphore(%arg26 : memref<!tpu.dma_semaphore, #tpu.memory_space<semaphore_mem>>)
      %add3A_286 = arith.constant 5 : i32
      %add3A_287 = arith.addi %add3A_245, %add3A_286 : i32
      %dma_start3A_288 = arith.constant 0 : i32
      %dma_start3A_289 = tpu.memref_slice %arg7[%add3A_287, %dma_start3A_288] : memref<80x128xi32, #tpu.memory_space<vmem>> -> memref<1x128xi32, #tpu.memory_space<vmem>>
      %dma_start3A_290 = tpu.memref_squeeze %dma_start3A_289 : memref<1x128xi32, #tpu.memory_space<vmem>> -> memref<128xi32, #tpu.memory_space<vmem>>
      %dma_start3A_291 = arith.constant 0 : i32
      %dma_start3A_292 = arith.constant 0 : i32
      %dma_start3A_293 = tpu.memref_slice %arg2[%dma_start3A_291, %dma_start3A_292] : memref<10000x16xf32, #tpu.memory_space<hbm>> -> memref<10000x16xf32, #tpu.memory_space<hbm>>
      tpu.enqueue_indirect_dma source(%dma_start3A_293 : memref<10000x16xf32, #tpu.memory_space<hbm>>) target(%arg22 : memref<128x16xf32, #tpu.memory_space<vmem>>) offsets(%dma_start3A_290 : memref<128xi32, #tpu.memory_space<vmem>>) semaphore(%arg26 : memref<!tpu.dma_semaphore, #tpu.memory_space<semaphore_mem>>)
      %add3A_294 = arith.constant 6 : i32
      %add3A_295 = arith.addi %add3A_245, %add3A_294 : i32
      %dma_start3A_296 = arith.constant 0 : i32
      %dma_start3A_297 = tpu.memref_slice %arg7[%add3A_295, %dma_start3A_296] : memref<80x128xi32, #tpu.memory_space<vmem>> -> memref<1x128xi32, #tpu.memory_space<vmem>>
      %dma_start3A_298 = tpu.memref_squeeze %dma_start3A_297 : memref<1x128xi32, #tpu.memory_space<vmem>> -> memref<128xi32, #tpu.memory_space<vmem>>
      %dma_start3A_299 = arith.constant 0 : i32
      %dma_start3A_300 = arith.constant 0 : i32
      %dma_start3A_301 = tpu.memref_slice %arg2[%dma_start3A_299, %dma_start3A_300] : memref<10000x16xf32, #tpu.memory_space<hbm>> -> memref<10000x16xf32, #tpu.memory_space<hbm>>
      tpu.enqueue_indirect_dma source(%dma_start3A_301 : memref<10000x16xf32, #tpu.memory_space<hbm>>) target(%arg23 : memref<128x16xf32, #tpu.memory_space<vmem>>) offsets(%dma_start3A_298 : memref<128xi32, #tpu.memory_space<vmem>>) semaphore(%arg26 : memref<!tpu.dma_semaphore, #tpu.memory_space<semaphore_mem>>)
      %add3A_302 = arith.constant 7 : i32
      %add3A_303 = arith.addi %add3A_245, %add3A_302 : i32
      %dma_start3A_304 = arith.constant 0 : i32
      %dma_start3A_305 = tpu.memref_slice %arg7[%add3A_303, %dma_start3A_304] : memref<80x128xi32, #tpu.memory_space<vmem>> -> memref<1x128xi32, #tpu.memory_space<vmem>>
      %dma_start3A_306 = tpu.memref_squeeze %dma_start3A_305 : memref<1x128xi32, #tpu.memory_space<vmem>> -> memref<128xi32, #tpu.memory_space<vmem>>
      %dma_start3A_307 = arith.constant 0 : i32
      %dma_start3A_308 = arith.constant 0 : i32
      %dma_start3A_309 = tpu.memref_slice %arg2[%dma_start3A_307, %dma_start3A_308] : memref<10000x16xf32, #tpu.memory_space<hbm>> -> memref<10000x16xf32, #tpu.memory_space<hbm>>
      tpu.enqueue_indirect_dma source(%dma_start3A_309 : memref<10000x16xf32, #tpu.memory_space<hbm>>) target(%arg24 : memref<128x16xf32, #tpu.memory_space<vmem>>) offsets(%dma_start3A_306 : memref<128xi32, #tpu.memory_space<vmem>>) semaphore(%arg26 : memref<!tpu.dma_semaphore, #tpu.memory_space<semaphore_mem>>)
      %add3A_310 = arith.constant 0 : i32
      %add3A_311 = arith.addi %mul3A_177, %add3A_310 : i32
      %dma_start3A_312 = arith.constant 0 : i32
      %dma_start3A_313 = tpu.memref_slice %arg8[%add3A_311, %dma_start3A_312] : memref<80x128xi32, #tpu.memory_space<vmem>> -> memref<1x128xi32, #tpu.memory_space<vmem>>
      %dma_start3A_314 = tpu.memref_squeeze %dma_start3A_313 : memref<1x128xi32, #tpu.memory_space<vmem>> -> memref<128xi32, #tpu.memory_space<vmem>>
      %dma_start3A_315 = arith.constant 0 : i32
      %dma_start3A_316 = arith.constant 0 : i32
      %dma_start3A_317 = tpu.memref_slice %arg28[%dma_start3A_315, %dma_start3A_316] : memref<10112x16xf32, #tpu.memory_space<vmem_shared>> -> memref<10112x16xf32, #tpu.memory_space<vmem_shared>>
      tpu.enqueue_indirect_dma source(%arg9 : memref<128x16xf32, #tpu.memory_space<vmem>>) target(%dma_start3A_317 : memref<10112x16xf32, #tpu.memory_space<vmem_shared>>) offsets(%dma_start3A_314 : memref<128xi32, #tpu.memory_space<vmem>>) semaphore(%arg27 : memref<!tpu.dma_semaphore, #tpu.memory_space<semaphore_mem>>) {add = true}
      %add3A_318 = arith.constant 1 : i32
      %add3A_319 = arith.addi %mul3A_177, %add3A_318 : i32
      %dma_start3A_320 = arith.constant 0 : i32
      %dma_start3A_321 = tpu.memref_slice %arg8[%add3A_319, %dma_start3A_320] : memref<80x128xi32, #tpu.memory_space<vmem>> -> memref<1x128xi32, #tpu.memory_space<vmem>>
      %dma_start3A_322 = tpu.memref_squeeze %dma_start3A_321 : memref<1x128xi32, #tpu.memory_space<vmem>> -> memref<128xi32, #tpu.memory_space<vmem>>
      %dma_start3A_323 = arith.constant 0 : i32
      %dma_start3A_324 = arith.constant 0 : i32
      %dma_start3A_325 = tpu.memref_slice %arg28[%dma_start3A_323, %dma_start3A_324] : memref<10112x16xf32, #tpu.memory_space<vmem_shared>> -> memref<10112x16xf32, #tpu.memory_space<vmem_shared>>
      tpu.enqueue_indirect_dma source(%arg10 : memref<128x16xf32, #tpu.memory_space<vmem>>) target(%dma_start3A_325 : memref<10112x16xf32, #tpu.memory_space<vmem_shared>>) offsets(%dma_start3A_322 : memref<128xi32, #tpu.memory_space<vmem>>) semaphore(%arg27 : memref<!tpu.dma_semaphore, #tpu.memory_space<semaphore_mem>>) {add = true}
      %add3A_326 = arith.constant 2 : i32
      %add3A_327 = arith.addi %mul3A_177, %add3A_326 : i32
      %dma_start3A_328 = arith.constant 0 : i32
      %dma_start3A_329 = tpu.memref_slice %arg8[%add3A_327, %dma_start3A_328] : memref<80x128xi32, #tpu.memory_space<vmem>> -> memref<1x128xi32, #tpu.memory_space<vmem>>
      %dma_start3A_330 = tpu.memref_squeeze %dma_start3A_329 : memref<1x128xi32, #tpu.memory_space<vmem>> -> memref<128xi32, #tpu.memory_space<vmem>>
      %dma_start3A_331 = arith.constant 0 : i32
      %dma_start3A_332 = arith.constant 0 : i32
      %dma_start3A_333 = tpu.memref_slice %arg28[%dma_start3A_331, %dma_start3A_332] : memref<10112x16xf32, #tpu.memory_space<vmem_shared>> -> memref<10112x16xf32, #tpu.memory_space<vmem_shared>>
      tpu.enqueue_indirect_dma source(%arg11 : memref<128x16xf32, #tpu.memory_space<vmem>>) target(%dma_start3A_333 : memref<10112x16xf32, #tpu.memory_space<vmem_shared>>) offsets(%dma_start3A_330 : memref<128xi32, #tpu.memory_space<vmem>>) semaphore(%arg27 : memref<!tpu.dma_semaphore, #tpu.memory_space<semaphore_mem>>) {add = true}
      %add3A_334 = arith.constant 3 : i32
      %add3A_335 = arith.addi %mul3A_177, %add3A_334 : i32
      %dma_start3A_336 = arith.constant 0 : i32
      %dma_start3A_337 = tpu.memref_slice %arg8[%add3A_335, %dma_start3A_336] : memref<80x128xi32, #tpu.memory_space<vmem>> -> memref<1x128xi32, #tpu.memory_space<vmem>>
      %dma_start3A_338 = tpu.memref_squeeze %dma_start3A_337 : memref<1x128xi32, #tpu.memory_space<vmem>> -> memref<128xi32, #tpu.memory_space<vmem>>
      %dma_start3A_339 = arith.constant 0 : i32
      %dma_start3A_340 = arith.constant 0 : i32
      %dma_start3A_341 = tpu.memref_slice %arg28[%dma_start3A_339, %dma_start3A_340] : memref<10112x16xf32, #tpu.memory_space<vmem_shared>> -> memref<10112x16xf32, #tpu.memory_space<vmem_shared>>
      tpu.enqueue_indirect_dma source(%arg12 : memref<128x16xf32, #tpu.memory_space<vmem>>) target(%dma_start3A_341 : memref<10112x16xf32, #tpu.memory_space<vmem_shared>>) offsets(%dma_start3A_338 : memref<128xi32, #tpu.memory_space<vmem>>) semaphore(%arg27 : memref<!tpu.dma_semaphore, #tpu.memory_space<semaphore_mem>>) {add = true}
      %add3A_342 = arith.constant 4 : i32
      %add3A_343 = arith.addi %mul3A_177, %add3A_342 : i32
      %dma_start3A_344 = arith.constant 0 : i32
      %dma_start3A_345 = tpu.memref_slice %arg8[%add3A_343, %dma_start3A_344] : memref<80x128xi32, #tpu.memory_space<vmem>> -> memref<1x128xi32, #tpu.memory_space<vmem>>
      %dma_start3A_346 = tpu.memref_squeeze %dma_start3A_345 : memref<1x128xi32, #tpu.memory_space<vmem>> -> memref<128xi32, #tpu.memory_space<vmem>>
      %dma_start3A_347 = arith.constant 0 : i32
      %dma_start3A_348 = arith.constant 0 : i32
      %dma_start3A_349 = tpu.memref_slice %arg28[%dma_start3A_347, %dma_start3A_348] : memref<10112x16xf32, #tpu.memory_space<vmem_shared>> -> memref<10112x16xf32, #tpu.memory_space<vmem_shared>>
      tpu.enqueue_indirect_dma source(%arg13 : memref<128x16xf32, #tpu.memory_space<vmem>>) target(%dma_start3A_349 : memref<10112x16xf32, #tpu.memory_space<vmem_shared>>) offsets(%dma_start3A_346 : memref<128xi32, #tpu.memory_space<vmem>>) semaphore(%arg27 : memref<!tpu.dma_semaphore, #tpu.memory_space<semaphore_mem>>) {add = true}
      %add3A_350 = arith.constant 5 : i32
      %add3A_351 = arith.addi %mul3A_177, %add3A_350 : i32
      %dma_start3A_352 = arith.constant 0 : i32
      %dma_start3A_353 = tpu.memref_slice %arg8[%add3A_351, %dma_start3A_352] : memref<80x128xi32, #tpu.memory_space<vmem>> -> memref<1x128xi32, #tpu.memory_space<vmem>>
      %dma_start3A_354 = tpu.memref_squeeze %dma_start3A_353 : memref<1x128xi32, #tpu.memory_space<vmem>> -> memref<128xi32, #tpu.memory_space<vmem>>
      %dma_start3A_355 = arith.constant 0 : i32
      %dma_start3A_356 = arith.constant 0 : i32
      %dma_start3A_357 = tpu.memref_slice %arg28[%dma_start3A_355, %dma_start3A_356] : memref<10112x16xf32, #tpu.memory_space<vmem_shared>> -> memref<10112x16xf32, #tpu.memory_space<vmem_shared>>
      tpu.enqueue_indirect_dma source(%arg14 : memref<128x16xf32, #tpu.memory_space<vmem>>) target(%dma_start3A_357 : memref<10112x16xf32, #tpu.memory_space<vmem_shared>>) offsets(%dma_start3A_354 : memref<128xi32, #tpu.memory_space<vmem>>) semaphore(%arg27 : memref<!tpu.dma_semaphore, #tpu.memory_space<semaphore_mem>>) {add = true}
      %add3A_358 = arith.constant 6 : i32
      %add3A_359 = arith.addi %mul3A_177, %add3A_358 : i32
      %dma_start3A_360 = arith.constant 0 : i32
      %dma_start3A_361 = tpu.memref_slice %arg8[%add3A_359, %dma_start3A_360] : memref<80x128xi32, #tpu.memory_space<vmem>> -> memref<1x128xi32, #tpu.memory_space<vmem>>
      %dma_start3A_362 = tpu.memref_squeeze %dma_start3A_361 : memref<1x128xi32, #tpu.memory_space<vmem>> -> memref<128xi32, #tpu.memory_space<vmem>>
      %dma_start3A_363 = arith.constant 0 : i32
      %dma_start3A_364 = arith.constant 0 : i32
      %dma_start3A_365 = tpu.memref_slice %arg28[%dma_start3A_363, %dma_start3A_364] : memref<10112x16xf32, #tpu.memory_space<vmem_shared>> -> memref<10112x16xf32, #tpu.memory_space<vmem_shared>>
      tpu.enqueue_indirect_dma source(%arg15 : memref<128x16xf32, #tpu.memory_space<vmem>>) target(%dma_start3A_365 : memref<10112x16xf32, #tpu.memory_space<vmem_shared>>) offsets(%dma_start3A_362 : memref<128xi32, #tpu.memory_space<vmem>>) semaphore(%arg27 : memref<!tpu.dma_semaphore, #tpu.memory_space<semaphore_mem>>) {add = true}
      %add3A_366 = arith.constant 7 : i32
      %add3A_367 = arith.addi %mul3A_177, %add3A_366 : i32
      %dma_start3A_368 = arith.constant 0 : i32
      %dma_start3A_369 = tpu.memref_slice %arg8[%add3A_367, %dma_start3A_368] : memref<80x128xi32, #tpu.memory_space<vmem>> -> memref<1x128xi32, #tpu.memory_space<vmem>>
      %dma_start3A_370 = tpu.memref_squeeze %dma_start3A_369 : memref<1x128xi32, #tpu.memory_space<vmem>> -> memref<128xi32, #tpu.memory_space<vmem>>
      %dma_start3A_371 = arith.constant 0 : i32
      %dma_start3A_372 = arith.constant 0 : i32
      %dma_start3A_373 = tpu.memref_slice %arg28[%dma_start3A_371, %dma_start3A_372] : memref<10112x16xf32, #tpu.memory_space<vmem_shared>> -> memref<10112x16xf32, #tpu.memory_space<vmem_shared>>
      tpu.enqueue_indirect_dma source(%arg16 : memref<128x16xf32, #tpu.memory_space<vmem>>) target(%dma_start3A_373 : memref<10112x16xf32, #tpu.memory_space<vmem_shared>>) offsets(%dma_start3A_370 : memref<128xi32, #tpu.memory_space<vmem>>) semaphore(%arg27 : memref<!tpu.dma_semaphore, #tpu.memory_space<semaphore_mem>>) {add = true}
      %add3A_374 = arith.constant 8 : i32
      %add3A_375 = arith.addi %mul3A_177, %add3A_374 : i32
      %add3A_376 = arith.constant 0 : i32
      %add3A_377 = arith.addi %add3A_375, %add3A_376 : i32
      %dma_wait3A_378 = arith.constant 0 : i32
      %dma_wait3A_379 = tpu.memref_slice %arg7[%add3A_377, %dma_wait3A_378] : memref<80x128xi32, #tpu.memory_space<vmem>> -> memref<1x128xi32, #tpu.memory_space<vmem>>
      %dma_wait3A_380 = tpu.memref_squeeze %dma_wait3A_379 : memref<1x128xi32, #tpu.memory_space<vmem>> -> memref<128xi32, #tpu.memory_space<vmem>>
      %dma_wait3A_381 = arith.constant 0 : i32
      %dma_wait3A_382 = arith.constant 0 : i32
      %dma_wait3A_383 = tpu.memref_slice %arg2[%dma_wait3A_381, %dma_wait3A_382] : memref<10000x16xf32, #tpu.memory_space<hbm>> -> memref<10000x16xf32, #tpu.memory_space<hbm>>
      tpu.wait_indirect_dma semaphore(%arg26 : memref<!tpu.dma_semaphore, #tpu.memory_space<semaphore_mem>>) src(%dma_wait3A_383 : memref<10000x16xf32, #tpu.memory_space<hbm>>) dst(%arg17 : memref<128x16xf32, #tpu.memory_space<vmem>>)
      %add3A_384 = arith.constant 1 : i32
      %add3A_385 = arith.addi %add3A_375, %add3A_384 : i32
      %dma_wait3A_386 = arith.constant 0 : i32
      %dma_wait3A_387 = tpu.memref_slice %arg7[%add3A_385, %dma_wait3A_386] : memref<80x128xi32, #tpu.memory_space<vmem>> -> memref<1x128xi32, #tpu.memory_space<vmem>>
      %dma_wait3A_388 = tpu.memref_squeeze %dma_wait3A_387 : memref<1x128xi32, #tpu.memory_space<vmem>> -> memref<128xi32, #tpu.memory_space<vmem>>
      %dma_wait3A_389 = arith.constant 0 : i32
      %dma_wait3A_390 = arith.constant 0 : i32
      %dma_wait3A_391 = tpu.memref_slice %arg2[%dma_wait3A_389, %dma_wait3A_390] : memref<10000x16xf32, #tpu.memory_space<hbm>> -> memref<10000x16xf32, #tpu.memory_space<hbm>>
      tpu.wait_indirect_dma semaphore(%arg26 : memref<!tpu.dma_semaphore, #tpu.memory_space<semaphore_mem>>) src(%dma_wait3A_391 : memref<10000x16xf32, #tpu.memory_space<hbm>>) dst(%arg18 : memref<128x16xf32, #tpu.memory_space<vmem>>)
      %add3A_392 = arith.constant 2 : i32
      %add3A_393 = arith.addi %add3A_375, %add3A_392 : i32
      %dma_wait3A_394 = arith.constant 0 : i32
      %dma_wait3A_395 = tpu.memref_slice %arg7[%add3A_393, %dma_wait3A_394] : memref<80x128xi32, #tpu.memory_space<vmem>> -> memref<1x128xi32, #tpu.memory_space<vmem>>
      %dma_wait3A_396 = tpu.memref_squeeze %dma_wait3A_395 : memref<1x128xi32, #tpu.memory_space<vmem>> -> memref<128xi32, #tpu.memory_space<vmem>>
      %dma_wait3A_397 = arith.constant 0 : i32
      %dma_wait3A_398 = arith.constant 0 : i32
      %dma_wait3A_399 = tpu.memref_slice %arg2[%dma_wait3A_397, %dma_wait3A_398] : memref<10000x16xf32, #tpu.memory_space<hbm>> -> memref<10000x16xf32, #tpu.memory_space<hbm>>
      tpu.wait_indirect_dma semaphore(%arg26 : memref<!tpu.dma_semaphore, #tpu.memory_space<semaphore_mem>>) src(%dma_wait3A_399 : memref<10000x16xf32, #tpu.memory_space<hbm>>) dst(%arg19 : memref<128x16xf32, #tpu.memory_space<vmem>>)
      %add3A_400 = arith.constant 3 : i32
      %add3A_401 = arith.addi %add3A_375, %add3A_400 : i32
      %dma_wait3A_402 = arith.constant 0 : i32
      %dma_wait3A_403 = tpu.memref_slice %arg7[%add3A_401, %dma_wait3A_402] : memref<80x128xi32, #tpu.memory_space<vmem>> -> memref<1x128xi32, #tpu.memory_space<vmem>>
      %dma_wait3A_404 = tpu.memref_squeeze %dma_wait3A_403 : memref<1x128xi32, #tpu.memory_space<vmem>> -> memref<128xi32, #tpu.memory_space<vmem>>
      %dma_wait3A_405 = arith.constant 0 : i32
      %dma_wait3A_406 = arith.constant 0 : i32
      %dma_wait3A_407 = tpu.memref_slice %arg2[%dma_wait3A_405, %dma_wait3A_406] : memref<10000x16xf32, #tpu.memory_space<hbm>> -> memref<10000x16xf32, #tpu.memory_space<hbm>>
      tpu.wait_indirect_dma semaphore(%arg26 : memref<!tpu.dma_semaphore, #tpu.memory_space<semaphore_mem>>) src(%dma_wait3A_407 : memref<10000x16xf32, #tpu.memory_space<hbm>>) dst(%arg20 : memref<128x16xf32, #tpu.memory_space<vmem>>)
      %add3A_408 = arith.constant 4 : i32
      %add3A_409 = arith.addi %add3A_375, %add3A_408 : i32
      %dma_wait3A_410 = arith.constant 0 : i32
      %dma_wait3A_411 = tpu.memref_slice %arg7[%add3A_409, %dma_wait3A_410] : memref<80x128xi32, #tpu.memory_space<vmem>> -> memref<1x128xi32, #tpu.memory_space<vmem>>
      %dma_wait3A_412 = tpu.memref_squeeze %dma_wait3A_411 : memref<1x128xi32, #tpu.memory_space<vmem>> -> memref<128xi32, #tpu.memory_space<vmem>>
      %dma_wait3A_413 = arith.constant 0 : i32
      %dma_wait3A_414 = arith.constant 0 : i32
      %dma_wait3A_415 = tpu.memref_slice %arg2[%dma_wait3A_413, %dma_wait3A_414] : memref<10000x16xf32, #tpu.memory_space<hbm>> -> memref<10000x16xf32, #tpu.memory_space<hbm>>
      tpu.wait_indirect_dma semaphore(%arg26 : memref<!tpu.dma_semaphore, #tpu.memory_space<semaphore_mem>>) src(%dma_wait3A_415 : memref<10000x16xf32, #tpu.memory_space<hbm>>) dst(%arg21 : memref<128x16xf32, #tpu.memory_space<vmem>>)
      %add3A_416 = arith.constant 5 : i32
      %add3A_417 = arith.addi %add3A_375, %add3A_416 : i32
      %dma_wait3A_418 = arith.constant 0 : i32
      %dma_wait3A_419 = tpu.memref_slice %arg7[%add3A_417, %dma_wait3A_418] : memref<80x128xi32, #tpu.memory_space<vmem>> -> memref<1x128xi32, #tpu.memory_space<vmem>>
      %dma_wait3A_420 = tpu.memref_squeeze %dma_wait3A_419 : memref<1x128xi32, #tpu.memory_space<vmem>> -> memref<128xi32, #tpu.memory_space<vmem>>
      %dma_wait3A_421 = arith.constant 0 : i32
      %dma_wait3A_422 = arith.constant 0 : i32
      %dma_wait3A_423 = tpu.memref_slice %arg2[%dma_wait3A_421, %dma_wait3A_422] : memref<10000x16xf32, #tpu.memory_space<hbm>> -> memref<10000x16xf32, #tpu.memory_space<hbm>>
      tpu.wait_indirect_dma semaphore(%arg26 : memref<!tpu.dma_semaphore, #tpu.memory_space<semaphore_mem>>) src(%dma_wait3A_423 : memref<10000x16xf32, #tpu.memory_space<hbm>>) dst(%arg22 : memref<128x16xf32, #tpu.memory_space<vmem>>)
      %add3A_424 = arith.constant 6 : i32
      %add3A_425 = arith.addi %add3A_375, %add3A_424 : i32
      %dma_wait3A_426 = arith.constant 0 : i32
      %dma_wait3A_427 = tpu.memref_slice %arg7[%add3A_425, %dma_wait3A_426] : memref<80x128xi32, #tpu.memory_space<vmem>> -> memref<1x128xi32, #tpu.memory_space<vmem>>
      %dma_wait3A_428 = tpu.memref_squeeze %dma_wait3A_427 : memref<1x128xi32, #tpu.memory_space<vmem>> -> memref<128xi32, #tpu.memory_space<vmem>>
      %dma_wait3A_429 = arith.constant 0 : i32
      %dma_wait3A_430 = arith.constant 0 : i32
      %dma_wait3A_431 = tpu.memref_slice %arg2[%dma_wait3A_429, %dma_wait3A_430] : memref<10000x16xf32, #tpu.memory_space<hbm>> -> memref<10000x16xf32, #tpu.memory_space<hbm>>
      tpu.wait_indirect_dma semaphore(%arg26 : memref<!tpu.dma_semaphore, #tpu.memory_space<semaphore_mem>>) src(%dma_wait3A_431 : memref<10000x16xf32, #tpu.memory_space<hbm>>) dst(%arg23 : memref<128x16xf32, #tpu.memory_space<vmem>>)
      %add3A_432 = arith.constant 7 : i32
      %add3A_433 = arith.addi %add3A_375, %add3A_432 : i32
      %dma_wait3A_434 = arith.constant 0 : i32
      %dma_wait3A_435 = tpu.memref_slice %arg7[%add3A_433, %dma_wait3A_434] : memref<80x128xi32, #tpu.memory_space<vmem>> -> memref<1x128xi32, #tpu.memory_space<vmem>>
      %dma_wait3A_436 = tpu.memref_squeeze %dma_wait3A_435 : memref<1x128xi32, #tpu.memory_space<vmem>> -> memref<128xi32, #tpu.memory_space<vmem>>
      %dma_wait3A_437 = arith.constant 0 : i32
      %dma_wait3A_438 = arith.constant 0 : i32
      %dma_wait3A_439 = tpu.memref_slice %arg2[%dma_wait3A_437, %dma_wait3A_438] : memref<10000x16xf32, #tpu.memory_space<hbm>> -> memref<10000x16xf32, #tpu.memory_space<hbm>>
      tpu.wait_indirect_dma semaphore(%arg26 : memref<!tpu.dma_semaphore, #tpu.memory_space<semaphore_mem>>) src(%dma_wait3A_439 : memref<10000x16xf32, #tpu.memory_space<hbm>>) dst(%arg24 : memref<128x16xf32, #tpu.memory_space<vmem>>)
      %add3A_440 = arith.constant 0 : i32
      %add3A_441 = arith.addi %mul3A_177, %add3A_440 : i32
      %dma_wait3A_442 = arith.constant 0 : i32
      %dma_wait3A_443 = tpu.memref_slice %arg8[%add3A_441, %dma_wait3A_442] : memref<80x128xi32, #tpu.memory_space<vmem>> -> memref<1x128xi32, #tpu.memory_space<vmem>>
      %dma_wait3A_444 = tpu.memref_squeeze %dma_wait3A_443 : memref<1x128xi32, #tpu.memory_space<vmem>> -> memref<128xi32, #tpu.memory_space<vmem>>
      %dma_wait3A_445 = arith.constant 0 : i32
      %dma_wait3A_446 = arith.constant 0 : i32
      %dma_wait3A_447 = tpu.memref_slice %arg28[%dma_wait3A_445, %dma_wait3A_446] : memref<10112x16xf32, #tpu.memory_space<vmem_shared>> -> memref<10112x16xf32, #tpu.memory_space<vmem_shared>>
      tpu.wait_indirect_dma semaphore(%arg27 : memref<!tpu.dma_semaphore, #tpu.memory_space<semaphore_mem>>) src(%arg9 : memref<128x16xf32, #tpu.memory_space<vmem>>) dst(%dma_wait3A_447 : memref<10112x16xf32, #tpu.memory_space<vmem_shared>>)
      %add3A_448 = arith.constant 1 : i32
      %add3A_449 = arith.addi %mul3A_177, %add3A_448 : i32
      %dma_wait3A_450 = arith.constant 0 : i32
      %dma_wait3A_451 = tpu.memref_slice %arg8[%add3A_449, %dma_wait3A_450] : memref<80x128xi32, #tpu.memory_space<vmem>> -> memref<1x128xi32, #tpu.memory_space<vmem>>
      %dma_wait3A_452 = tpu.memref_squeeze %dma_wait3A_451 : memref<1x128xi32, #tpu.memory_space<vmem>> -> memref<128xi32, #tpu.memory_space<vmem>>
      %dma_wait3A_453 = arith.constant 0 : i32
      %dma_wait3A_454 = arith.constant 0 : i32
      %dma_wait3A_455 = tpu.memref_slice %arg28[%dma_wait3A_453, %dma_wait3A_454] : memref<10112x16xf32, #tpu.memory_space<vmem_shared>> -> memref<10112x16xf32, #tpu.memory_space<vmem_shared>>
      tpu.wait_indirect_dma semaphore(%arg27 : memref<!tpu.dma_semaphore, #tpu.memory_space<semaphore_mem>>) src(%arg10 : memref<128x16xf32, #tpu.memory_space<vmem>>) dst(%dma_wait3A_455 : memref<10112x16xf32, #tpu.memory_space<vmem_shared>>)
      %add3A_456 = arith.constant 2 : i32
      %add3A_457 = arith.addi %mul3A_177, %add3A_456 : i32
      %dma_wait3A_458 = arith.constant 0 : i32
      %dma_wait3A_459 = tpu.memref_slice %arg8[%add3A_457, %dma_wait3A_458] : memref<80x128xi32, #tpu.memory_space<vmem>> -> memref<1x128xi32, #tpu.memory_space<vmem>>
      %dma_wait3A_460 = tpu.memref_squeeze %dma_wait3A_459 : memref<1x128xi32, #tpu.memory_space<vmem>> -> memref<128xi32, #tpu.memory_space<vmem>>
      %dma_wait3A_461 = arith.constant 0 : i32
      %dma_wait3A_462 = arith.constant 0 : i32
      %dma_wait3A_463 = tpu.memref_slice %arg28[%dma_wait3A_461, %dma_wait3A_462] : memref<10112x16xf32, #tpu.memory_space<vmem_shared>> -> memref<10112x16xf32, #tpu.memory_space<vmem_shared>>
      tpu.wait_indirect_dma semaphore(%arg27 : memref<!tpu.dma_semaphore, #tpu.memory_space<semaphore_mem>>) src(%arg11 : memref<128x16xf32, #tpu.memory_space<vmem>>) dst(%dma_wait3A_463 : memref<10112x16xf32, #tpu.memory_space<vmem_shared>>)
      %add3A_464 = arith.constant 3 : i32
      %add3A_465 = arith.addi %mul3A_177, %add3A_464 : i32
      %dma_wait3A_466 = arith.constant 0 : i32
      %dma_wait3A_467 = tpu.memref_slice %arg8[%add3A_465, %dma_wait3A_466] : memref<80x128xi32, #tpu.memory_space<vmem>> -> memref<1x128xi32, #tpu.memory_space<vmem>>
      %dma_wait3A_468 = tpu.memref_squeeze %dma_wait3A_467 : memref<1x128xi32, #tpu.memory_space<vmem>> -> memref<128xi32, #tpu.memory_space<vmem>>
      %dma_wait3A_469 = arith.constant 0 : i32
      %dma_wait3A_470 = arith.constant 0 : i32
      %dma_wait3A_471 = tpu.memref_slice %arg28[%dma_wait3A_469, %dma_wait3A_470] : memref<10112x16xf32, #tpu.memory_space<vmem_shared>> -> memref<10112x16xf32, #tpu.memory_space<vmem_shared>>
      tpu.wait_indirect_dma semaphore(%arg27 : memref<!tpu.dma_semaphore, #tpu.memory_space<semaphore_mem>>) src(%arg12 : memref<128x16xf32, #tpu.memory_space<vmem>>) dst(%dma_wait3A_471 : memref<10112x16xf32, #tpu.memory_space<vmem_shared>>)
      %add3A_472 = arith.constant 4 : i32
      %add3A_473 = arith.addi %mul3A_177, %add3A_472 : i32
      %dma_wait3A_474 = arith.constant 0 : i32
      %dma_wait3A_475 = tpu.memref_slice %arg8[%add3A_473, %dma_wait3A_474] : memref<80x128xi32, #tpu.memory_space<vmem>> -> memref<1x128xi32, #tpu.memory_space<vmem>>
      %dma_wait3A_476 = tpu.memref_squeeze %dma_wait3A_475 : memref<1x128xi32, #tpu.memory_space<vmem>> -> memref<128xi32, #tpu.memory_space<vmem>>
      %dma_wait3A_477 = arith.constant 0 : i32
      %dma_wait3A_478 = arith.constant 0 : i32
      %dma_wait3A_479 = tpu.memref_slice %arg28[%dma_wait3A_477, %dma_wait3A_478] : memref<10112x16xf32, #tpu.memory_space<vmem_shared>> -> memref<10112x16xf32, #tpu.memory_space<vmem_shared>>
      tpu.wait_indirect_dma semaphore(%arg27 : memref<!tpu.dma_semaphore, #tpu.memory_space<semaphore_mem>>) src(%arg13 : memref<128x16xf32, #tpu.memory_space<vmem>>) dst(%dma_wait3A_479 : memref<10112x16xf32, #tpu.memory_space<vmem_shared>>)
      %add3A_480 = arith.constant 5 : i32
      %add3A_481 = arith.addi %mul3A_177, %add3A_480 : i32
      %dma_wait3A_482 = arith.constant 0 : i32
      %dma_wait3A_483 = tpu.memref_slice %arg8[%add3A_481, %dma_wait3A_482] : memref<80x128xi32, #tpu.memory_space<vmem>> -> memref<1x128xi32, #tpu.memory_space<vmem>>
      %dma_wait3A_484 = tpu.memref_squeeze %dma_wait3A_483 : memref<1x128xi32, #tpu.memory_space<vmem>> -> memref<128xi32, #tpu.memory_space<vmem>>
      %dma_wait3A_485 = arith.constant 0 : i32
      %dma_wait3A_486 = arith.constant 0 : i32
      %dma_wait3A_487 = tpu.memref_slice %arg28[%dma_wait3A_485, %dma_wait3A_486] : memref<10112x16xf32, #tpu.memory_space<vmem_shared>> -> memref<10112x16xf32, #tpu.memory_space<vmem_shared>>
      tpu.wait_indirect_dma semaphore(%arg27 : memref<!tpu.dma_semaphore, #tpu.memory_space<semaphore_mem>>) src(%arg14 : memref<128x16xf32, #tpu.memory_space<vmem>>) dst(%dma_wait3A_487 : memref<10112x16xf32, #tpu.memory_space<vmem_shared>>)
      %add3A_488 = arith.constant 6 : i32
      %add3A_489 = arith.addi %mul3A_177, %add3A_488 : i32
      %dma_wait3A_490 = arith.constant 0 : i32
      %dma_wait3A_491 = tpu.memref_slice %arg8[%add3A_489, %dma_wait3A_490] : memref<80x128xi32, #tpu.memory_space<vmem>> -> memref<1x128xi32, #tpu.memory_space<vmem>>
      %dma_wait3A_492 = tpu.memref_squeeze %dma_wait3A_491 : memref<1x128xi32, #tpu.memory_space<vmem>> -> memref<128xi32, #tpu.memory_space<vmem>>
      %dma_wait3A_493 = arith.constant 0 : i32
      %dma_wait3A_494 = arith.constant 0 : i32
      %dma_wait3A_495 = tpu.memref_slice %arg28[%dma_wait3A_493, %dma_wait3A_494] : memref<10112x16xf32, #tpu.memory_space<vmem_shared>> -> memref<10112x16xf32, #tpu.memory_space<vmem_shared>>
      tpu.wait_indirect_dma semaphore(%arg27 : memref<!tpu.dma_semaphore, #tpu.memory_space<semaphore_mem>>) src(%arg15 : memref<128x16xf32, #tpu.memory_space<vmem>>) dst(%dma_wait3A_495 : memref<10112x16xf32, #tpu.memory_space<vmem_shared>>)
      %add3A_496 = arith.constant 7 : i32
      %add3A_497 = arith.addi %mul3A_177, %add3A_496 : i32
      %dma_wait3A_498 = arith.constant 0 : i32
      %dma_wait3A_499 = tpu.memref_slice %arg8[%add3A_497, %dma_wait3A_498] : memref<80x128xi32, #tpu.memory_space<vmem>> -> memref<1x128xi32, #tpu.memory_space<vmem>>
      %dma_wait3A_500 = tpu.memref_squeeze %dma_wait3A_499 : memref<1x128xi32, #tpu.memory_space<vmem>> -> memref<128xi32, #tpu.memory_space<vmem>>
      %dma_wait3A_501 = arith.constant 0 : i32
      %dma_wait3A_502 = arith.constant 0 : i32
      %dma_wait3A_503 = tpu.memref_slice %arg28[%dma_wait3A_501, %dma_wait3A_502] : memref<10112x16xf32, #tpu.memory_space<vmem_shared>> -> memref<10112x16xf32, #tpu.memory_space<vmem_shared>>
      tpu.wait_indirect_dma semaphore(%arg27 : memref<!tpu.dma_semaphore, #tpu.memory_space<semaphore_mem>>) src(%arg16 : memref<128x16xf32, #tpu.memory_space<vmem>>) dst(%dma_wait3A_503 : memref<10112x16xf32, #tpu.memory_space<vmem_shared>>)
      %add3A_504 = arith.constant 1 : i32
      %add3A_505 = arith.addi %scan3A_173, %add3A_504 : i32
      %lt3A = arith.constant 5 : i32
      %lt3A_506 = arith.cmpi slt, %add3A_505, %lt3A : i32
      %convert_element_type3A_507 = arith.extui %lt3A_506 : i1 to i32
      %cond3A_508 = arith.constant 0 : i32
      %cond3A_509 = arith.cmpi ne, %convert_element_type3A_507, %cond3A_508 : i32
      scf.if %cond3A_509 {
        %add3A_576 = arith.constant 16 : i32
        %add3A_577 = arith.addi %mul3A_177, %add3A_576 : i32
        %add3A_578 = arith.constant 0 : i32
        %add3A_579 = arith.addi %add3A_577, %add3A_578 : i32
        %dma_start3A_580 = arith.constant 0 : i32
        %dma_start3A_581 = tpu.memref_slice %arg7[%add3A_579, %dma_start3A_580] : memref<80x128xi32, #tpu.memory_space<vmem>> -> memref<1x128xi32, #tpu.memory_space<vmem>>
        %dma_start3A_582 = tpu.memref_squeeze %dma_start3A_581 : memref<1x128xi32, #tpu.memory_space<vmem>> -> memref<128xi32, #tpu.memory_space<vmem>>
        %dma_start3A_583 = arith.constant 0 : i32
        %dma_start3A_584 = arith.constant 0 : i32
        %dma_start3A_585 = tpu.memref_slice %arg2[%dma_start3A_583, %dma_start3A_584] : memref<10000x16xf32, #tpu.memory_space<hbm>> -> memref<10000x16xf32, #tpu.memory_space<hbm>>
        tpu.enqueue_indirect_dma source(%dma_start3A_585 : memref<10000x16xf32, #tpu.memory_space<hbm>>) target(%arg9 : memref<128x16xf32, #tpu.memory_space<vmem>>) offsets(%dma_start3A_582 : memref<128xi32, #tpu.memory_space<vmem>>) semaphore(%arg26 : memref<!tpu.dma_semaphore, #tpu.memory_space<semaphore_mem>>)
        %add3A_586 = arith.constant 1 : i32
        %add3A_587 = arith.addi %add3A_577, %add3A_586 : i32
        %dma_start3A_588 = arith.constant 0 : i32
        %dma_start3A_589 = tpu.memref_slice %arg7[%add3A_587, %dma_start3A_588] : memref<80x128xi32, #tpu.memory_space<vmem>> -> memref<1x128xi32, #tpu.memory_space<vmem>>
        %dma_start3A_590 = tpu.memref_squeeze %dma_start3A_589 : memref<1x128xi32, #tpu.memory_space<vmem>> -> memref<128xi32, #tpu.memory_space<vmem>>
        %dma_start3A_591 = arith.constant 0 : i32
        %dma_start3A_592 = arith.constant 0 : i32
        %dma_start3A_593 = tpu.memref_slice %arg2[%dma_start3A_591, %dma_start3A_592] : memref<10000x16xf32, #tpu.memory_space<hbm>> -> memref<10000x16xf32, #tpu.memory_space<hbm>>
        tpu.enqueue_indirect_dma source(%dma_start3A_593 : memref<10000x16xf32, #tpu.memory_space<hbm>>) target(%arg10 : memref<128x16xf32, #tpu.memory_space<vmem>>) offsets(%dma_start3A_590 : memref<128xi32, #tpu.memory_space<vmem>>) semaphore(%arg26 : memref<!tpu.dma_semaphore, #tpu.memory_space<semaphore_mem>>)
        %add3A_594 = arith.constant 2 : i32
        %add3A_595 = arith.addi %add3A_577, %add3A_594 : i32
        %dma_start3A_596 = arith.constant 0 : i32
        %dma_start3A_597 = tpu.memref_slice %arg7[%add3A_595, %dma_start3A_596] : memref<80x128xi32, #tpu.memory_space<vmem>> -> memref<1x128xi32, #tpu.memory_space<vmem>>
        %dma_start3A_598 = tpu.memref_squeeze %dma_start3A_597 : memref<1x128xi32, #tpu.memory_space<vmem>> -> memref<128xi32, #tpu.memory_space<vmem>>
        %dma_start3A_599 = arith.constant 0 : i32
        %dma_start3A_600 = arith.constant 0 : i32
        %dma_start3A_601 = tpu.memref_slice %arg2[%dma_start3A_599, %dma_start3A_600] : memref<10000x16xf32, #tpu.memory_space<hbm>> -> memref<10000x16xf32, #tpu.memory_space<hbm>>
        tpu.enqueue_indirect_dma source(%dma_start3A_601 : memref<10000x16xf32, #tpu.memory_space<hbm>>) target(%arg11 : memref<128x16xf32, #tpu.memory_space<vmem>>) offsets(%dma_start3A_598 : memref<128xi32, #tpu.memory_space<vmem>>) semaphore(%arg26 : memref<!tpu.dma_semaphore, #tpu.memory_space<semaphore_mem>>)
        %add3A_602 = arith.constant 3 : i32
        %add3A_603 = arith.addi %add3A_577, %add3A_602 : i32
        %dma_start3A_604 = arith.constant 0 : i32
        %dma_start3A_605 = tpu.memref_slice %arg7[%add3A_603, %dma_start3A_604] : memref<80x128xi32, #tpu.memory_space<vmem>> -> memref<1x128xi32, #tpu.memory_space<vmem>>
        %dma_start3A_606 = tpu.memref_squeeze %dma_start3A_605 : memref<1x128xi32, #tpu.memory_space<vmem>> -> memref<128xi32, #tpu.memory_space<vmem>>
        %dma_start3A_607 = arith.constant 0 : i32
        %dma_start3A_608 = arith.constant 0 : i32
        %dma_start3A_609 = tpu.memref_slice %arg2[%dma_start3A_607, %dma_start3A_608] : memref<10000x16xf32, #tpu.memory_space<hbm>> -> memref<10000x16xf32, #tpu.memory_space<hbm>>
        tpu.enqueue_indirect_dma source(%dma_start3A_609 : memref<10000x16xf32, #tpu.memory_space<hbm>>) target(%arg12 : memref<128x16xf32, #tpu.memory_space<vmem>>) offsets(%dma_start3A_606 : memref<128xi32, #tpu.memory_space<vmem>>) semaphore(%arg26 : memref<!tpu.dma_semaphore, #tpu.memory_space<semaphore_mem>>)
        %add3A_610 = arith.constant 4 : i32
        %add3A_611 = arith.addi %add3A_577, %add3A_610 : i32
        %dma_start3A_612 = arith.constant 0 : i32
        %dma_start3A_613 = tpu.memref_slice %arg7[%add3A_611, %dma_start3A_612] : memref<80x128xi32, #tpu.memory_space<vmem>> -> memref<1x128xi32, #tpu.memory_space<vmem>>
        %dma_start3A_614 = tpu.memref_squeeze %dma_start3A_613 : memref<1x128xi32, #tpu.memory_space<vmem>> -> memref<128xi32, #tpu.memory_space<vmem>>
        %dma_start3A_615 = arith.constant 0 : i32
        %dma_start3A_616 = arith.constant 0 : i32
        %dma_start3A_617 = tpu.memref_slice %arg2[%dma_start3A_615, %dma_start3A_616] : memref<10000x16xf32, #tpu.memory_space<hbm>> -> memref<10000x16xf32, #tpu.memory_space<hbm>>
        tpu.enqueue_indirect_dma source(%dma_start3A_617 : memref<10000x16xf32, #tpu.memory_space<hbm>>) target(%arg13 : memref<128x16xf32, #tpu.memory_space<vmem>>) offsets(%dma_start3A_614 : memref<128xi32, #tpu.memory_space<vmem>>) semaphore(%arg26 : memref<!tpu.dma_semaphore, #tpu.memory_space<semaphore_mem>>)
        %add3A_618 = arith.constant 5 : i32
        %add3A_619 = arith.addi %add3A_577, %add3A_618 : i32
        %dma_start3A_620 = arith.constant 0 : i32
        %dma_start3A_621 = tpu.memref_slice %arg7[%add3A_619, %dma_start3A_620] : memref<80x128xi32, #tpu.memory_space<vmem>> -> memref<1x128xi32, #tpu.memory_space<vmem>>
        %dma_start3A_622 = tpu.memref_squeeze %dma_start3A_621 : memref<1x128xi32, #tpu.memory_space<vmem>> -> memref<128xi32, #tpu.memory_space<vmem>>
        %dma_start3A_623 = arith.constant 0 : i32
        %dma_start3A_624 = arith.constant 0 : i32
        %dma_start3A_625 = tpu.memref_slice %arg2[%dma_start3A_623, %dma_start3A_624] : memref<10000x16xf32, #tpu.memory_space<hbm>> -> memref<10000x16xf32, #tpu.memory_space<hbm>>
        tpu.enqueue_indirect_dma source(%dma_start3A_625 : memref<10000x16xf32, #tpu.memory_space<hbm>>) target(%arg14 : memref<128x16xf32, #tpu.memory_space<vmem>>) offsets(%dma_start3A_622 : memref<128xi32, #tpu.memory_space<vmem>>) semaphore(%arg26 : memref<!tpu.dma_semaphore, #tpu.memory_space<semaphore_mem>>)
        %add3A_626 = arith.constant 6 : i32
        %add3A_627 = arith.addi %add3A_577, %add3A_626 : i32
        %dma_start3A_628 = arith.constant 0 : i32
        %dma_start3A_629 = tpu.memref_slice %arg7[%add3A_627, %dma_start3A_628] : memref<80x128xi32, #tpu.memory_space<vmem>> -> memref<1x128xi32, #tpu.memory_space<vmem>>
        %dma_start3A_630 = tpu.memref_squeeze %dma_start3A_629 : memref<1x128xi32, #tpu.memory_space<vmem>> -> memref<128xi32, #tpu.memory_space<vmem>>
        %dma_start3A_631 = arith.constant 0 : i32
        %dma_start3A_632 = arith.constant 0 : i32
        %dma_start3A_633 = tpu.memref_slice %arg2[%dma_start3A_631, %dma_start3A_632] : memref<10000x16xf32, #tpu.memory_space<hbm>> -> memref<10000x16xf32, #tpu.memory_space<hbm>>
        tpu.enqueue_indirect_dma source(%dma_start3A_633 : memref<10000x16xf32, #tpu.memory_space<hbm>>) target(%arg15 : memref<128x16xf32, #tpu.memory_space<vmem>>) offsets(%dma_start3A_630 : memref<128xi32, #tpu.memory_space<vmem>>) semaphore(%arg26 : memref<!tpu.dma_semaphore, #tpu.memory_space<semaphore_mem>>)
        %add3A_634 = arith.constant 7 : i32
        %add3A_635 = arith.addi %add3A_577, %add3A_634 : i32
        %dma_start3A_636 = arith.constant 0 : i32
        %dma_start3A_637 = tpu.memref_slice %arg7[%add3A_635, %dma_start3A_636] : memref<80x128xi32, #tpu.memory_space<vmem>> -> memref<1x128xi32, #tpu.memory_space<vmem>>
        %dma_start3A_638 = tpu.memref_squeeze %dma_start3A_637 : memref<1x128xi32, #tpu.memory_space<vmem>> -> memref<128xi32, #tpu.memory_space<vmem>>
        %dma_start3A_639 = arith.constant 0 : i32
        %dma_start3A_640 = arith.constant 0 : i32
        %dma_start3A_641 = tpu.memref_slice %arg2[%dma_start3A_639, %dma_start3A_640] : memref<10000x16xf32, #tpu.memory_space<hbm>> -> memref<10000x16xf32, #tpu.memory_space<hbm>>
        tpu.enqueue_indirect_dma source(%dma_start3A_641 : memref<10000x16xf32, #tpu.memory_space<hbm>>) target(%arg16 : memref<128x16xf32, #tpu.memory_space<vmem>>) offsets(%dma_start3A_638 : memref<128xi32, #tpu.memory_space<vmem>>) semaphore(%arg26 : memref<!tpu.dma_semaphore, #tpu.memory_space<semaphore_mem>>)
      } else {
      }
      %add3A_510 = arith.constant 8 : i32
      %add3A_511 = arith.addi %mul3A_177, %add3A_510 : i32
      %add3A_512 = arith.constant 0 : i32
      %add3A_513 = arith.addi %add3A_511, %add3A_512 : i32
      %dma_start3A_514 = arith.constant 0 : i32
      %dma_start3A_515 = tpu.memref_slice %arg8[%add3A_513, %dma_start3A_514] : memref<80x128xi32, #tpu.memory_space<vmem>> -> memref<1x128xi32, #tpu.memory_space<vmem>>
      %dma_start3A_516 = tpu.memref_squeeze %dma_start3A_515 : memref<1x128xi32, #tpu.memory_space<vmem>> -> memref<128xi32, #tpu.memory_space<vmem>>
      %dma_start3A_517 = arith.constant 0 : i32
      %dma_start3A_518 = arith.constant 0 : i32
      %dma_start3A_519 = tpu.memref_slice %arg28[%dma_start3A_517, %dma_start3A_518] : memref<10112x16xf32, #tpu.memory_space<vmem_shared>> -> memref<10112x16xf32, #tpu.memory_space<vmem_shared>>
      tpu.enqueue_indirect_dma source(%arg17 : memref<128x16xf32, #tpu.memory_space<vmem>>) target(%dma_start3A_519 : memref<10112x16xf32, #tpu.memory_space<vmem_shared>>) offsets(%dma_start3A_516 : memref<128xi32, #tpu.memory_space<vmem>>) semaphore(%arg27 : memref<!tpu.dma_semaphore, #tpu.memory_space<semaphore_mem>>) {add = true}
      %add3A_520 = arith.constant 1 : i32
      %add3A_521 = arith.addi %add3A_511, %add3A_520 : i32
      %dma_start3A_522 = arith.constant 0 : i32
      %dma_start3A_523 = tpu.memref_slice %arg8[%add3A_521, %dma_start3A_522] : memref<80x128xi32, #tpu.memory_space<vmem>> -> memref<1x128xi32, #tpu.memory_space<vmem>>
      %dma_start3A_524 = tpu.memref_squeeze %dma_start3A_523 : memref<1x128xi32, #tpu.memory_space<vmem>> -> memref<128xi32, #tpu.memory_space<vmem>>
      %dma_start3A_525 = arith.constant 0 : i32
      %dma_start3A_526 = arith.constant 0 : i32
      %dma_start3A_527 = tpu.memref_slice %arg28[%dma_start3A_525, %dma_start3A_526] : memref<10112x16xf32, #tpu.memory_space<vmem_shared>> -> memref<10112x16xf32, #tpu.memory_space<vmem_shared>>
      tpu.enqueue_indirect_dma source(%arg18 : memref<128x16xf32, #tpu.memory_space<vmem>>) target(%dma_start3A_527 : memref<10112x16xf32, #tpu.memory_space<vmem_shared>>) offsets(%dma_start3A_524 : memref<128xi32, #tpu.memory_space<vmem>>) semaphore(%arg27 : memref<!tpu.dma_semaphore, #tpu.memory_space<semaphore_mem>>) {add = true}
      %add3A_528 = arith.constant 2 : i32
      %add3A_529 = arith.addi %add3A_511, %add3A_528 : i32
      %dma_start3A_530 = arith.constant 0 : i32
      %dma_start3A_531 = tpu.memref_slice %arg8[%add3A_529, %dma_start3A_530] : memref<80x128xi32, #tpu.memory_space<vmem>> -> memref<1x128xi32, #tpu.memory_space<vmem>>
      %dma_start3A_532 = tpu.memref_squeeze %dma_start3A_531 : memref<1x128xi32, #tpu.memory_space<vmem>> -> memref<128xi32, #tpu.memory_space<vmem>>
      %dma_start3A_533 = arith.constant 0 : i32
      %dma_start3A_534 = arith.constant 0 : i32
      %dma_start3A_535 = tpu.memref_slice %arg28[%dma_start3A_533, %dma_start3A_534] : memref<10112x16xf32, #tpu.memory_space<vmem_shared>> -> memref<10112x16xf32, #tpu.memory_space<vmem_shared>>
      tpu.enqueue_indirect_dma source(%arg19 : memref<128x16xf32, #tpu.memory_space<vmem>>) target(%dma_start3A_535 : memref<10112x16xf32, #tpu.memory_space<vmem_shared>>) offsets(%dma_start3A_532 : memref<128xi32, #tpu.memory_space<vmem>>) semaphore(%arg27 : memref<!tpu.dma_semaphore, #tpu.memory_space<semaphore_mem>>) {add = true}
      %add3A_536 = arith.constant 3 : i32
      %add3A_537 = arith.addi %add3A_511, %add3A_536 : i32
      %dma_start3A_538 = arith.constant 0 : i32
      %dma_start3A_539 = tpu.memref_slice %arg8[%add3A_537, %dma_start3A_538] : memref<80x128xi32, #tpu.memory_space<vmem>> -> memref<1x128xi32, #tpu.memory_space<vmem>>
      %dma_start3A_540 = tpu.memref_squeeze %dma_start3A_539 : memref<1x128xi32, #tpu.memory_space<vmem>> -> memref<128xi32, #tpu.memory_space<vmem>>
      %dma_start3A_541 = arith.constant 0 : i32
      %dma_start3A_542 = arith.constant 0 : i32
      %dma_start3A_543 = tpu.memref_slice %arg28[%dma_start3A_541, %dma_start3A_542] : memref<10112x16xf32, #tpu.memory_space<vmem_shared>> -> memref<10112x16xf32, #tpu.memory_space<vmem_shared>>
      tpu.enqueue_indirect_dma source(%arg20 : memref<128x16xf32, #tpu.memory_space<vmem>>) target(%dma_start3A_543 : memref<10112x16xf32, #tpu.memory_space<vmem_shared>>) offsets(%dma_start3A_540 : memref<128xi32, #tpu.memory_space<vmem>>) semaphore(%arg27 : memref<!tpu.dma_semaphore, #tpu.memory_space<semaphore_mem>>) {add = true}
      %add3A_544 = arith.constant 4 : i32
      %add3A_545 = arith.addi %add3A_511, %add3A_544 : i32
      %dma_start3A_546 = arith.constant 0 : i32
      %dma_start3A_547 = tpu.memref_slice %arg8[%add3A_545, %dma_start3A_546] : memref<80x128xi32, #tpu.memory_space<vmem>> -> memref<1x128xi32, #tpu.memory_space<vmem>>
      %dma_start3A_548 = tpu.memref_squeeze %dma_start3A_547 : memref<1x128xi32, #tpu.memory_space<vmem>> -> memref<128xi32, #tpu.memory_space<vmem>>
      %dma_start3A_549 = arith.constant 0 : i32
      %dma_start3A_550 = arith.constant 0 : i32
      %dma_start3A_551 = tpu.memref_slice %arg28[%dma_start3A_549, %dma_start3A_550] : memref<10112x16xf32, #tpu.memory_space<vmem_shared>> -> memref<10112x16xf32, #tpu.memory_space<vmem_shared>>
      tpu.enqueue_indirect_dma source(%arg21 : memref<128x16xf32, #tpu.memory_space<vmem>>) target(%dma_start3A_551 : memref<10112x16xf32, #tpu.memory_space<vmem_shared>>) offsets(%dma_start3A_548 : memref<128xi32, #tpu.memory_space<vmem>>) semaphore(%arg27 : memref<!tpu.dma_semaphore, #tpu.memory_space<semaphore_mem>>) {add = true}
      %add3A_552 = arith.constant 5 : i32
      %add3A_553 = arith.addi %add3A_511, %add3A_552 : i32
      %dma_start3A_554 = arith.constant 0 : i32
      %dma_start3A_555 = tpu.memref_slice %arg8[%add3A_553, %dma_start3A_554] : memref<80x128xi32, #tpu.memory_space<vmem>> -> memref<1x128xi32, #tpu.memory_space<vmem>>
      %dma_start3A_556 = tpu.memref_squeeze %dma_start3A_555 : memref<1x128xi32, #tpu.memory_space<vmem>> -> memref<128xi32, #tpu.memory_space<vmem>>
      %dma_start3A_557 = arith.constant 0 : i32
      %dma_start3A_558 = arith.constant 0 : i32
      %dma_start3A_559 = tpu.memref_slice %arg28[%dma_start3A_557, %dma_start3A_558] : memref<10112x16xf32, #tpu.memory_space<vmem_shared>> -> memref<10112x16xf32, #tpu.memory_space<vmem_shared>>
      tpu.enqueue_indirect_dma source(%arg22 : memref<128x16xf32, #tpu.memory_space<vmem>>) target(%dma_start3A_559 : memref<10112x16xf32, #tpu.memory_space<vmem_shared>>) offsets(%dma_start3A_556 : memref<128xi32, #tpu.memory_space<vmem>>) semaphore(%arg27 : memref<!tpu.dma_semaphore, #tpu.memory_space<semaphore_mem>>) {add = true}
      %add3A_560 = arith.constant 6 : i32
      %add3A_561 = arith.addi %add3A_511, %add3A_560 : i32
      %dma_start3A_562 = arith.constant 0 : i32
      %dma_start3A_563 = tpu.memref_slice %arg8[%add3A_561, %dma_start3A_562] : memref<80x128xi32, #tpu.memory_space<vmem>> -> memref<1x128xi32, #tpu.memory_space<vmem>>
      %dma_start3A_564 = tpu.memref_squeeze %dma_start3A_563 : memref<1x128xi32, #tpu.memory_space<vmem>> -> memref<128xi32, #tpu.memory_space<vmem>>
      %dma_start3A_565 = arith.constant 0 : i32
      %dma_start3A_566 = arith.constant 0 : i32
      %dma_start3A_567 = tpu.memref_slice %arg28[%dma_start3A_565, %dma_start3A_566] : memref<10112x16xf32, #tpu.memory_space<vmem_shared>> -> memref<10112x16xf32, #tpu.memory_space<vmem_shared>>
      tpu.enqueue_indirect_dma source(%arg23 : memref<128x16xf32, #tpu.memory_space<vmem>>) target(%dma_start3A_567 : memref<10112x16xf32, #tpu.memory_space<vmem_shared>>) offsets(%dma_start3A_564 : memref<128xi32, #tpu.memory_space<vmem>>) semaphore(%arg27 : memref<!tpu.dma_semaphore, #tpu.memory_space<semaphore_mem>>) {add = true}
      %add3A_568 = arith.constant 7 : i32
      %add3A_569 = arith.addi %add3A_511, %add3A_568 : i32
      %dma_start3A_570 = arith.constant 0 : i32
      %dma_start3A_571 = tpu.memref_slice %arg8[%add3A_569, %dma_start3A_570] : memref<80x128xi32, #tpu.memory_space<vmem>> -> memref<1x128xi32, #tpu.memory_space<vmem>>
      %dma_start3A_572 = tpu.memref_squeeze %dma_start3A_571 : memref<1x128xi32, #tpu.memory_space<vmem>> -> memref<128xi32, #tpu.memory_space<vmem>>
      %dma_start3A_573 = arith.constant 0 : i32
      %dma_start3A_574 = arith.constant 0 : i32
      %dma_start3A_575 = tpu.memref_slice %arg28[%dma_start3A_573, %dma_start3A_574] : memref<10112x16xf32, #tpu.memory_space<vmem_shared>> -> memref<10112x16xf32, #tpu.memory_space<vmem_shared>>
      tpu.enqueue_indirect_dma source(%arg24 : memref<128x16xf32, #tpu.memory_space<vmem>>) target(%dma_start3A_575 : memref<10112x16xf32, #tpu.memory_space<vmem_shared>>) offsets(%dma_start3A_572 : memref<128xi32, #tpu.memory_space<vmem>>) semaphore(%arg27 : memref<!tpu.dma_semaphore, #tpu.memory_space<semaphore_mem>>) {add = true}
    }
    %scan3A_101 = arith.constant 5 : i32
    %dma_wait3A_102 = arith.constant 72 : i32
    %dma_wait3A_103 = arith.constant 0 : i32
    %dma_wait3A_104 = tpu.memref_slice %arg8[%dma_wait3A_102, %dma_wait3A_103] : memref<80x128xi32, #tpu.memory_space<vmem>> -> memref<1x128xi32, #tpu.memory_space<vmem>>
    %dma_wait3A_105 = tpu.memref_squeeze %dma_wait3A_104 : memref<1x128xi32, #tpu.memory_space<vmem>> -> memref<128xi32, #tpu.memory_space<vmem>>
    %dma_wait3A_106 = arith.constant 0 : i32
    %dma_wait3A_107 = arith.constant 0 : i32
    %dma_wait3A_108 = tpu.memref_slice %arg28[%dma_wait3A_106, %dma_wait3A_107] : memref<10112x16xf32, #tpu.memory_space<vmem_shared>> -> memref<10112x16xf32, #tpu.memory_space<vmem_shared>>
    tpu.wait_indirect_dma semaphore(%arg27 : memref<!tpu.dma_semaphore, #tpu.memory_space<semaphore_mem>>) src(%arg17 : memref<128x16xf32, #tpu.memory_space<vmem>>) dst(%dma_wait3A_108 : memref<10112x16xf32, #tpu.memory_space<vmem_shared>>)
    %dma_wait3A_109 = arith.constant 73 : i32
    %dma_wait3A_110 = arith.constant 0 : i32
    %dma_wait3A_111 = tpu.memref_slice %arg8[%dma_wait3A_109, %dma_wait3A_110] : memref<80x128xi32, #tpu.memory_space<vmem>> -> memref<1x128xi32, #tpu.memory_space<vmem>>
    %dma_wait3A_112 = tpu.memref_squeeze %dma_wait3A_111 : memref<1x128xi32, #tpu.memory_space<vmem>> -> memref<128xi32, #tpu.memory_space<vmem>>
    %dma_wait3A_113 = arith.constant 0 : i32
    %dma_wait3A_114 = arith.constant 0 : i32
    %dma_wait3A_115 = tpu.memref_slice %arg28[%dma_wait3A_113, %dma_wait3A_114] : memref<10112x16xf32, #tpu.memory_space<vmem_shared>> -> memref<10112x16xf32, #tpu.memory_space<vmem_shared>>
    tpu.wait_indirect_dma semaphore(%arg27 : memref<!tpu.dma_semaphore, #tpu.memory_space<semaphore_mem>>) src(%arg18 : memref<128x16xf32, #tpu.memory_space<vmem>>) dst(%dma_wait3A_115 : memref<10112x16xf32, #tpu.memory_space<vmem_shared>>)
    %dma_wait3A_116 = arith.constant 74 : i32
    %dma_wait3A_117 = arith.constant 0 : i32
    %dma_wait3A_118 = tpu.memref_slice %arg8[%dma_wait3A_116, %dma_wait3A_117] : memref<80x128xi32, #tpu.memory_space<vmem>> -> memref<1x128xi32, #tpu.memory_space<vmem>>
    %dma_wait3A_119 = tpu.memref_squeeze %dma_wait3A_118 : memref<1x128xi32, #tpu.memory_space<vmem>> -> memref<128xi32, #tpu.memory_space<vmem>>
    %dma_wait3A_120 = arith.constant 0 : i32
    %dma_wait3A_121 = arith.constant 0 : i32
    %dma_wait3A_122 = tpu.memref_slice %arg28[%dma_wait3A_120, %dma_wait3A_121] : memref<10112x16xf32, #tpu.memory_space<vmem_shared>> -> memref<10112x16xf32, #tpu.memory_space<vmem_shared>>
    tpu.wait_indirect_dma semaphore(%arg27 : memref<!tpu.dma_semaphore, #tpu.memory_space<semaphore_mem>>) src(%arg19 : memref<128x16xf32, #tpu.memory_space<vmem>>) dst(%dma_wait3A_122 : memref<10112x16xf32, #tpu.memory_space<vmem_shared>>)
    %dma_wait3A_123 = arith.constant 75 : i32
    %dma_wait3A_124 = arith.constant 0 : i32
    %dma_wait3A_125 = tpu.memref_slice %arg8[%dma_wait3A_123, %dma_wait3A_124] : memref<80x128xi32, #tpu.memory_space<vmem>> -> memref<1x128xi32, #tpu.memory_space<vmem>>
    %dma_wait3A_126 = tpu.memref_squeeze %dma_wait3A_125 : memref<1x128xi32, #tpu.memory_space<vmem>> -> memref<128xi32, #tpu.memory_space<vmem>>
    %dma_wait3A_127 = arith.constant 0 : i32
    %dma_wait3A_128 = arith.constant 0 : i32
    %dma_wait3A_129 = tpu.memref_slice %arg28[%dma_wait3A_127, %dma_wait3A_128] : memref<10112x16xf32, #tpu.memory_space<vmem_shared>> -> memref<10112x16xf32, #tpu.memory_space<vmem_shared>>
    tpu.wait_indirect_dma semaphore(%arg27 : memref<!tpu.dma_semaphore, #tpu.memory_space<semaphore_mem>>) src(%arg20 : memref<128x16xf32, #tpu.memory_space<vmem>>) dst(%dma_wait3A_129 : memref<10112x16xf32, #tpu.memory_space<vmem_shared>>)
    %dma_wait3A_130 = arith.constant 76 : i32
    %dma_wait3A_131 = arith.constant 0 : i32
    %dma_wait3A_132 = tpu.memref_slice %arg8[%dma_wait3A_130, %dma_wait3A_131] : memref<80x128xi32, #tpu.memory_space<vmem>> -> memref<1x128xi32, #tpu.memory_space<vmem>>
    %dma_wait3A_133 = tpu.memref_squeeze %dma_wait3A_132 : memref<1x128xi32, #tpu.memory_space<vmem>> -> memref<128xi32, #tpu.memory_space<vmem>>
    %dma_wait3A_134 = arith.constant 0 : i32
    %dma_wait3A_135 = arith.constant 0 : i32
    %dma_wait3A_136 = tpu.memref_slice %arg28[%dma_wait3A_134, %dma_wait3A_135] : memref<10112x16xf32, #tpu.memory_space<vmem_shared>> -> memref<10112x16xf32, #tpu.memory_space<vmem_shared>>
    tpu.wait_indirect_dma semaphore(%arg27 : memref<!tpu.dma_semaphore, #tpu.memory_space<semaphore_mem>>) src(%arg21 : memref<128x16xf32, #tpu.memory_space<vmem>>) dst(%dma_wait3A_136 : memref<10112x16xf32, #tpu.memory_space<vmem_shared>>)
    %dma_wait3A_137 = arith.constant 77 : i32
    %dma_wait3A_138 = arith.constant 0 : i32
    %dma_wait3A_139 = tpu.memref_slice %arg8[%dma_wait3A_137, %dma_wait3A_138] : memref<80x128xi32, #tpu.memory_space<vmem>> -> memref<1x128xi32, #tpu.memory_space<vmem>>
    %dma_wait3A_140 = tpu.memref_squeeze %dma_wait3A_139 : memref<1x128xi32, #tpu.memory_space<vmem>> -> memref<128xi32, #tpu.memory_space<vmem>>
    %dma_wait3A_141 = arith.constant 0 : i32
    %dma_wait3A_142 = arith.constant 0 : i32
    %dma_wait3A_143 = tpu.memref_slice %arg28[%dma_wait3A_141, %dma_wait3A_142] : memref<10112x16xf32, #tpu.memory_space<vmem_shared>> -> memref<10112x16xf32, #tpu.memory_space<vmem_shared>>
    tpu.wait_indirect_dma semaphore(%arg27 : memref<!tpu.dma_semaphore, #tpu.memory_space<semaphore_mem>>) src(%arg22 : memref<128x16xf32, #tpu.memory_space<vmem>>) dst(%dma_wait3A_143 : memref<10112x16xf32, #tpu.memory_space<vmem_shared>>)
    %dma_wait3A_144 = arith.constant 78 : i32
    %dma_wait3A_145 = arith.constant 0 : i32
    %dma_wait3A_146 = tpu.memref_slice %arg8[%dma_wait3A_144, %dma_wait3A_145] : memref<80x128xi32, #tpu.memory_space<vmem>> -> memref<1x128xi32, #tpu.memory_space<vmem>>
    %dma_wait3A_147 = tpu.memref_squeeze %dma_wait3A_146 : memref<1x128xi32, #tpu.memory_space<vmem>> -> memref<128xi32, #tpu.memory_space<vmem>>
    %dma_wait3A_148 = arith.constant 0 : i32
    %dma_wait3A_149 = arith.constant 0 : i32
    %dma_wait3A_150 = tpu.memref_slice %arg28[%dma_wait3A_148, %dma_wait3A_149] : memref<10112x16xf32, #tpu.memory_space<vmem_shared>> -> memref<10112x16xf32, #tpu.memory_space<vmem_shared>>
    tpu.wait_indirect_dma semaphore(%arg27 : memref<!tpu.dma_semaphore, #tpu.memory_space<semaphore_mem>>) src(%arg23 : memref<128x16xf32, #tpu.memory_space<vmem>>) dst(%dma_wait3A_150 : memref<10112x16xf32, #tpu.memory_space<vmem_shared>>)
    %dma_wait3A_151 = arith.constant 79 : i32
    %dma_wait3A_152 = arith.constant 0 : i32
    %dma_wait3A_153 = tpu.memref_slice %arg8[%dma_wait3A_151, %dma_wait3A_152] : memref<80x128xi32, #tpu.memory_space<vmem>> -> memref<1x128xi32, #tpu.memory_space<vmem>>
    %dma_wait3A_154 = tpu.memref_squeeze %dma_wait3A_153 : memref<1x128xi32, #tpu.memory_space<vmem>> -> memref<128xi32, #tpu.memory_space<vmem>>
    %dma_wait3A_155 = arith.constant 0 : i32
    %dma_wait3A_156 = arith.constant 0 : i32
    %dma_wait3A_157 = tpu.memref_slice %arg28[%dma_wait3A_155, %dma_wait3A_156] : memref<10112x16xf32, #tpu.memory_space<vmem_shared>> -> memref<10112x16xf32, #tpu.memory_space<vmem_shared>>
    tpu.wait_indirect_dma semaphore(%arg27 : memref<!tpu.dma_semaphore, #tpu.memory_space<semaphore_mem>>) src(%arg24 : memref<128x16xf32, #tpu.memory_space<vmem>>) dst(%dma_wait3A_157 : memref<10112x16xf32, #tpu.memory_space<vmem_shared>>)
    %barrier3A_158 = arith.constant 0 : index
    tpu.barrier barrier_id(%barrier3A_158)
    %add3A_159 = arith.constant 0 : i32
    %add3A_160 = arith.addi %mul3A_2, %add3A_159 : i32
    "tpu.region"() ({
      %run_scoped3A = tpu.sem_alloc : memref<!tpu.dma_semaphore, #tpu.memory_space<semaphore_mem>>
      %dma_start3A_173 = arith.constant 0 : i32
      %dma_start3A_174 = tpu.memref_slice %arg28[%add3A_160, %dma_start3A_173] : memref<10112x16xf32, #tpu.memory_space<vmem_shared>> -> memref<316x16xf32, #tpu.memory_space<vmem_shared>>
      %dma_start3A_175 = arith.constant 0 : i32
      %dma_start3A_176 = tpu.memref_slice %arg28[%add3A_160, %dma_start3A_175] : memref<10112x16xf32, #tpu.memory_space<vmem_shared>> -> memref<316x16xf32, #tpu.memory_space<vmem_shared>>
      tpu.enqueue_dma source(%dma_start3A_176 : memref<316x16xf32, #tpu.memory_space<vmem_shared>>) target(%arg25 : memref<316x16xf32, #tpu.memory_space<vmem>>) target_semaphore(%run_scoped3A : memref<!tpu.dma_semaphore, #tpu.memory_space<semaphore_mem>>)
      %dma_wait3A_177 = arith.constant 0 : i32
      %dma_wait3A_178 = tpu.memref_slice %arg28[%add3A_160, %dma_wait3A_177] : memref<10112x16xf32, #tpu.memory_space<vmem_shared>> -> memref<316x16xf32, #tpu.memory_space<vmem_shared>>
      %dma_wait3A_179 = arith.constant 0 : i32
      %dma_wait3A_180 = tpu.memref_slice %arg28[%add3A_160, %dma_wait3A_179] : memref<10112x16xf32, #tpu.memory_space<vmem_shared>> -> memref<316x16xf32, #tpu.memory_space<vmem_shared>>
      tpu.wait_dma2 semaphore(%run_scoped3A : memref<!tpu.dma_semaphore, #tpu.memory_space<semaphore_mem>>) src(%dma_wait3A_180 : memref<316x16xf32, #tpu.memory_space<vmem_shared>>) dst(%arg25 : memref<316x16xf32, #tpu.memory_space<vmem>>)
      tpu.yield
    }) : () -> ()
    %mul3A_161 = arith.constant 10112 : i32
    %mul3A_162 = arith.muli %arg0, %mul3A_161 : i32
    %add3A_163 = arith.addi %mul3A_162, %mul3A_2 : i32
    %add3A_164 = arith.constant 0 : i32
    %add3A_165 = arith.addi %add3A_163, %add3A_164 : i32
    "tpu.region"() ({
      %run_scoped3A = tpu.sem_alloc : memref<!tpu.dma_semaphore, #tpu.memory_space<semaphore_mem>>
      %dma_start3A_173 = arith.constant 0 : i32
      %dma_start3A_174 = tpu.memref_slice %arg6[%add3A_165, %dma_start3A_173] : memref<20224x16xf32, #tpu.memory_space<hbm>> -> memref<316x16xf32, #tpu.memory_space<hbm>>
      %dma_start3A_175 = arith.constant 0 : i32
      %dma_start3A_176 = tpu.memref_slice %arg6[%add3A_165, %dma_start3A_175] : memref<20224x16xf32, #tpu.memory_space<hbm>> -> memref<316x16xf32, #tpu.memory_space<hbm>>
      tpu.enqueue_dma source(%arg25 : memref<316x16xf32, #tpu.memory_space<vmem>>) target(%dma_start3A_176 : memref<316x16xf32, #tpu.memory_space<hbm>>) target_semaphore(%run_scoped3A : memref<!tpu.dma_semaphore, #tpu.memory_space<semaphore_mem>>)
      %dma_wait3A_177 = arith.constant 0 : i32
      %dma_wait3A_178 = tpu.memref_slice %arg6[%add3A_165, %dma_wait3A_177] : memref<20224x16xf32, #tpu.memory_space<hbm>> -> memref<316x16xf32, #tpu.memory_space<hbm>>
      %dma_wait3A_179 = arith.constant 0 : i32
      %dma_wait3A_180 = tpu.memref_slice %arg6[%add3A_165, %dma_wait3A_179] : memref<20224x16xf32, #tpu.memory_space<hbm>> -> memref<316x16xf32, #tpu.memory_space<hbm>>
      tpu.wait_dma2 semaphore(%run_scoped3A : memref<!tpu.dma_semaphore, #tpu.memory_space<semaphore_mem>>) src(%arg25 : memref<316x16xf32, #tpu.memory_space<vmem>>) dst(%dma_wait3A_180 : memref<316x16xf32, #tpu.memory_space<hbm>>)
      tpu.yield
    }) : () -> ()
    %add3A_166 = arith.constant 316 : i32
    %add3A_167 = arith.addi %mul3A_2, %add3A_166 : i32
    "tpu.region"() ({
      %run_scoped3A = tpu.sem_alloc : memref<!tpu.dma_semaphore, #tpu.memory_space<semaphore_mem>>
      %dma_start3A_173 = arith.constant 0 : i32
      %dma_start3A_174 = tpu.memref_slice %arg28[%add3A_167, %dma_start3A_173] : memref<10112x16xf32, #tpu.memory_space<vmem_shared>> -> memref<316x16xf32, #tpu.memory_space<vmem_shared>>
      %dma_start3A_175 = arith.constant 0 : i32
      %dma_start3A_176 = tpu.memref_slice %arg28[%add3A_167, %dma_start3A_175] : memref<10112x16xf32, #tpu.memory_space<vmem_shared>> -> memref<316x16xf32, #tpu.memory_space<vmem_shared>>
      tpu.enqueue_dma source(%dma_start3A_176 : memref<316x16xf32, #tpu.memory_space<vmem_shared>>) target(%arg25 : memref<316x16xf32, #tpu.memory_space<vmem>>) target_semaphore(%run_scoped3A : memref<!tpu.dma_semaphore, #tpu.memory_space<semaphore_mem>>)
      %dma_wait3A_177 = arith.constant 0 : i32
      %dma_wait3A_178 = tpu.memref_slice %arg28[%add3A_167, %dma_wait3A_177] : memref<10112x16xf32, #tpu.memory_space<vmem_shared>> -> memref<316x16xf32, #tpu.memory_space<vmem_shared>>
      %dma_wait3A_179 = arith.constant 0 : i32
      %dma_wait3A_180 = tpu.memref_slice %arg28[%add3A_167, %dma_wait3A_179] : memref<10112x16xf32, #tpu.memory_space<vmem_shared>> -> memref<316x16xf32, #tpu.memory_space<vmem_shared>>
      tpu.wait_dma2 semaphore(%run_scoped3A : memref<!tpu.dma_semaphore, #tpu.memory_space<semaphore_mem>>) src(%dma_wait3A_180 : memref<316x16xf32, #tpu.memory_space<vmem_shared>>) dst(%arg25 : memref<316x16xf32, #tpu.memory_space<vmem>>)
      tpu.yield
    }) : () -> ()
    %mul3A_168 = arith.constant 10112 : i32
    %mul3A_169 = arith.muli %arg0, %mul3A_168 : i32
    %add3A_170 = arith.addi %mul3A_169, %mul3A_2 : i32
    %add3A_171 = arith.constant 316 : i32
    %add3A_172 = arith.addi %add3A_170, %add3A_171 : i32
    "tpu.region"() ({
      %run_scoped3A = tpu.sem_alloc : memref<!tpu.dma_semaphore, #tpu.memory_space<semaphore_mem>>
      %dma_start3A_173 = arith.constant 0 : i32
      %dma_start3A_174 = tpu.memref_slice %arg6[%add3A_172, %dma_start3A_173] : memref<20224x16xf32, #tpu.memory_space<hbm>> -> memref<316x16xf32, #tpu.memory_space<hbm>>
      %dma_start3A_175 = arith.constant 0 : i32
      %dma_start3A_176 = tpu.memref_slice %arg6[%add3A_172, %dma_start3A_175] : memref<20224x16xf32, #tpu.memory_space<hbm>> -> memref<316x16xf32, #tpu.memory_space<hbm>>
      tpu.enqueue_dma source(%arg25 : memref<316x16xf32, #tpu.memory_space<vmem>>) target(%dma_start3A_176 : memref<316x16xf32, #tpu.memory_space<hbm>>) target_semaphore(%run_scoped3A : memref<!tpu.dma_semaphore, #tpu.memory_space<semaphore_mem>>)
      %dma_wait3A_177 = arith.constant 0 : i32
      %dma_wait3A_178 = tpu.memref_slice %arg6[%add3A_172, %dma_wait3A_177] : memref<20224x16xf32, #tpu.memory_space<hbm>> -> memref<316x16xf32, #tpu.memory_space<hbm>>
      %dma_wait3A_179 = arith.constant 0 : i32
      %dma_wait3A_180 = tpu.memref_slice %arg6[%add3A_172, %dma_wait3A_179] : memref<20224x16xf32, #tpu.memory_space<hbm>> -> memref<316x16xf32, #tpu.memory_space<hbm>>
      tpu.wait_dma2 semaphore(%run_scoped3A : memref<!tpu.dma_semaphore, #tpu.memory_space<semaphore_mem>>) src(%arg25 : memref<316x16xf32, #tpu.memory_space<vmem>>) dst(%dma_wait3A_180 : memref<316x16xf32, #tpu.memory_space<hbm>>)
      tpu.yield
    }) : () -> ()
    return
  }
}

module attributes {stable_mosaic.version = 14 : i64} {
  func.func @_tc_a_body(%arg0: memref<2528x128xf32, #tpu.memory_space<vmem>>, %arg1: memref<1250x1024xf32, #tpu.memory_space<vmem>>, %arg2: memref<1024x128xf32, #tpu.memory_space<vmem>>, %arg3: memref<1250x128xf32, #tpu.memory_space<vmem>>, %arg4: memref<1250x128xf32, #tpu.memory_space<vmem>>) attributes {dimension_semantics = [], scalar_prefetch = 0 : i64, scratch_operands = 0 : i64, tpu.core_type = #tpu.core_type<tc>} {
    %get3A = arith.constant 0 : index
    %get3A_0 = arith.constant 0 : index
    %get3A_1 = vector.load %arg0[%get3A, %get3A_0] : memref<2528x128xf32, #tpu.memory_space<vmem>>, vector<1250x128xf32>
    %get3A_2 = arith.constant 1264 : index
    %get3A_3 = arith.constant 0 : index
    %get3A_4 = vector.load %arg0[%get3A_2, %get3A_3] : memref<2528x128xf32, #tpu.memory_space<vmem>>, vector<1250x128xf32>
    %add3A = arith.addf %get3A_1, %get3A_4 : vector<1250x128xf32>
    %add3A_5 = arith.constant 1.000000e+00 : f32
    %add3A_6 = vector.broadcast %add3A_5 : f32 to vector<1250x128xf32>
    %add3A_7 = arith.addf %add3A, %add3A_6 : vector<1250x128xf32>
    %rsqrt3A = math.rsqrt %add3A_7 : vector<1250x128xf32>
    %swap3A = arith.constant 0 : index
    %swap3A_8 = arith.constant 0 : index
    %swap3A_9 = vector.load %arg3[%swap3A, %swap3A_8] : memref<1250x128xf32, #tpu.memory_space<vmem>>, vector<1250x128xf32>
    tpu.vector_store %arg3[%swap3A, %swap3A_8], %rsqrt3A {strides = array<i32>} : memref<1250x128xf32, #tpu.memory_space<vmem>>, vector<1250x128xf32>,
    %get3A_10 = arith.constant 0 : index
    %get3A_11 = arith.constant 0 : index
    %get3A_12 = vector.load %arg1[%get3A_10, %get3A_11] : memref<1250x1024xf32, #tpu.memory_space<vmem>>, vector<1250x1024xf32>
    %get3A_13 = arith.constant 0 : index
    %get3A_14 = arith.constant 0 : index
    %get3A_15 = vector.load %arg2[%get3A_13, %get3A_14] : memref<1024x128xf32, #tpu.memory_space<vmem>>, vector<1024x128xf32>
    %dot_general3A = arith.constant dense<0.000000e+00> : vector<1250x128xf32>
    %dot_general3A_16 = tpu.matmul %get3A_12, %get3A_15, %dot_general3A {dimension_numbers = #tpu.dot_dimension_numbers<[1], [0], [0], [1], [0, 0, 1, 1], [], []>, transpose_lhs_hint = false} : vector<1250x1024xf32>, vector<1024x128xf32>, vector<1250x128xf32> -> vector<1250x128xf32>
    %mul3A = arith.mulf %dot_general3A_16, %rsqrt3A : vector<1250x128xf32>
    %swap3A_17 = arith.constant 0 : index
    %swap3A_18 = arith.constant 0 : index
    %swap3A_19 = vector.load %arg4[%swap3A_17, %swap3A_18] : memref<1250x128xf32, #tpu.memory_space<vmem>>, vector<1250x128xf32>
    tpu.vector_store %arg4[%swap3A_17, %swap3A_18], %mul3A {strides = array<i32>} : memref<1250x128xf32, #tpu.memory_space<vmem>>, vector<1250x128xf32>,
    return
  }
}

module attributes {stable_mosaic.version = 14 : i64} {
  func.func @_tc_b_body(%arg0: memref<2528x128xf32, #tpu.memory_space<vmem>>, %arg1: memref<1250x128xf32, #tpu.memory_space<vmem>>, %arg2: memref<1250x128xf32, #tpu.memory_space<vmem>>, %arg3: memref<1x128xf32, #tpu.memory_space<vmem>>, %arg4: memref<1250x128xf32, #tpu.memory_space<vmem>>) attributes {dimension_semantics = [], scalar_prefetch = 0 : i64, scratch_operands = 0 : i64, tpu.core_type = #tpu.core_type<tc>} {
    %get3A = arith.constant 0 : index
    %get3A_0 = arith.constant 0 : index
    %get3A_1 = vector.load %arg0[%get3A, %get3A_0] : memref<2528x128xf32, #tpu.memory_space<vmem>>, vector<1250x128xf32>
    %get3A_2 = arith.constant 1264 : index
    %get3A_3 = arith.constant 0 : index
    %get3A_4 = vector.load %arg0[%get3A_2, %get3A_3] : memref<2528x128xf32, #tpu.memory_space<vmem>>, vector<1250x128xf32>
    %add3A = arith.addf %get3A_1, %get3A_4 : vector<1250x128xf32>
    %get3A_5 = arith.constant 0 : index
    %get3A_6 = arith.constant 0 : index
    %get3A_7 = vector.load %arg1[%get3A_5, %get3A_6] : memref<1250x128xf32, #tpu.memory_space<vmem>>, vector<1250x128xf32>
    %add3A_8 = arith.addf %add3A, %get3A_7 : vector<1250x128xf32>
    %get3A_9 = arith.constant 0 : index
    %get3A_10 = arith.constant 0 : index
    %get3A_11 = vector.load %arg2[%get3A_9, %get3A_10] : memref<1250x128xf32, #tpu.memory_space<vmem>>, vector<1250x128xf32>
    %mul3A = arith.mulf %add3A_8, %get3A_11 : vector<1250x128xf32>
    %get3A_12 = arith.constant 0 : index
    %get3A_13 = arith.constant 0 : index
    %get3A_14 = vector.load %arg3[%get3A_12, %get3A_13] : memref<1x128xf32, #tpu.memory_space<vmem>>, vector<1x128xf32>
    %add3A_15 = vector.broadcast %get3A_14 : vector<1x128xf32> to vector<1250x128xf32>
    %add3A_16 = arith.addf %mul3A, %add3A_15 : vector<1250x128xf32>
    %max3A = arith.constant 0.000000e+00 : f32
    %max3A_17 = vector.broadcast %max3A : f32 to vector<1250x128xf32>
    %max3A_18 = arith.maximumf %add3A_16, %max3A_17 : vector<1250x128xf32>
    %mul3A_19 = arith.mulf %max3A_18, %get3A_11 : vector<1250x128xf32>
    %swap3A = arith.constant 0 : index
    %swap3A_20 = arith.constant 0 : index
    %swap3A_21 = vector.load %arg4[%swap3A, %swap3A_20] : memref<1250x128xf32, #tpu.memory_space<vmem>>, vector<1250x128xf32>
    tpu.vector_store %arg4[%swap3A, %swap3A_20], %mul3A_19 {strides = array<i32>} : memref<1250x128xf32, #tpu.memory_space<vmem>>, vector<1250x128xf32>,
    return
  }
}

module attributes {stable_mosaic.version = 14 : i64} {
  func.func @_tc_c_body(%arg0: memref<2528x128xf32, #tpu.memory_space<vmem>>, %arg1: memref<1250x128xf32, #tpu.memory_space<vmem>>, %arg2: memref<1250x128xf32, #tpu.memory_space<vmem>>, %arg3: memref<128x320xf32, #tpu.memory_space<vmem>>, %arg4: memref<1x320xf32, #tpu.memory_space<vmem>>, %arg5: memref<1250x320xf32, #tpu.memory_space<vmem>>) attributes {dimension_semantics = [], scalar_prefetch = 0 : i64, scratch_operands = 0 : i64, tpu.core_type = #tpu.core_type<tc>} {
    %get3A = arith.constant 0 : index
    %get3A_0 = arith.constant 0 : index
    %get3A_1 = vector.load %arg0[%get3A, %get3A_0] : memref<2528x128xf32, #tpu.memory_space<vmem>>, vector<1250x128xf32>
    %get3A_2 = arith.constant 1264 : index
    %get3A_3 = arith.constant 0 : index
    %get3A_4 = vector.load %arg0[%get3A_2, %get3A_3] : memref<2528x128xf32, #tpu.memory_space<vmem>>, vector<1250x128xf32>
    %add3A = arith.addf %get3A_1, %get3A_4 : vector<1250x128xf32>
    %get3A_5 = arith.constant 0 : index
    %get3A_6 = arith.constant 0 : index
    %get3A_7 = vector.load %arg1[%get3A_5, %get3A_6] : memref<1250x128xf32, #tpu.memory_space<vmem>>, vector<1250x128xf32>
    %add3A_8 = arith.addf %add3A, %get3A_7 : vector<1250x128xf32>
    %get3A_9 = arith.constant 0 : index
    %get3A_10 = arith.constant 0 : index
    %get3A_11 = vector.load %arg2[%get3A_9, %get3A_10] : memref<1250x128xf32, #tpu.memory_space<vmem>>, vector<1250x128xf32>
    %mul3A = arith.mulf %add3A_8, %get3A_11 : vector<1250x128xf32>
    %get3A_12 = arith.constant 0 : index
    %get3A_13 = arith.constant 0 : index
    %get3A_14 = vector.load %arg3[%get3A_12, %get3A_13] : memref<128x320xf32, #tpu.memory_space<vmem>>, vector<128x320xf32>
    %dot_general3A = arith.constant dense<0.000000e+00> : vector<1250x320xf32>
    %dot_general3A_15 = tpu.matmul %mul3A, %get3A_14, %dot_general3A {dimension_numbers = #tpu.dot_dimension_numbers<[1], [0], [0], [1], [0, 0, 1, 1], [], []>, transpose_lhs_hint = false} : vector<1250x128xf32>, vector<128x320xf32>, vector<1250x320xf32> -> vector<1250x320xf32>
    %get3A_16 = arith.constant 0 : index
    %get3A_17 = arith.constant 0 : index
    %get3A_18 = vector.load %arg4[%get3A_16, %get3A_17] : memref<1x320xf32, #tpu.memory_space<vmem>>, vector<1x320xf32>
    %add3A_19 = vector.broadcast %get3A_18 : vector<1x320xf32> to vector<1250x320xf32>
    %add3A_20 = arith.addf %dot_general3A_15, %add3A_19 : vector<1250x320xf32>
    %slice3A = vector.extract_strided_slice %add3A_20 {offsets = [0, 0], sizes = [1250, 40], strides = [1, 1]} : vector<1250x320xf32> to vector<1250x40xf32>
    %reduce_max3A = arith.constant dense<0xFF800000> : vector<1250xf32>
    %reduce_max3A_21 = vector.multi_reduction <maximumf>, %slice3A, %reduce_max3A [1] : vector<1250x40xf32> to vector<1250xf32>
    %broadcast_in_dim3A = vector.shape_cast %reduce_max3A_21 : vector<1250xf32> to vector<1250x1xf32>
    %sub3A = vector.broadcast %broadcast_in_dim3A : vector<1250x1xf32> to vector<1250x40xf32>
    %sub3A_22 = arith.subf %slice3A, %sub3A : vector<1250x40xf32>
    %exp3A = math.exp %sub3A_22 : vector<1250x40xf32>
    %reduce_sum3A = arith.constant dense<0.000000e+00> : vector<1250xf32>
    %reduce_sum3A_23 = vector.multi_reduction <add>, %exp3A, %reduce_sum3A [1] : vector<1250x40xf32> to vector<1250xf32>
    %broadcast_in_dim3A_24 = vector.shape_cast %reduce_sum3A_23 : vector<1250xf32> to vector<1250x1xf32>
    %log3A = math.log %broadcast_in_dim3A_24 : vector<1250x1xf32>
    %add3A_25 = arith.addf %log3A, %broadcast_in_dim3A : vector<1250x1xf32>
    %sub3A_26 = vector.broadcast %add3A_25 : vector<1250x1xf32> to vector<1250x40xf32>
    %sub3A_27 = arith.subf %slice3A, %sub3A_26 : vector<1250x40xf32>
    %swap3A = arith.constant 0 : index
    %swap3A_28 = arith.constant 0 : index
    %swap3A_29 = vector.load %arg5[%swap3A, %swap3A_28] : memref<1250x320xf32, #tpu.memory_space<vmem>>, vector<1250x40xf32>
    tpu.vector_store %arg5[%swap3A, %swap3A_28], %sub3A_27 {strides = array<i32>} : memref<1250x320xf32, #tpu.memory_space<vmem>>, vector<1250x40xf32>,
    %slice3A_30 = vector.extract_strided_slice %add3A_20 {offsets = [0, 40], sizes = [1250, 40], strides = [1, 1]} : vector<1250x320xf32> to vector<1250x40xf32>
    %reduce_max3A_31 = arith.constant dense<0xFF800000> : vector<1250xf32>
    %reduce_max3A_32 = vector.multi_reduction <maximumf>, %slice3A_30, %reduce_max3A_31 [1] : vector<1250x40xf32> to vector<1250xf32>
    %broadcast_in_dim3A_33 = vector.shape_cast %reduce_max3A_32 : vector<1250xf32> to vector<1250x1xf32>
    %sub3A_34 = vector.broadcast %broadcast_in_dim3A_33 : vector<1250x1xf32> to vector<1250x40xf32>
    %sub3A_35 = arith.subf %slice3A_30, %sub3A_34 : vector<1250x40xf32>
    %exp3A_36 = math.exp %sub3A_35 : vector<1250x40xf32>
    %reduce_sum3A_37 = arith.constant dense<0.000000e+00> : vector<1250xf32>
    %reduce_sum3A_38 = vector.multi_reduction <add>, %exp3A_36, %reduce_sum3A_37 [1] : vector<1250x40xf32> to vector<1250xf32>
    %broadcast_in_dim3A_39 = vector.shape_cast %reduce_sum3A_38 : vector<1250xf32> to vector<1250x1xf32>
    %log3A_40 = math.log %broadcast_in_dim3A_39 : vector<1250x1xf32>
    %add3A_41 = arith.addf %log3A_40, %broadcast_in_dim3A_33 : vector<1250x1xf32>
    %sub3A_42 = vector.broadcast %add3A_41 : vector<1250x1xf32> to vector<1250x40xf32>
    %sub3A_43 = arith.subf %slice3A_30, %sub3A_42 : vector<1250x40xf32>
    %swap3A_44 = arith.constant 0 : index
    %swap3A_45 = arith.constant 40 : index
    %swap3A_46 = vector.load %arg5[%swap3A_44, %swap3A_45] : memref<1250x320xf32, #tpu.memory_space<vmem>>, vector<1250x40xf32>
    tpu.vector_store %arg5[%swap3A_44, %swap3A_45], %sub3A_43 {strides = array<i32>} : memref<1250x320xf32, #tpu.memory_space<vmem>>, vector<1250x40xf32>,
    %slice3A_47 = vector.extract_strided_slice %add3A_20 {offsets = [0, 80], sizes = [1250, 40], strides = [1, 1]} : vector<1250x320xf32> to vector<1250x40xf32>
    %reduce_max3A_48 = arith.constant dense<0xFF800000> : vector<1250xf32>
    %reduce_max3A_49 = vector.multi_reduction <maximumf>, %slice3A_47, %reduce_max3A_48 [1] : vector<1250x40xf32> to vector<1250xf32>
    %broadcast_in_dim3A_50 = vector.shape_cast %reduce_max3A_49 : vector<1250xf32> to vector<1250x1xf32>
    %sub3A_51 = vector.broadcast %broadcast_in_dim3A_50 : vector<1250x1xf32> to vector<1250x40xf32>
    %sub3A_52 = arith.subf %slice3A_47, %sub3A_51 : vector<1250x40xf32>
    %exp3A_53 = math.exp %sub3A_52 : vector<1250x40xf32>
    %reduce_sum3A_54 = arith.constant dense<0.000000e+00> : vector<1250xf32>
    %reduce_sum3A_55 = vector.multi_reduction <add>, %exp3A_53, %reduce_sum3A_54 [1] : vector<1250x40xf32> to vector<1250xf32>
    %broadcast_in_dim3A_56 = vector.shape_cast %reduce_sum3A_55 : vector<1250xf32> to vector<1250x1xf32>
    %log3A_57 = math.log %broadcast_in_dim3A_56 : vector<1250x1xf32>
    %add3A_58 = arith.addf %log3A_57, %broadcast_in_dim3A_50 : vector<1250x1xf32>
    %sub3A_59 = vector.broadcast %add3A_58 : vector<1250x1xf32> to vector<1250x40xf32>
    %sub3A_60 = arith.subf %slice3A_47, %sub3A_59 : vector<1250x40xf32>
    %swap3A_61 = arith.constant 0 : index
    %swap3A_62 = arith.constant 80 : index
    %swap3A_63 = vector.load %arg5[%swap3A_61, %swap3A_62] : memref<1250x320xf32, #tpu.memory_space<vmem>>, vector<1250x40xf32>
    tpu.vector_store %arg5[%swap3A_61, %swap3A_62], %sub3A_60 {strides = array<i32>} : memref<1250x320xf32, #tpu.memory_space<vmem>>, vector<1250x40xf32>,
    %slice3A_64 = vector.extract_strided_slice %add3A_20 {offsets = [0, 120], sizes = [1250, 40], strides = [1, 1]} : vector<1250x320xf32> to vector<1250x40xf32>
    %reduce_max3A_65 = arith.constant dense<0xFF800000> : vector<1250xf32>
    %reduce_max3A_66 = vector.multi_reduction <maximumf>, %slice3A_64, %reduce_max3A_65 [1] : vector<1250x40xf32> to vector<1250xf32>
    %broadcast_in_dim3A_67 = vector.shape_cast %reduce_max3A_66 : vector<1250xf32> to vector<1250x1xf32>
    %sub3A_68 = vector.broadcast %broadcast_in_dim3A_67 : vector<1250x1xf32> to vector<1250x40xf32>
    %sub3A_69 = arith.subf %slice3A_64, %sub3A_68 : vector<1250x40xf32>
    %exp3A_70 = math.exp %sub3A_69 : vector<1250x40xf32>
    %reduce_sum3A_71 = arith.constant dense<0.000000e+00> : vector<1250xf32>
    %reduce_sum3A_72 = vector.multi_reduction <add>, %exp3A_70, %reduce_sum3A_71 [1] : vector<1250x40xf32> to vector<1250xf32>
    %broadcast_in_dim3A_73 = vector.shape_cast %reduce_sum3A_72 : vector<1250xf32> to vector<1250x1xf32>
    %log3A_74 = math.log %broadcast_in_dim3A_73 : vector<1250x1xf32>
    %add3A_75 = arith.addf %log3A_74, %broadcast_in_dim3A_67 : vector<1250x1xf32>
    %sub3A_76 = vector.broadcast %add3A_75 : vector<1250x1xf32> to vector<1250x40xf32>
    %sub3A_77 = arith.subf %slice3A_64, %sub3A_76 : vector<1250x40xf32>
    %swap3A_78 = arith.constant 0 : index
    %swap3A_79 = arith.constant 120 : index
    %swap3A_80 = vector.load %arg5[%swap3A_78, %swap3A_79] : memref<1250x320xf32, #tpu.memory_space<vmem>>, vector<1250x40xf32>
    tpu.vector_store %arg5[%swap3A_78, %swap3A_79], %sub3A_77 {strides = array<i32>} : memref<1250x320xf32, #tpu.memory_space<vmem>>, vector<1250x40xf32>,
    %slice3A_81 = vector.extract_strided_slice %add3A_20 {offsets = [0, 160], sizes = [1250, 40], strides = [1, 1]} : vector<1250x320xf32> to vector<1250x40xf32>
    %reduce_max3A_82 = arith.constant dense<0xFF800000> : vector<1250xf32>
    %reduce_max3A_83 = vector.multi_reduction <maximumf>, %slice3A_81, %reduce_max3A_82 [1] : vector<1250x40xf32> to vector<1250xf32>
    %broadcast_in_dim3A_84 = vector.shape_cast %reduce_max3A_83 : vector<1250xf32> to vector<1250x1xf32>
    %sub3A_85 = vector.broadcast %broadcast_in_dim3A_84 : vector<1250x1xf32> to vector<1250x40xf32>
    %sub3A_86 = arith.subf %slice3A_81, %sub3A_85 : vector<1250x40xf32>
    %exp3A_87 = math.exp %sub3A_86 : vector<1250x40xf32>
    %reduce_sum3A_88 = arith.constant dense<0.000000e+00> : vector<1250xf32>
    %reduce_sum3A_89 = vector.multi_reduction <add>, %exp3A_87, %reduce_sum3A_88 [1] : vector<1250x40xf32> to vector<1250xf32>
    %broadcast_in_dim3A_90 = vector.shape_cast %reduce_sum3A_89 : vector<1250xf32> to vector<1250x1xf32>
    %log3A_91 = math.log %broadcast_in_dim3A_90 : vector<1250x1xf32>
    %add3A_92 = arith.addf %log3A_91, %broadcast_in_dim3A_84 : vector<1250x1xf32>
    %sub3A_93 = vector.broadcast %add3A_92 : vector<1250x1xf32> to vector<1250x40xf32>
    %sub3A_94 = arith.subf %slice3A_81, %sub3A_93 : vector<1250x40xf32>
    %swap3A_95 = arith.constant 0 : index
    %swap3A_96 = arith.constant 160 : index
    %swap3A_97 = vector.load %arg5[%swap3A_95, %swap3A_96] : memref<1250x320xf32, #tpu.memory_space<vmem>>, vector<1250x40xf32>
    tpu.vector_store %arg5[%swap3A_95, %swap3A_96], %sub3A_94 {strides = array<i32>} : memref<1250x320xf32, #tpu.memory_space<vmem>>, vector<1250x40xf32>,
    %slice3A_98 = vector.extract_strided_slice %add3A_20 {offsets = [0, 200], sizes = [1250, 40], strides = [1, 1]} : vector<1250x320xf32> to vector<1250x40xf32>
    %reduce_max3A_99 = arith.constant dense<0xFF800000> : vector<1250xf32>
    %reduce_max3A_100 = vector.multi_reduction <maximumf>, %slice3A_98, %reduce_max3A_99 [1] : vector<1250x40xf32> to vector<1250xf32>
    %broadcast_in_dim3A_101 = vector.shape_cast %reduce_max3A_100 : vector<1250xf32> to vector<1250x1xf32>
    %sub3A_102 = vector.broadcast %broadcast_in_dim3A_101 : vector<1250x1xf32> to vector<1250x40xf32>
    %sub3A_103 = arith.subf %slice3A_98, %sub3A_102 : vector<1250x40xf32>
    %exp3A_104 = math.exp %sub3A_103 : vector<1250x40xf32>
    %reduce_sum3A_105 = arith.constant dense<0.000000e+00> : vector<1250xf32>
    %reduce_sum3A_106 = vector.multi_reduction <add>, %exp3A_104, %reduce_sum3A_105 [1] : vector<1250x40xf32> to vector<1250xf32>
    %broadcast_in_dim3A_107 = vector.shape_cast %reduce_sum3A_106 : vector<1250xf32> to vector<1250x1xf32>
    %log3A_108 = math.log %broadcast_in_dim3A_107 : vector<1250x1xf32>
    %add3A_109 = arith.addf %log3A_108, %broadcast_in_dim3A_101 : vector<1250x1xf32>
    %sub3A_110 = vector.broadcast %add3A_109 : vector<1250x1xf32> to vector<1250x40xf32>
    %sub3A_111 = arith.subf %slice3A_98, %sub3A_110 : vector<1250x40xf32>
    %swap3A_112 = arith.constant 0 : index
    %swap3A_113 = arith.constant 200 : index
    %swap3A_114 = vector.load %arg5[%swap3A_112, %swap3A_113] : memref<1250x320xf32, #tpu.memory_space<vmem>>, vector<1250x40xf32>
    tpu.vector_store %arg5[%swap3A_112, %swap3A_113], %sub3A_111 {strides = array<i32>} : memref<1250x320xf32, #tpu.memory_space<vmem>>, vector<1250x40xf32>,
    %slice3A_115 = vector.extract_strided_slice %add3A_20 {offsets = [0, 240], sizes = [1250, 40], strides = [1, 1]} : vector<1250x320xf32> to vector<1250x40xf32>
    %reduce_max3A_116 = arith.constant dense<0xFF800000> : vector<1250xf32>
    %reduce_max3A_117 = vector.multi_reduction <maximumf>, %slice3A_115, %reduce_max3A_116 [1] : vector<1250x40xf32> to vector<1250xf32>
    %broadcast_in_dim3A_118 = vector.shape_cast %reduce_max3A_117 : vector<1250xf32> to vector<1250x1xf32>
    %sub3A_119 = vector.broadcast %broadcast_in_dim3A_118 : vector<1250x1xf32> to vector<1250x40xf32>
    %sub3A_120 = arith.subf %slice3A_115, %sub3A_119 : vector<1250x40xf32>
    %exp3A_121 = math.exp %sub3A_120 : vector<1250x40xf32>
    %reduce_sum3A_122 = arith.constant dense<0.000000e+00> : vector<1250xf32>
    %reduce_sum3A_123 = vector.multi_reduction <add>, %exp3A_121, %reduce_sum3A_122 [1] : vector<1250x40xf32> to vector<1250xf32>
    %broadcast_in_dim3A_124 = vector.shape_cast %reduce_sum3A_123 : vector<1250xf32> to vector<1250x1xf32>
    %log3A_125 = math.log %broadcast_in_dim3A_124 : vector<1250x1xf32>
    %add3A_126 = arith.addf %log3A_125, %broadcast_in_dim3A_118 : vector<1250x1xf32>
    %sub3A_127 = vector.broadcast %add3A_126 : vector<1250x1xf32> to vector<1250x40xf32>
    %sub3A_128 = arith.subf %slice3A_115, %sub3A_127 : vector<1250x40xf32>
    %swap3A_129 = arith.constant 0 : index
    %swap3A_130 = arith.constant 240 : index
    %swap3A_131 = vector.load %arg5[%swap3A_129, %swap3A_130] : memref<1250x320xf32, #tpu.memory_space<vmem>>, vector<1250x40xf32>
    tpu.vector_store %arg5[%swap3A_129, %swap3A_130], %sub3A_128 {strides = array<i32>} : memref<1250x320xf32, #tpu.memory_space<vmem>>, vector<1250x40xf32>,
    %slice3A_132 = vector.extract_strided_slice %add3A_20 {offsets = [0, 280], sizes = [1250, 40], strides = [1, 1]} : vector<1250x320xf32> to vector<1250x40xf32>
    %reduce_max3A_133 = arith.constant dense<0xFF800000> : vector<1250xf32>
    %reduce_max3A_134 = vector.multi_reduction <maximumf>, %slice3A_132, %reduce_max3A_133 [1] : vector<1250x40xf32> to vector<1250xf32>
    %broadcast_in_dim3A_135 = vector.shape_cast %reduce_max3A_134 : vector<1250xf32> to vector<1250x1xf32>
    %sub3A_136 = vector.broadcast %broadcast_in_dim3A_135 : vector<1250x1xf32> to vector<1250x40xf32>
    %sub3A_137 = arith.subf %slice3A_132, %sub3A_136 : vector<1250x40xf32>
    %exp3A_138 = math.exp %sub3A_137 : vector<1250x40xf32>
    %reduce_sum3A_139 = arith.constant dense<0.000000e+00> : vector<1250xf32>
    %reduce_sum3A_140 = vector.multi_reduction <add>, %exp3A_138, %reduce_sum3A_139 [1] : vector<1250x40xf32> to vector<1250xf32>
    %broadcast_in_dim3A_141 = vector.shape_cast %reduce_sum3A_140 : vector<1250xf32> to vector<1250x1xf32>
    %log3A_142 = math.log %broadcast_in_dim3A_141 : vector<1250x1xf32>
    %add3A_143 = arith.addf %log3A_142, %broadcast_in_dim3A_135 : vector<1250x1xf32>
    %sub3A_144 = vector.broadcast %add3A_143 : vector<1250x1xf32> to vector<1250x40xf32>
    %sub3A_145 = arith.subf %slice3A_132, %sub3A_144 : vector<1250x40xf32>
    %swap3A_146 = arith.constant 0 : index
    %swap3A_147 = arith.constant 280 : index
    %swap3A_148 = vector.load %arg5[%swap3A_146, %swap3A_147] : memref<1250x320xf32, #tpu.memory_space<vmem>>, vector<1250x40xf32>
    tpu.vector_store %arg5[%swap3A_146, %swap3A_147], %sub3A_145 {strides = array<i32>} : memref<1250x320xf32, #tpu.memory_space<vmem>>, vector<1250x40xf32>,
    return
  }
}

</mosaic_0001>

<sc_bundles>
// kernel: kernel.11.cloned.1.call-start
scs
__scs_entry_jumppad:
0x0: {  	(pc) =	sbr.rel $0x88, $3  }
0x1: {  	(tag) =	ssettag $0x0;
	lr =	simm.s32 $0x1  }
0x2: {  	[smem:$0x3F9B] =	sst lr;
	_ =	strace $0xD0000000  }
0x3: {  	_ = 	snop  }
0x4: {  	_ = 	snop  }
0x5: {  	_ = 	snop  }
0x6: {  	_ = 	snop  }
0x7: {  	_ = 	snop  }
__scs_overlays_trampoline_lowered:
0x8: {  	[smem:$0x3FAA] =	sst s0  }
0x9: {  	[smem:$0x3FAB] =	sst s1  }
0xa: {  	[smem:$0x3FAC] =	sst s2  }
0xb: {  	[smem:$0x3FAD] =	sst s3  }
0xc: {  	[smem:$0x3FAE] =	sst s4  }
0xd: {  	[smem:$0x3FAF] =	sst s5  }
0xe: {  	[smem:$0x3FB0] =	sst s6  }
0xf: {  	[smem:$0x3FB1] =	sst s7  }
0x10: {  	[smem:$0x3FB2] =	sst s8  }
0x11: {  	[smem:$0x3FB3] =	sst s9;
	s0 =	simm.s32 @!p0 $0x0  }
0x12: {  	s1 =	sld [smem:$0x3F99];
	s0 =	simm.s32 @p0 $0x1  }
0x13: {  	[smem:$0x3FB4] =	sst s0;
	s0 =	simm.s32 @!p1 $0x0  }
0x14: {  	s2 =	sld [smem:$0x3F98];
	s0 =	simm.s32 @p1 $0x1  }
0x15: {  	[smem:$0x3FB5] =	sst s0;
	s0 =	simm.s32 @!p2 $0x0  }
0x16: {  	s3 =	sld [smem:$0x3FDB];
	s0 =	simm.s32 @p2 $0x1  }
0x17: {  	s4 =	simm.s32 $0x1BF5;
	[smem:$0x3FB7] =	sst s0  }
0x18: {  	s0 =	sld [smem:$0x3F9A];
	_ =	swait.ge [sflag:s4], $0x0  }
0x19: {  	s7 =	sld [smem:$0x3F9B]  }
0x1a: {  	s8 =	sadd.s32 $0xFFFFE003, lr  }
0x1b: {  	s9 =	sadd.s32 $0xFFFFFEF7, lr;
	s5 =	simm.s32 $0xFFFFFFFF;
	p2 =	slt.u32 s8, $0xFFFFF086  }
0x1c: {  	p1 =	slt.u32 s9, $0xF7A;
	s5 =	simm.s32 @!p2 $0x0  }
0x1d: {  	s5 =	simm.s32 @p1 $0x1;
	p0 =	seq.s32 s7, s2  }
0x1e: {  	s7 =	smul.u32 @!p0 $0xF7A, s2;
	p2 =	seq.s32 @!p0 s5, $0x0  }
0x1f: {  	s9 =	smul.u32 $0xF7A, s1;
	s8 =	simm.s32 @!p0 $0x1BF5;
	p2 =	por !p2, p0  }
0x20: {  	[sflag:s8] =	ssyncset.s32 @!p0 $0xFFFFF086;
	s6 =	sadd.s32 @!p0 s3, s7;
	s7 =	simm.s32 @!p0 $0x108  }
0x21: {  	s3 =	sadd.s32 s3, s9;
	s6 =	sadd.s32 @!p0 $0x88, s6;
	s7 =	simm.s32 @p2 $0x1082  }
0x22: {  	[simem:s7], [sflag:s8] =	dma.local @!p0 [hbm:s6], $0xF7A  }
0x23: {  	s9 =	sor.u32 $0xD0000000, s2;
	s6 =	simm.s32 $0x108;
	_ =	swait.ge @!p0 [sflag:s8], $0x0  }
0x24: {  	s3 =	sadd.s32 $0x88, s3;
	s6 =	simm.s32 @!p1 $0x1082;
	[sflag:s4] =	ssyncset.s32 $0xFFFFF086  }
0x25: {  	[simem:s6], [sflag:s4] =	dma.local [hbm:s3], $0xF7A  }
0x26: {  	[smem:$0x3F9B] =	sst s1;
	(tag) =	ssettag s2;
	_ =	strace s9  }
0x27: {  	s1 =	sld [smem:$0x3FAB]  }
0x28: {  	s2 =	sld [smem:$0x3FAC]  }
0x29: {  	s4 =	sld [smem:$0x3FAE]  }
0x2a: {  	p0 =	seq.s32 s5, $0x0;
	s5 =	sld [smem:$0x3FAF]  }
0x2b: {  	s6 =	sld [smem:$0x3FB0]  }
0x2c: {  	s7 =	sld [smem:$0x3FB1]  }
0x2d: {  	s3 =	simm.s32 $0x108;
	s8 =	sld [smem:$0x3FB2]  }
0x2e: {  	s3 =	simm.s32 @!p0 $0x1082;
	s9 =	sld [smem:$0x3FB3]  }
0x2f: {  	lr =	sadd.s32 s0, s3;
	s0 =	sld [smem:$0x3FAA]  }
0x30: {  	s3 =	sld [smem:$0x3FAD]  }
0x31: {  	[smem:$0x3FB6] =	sst s10  }
0x32: {  	s10 =	sld [smem:$0x3FB4];
	_ =	sdelay $0x3  }
0x33: {  	p0 =	seq.s32 s10, $0x1;
	s10 =	sld [smem:$0x3FB6];
	_ =	sdelay $0x3  }
0x34: {  	[smem:$0x3FB6] =	sst s10  }
0x35: {  	s10 =	sld [smem:$0x3FB5];
	_ =	sdelay $0x3  }
0x36: {  	p1 =	seq.s32 s10, $0x1;
	s10 =	sld [smem:$0x3FB6];
	_ =	sdelay $0x3  }
0x37: {  	[smem:$0x3FB6] =	sst s10  }
0x38: {  	s10 =	sld [smem:$0x3FB7]  }
0x39: {  	_ = 	snop;
	(pc) =	sbr.ind lr, $3  }
0x3a: {  	_ = 	snop  }
0x3b: {  	_ = 	snop  }
0x3c: {  	p2 =	seq.s32 s10, $0x1;
	s10 =	sld [smem:$0x3FB6]  }
0x3d: {  	_ =	shalt  }
0x3e: {  	_ =	shalt  }
0x3f: {  	_ =	shalt  }
0x40: {  	_ =	shalt  }
0x41: {  	_ =	shalt  }
0x42: {  	_ =	shalt  }
0x43: {  	_ =	shalt  }
0x44: {  	_ =	shalt  }
0x45: {  	_ =	shalt  }
0x46: {  	_ =	shalt  }
0x47: {  	_ =	shalt  }
0x48: {  	_ =	shalt  }
0x49: {  	_ =	shalt  }
0x4a: {  	_ =	shalt  }
0x4b: {  	_ =	shalt  }
0x4c: {  	_ =	shalt  }
0x4d: {  	_ =	shalt  }
0x4e: {  	_ =	shalt  }
0x4f: {  	_ =	shalt  }
0x50: {  	_ =	shalt  }
0x51: {  	_ =	shalt  }
0x52: {  	_ =	shalt  }
0x53: {  	_ =	shalt  }
0x54: {  	_ =	shalt  }
0x55: {  	_ =	shalt  }
0x56: {  	_ =	shalt  }
0x57: {  	_ =	shalt  }
0x58: {  	_ =	shalt  }
0x59: {  	_ =	shalt  }
0x5a: {  	_ =	shalt  }
0x5b: {  	_ =	shalt  }
0x5c: {  	_ =	shalt  }
0x5d: {  	_ =	shalt  }
0x5e: {  	_ =	shalt  }
0x5f: {  	_ =	shalt  }
0x60: {  	_ =	shalt  }
0x61: {  	_ =	shalt  }
0x62: {  	_ =	shalt  }
0x63: {  	_ =	shalt  }
0x64: {  	_ =	shalt  }
0x65: {  	_ =	shalt  }
0x66: {  	_ =	shalt  }
0x67: {  	_ =	shalt  }
0x68: {  	_ =	shalt  }
0x69: {  	_ =	shalt  }
0x6a: {  	_ =	shalt  }
0x6b: {  	_ =	shalt  }
0x6c: {  	_ =	shalt  }
0x6d: {  	_ =	shalt  }
0x6e: {  	_ =	shalt  }
0x6f: {  	_ =	shalt  }
0x70: {  	_ =	shalt  }
0x71: {  	_ =	shalt  }
0x72: {  	_ =	shalt  }
0x73: {  	_ =	shalt  }
0x74: {  	_ =	shalt  }
0x75: {  	_ =	shalt  }
0x76: {  	_ =	shalt  }
0x77: {  	_ =	shalt  }
0x78: {  	_ =	shalt  }
0x79: {  	_ =	shalt  }
0x7a: {  	_ =	shalt  }
0x7b: {  	_ =	shalt  }
0x7c: {  	_ =	shalt  }
0x7d: {  	_ =	shalt  }
0x7e: {  	_ =	shalt  }
0x7f: {  	_ =	shalt  }
0x80: {  	_ =	shalt  }
0x81: {  	_ =	shalt  }
0x82: {  	_ =	shalt  }
0x83: {  	_ =	shalt  }
0x84: {  	_ =	shalt  }
0x85: {  	_ =	shalt  }
0x86: {  	_ =	shalt  }
0x87: {  	_ =	shalt  }
.Lfunc_end0:
.L_simem_size_0:
called_computation.1_lowered:
.L_overlay_start_0:
0x88: {  	s2 =	sld [smem:$0x3FD9]  }
0x89: {  	s3 =	sld [smem:$0x3FFE];
	_ =	sdelay $0x1  }
0x8a: {  	s1 =	srdreg.scid  }
0x8b: {  	s0 =	sand.u32 $0x1, s1  }
0x8c: {  	s17 =	sshll.u32 s0, $0xA;
	s2 =	sadd.s32 s3, s2  }
0x8d: {  	s2 =	sadd.s32 s2, s17  }
0x8e: {  	[smem:$0x3FC2] =	sst s2  }
0x8f: {  	_ = 	snop  }
0x90: {  	s2 =	sld [smem:$0x3FD0];
	(tm) =	ssettm $0x1  }
0x91: {  	s18 =	sld [smem:$0x3FFB];
	_ =	sdelay $0x3  }
0x92: {  	_ =	strace s18  }
0x93: {  	s3 =	sld [smem:$0x3FFC];
	_ =	sdelay $0x3  }
0x94: {  	_ =	strace s3  }
0x95: {  	s3 =	sld [smem:$0x3FFD];
	_ =	sdelay $0x3  }
0x96: {  	_ =	strace s3  }
0x97: {  	_ =	strace $0x8FFFFFFF  }
0x98: {  	s19 =	sld [smem:$0x3FDB];
	_ =	sdelay $0x1  }
0x99: {  	s4 =	simm.s32 $_scs_section_size  }
0x9a: {  	s5 =	simm.s32 $_size__tile_overlayer_lowered;
	s6 =	simm.s32 $_tile_overlayer_lowered  }
0x9b: {  	s22 =	simm.s32 $0x1BFF;
	s21 =	sshll.u32 s6, $0x1;
	s3 =	sadd.s32 s4, s19  }
0x9c: {  	s7 =	simm.s32 $0x0;
	s20 =	sshll.u32 s5, $0x1;
	s5 =	sadd.s32 s21, s3  }
0x9d: {  	[timem:s7], [sflag:s22] =	dma.local [hbm:s5], s20  }
0x9e: {  	_ =	swait.ge [sflag:s22], s20  }
0x9f: {  	s4 =	ssub.s32 $0x0, s20;
	[sflag:s22] =	ssyncset.done $0x0  }
0xa0: {  	[sflag:s22] =	ssyncadd.s32 s4;
	_ =	sdelay $0x1  }
0xa1: {  	s23 =	simm.s32 $0x1B8B  }
0xa2: {  	_ =	swait.ge [sflag:s23], $0x1  }
0xa3: {  	[sflag:s23] =	ssyncset.done $0x0  }
0xa4: {  	s25 =	simm.s32 $0x1B8E;
	s24 =	sld [smem:$0x3FFE];
	[sflag:s23] =	ssyncadd.s32 $0xFFFFFFFF  }
0xa5: {  	s26 =	simm.s32 $execute0_lowered;
	[smem:$0x3FD2] =	sst s25  }
0xa6: {  	s5 =	sshll.u32 s26, $0x1;
	_ =	strace $0x80000049;
	[dreg:$0x1] =	wrdreg $0xFFFFFFFF  }
0xa7: {  	s28 =	simm.s32 $_size_execute0_lowered;
	s3 =	sadd.s32 s3, s5;
	[dreg:$0x0] =	wrdreg $0x0  }
0xa8: {  	s5 =	sshll.u32 s28, $0x1;
	[dreg:$0x2] =	wrdreg s3  }
0xa9: {  	[dreg:$0x3] =	wrdreg s5  }
0xaa: {  	[dreg:$0x4] =	wrdreg $0xC0  }
0xab: {  	_ =	task [dreg:s7], $0x5FFFF  }
0xac: {  	[dreg:$0x1] =	wrdreg $0xFFFFFFFF  }
0xad: {  	[dreg:$0x0] =	wrdreg $0x60  }
0xae: {  	[dreg:$0x2] =	wrdreg s24  }
0xaf: {  	[dreg:$0x3] =	wrdreg s2  }
0xb0: {  	[dreg:$0x4] =	wrdreg $0xE3C00  }
0xb1: {  	[dreg:$0x5] =	wrdreg $0x9  }
0xb2: {  	_ =	task.clear_ibuf [dreg:s7], $0x6FFFF;
	_ =	strace $0x90000049  }
0xb3: {  	s29 =	simm.s32 $0x9;
	_ =	strace $0x8000004B  }
0xb4: {  	_ =	swait.ge [sflag:s29], $0x1  }
0xb5: {  	[sflag:s29] =	ssyncadd.s32 $0xFFFFFFFF  }
0xb6: {  	_ =	strace $0x9000004B  }
0xb7: {  	_ =	sfence  }
0xb8: {  	s30 =	sld [smem:$0x0];
	_ =	sdelay $0x2  }
0xb9: {  	s31 =	sshll.u32 s1, $0xD;
	s1 =	sshrl.u32 s1, $0x2  }
0xba: {  	s3 =	sand.u32 $0x4000, s31;
	s1 =	sadd.s32 s1, s30  }
0xbb: {  	s0 =	sor.u32 s3, s0;
	s1 =	sshll.u32 s1, $0x11  }
0xbc: {  	s0 =	sor.u32 s1, s0  }
0xbd: {  	s0 =	sadd.s32 $0x8F2B, s0  }
0xbe: {  	[sflag:s0] =	ssyncadd.remote.s32 $0x1  }
0xbf: {  	_ =	sfence.sel $0xFFFF  }
0xc0: {  	[dreg:$0x0] =	wrdreg $0xFFFFFFFF;
	(pc) =	sbr.abs _section_cstart, $3  }
0xc1: {  	[dreg:$0x1] =	wrdreg $0xFFFFFFFF  }
0xc2: {  	_ =	task.clear_ibuf [dreg:s7], $0x2FFFF;
	_ =	strace $0x9FFFFFFF  }
0xc3: {  	(tm) =	ssettm $0x7FFFFFFF  }
tec
execute0_lowered:
.L_overlay_start_1:
0x0: {  	(tag) =	ssettag $0x1  }
0x1: {  	s0 =	srdreg.scid;
	s1 =	rddreg [dreg:$0x0]  }
0x2: {  	s10 =	stileid.u32;
	s5 =	rddreg [dreg:$0x1]  }
0x3: {  	s11 =	simm.s32 $0xD000;
	s16 =	simm.s32 $0x3;
	s17 =	simm.s32 $0x1  }
0x4: {  	s28 =	simm.s32 $0x7000;
	s30 =	simm.s32 $0x7800;
	s14 =	simm.s32 $0x8800  }
0x5: {  	s29 =	simm.s32 $0xA800;
	s31 =	simm.s32 $0xB000;
	s0 =	sand.u32 $0x1, s0  }
0x6: {  	s2 =	sshll.u32 s10, $0x1;
	s7 =	smul.u32 $0x278, s10;
	s4 =	sadd.s32 $0xD200, s1  }
0x7: {  	s18 =	smul.u32 $0x2780, s10;
	s19 =	sadd.s32 $0x12200, s1;
	s10 =	simm.s32 $0x0  }
0x8: {  	s3 =	sor.u32 s0, s2;
	s2 =	rddreg [dreg:$0x2];
	s8 =	smul.u32 $0x2780, s0  }
0x9: {  	s0 =	ssub.s32 $0x2, s0;
	s6 =	smul.u32 $0x500, s3;
	s3 =	simm.s32 $0x0  }
0xa: {  	s20 =	sshrl.u32 s0, $0x1;
	s22 =	sadd.s32 $0x13C0, s18;
	s23 =	sshrl.u32 s18, $0x3  }
0xb: {  	[smem:$0x7FF] =	sst s3;
	s7 =	sadd.s32 s7, s8;
	s0 =	ssub.s32 s0, s20  }
0xc: {  	s24 =	sshrl.u32 s22, $0x3;
	s8 =	sadd.s32 s18, s2;
	s18 =	simm.s32 $0x2  }
0xd: {  	s20 =	simm.s32 $0x5000;
	_ =	strace $0x8000004A;
	s9 =	sadd.s32 s6, s1  }
0xe: {  	s7 =	sshll.u32 s7, $0x1;
	s5 =	sadd.s32 s5, s6;
	s25 =	sadd.s32 s19, s24  }
0xf: {  	s0 =	smax.u32 s0, $0x1;
	s24 =	simm.s32 $0x9800;
	[dreg:$0x7] =	wrdreg s8  }
0x10: {  	s6 =	simm.s32 $0xC800;
	s1 =	sadd.s32 s7, s1;
	[dreg:$0x5] =	wrdreg s5  }
0x11: {  	s21 =	sadd.s32 $0x3200, s9;
	s5 =	sadd.s32 s19, s23;
	[dreg:$0x8] =	wrdreg s25  }
0x12: {  	s9 =	sadd.s32 s22, s2;
	[dreg:$0xc] =	wrdreg s0;
	s19 =	simm.s32 $0x80  }
0x13: {  	s23 =	simm.s32 $0x6000;
	s25 =	simm.s32 $0x6800;
	[dreg:$0x4] =	wrdreg s21  }
0x14: {  	s22 =	simm.s32 $0x9000;
	s0 =	simm.s32 $0xB800;
	[dreg:$0x6] =	wrdreg s5  }
0x15: {  	s26 =	sadd.s32 $0x17200, s1;
	s1 =	sadd.s32 $0x17478, s1;
	[dreg:$0x9] =	wrdreg s9  }
0x16: {  	s21 =	simm.s32 $0x5800;
	s5 =	simm.s32 $0xC000;
	[dreg:$0xa] =	wrdreg s26  }
0x17: {  	[dreg:$0xb] =	wrdreg s1;
	s1 =	simm.s32 $0x8000;
	s26 =	simm.s32 $0xA000  }
.LBB2_1:
0x18: {  	[dreg:$0xd] =	wrdreg s10  }
0x19: {  	s7 =	rddreg [dreg:$0x4]  }
0x1a: {  	[tilespmem:s3], [sflag:$0x1] =	stream.linear.gather [hbm4b:s7+s3], $0x2800, $0x38;
	[tilespmem:$0x10B40] =	vst v63  }
0x1b: {  	s12 =	rddreg [dreg:$0x5];
	s13 =	simm.s32 $0x2800  }
0x1c: {  	[tilespmem:s13], [sflag:$0x2] =	stream.linear.gather [hbm4b:s12+s3], $0x2800, $0x38;
	[tilespmem:$0x10B40] =	vst v63  }
0x1d: {  	s15 =	rddreg [dreg:$0x6]  }
0x1e: {  	[tilespmem:s11], [sflag:$0x3] =	stream.linear.gather [hbm4b:s15+s3], $0x13C0, $0x38;
	[tilespmem:$0x10B40] =	vst v63  }
0x1f: {  	_ =	swait.ge [sflag:s16], $0x13C0  }
0x20: {  	[sflag:s16] =	ssyncset.done $0x0  }
0x21: {  	[sflag:s16] =	ssyncadd.s32 $0xFFFFEC40  }
0x22: {  	[spmem:s8] =	stream.linear.scatter [tilespmem:s11], [sflag:$0x3], $0x13C0, $0x38;
	[tilespmem:$0x10B40] =	vst v63  }
0x23: {  	_ =	swait.ge [sflag:s16], $0x13C0  }
0x24: {  	[sflag:s16] =	ssyncset.done $0x0  }
0x25: {  	s8 =	rddreg [dreg:$0x8];
	[sflag:s16] =	ssyncadd.s32 $0xFFFFEC40  }
0x26: {  	[tilespmem:s11], [sflag:$0x3] =	stream.linear.gather [hbm4b:s8+s3], $0x13C0, $0x38;
	[tilespmem:$0x10B40] =	vst v63  }
0x27: {  	_ =	swait.ge [sflag:s16], $0x13C0  }
0x28: {  	[sflag:s16] =	ssyncset.done $0x0  }
0x29: {  	[sflag:s16] =	ssyncadd.s32 $0xFFFFEC40  }
0x2a: {  	[spmem:s9] =	stream.linear.scatter [tilespmem:s11], [sflag:$0x3], $0x13C0, $0x38;
	[tilespmem:$0x10B40] =	vst v63  }
0x2b: {  	_ =	swait.ge [sflag:s16], $0x13C0  }
0x2c: {  	[sflag:s16] =	ssyncset.done $0x0  }
0x2d: {  	[sflag:s16] =	ssyncadd.s32 $0xFFFFEC40  }
0x2e: {  	_ =	swait.ge [sflag:s17], $0x2800  }
0x2f: {  	[sflag:s17] =	ssyncset.done $0x0  }
0x30: {  	[sflag:s17] =	ssyncadd.s32 $0xFFFFD800  }
0x31: {  	_ =	swait.ge [sflag:s18], $0x2800  }
0x32: {  	[sflag:s18] =	ssyncset.done $0x0  }
0x33: {  	[sflag:s18] =	ssyncadd.s32 $0xFFFFD800  }
0x34: {  	[bflag:$0x0] =	sbarrier.arrive $0xFFFF  }
0x35: {  	[tilespmem:s20], [sflag:$0x1] =	stream.indirect.gather [hbm4b:s4+s19], $0x10, s3, s19, $0xb8;
	[tilespmem:$0x10B40] =	vst v63  }
0x36: {  	_ = 	snop  }
0x37: {  	[tilespmem:s21], [sflag:$0x1] =	stream.indirect.gather [hbm4b:s4+s19], $0x10, s19, s19, $0xb8;
	[tilespmem:$0x10B40] =	vst v63  }
0x38: {  	s9 =	simm.s32 $0x100  }
0x39: {  	[tilespmem:s23], [sflag:$0x1] =	stream.indirect.gather [hbm4b:s4+s19], $0x10, s9, s19, $0xb8;
	[tilespmem:$0x10B40] =	vst v63  }
0x3a: {  	s10 =	simm.s32 $0x180  }
0x3b: {  	[tilespmem:s25], [sflag:$0x1] =	stream.indirect.gather [hbm4b:s4+s19], $0x10, s10, s19, $0xb8;
	[tilespmem:$0x10B40] =	vst v63  }
0x3c: {  	s11 =	simm.s32 $0x200  }
0x3d: {  	[tilespmem:s28], [sflag:$0x1] =	stream.indirect.gather [hbm4b:s4+s19], $0x10, s11, s19, $0xb8;
	[tilespmem:$0x10B40] =	vst v63  }
0x3e: {  	s12 =	simm.s32 $0x280  }
0x3f: {  	[tilespmem:s30], [sflag:$0x1] =	stream.indirect.gather [hbm4b:s4+s19], $0x10, s12, s19, $0xb8;
	[tilespmem:$0x10B40] =	vst v63  }
0x40: {  	s13 =	simm.s32 $0x300  }
0x41: {  	[tilespmem:s1], [sflag:$0x1] =	stream.indirect.gather [hbm4b:s4+s19], $0x10, s13, s19, $0xb8;
	[tilespmem:$0x10B40] =	vst v63  }
0x42: {  	s15 =	simm.s32 $0x380  }
0x43: {  	[tilespmem:s14], [sflag:$0x1] =	stream.indirect.gather [hbm4b:s4+s19], $0x10, s15, s19, $0xb8;
	[tilespmem:$0x10B40] =	vst v63  }
0x44: {  	_ =	swait.ge [sflag:s17], $0x800  }
0x45: {  	[sflag:s17] =	ssyncset.done $0x0  }
0x46: {  	[sflag:s17] =	ssyncadd.s32 $0xFFFFF800  }
0x47: {  	_ =	swait.ge [sflag:s17], $0x800  }
0x48: {  	[sflag:s17] =	ssyncset.done $0x0  }
0x49: {  	[sflag:s17] =	ssyncadd.s32 $0xFFFFF800  }
0x4a: {  	_ =	swait.ge [sflag:s17], $0x800  }
0x4b: {  	[sflag:s17] =	ssyncset.done $0x0  }
0x4c: {  	[sflag:s17] =	ssyncadd.s32 $0xFFFFF800  }
0x4d: {  	_ =	swait.ge [sflag:s17], $0x800  }
0x4e: {  	[sflag:s17] =	ssyncset.done $0x0  }
0x4f: {  	[sflag:s17] =	ssyncadd.s32 $0xFFFFF800  }
0x50: {  	_ =	swait.ge [sflag:s17], $0x800  }
0x51: {  	[sflag:s17] =	ssyncset.done $0x0  }
0x52: {  	[sflag:s17] =	ssyncadd.s32 $0xFFFFF800  }
0x53: {  	_ =	swait.ge [sflag:s17], $0x800  }
0x54: {  	[sflag:s17] =	ssyncset.done $0x0  }
0x55: {  	[sflag:s17] =	ssyncadd.s32 $0xFFFFF800  }
0x56: {  	_ =	swait.ge [sflag:s17], $0x800  }
0x57: {  	[sflag:s17] =	ssyncset.done $0x0  }
0x58: {  	[sflag:s17] =	ssyncadd.s32 $0xFFFFF800  }
0x59: {  	_ =	swait.ge [sflag:s17], $0x800  }
0x5a: {  	p0 =	por $0x1, $0x1;
	[sflag:s17] =	ssyncset.done $0x0  }
0x5b: {  	s9 =	simm.s32 @!p0 $0x2;
	[sflag:s17] =	ssyncadd.s32 $0xFFFFF800  }
0x5c: {  	_ =	swait.ge @!p0 [sflag:s9], $0x800  }
0x5d: {  	[sflag:s9] =	ssyncset.done @!p0 $0x0  }
0x5e: {  	[sflag:s9] =	ssyncadd.s32 @!p0 $0xFFFFF800  }
0x5f: {  	_ =	swait.ge @!p0 [sflag:s9], $0x800  }
0x60: {  	[sflag:s9] =	ssyncset.done @!p0 $0x0  }
0x61: {  	[sflag:s9] =	ssyncadd.s32 @!p0 $0xFFFFF800  }
0x62: {  	_ =	swait.ge @!p0 [sflag:s9], $0x800  }
0x63: {  	[sflag:s9] =	ssyncset.done @!p0 $0x0  }
0x64: {  	[sflag:s9] =	ssyncadd.s32 @!p0 $0xFFFFF800  }
0x65: {  	_ =	swait.ge @!p0 [sflag:s9], $0x800  }
0x66: {  	[sflag:s9] =	ssyncset.done @!p0 $0x0  }
0x67: {  	[sflag:s9] =	ssyncadd.s32 @!p0 $0xFFFFF800  }
0x68: {  	_ =	swait.ge @!p0 [sflag:s9], $0x800  }
0x69: {  	[sflag:s9] =	ssyncset.done @!p0 $0x0  }
0x6a: {  	[sflag:s9] =	ssyncadd.s32 @!p0 $0xFFFFF800  }
0x6b: {  	_ =	swait.ge @!p0 [sflag:s9], $0x800  }
0x6c: {  	[sflag:s9] =	ssyncset.done @!p0 $0x0  }
0x6d: {  	[sflag:s9] =	ssyncadd.s32 @!p0 $0xFFFFF800  }
0x6e: {  	_ =	swait.ge @!p0 [sflag:s9], $0x800  }
0x6f: {  	[sflag:s9] =	ssyncset.done @!p0 $0x0  }
0x70: {  	[sflag:s9] =	ssyncadd.s32 @!p0 $0xFFFFF800  }
0x71: {  	_ =	swait.ge @!p0 [sflag:s9], $0x800  }
0x72: {  	[sflag:s9] =	ssyncset.done @!p0 $0x0  }
0x73: {  	s7 =	simm.s32 $0x400;
	[sflag:s9] =	ssyncadd.s32 @!p0 $0xFFFFF800  }
0x74: {  	[tilespmem:s22], [sflag:$0x1] =	stream.indirect.gather [hbm4b:s4+s19], $0x10, s7, s19, $0xb8;
	[tilespmem:$0x10B40] =	vst v63  }
0x75: {  	s8 =	simm.s32 $0x480  }
0x76: {  	[tilespmem:s24], [sflag:$0x1] =	stream.indirect.gather [hbm4b:s4+s19], $0x10, s8, s19, $0xb8;
	[tilespmem:$0x10B40] =	vst v63  }
0x77: {  	s10 =	simm.s32 $0x500  }
0x78: {  	[tilespmem:s26], [sflag:$0x1] =	stream.indirect.gather [hbm4b:s4+s19], $0x10, s10, s19, $0xb8;
	[tilespmem:$0x10B40] =	vst v63  }
0x79: {  	s11 =	simm.s32 $0x580  }
0x7a: {  	[tilespmem:s29], [sflag:$0x1] =	stream.indirect.gather [hbm4b:s4+s19], $0x10, s11, s19, $0xb8;
	[tilespmem:$0x10B40] =	vst v63  }
0x7b: {  	s12 =	simm.s32 $0x600  }
0x7c: {  	[tilespmem:s31], [sflag:$0x1] =	stream.indirect.gather [hbm4b:s4+s19], $0x10, s12, s19, $0xb8;
	[tilespmem:$0x10B40] =	vst v63  }
0x7d: {  	s13 =	simm.s32 $0x680  }
0x7e: {  	[tilespmem:s0], [sflag:$0x1] =	stream.indirect.gather [hbm4b:s4+s19], $0x10, s13, s19, $0xb8;
	[tilespmem:$0x10B40] =	vst v63  }
0x7f: {  	s15 =	simm.s32 $0x700  }
0x80: {  	[tilespmem:s5], [sflag:$0x1] =	stream.indirect.gather [hbm4b:s4+s19], $0x10, s15, s19, $0xb8;
	[tilespmem:$0x10B40] =	vst v63  }
0x81: {  	s3 =	simm.s32 $0x780  }
0x82: {  	[tilespmem:s6], [sflag:$0x1] =	stream.indirect.gather [hbm4b:s4+s19], $0x10, s3, s19, $0xb8;
	[tilespmem:$0x10B40] =	vst v63  }
0x83: {  	s7 =	simm.s32 $0x2800  }
0x84: {  	[spmem:s2] =	stream.indirect.scatter.add.f32 [tilespmem:s20], [sflag:$0x2], $0x10, s7, s19, $0xb8;
	[tilespmem:$0x10B40] =	vst v63  }
0x85: {  	s8 =	simm.s32 $0x2880  }
0x86: {  	[spmem:s2] =	stream.indirect.scatter.add.f32 [tilespmem:s21], [sflag:$0x2], $0x10, s8, s19, $0xb8;
	[tilespmem:$0x10B40] =	vst v63  }
0x87: {  	s10 =	simm.s32 $0x2900  }
0x88: {  	[spmem:s2] =	stream.indirect.scatter.add.f32 [tilespmem:s23], [sflag:$0x2], $0x10, s10, s19, $0xb8;
	[tilespmem:$0x10B40] =	vst v63  }
0x89: {  	s11 =	simm.s32 $0x2980  }
0x8a: {  	[spmem:s2] =	stream.indirect.scatter.add.f32 [tilespmem:s25], [sflag:$0x2], $0x10, s11, s19, $0xb8;
	[tilespmem:$0x10B40] =	vst v63  }
0x8b: {  	s12 =	simm.s32 $0x2A00  }
0x8c: {  	[spmem:s2] =	stream.indirect.scatter.add.f32 [tilespmem:s28], [sflag:$0x2], $0x10, s12, s19, $0xb8;
	[tilespmem:$0x10B40] =	vst v63  }
0x8d: {  	s13 =	simm.s32 $0x2A80  }
0x8e: {  	[spmem:s2] =	stream.indirect.scatter.add.f32 [tilespmem:s30], [sflag:$0x2], $0x10, s13, s19, $0xb8;
	[tilespmem:$0x10B40] =	vst v63  }
0x8f: {  	s15 =	simm.s32 $0x2B00  }
0x90: {  	[spmem:s2] =	stream.indirect.scatter.add.f32 [tilespmem:s1], [sflag:$0x2], $0x10, s15, s19, $0xb8;
	[tilespmem:$0x10B40] =	vst v63  }
0x91: {  	s3 =	simm.s32 $0x2B80  }
0x92: {  	[spmem:s2] =	stream.indirect.scatter.add.f32 [tilespmem:s14], [sflag:$0x2], $0x10, s3, s19, $0xb8;
	[tilespmem:$0x10B40] =	vst v63  }
0x93: {  	_ =	swait.ge [sflag:s17], $0x800  }
0x94: {  	[sflag:s17] =	ssyncset.done $0x0  }
0x95: {  	[sflag:s17] =	ssyncadd.s32 $0xFFFFF800  }
0x96: {  	_ =	swait.ge [sflag:s17], $0x800  }
0x97: {  	[sflag:s17] =	ssyncset.done $0x0  }
0x98: {  	[sflag:s17] =	ssyncadd.s32 $0xFFFFF800  }
0x99: {  	_ =	swait.ge [sflag:s17], $0x800  }
0x9a: {  	[sflag:s17] =	ssyncset.done $0x0  }
0x9b: {  	[sflag:s17] =	ssyncadd.s32 $0xFFFFF800  }
0x9c: {  	_ =	swait.ge [sflag:s17], $0x800  }
0x9d: {  	[sflag:s17] =	ssyncset.done $0x0  }
0x9e: {  	[sflag:s17] =	ssyncadd.s32 $0xFFFFF800  }
0x9f: {  	_ =	swait.ge [sflag:s17], $0x800  }
0xa0: {  	[sflag:s17] =	ssyncset.done $0x0  }
0xa1: {  	[sflag:s17] =	ssyncadd.s32 $0xFFFFF800  }
0xa2: {  	_ =	swait.ge [sflag:s17], $0x800  }
0xa3: {  	[sflag:s17] =	ssyncset.done $0x0  }
0xa4: {  	[sflag:s17] =	ssyncadd.s32 $0xFFFFF800  }
0xa5: {  	_ =	swait.ge [sflag:s17], $0x800  }
0xa6: {  	[sflag:s17] =	ssyncset.done $0x0  }
0xa7: {  	[sflag:s17] =	ssyncadd.s32 $0xFFFFF800  }
0xa8: {  	_ =	swait.ge [sflag:s17], $0x800  }
0xa9: {  	[sflag:s17] =	ssyncset.done $0x0  }
0xaa: {  	[sflag:s17] =	ssyncadd.s32 $0xFFFFF800  }
0xab: {  	_ =	swait.ge [sflag:s18], $0x800  }
0xac: {  	[sflag:s18] =	ssyncset.done $0x0  }
0xad: {  	[sflag:s18] =	ssyncadd.s32 $0xFFFFF800  }
0xae: {  	_ =	swait.ge [sflag:s18], $0x800  }
0xaf: {  	[sflag:s18] =	ssyncset.done $0x0  }
0xb0: {  	[sflag:s18] =	ssyncadd.s32 $0xFFFFF800  }
0xb1: {  	_ =	swait.ge [sflag:s18], $0x800  }
0xb2: {  	[sflag:s18] =	ssyncset.done $0x0  }
0xb3: {  	[sflag:s18] =	ssyncadd.s32 $0xFFFFF800  }
0xb4: {  	_ =	swait.ge [sflag:s18], $0x800  }
0xb5: {  	[sflag:s18] =	ssyncset.done $0x0  }
0xb6: {  	[sflag:s18] =	ssyncadd.s32 $0xFFFFF800  }
0xb7: {  	_ =	swait.ge [sflag:s18], $0x800  }
0xb8: {  	[sflag:s18] =	ssyncset.done $0x0  }
0xb9: {  	[sflag:s18] =	ssyncadd.s32 $0xFFFFF800  }
0xba: {  	_ =	swait.ge [sflag:s18], $0x800  }
0xbb: {  	[sflag:s18] =	ssyncset.done $0x0  }
0xbc: {  	[sflag:s18] =	ssyncadd.s32 $0xFFFFF800  }
0xbd: {  	_ =	swait.ge [sflag:s18], $0x800  }
0xbe: {  	[sflag:s18] =	ssyncset.done $0x0  }
0xbf: {  	[sflag:s18] =	ssyncadd.s32 $0xFFFFF800  }
0xc0: {  	p0 =	por $0x0, $0x0;
	_ =	swait.ge [sflag:s18], $0x800  }
0xc1: {  	s9 =	simm.s32 @!p0 $0x5000;
	[sflag:s18] =	ssyncset.done $0x0  }
0xc2: {  	s11 =	simm.s32 @!p0 $0x800;
	s12 =	simm.s32 @!p0 $0x80;
	[sflag:s18] =	ssyncadd.s32 $0xFFFFF800  }
0xc3: {  	[tilespmem:s9], [sflag:$0x1] =	stream.indirect.gather @!p0 [hbm4b:s4+s12], $0x10, s11, s12, $0xb8;
	[tilespmem:$0x10B40] =	vst v63  }
0xc4: {  	s9 =	simm.s32 @!p0 $0x880;
	s11 =	simm.s32 @!p0 $0x5800  }
0xc5: {  	[tilespmem:s11], [sflag:$0x1] =	stream.indirect.gather @!p0 [hbm4b:s4+s12], $0x10, s9, s12, $0xb8;
	[tilespmem:$0x10B40] =	vst v63  }
0xc6: {  	s9 =	simm.s32 @!p0 $0x900;
	s11 =	simm.s32 @!p0 $0x6000  }
0xc7: {  	[tilespmem:s11], [sflag:$0x1] =	stream.indirect.gather @!p0 [hbm4b:s4+s12], $0x10, s9, s12, $0xb8;
	[tilespmem:$0x10B40] =	vst v63  }
0xc8: {  	s9 =	simm.s32 @!p0 $0x980;
	s11 =	simm.s32 @!p0 $0x6800  }
0xc9: {  	[tilespmem:s11], [sflag:$0x1] =	stream.indirect.gather @!p0 [hbm4b:s4+s12], $0x10, s9, s12, $0xb8;
	[tilespmem:$0x10B40] =	vst v63  }
0xca: {  	s9 =	simm.s32 @!p0 $0xA00;
	s11 =	simm.s32 @!p0 $0x7000  }
0xcb: {  	[tilespmem:s11], [sflag:$0x1] =	stream.indirect.gather @!p0 [hbm4b:s4+s12], $0x10, s9, s12, $0xb8;
	[tilespmem:$0x10B40] =	vst v63  }
0xcc: {  	s9 =	simm.s32 @!p0 $0xA80;
	s11 =	simm.s32 @!p0 $0x7800  }
0xcd: {  	[tilespmem:s11], [sflag:$0x1] =	stream.indirect.gather @!p0 [hbm4b:s4+s12], $0x10, s9, s12, $0xb8;
	[tilespmem:$0x10B40] =	vst v63  }
0xce: {  	s9 =	simm.s32 @!p0 $0xB00;
	s11 =	simm.s32 @!p0 $0x8000  }
0xcf: {  	[tilespmem:s11], [sflag:$0x1] =	stream.indirect.gather @!p0 [hbm4b:s4+s12], $0x10, s9, s12, $0xb8;
	[tilespmem:$0x10B40] =	vst v63  }
0xd0: {  	s9 =	simm.s32 @!p0 $0xB80;
	s11 =	simm.s32 @!p0 $0x8800  }
0xd1: {  	[tilespmem:s11], [sflag:$0x1] =	stream.indirect.gather @!p0 [hbm4b:s4+s12], $0x10, s9, s12, $0xb8;
	[tilespmem:$0x10B40] =	vst v63  }
0xd2: {  	s7 =	simm.s32 $0x2C00  }
0xd3: {  	[spmem:s2] =	stream.indirect.scatter.add.f32 [tilespmem:s22], [sflag:$0x2], $0x10, s7, s19, $0xb8;
	[tilespmem:$0x10B40] =	vst v63  }
0xd4: {  	s8 =	simm.s32 $0x2C80  }
0xd5: {  	[spmem:s2] =	stream.indirect.scatter.add.f32 [tilespmem:s24], [sflag:$0x2], $0x10, s8, s19, $0xb8;
	[tilespmem:$0x10B40] =	vst v63  }
0xd6: {  	s10 =	simm.s32 $0x2D00  }
0xd7: {  	[spmem:s2] =	stream.indirect.scatter.add.f32 [tilespmem:s26], [sflag:$0x2], $0x10, s10, s19, $0xb8;
	[tilespmem:$0x10B40] =	vst v63  }
0xd8: {  	s11 =	simm.s32 $0x2D80  }
0xd9: {  	[spmem:s2] =	stream.indirect.scatter.add.f32 [tilespmem:s29], [sflag:$0x2], $0x10, s11, s19, $0xb8;
	[tilespmem:$0x10B40] =	vst v63  }
0xda: {  	s12 =	simm.s32 $0x2E00  }
0xdb: {  	[spmem:s2] =	stream.indirect.scatter.add.f32 [tilespmem:s31], [sflag:$0x2], $0x10, s12, s19, $0xb8;
	[tilespmem:$0x10B40] =	vst v63  }
0xdc: {  	s13 =	simm.s32 $0x2E80  }
0xdd: {  	[spmem:s2] =	stream.indirect.scatter.add.f32 [tilespmem:s0], [sflag:$0x2], $0x10, s13, s19, $0xb8;
	[tilespmem:$0x10B40] =	vst v63  }
0xde: {  	s15 =	simm.s32 $0x2F00;
	s9 =	simm.s32 $0x2000;
	s11 =	simm.s32 $0x2F80  }
0xdf: {  	[spmem:s2] =	stream.indirect.scatter.add.f32 [tilespmem:s5], [sflag:$0x2], $0x10, s15, s19, $0xb8;
	[tilespmem:$0x10B40] =	vst v63  }
.LBB2_2:
0xe0: {  	[spmem:s2] =	stream.indirect.scatter.add.f32 [tilespmem:s6], [sflag:$0x2], $0x10, s11, s19, $0xb8;
	[tilespmem:$0x10B40] =	vst v63  }
0xe1: {  	s11 =	smov.u32 s9;
	s9 =	sadd.s32 $0x2000, s9;
	_ =	swait.ge [sflag:s17], $0x800  }
0xe2: {  	p0 =	sne.s32 s9, $0xA000;
	[sflag:s17] =	ssyncset.done $0x0  }
0xe3: {  	[sflag:s17] =	ssyncadd.s32 $0xFFFFF800  }
0xe4: {  	_ =	swait.ge [sflag:s17], $0x800  }
0xe5: {  	[sflag:s17] =	ssyncset.done $0x0  }
0xe6: {  	[sflag:s17] =	ssyncadd.s32 $0xFFFFF800  }
0xe7: {  	_ =	swait.ge [sflag:s17], $0x800  }
0xe8: {  	[sflag:s17] =	ssyncset.done $0x0  }
0xe9: {  	[sflag:s17] =	ssyncadd.s32 $0xFFFFF800  }
0xea: {  	_ =	swait.ge [sflag:s17], $0x800  }
0xeb: {  	[sflag:s17] =	ssyncset.done $0x0  }
0xec: {  	[sflag:s17] =	ssyncadd.s32 $0xFFFFF800  }
0xed: {  	_ =	swait.ge [sflag:s17], $0x800  }
0xee: {  	[sflag:s17] =	ssyncset.done $0x0  }
0xef: {  	[sflag:s17] =	ssyncadd.s32 $0xFFFFF800  }
0xf0: {  	_ =	swait.ge [sflag:s17], $0x800  }
0xf1: {  	[sflag:s17] =	ssyncset.done $0x0  }
0xf2: {  	[sflag:s17] =	ssyncadd.s32 $0xFFFFF800  }
0xf3: {  	_ =	swait.ge [sflag:s17], $0x800  }
0xf4: {  	[sflag:s17] =	ssyncset.done $0x0  }
0xf5: {  	[sflag:s17] =	ssyncadd.s32 $0xFFFFF800  }
0xf6: {  	_ =	swait.ge [sflag:s17], $0x800  }
0xf7: {  	p1 =	seq.s32 s11, $0x0;
	[sflag:s17] =	ssyncset.done $0x0  }
0xf8: {  	s13 =	simm.s32 @!p1 $0x2;
	[sflag:s17] =	ssyncadd.s32 $0xFFFFF800  }
0xf9: {  	_ =	swait.ge @!p1 [sflag:s13], $0x800  }
0xfa: {  	[sflag:s13] =	ssyncset.done @!p1 $0x0  }
0xfb: {  	[sflag:s13] =	ssyncadd.s32 @!p1 $0xFFFFF800  }
0xfc: {  	_ =	swait.ge @!p1 [sflag:s13], $0x800  }
0xfd: {  	[sflag:s13] =	ssyncset.done @!p1 $0x0  }
0xfe: {  	[sflag:s13] =	ssyncadd.s32 @!p1 $0xFFFFF800  }
0xff: {  	_ =	swait.ge @!p1 [sflag:s13], $0x800  }
0x100: {  	[sflag:s13] =	ssyncset.done @!p1 $0x0  }
0x101: {  	[sflag:s13] =	ssyncadd.s32 @!p1 $0xFFFFF800  }
0x102: {  	_ =	swait.ge @!p1 [sflag:s13], $0x800  }
0x103: {  	[sflag:s13] =	ssyncset.done @!p1 $0x0  }
0x104: {  	[sflag:s13] =	ssyncadd.s32 @!p1 $0xFFFFF800  }
0x105: {  	_ =	swait.ge @!p1 [sflag:s13], $0x800  }
0x106: {  	[sflag:s13] =	ssyncset.done @!p1 $0x0  }
0x107: {  	[sflag:s13] =	ssyncadd.s32 @!p1 $0xFFFFF800  }
0x108: {  	_ =	swait.ge @!p1 [sflag:s13], $0x800  }
0x109: {  	[sflag:s13] =	ssyncset.done @!p1 $0x0  }
0x10a: {  	[sflag:s13] =	ssyncadd.s32 @!p1 $0xFFFFF800  }
0x10b: {  	_ =	swait.ge @!p1 [sflag:s13], $0x800  }
0x10c: {  	[sflag:s13] =	ssyncset.done @!p1 $0x0  }
0x10d: {  	[sflag:s13] =	ssyncadd.s32 @!p1 $0xFFFFF800  }
0x10e: {  	_ =	swait.ge @!p1 [sflag:s13], $0x800  }
0x10f: {  	s12 =	sshra.s32 s11, $0x2;
	[sflag:s13] =	ssyncset.done @!p1 $0x0  }
0x110: {  	[sflag:s13] =	ssyncadd.s32 @!p1 $0xFFFFF800;
	s13 =	sadd.s32 $0x400, s12  }
0x111: {  	[tilespmem:s22], [sflag:$0x1] =	stream.indirect.gather [hbm4b:s4+s19], $0x10, s13, s19, $0xb8;
	[tilespmem:$0x10B40] =	vst v63  }
0x112: {  	s13 =	sadd.s32 $0x480, s12  }
0x113: {  	[tilespmem:s24], [sflag:$0x1] =	stream.indirect.gather [hbm4b:s4+s19], $0x10, s13, s19, $0xb8;
	[tilespmem:$0x10B40] =	vst v63  }
0x114: {  	s13 =	sadd.s32 $0x500, s12  }
0x115: {  	[tilespmem:s26], [sflag:$0x1] =	stream.indirect.gather [hbm4b:s4+s19], $0x10, s13, s19, $0xb8;
	[tilespmem:$0x10B40] =	vst v63  }
0x116: {  	s13 =	sadd.s32 $0x580, s12  }
0x117: {  	[tilespmem:s29], [sflag:$0x1] =	stream.indirect.gather [hbm4b:s4+s19], $0x10, s13, s19, $0xb8;
	[tilespmem:$0x10B40] =	vst v63  }
0x118: {  	s13 =	sadd.s32 $0x600, s12  }
0x119: {  	[tilespmem:s31], [sflag:$0x1] =	stream.indirect.gather [hbm4b:s4+s19], $0x10, s13, s19, $0xb8;
	[tilespmem:$0x10B40] =	vst v63  }
0x11a: {  	s13 =	sadd.s32 $0x680, s12  }
0x11b: {  	[tilespmem:s0], [sflag:$0x1] =	stream.indirect.gather [hbm4b:s4+s19], $0x10, s13, s19, $0xb8;
	[tilespmem:$0x10B40] =	vst v63  }
0x11c: {  	s13 =	sadd.s32 $0x700, s12  }
0x11d: {  	[tilespmem:s5], [sflag:$0x1] =	stream.indirect.gather [hbm4b:s4+s19], $0x10, s13, s19, $0xb8;
	[tilespmem:$0x10B40] =	vst v63  }
0x11e: {  	s13 =	sadd.s32 $0x780, s12  }
0x11f: {  	[tilespmem:s6], [sflag:$0x1] =	stream.indirect.gather [hbm4b:s4+s19], $0x10, s13, s19, $0xb8;
	[tilespmem:$0x10B40] =	vst v63  }
0x120: {  	s13 =	sadd.s32 $0x2800, s12  }
0x121: {  	[spmem:s2] =	stream.indirect.scatter.add.f32 [tilespmem:s20], [sflag:$0x2], $0x10, s13, s19, $0xb8;
	[tilespmem:$0x10B40] =	vst v63  }
0x122: {  	s13 =	sadd.s32 $0x2880, s12  }
0x123: {  	[spmem:s2] =	stream.indirect.scatter.add.f32 [tilespmem:s21], [sflag:$0x2], $0x10, s13, s19, $0xb8;
	[tilespmem:$0x10B40] =	vst v63  }
0x124: {  	s13 =	sadd.s32 $0x2900, s12  }
0x125: {  	[spmem:s2] =	stream.indirect.scatter.add.f32 [tilespmem:s23], [sflag:$0x2], $0x10, s13, s19, $0xb8;
	[tilespmem:$0x10B40] =	vst v63  }
0x126: {  	s13 =	sadd.s32 $0x2980, s12  }
0x127: {  	[spmem:s2] =	stream.indirect.scatter.add.f32 [tilespmem:s25], [sflag:$0x2], $0x10, s13, s19, $0xb8;
	[tilespmem:$0x10B40] =	vst v63  }
0x128: {  	s13 =	sadd.s32 $0x2A00, s12  }
0x129: {  	[spmem:s2] =	stream.indirect.scatter.add.f32 [tilespmem:s28], [sflag:$0x2], $0x10, s13, s19, $0xb8;
	[tilespmem:$0x10B40] =	vst v63  }
0x12a: {  	s13 =	sadd.s32 $0x2A80, s12  }
0x12b: {  	[spmem:s2] =	stream.indirect.scatter.add.f32 [tilespmem:s30], [sflag:$0x2], $0x10, s13, s19, $0xb8;
	[tilespmem:$0x10B40] =	vst v63  }
0x12c: {  	s13 =	sadd.s32 $0x2B00, s12  }
0x12d: {  	[spmem:s2] =	stream.indirect.scatter.add.f32 [tilespmem:s1], [sflag:$0x2], $0x10, s13, s19, $0xb8;
	[tilespmem:$0x10B40] =	vst v63  }
0x12e: {  	s13 =	sadd.s32 $0x2B80, s12  }
0x12f: {  	[spmem:s2] =	stream.indirect.scatter.add.f32 [tilespmem:s14], [sflag:$0x2], $0x10, s13, s19, $0xb8;
	[tilespmem:$0x10B40] =	vst v63  }
0x130: {  	_ =	swait.ge [sflag:s17], $0x800  }
0x131: {  	[sflag:s17] =	ssyncset.done $0x0  }
0x132: {  	[sflag:s17] =	ssyncadd.s32 $0xFFFFF800  }
0x133: {  	_ =	swait.ge [sflag:s17], $0x800  }
0x134: {  	[sflag:s17] =	ssyncset.done $0x0  }
0x135: {  	[sflag:s17] =	ssyncadd.s32 $0xFFFFF800  }
0x136: {  	_ =	swait.ge [sflag:s17], $0x800  }
0x137: {  	[sflag:s17] =	ssyncset.done $0x0  }
0x138: {  	[sflag:s17] =	ssyncadd.s32 $0xFFFFF800  }
0x139: {  	_ =	swait.ge [sflag:s17], $0x800  }
0x13a: {  	[sflag:s17] =	ssyncset.done $0x0  }
0x13b: {  	[sflag:s17] =	ssyncadd.s32 $0xFFFFF800  }
0x13c: {  	_ =	swait.ge [sflag:s17], $0x800  }
0x13d: {  	[sflag:s17] =	ssyncset.done $0x0  }
0x13e: {  	[sflag:s17] =	ssyncadd.s32 $0xFFFFF800  }
0x13f: {  	_ =	swait.ge [sflag:s17], $0x800  }
0x140: {  	[sflag:s17] =	ssyncset.done $0x0  }
0x141: {  	[sflag:s17] =	ssyncadd.s32 $0xFFFFF800  }
0x142: {  	_ =	swait.ge [sflag:s17], $0x800  }
0x143: {  	[sflag:s17] =	ssyncset.done $0x0  }
0x144: {  	[sflag:s17] =	ssyncadd.s32 $0xFFFFF800  }
0x145: {  	_ =	swait.ge [sflag:s17], $0x800  }
0x146: {  	[sflag:s17] =	ssyncset.done $0x0  }
0x147: {  	[sflag:s17] =	ssyncadd.s32 $0xFFFFF800  }
0x148: {  	_ =	swait.ge [sflag:s18], $0x800  }
0x149: {  	[sflag:s18] =	ssyncset.done $0x0  }
0x14a: {  	[sflag:s18] =	ssyncadd.s32 $0xFFFFF800  }
0x14b: {  	_ =	swait.ge [sflag:s18], $0x800  }
0x14c: {  	[sflag:s18] =	ssyncset.done $0x0  }
0x14d: {  	[sflag:s18] =	ssyncadd.s32 $0xFFFFF800  }
0x14e: {  	_ =	swait.ge [sflag:s18], $0x800  }
0x14f: {  	[sflag:s18] =	ssyncset.done $0x0  }
0x150: {  	[sflag:s18] =	ssyncadd.s32 $0xFFFFF800  }
0x151: {  	_ =	swait.ge [sflag:s18], $0x800  }
0x152: {  	[sflag:s18] =	ssyncset.done $0x0  }
0x153: {  	[sflag:s18] =	ssyncadd.s32 $0xFFFFF800  }
0x154: {  	_ =	swait.ge [sflag:s18], $0x800  }
0x155: {  	[sflag:s18] =	ssyncset.done $0x0  }
0x156: {  	[sflag:s18] =	ssyncadd.s32 $0xFFFFF800  }
0x157: {  	_ =	swait.ge [sflag:s18], $0x800  }
0x158: {  	[sflag:s18] =	ssyncset.done $0x0  }
0x159: {  	[sflag:s18] =	ssyncadd.s32 $0xFFFFF800  }
0x15a: {  	_ =	swait.ge [sflag:s18], $0x800  }
0x15b: {  	[sflag:s18] =	ssyncset.done $0x0  }
0x15c: {  	[sflag:s18] =	ssyncadd.s32 $0xFFFFF800  }
0x15d: {  	p1 =	seq.s32 s11, $0x8000;
	_ =	swait.ge [sflag:s18], $0x800  }
0x15e: {  	s11 =	sshra.s32 @!p1 s11, $0x2;
	s13 =	simm.s32 @!p1 $0x5000;
	[sflag:s18] =	ssyncset.done $0x0  }
0x15f: {  	s10 =	simm.s32 @!p1 $0x80;
	s8 =	sadd.s32 @!p1 $0x800, s11;
	[sflag:s18] =	ssyncadd.s32 $0xFFFFF800  }
0x160: {  	[tilespmem:s13], [sflag:$0x1] =	stream.indirect.gather @!p1 [hbm4b:s4+s10], $0x10, s8, s10, $0xb8;
	[tilespmem:$0x10B40] =	vst v63  }
0x161: {  	s3 =	sadd.s32 @!p1 $0x900, s11;
	s8 =	sadd.s32 @!p1 $0x880, s11;
	s13 =	simm.s32 @!p1 $0x5800  }
0x162: {  	[tilespmem:s13], [sflag:$0x1] =	stream.indirect.gather @!p1 [hbm4b:s4+s10], $0x10, s8, s10, $0xb8;
	[tilespmem:$0x10B40] =	vst v63  }
0x163: {  	s15 =	sadd.s32 @!p1 $0xA00, s11;
	s8 =	simm.s32 @!p1 $0x6000;
	s13 =	sadd.s32 @!p1 $0x980, s11  }
0x164: {  	[tilespmem:s8], [sflag:$0x1] =	stream.indirect.gather @!p1 [hbm4b:s4+s10], $0x10, s3, s10, $0xb8;
	[tilespmem:$0x10B40] =	vst v63  }
0x165: {  	s7 =	sadd.s32 @!p1 $0xB00, s11;
	s3 =	simm.s32 @!p1 $0x6800;
	s8 =	sadd.s32 @!p1 $0xA80, s11  }
0x166: {  	[tilespmem:s3], [sflag:$0x1] =	stream.indirect.gather @!p1 [hbm4b:s4+s10], $0x10, s13, s10, $0xb8;
	[tilespmem:$0x10B40] =	vst v63  }
0x167: {  	s11 =	sadd.s32 @!p1 $0xB80, s11;
	s3 =	simm.s32 @!p1 $0x7000  }
0x168: {  	[tilespmem:s3], [sflag:$0x1] =	stream.indirect.gather @!p1 [hbm4b:s4+s10], $0x10, s15, s10, $0xb8;
	[tilespmem:$0x10B40] =	vst v63  }
0x169: {  	s3 =	simm.s32 @!p1 $0x7800  }
0x16a: {  	[tilespmem:s3], [sflag:$0x1] =	stream.indirect.gather @!p1 [hbm4b:s4+s10], $0x10, s8, s10, $0xb8;
	[tilespmem:$0x10B40] =	vst v63  }
0x16b: {  	s3 =	simm.s32 @!p1 $0x8000  }
0x16c: {  	[tilespmem:s3], [sflag:$0x1] =	stream.indirect.gather @!p1 [hbm4b:s4+s10], $0x10, s7, s10, $0xb8;
	[tilespmem:$0x10B40] =	vst v63  }
0x16d: {  	s3 =	simm.s32 @!p1 $0x8800  }
0x16e: {  	[tilespmem:s3], [sflag:$0x1] =	stream.indirect.gather @!p1 [hbm4b:s4+s10], $0x10, s11, s10, $0xb8;
	[tilespmem:$0x10B40] =	vst v63  }
0x16f: {  	s3 =	sadd.s32 $0x2C00, s12  }
0x170: {  	[spmem:s2] =	stream.indirect.scatter.add.f32 [tilespmem:s22], [sflag:$0x2], $0x10, s3, s19, $0xb8;
	[tilespmem:$0x10B40] =	vst v63  }
0x171: {  	s3 =	sadd.s32 $0x2C80, s12  }
0x172: {  	[spmem:s2] =	stream.indirect.scatter.add.f32 [tilespmem:s24], [sflag:$0x2], $0x10, s3, s19, $0xb8;
	[tilespmem:$0x10B40] =	vst v63  }
0x173: {  	s3 =	sadd.s32 $0x2D00, s12  }
0x174: {  	[spmem:s2] =	stream.indirect.scatter.add.f32 [tilespmem:s26], [sflag:$0x2], $0x10, s3, s19, $0xb8;
	[tilespmem:$0x10B40] =	vst v63  }
0x175: {  	s3 =	sadd.s32 $0x2D80, s12  }
0x176: {  	[spmem:s2] =	stream.indirect.scatter.add.f32 [tilespmem:s29], [sflag:$0x2], $0x10, s3, s19, $0xb8;
	[tilespmem:$0x10B40] =	vst v63  }
0x177: {  	s3 =	sadd.s32 $0x2E00, s12  }
0x178: {  	[spmem:s2] =	stream.indirect.scatter.add.f32 [tilespmem:s31], [sflag:$0x2], $0x10, s3, s19, $0xb8;
	[tilespmem:$0x10B40] =	vst v63  }
.Ltmp0:
0x179: {  	s3 =	sadd.s32 $0x2E80, s12;
	(pc) =	sbr.rel @p0 .LBB2_2-.Ltmp0, $4  }
0x17a: {  	[spmem:s2] =	stream.indirect.scatter.add.f32 [tilespmem:s0], [sflag:$0x2], $0x10, s3, s19, $0xb8;
	[tilespmem:$0x10B40] =	vst v63  }
0x17b: {  	s3 =	sadd.s32 $0x2F00, s12  }
0x17c: {  	[spmem:s2] =	stream.indirect.scatter.add.f32 [tilespmem:s5], [sflag:$0x2], $0x10, s3, s19, $0xb8;
	[tilespmem:$0x10B40] =	vst v63  }
0x17d: {  	s11 =	sadd.s32 $0x2F80, s12  }
0x17e: {  	[spmem:s2] =	stream.indirect.scatter.add.f32 [tilespmem:s6], [sflag:$0x2], $0x10, s11, s19, $0xb8;
	[tilespmem:$0x10B40] =	vst v63  }
0x17f: {  	_ =	swait.ge [sflag:s18], $0x800  }
0x180: {  	[sflag:s18] =	ssyncset.done $0x0  }
0x181: {  	[sflag:s18] =	ssyncadd.s32 $0xFFFFF800  }
0x182: {  	_ =	swait.ge [sflag:s18], $0x800  }
0x183: {  	[sflag:s18] =	ssyncset.done $0x0  }
0x184: {  	[sflag:s18] =	ssyncadd.s32 $0xFFFFF800  }
0x185: {  	_ =	swait.ge [sflag:s18], $0x800  }
0x186: {  	[sflag:s18] =	ssyncset.done $0x0  }
0x187: {  	[sflag:s18] =	ssyncadd.s32 $0xFFFFF800  }
0x188: {  	_ =	swait.ge [sflag:s18], $0x800  }
0x189: {  	[sflag:s18] =	ssyncset.done $0x0  }
0x18a: {  	[sflag:s18] =	ssyncadd.s32 $0xFFFFF800  }
0x18b: {  	_ =	swait.ge [sflag:s18], $0x800  }
0x18c: {  	[sflag:s18] =	ssyncset.done $0x0  }
0x18d: {  	[sflag:s18] =	ssyncadd.s32 $0xFFFFF800  }
0x18e: {  	_ =	swait.ge [sflag:s18], $0x800  }
0x18f: {  	[sflag:s18] =	ssyncset.done $0x0  }
0x190: {  	[sflag:s18] =	ssyncadd.s32 $0xFFFFF800  }
0x191: {  	_ =	swait.ge [sflag:s18], $0x800  }
0x192: {  	[sflag:s18] =	ssyncset.done $0x0  }
0x193: {  	[sflag:s18] =	ssyncadd.s32 $0xFFFFF800  }
0x194: {  	_ =	swait.ge [sflag:s18], $0x800  }
0x195: {  	[sflag:s18] =	ssyncset.done $0x0  }
0x196: {  	[sflag:s18] =	ssyncadd.s32 $0xFFFFF800  }
0x197: {  	[bflag:$0x0] =	sbarrier.arrive $0xFFFF  }
0x198: {  	s11 =	simm.s32 $0xD000;
	s8 =	rddreg [dreg:$0x7]  }
0x199: {  	[tilespmem:s11], [sflag:$0x3] =	stream.linear.gather [spmem:s8], $0x13C0, $0x38;
	[tilespmem:$0x10B40] =	vst v63  }
0x19a: {  	_ =	swait.ge [sflag:s16], $0x13C0  }
0x19b: {  	[sflag:s16] =	ssyncset.done $0x0  }
0x19c: {  	s3 =	simm.s32 $0x0;
	s7 =	rddreg [dreg:$0xa];
	[sflag:s16] =	ssyncadd.s32 $0xFFFFEC40  }
0x19d: {  	[hbm4b:s7+s3] =	stream.linear.scatter [tilespmem:s11], [sflag:$0x3], $0x13C0, $0x38;
	[tilespmem:$0x10B40] =	vst v63  }
0x19e: {  	_ =	swait.ge [sflag:s16], $0x13C0  }
0x19f: {  	[sflag:s16] =	ssyncset.done $0x0  }
0x1a0: {  	s9 =	rddreg [dreg:$0x9];
	[sflag:s16] =	ssyncadd.s32 $0xFFFFEC40  }
0x1a1: {  	[tilespmem:s11], [sflag:$0x3] =	stream.linear.gather [spmem:s9], $0x13C0, $0x38;
	[tilespmem:$0x10B40] =	vst v63  }
0x1a2: {  	_ =	swait.ge [sflag:s16], $0x13C0  }
0x1a3: {  	[sflag:s16] =	ssyncset.done $0x0  }
0x1a4: {  	s13 =	rddreg [dreg:$0xb];
	[sflag:s16] =	ssyncadd.s32 $0xFFFFEC40  }
0x1a5: {  	[hbm4b:s13+s3] =	stream.linear.scatter [tilespmem:s11], [sflag:$0x3], $0x13C0, $0x38;
	[tilespmem:$0x10B40] =	vst v63  }
0x1a6: {  	_ =	swait.ge [sflag:s16], $0x13C0  }
0x1a7: {  	s10 =	rddreg [dreg:$0xd]  }
0x1a8: {  	s15 =	rddreg [dreg:$0xc];
	s10 =	sadd.s32 $0x1, s10  }
0x1a9: {  	p0 =	sne.s32 s10, s15  }
.Ltmp1:
0x1aa: {  	_ = 	snop;
	(pc) =	sbr.rel @p0 .LBB2_1-.Ltmp1, $3  }
0x1ab: {  	_ =	sdelay $0x1  }
0x1ac: {  	[sflag:s16] =	ssyncset.done $0x0  }
0x1ad: {  	[sflag:s16] =	ssyncadd.s32 $0xFFFFEC40  }
0x1ae: {  	_ =	sfence.sel $0x180000  }
0x1af: {  	[bflag:$0x0] =	sbarrier.arrive $0xFFFF  }
0x1b0: {  	_ =	strace $0x9000004A  }
0x1b1: {  	s0 =	stileid.u32;
	[bflag:$0x2] =	sbarrier.arrive $0xFFFF  }
0x1b2: {  	p0 =	sne.s32 s0, $0x0;
	s0 =	rddreg [dreg:$0x3]  }
0x1b3: {  	s0 =	sadd.s32 @!p0 $0x100000, s0  }
0x1b4: {  	[sflag:s0] =	ssyncadd.tile.s32 @!p0 $0x1;
	_ =	shalt  }
.Lfunc_end2:
_tile_overlayer_lowered:
.L_overlay_start_2:
0x1b5: {  	(tag) =	ssettag $0x2  }
0x1b6: {  	s0 =	rddreg [dreg:$0x0];
	s2 =	stileid.u32  }
0x1b7: {  	s1 =	rddreg [dreg:$0x1];
	p0 =	sne.s32 s2, $0x0  }
0x1b8: {  	s3 =	rddreg [dreg:$0x2];
	[bflag:$0x3] =	sbarrier.arrive $0xFFFF;
	s2 =	simm.s32 @!p0 $0x1C03  }
0x1b9: {  	[timem:s3], [sflag:s2] =	dma.local @!p0 [hbm:s0], s1  }
0x1ba: {  	s0 =	simm.s32 @!p0 $0x3  }
0x1bb: {  	_ =	swait.ge @!p0 [sflag:s0], s1  }
0x1bc: {  	s1 =	ssub.s32 @!p0 $0x0, s1;
	[sflag:s0] =	ssyncset.done @!p0 $0x0  }
0x1bd: {  	[sflag:s0] =	ssyncadd.s32 @!p0 s1  }
0x1be: {  	[bflag:$0x3] =	sbarrier.arrive $0xFFFF  }
0x1bf: {  	_ =	shalt  }

// kernel: kernel.14.cloned.1.call-start
scs
__scs_entry_jumppad:
0x0: {  	(pc) =	sbr.rel $0x88, $3  }
0x1: {  	(tag) =	ssettag $0x0;
	lr =	simm.s32 $0x1  }
0x2: {  	[smem:$0x3F9B] =	sst lr;
	_ =	strace $0xD0000000  }
0x3: {  	_ = 	snop  }
0x4: {  	_ = 	snop  }
0x5: {  	_ = 	snop  }
0x6: {  	_ = 	snop  }
0x7: {  	_ = 	snop  }
__scs_overlays_trampoline_lowered:
0x8: {  	[smem:$0x3FAA] =	sst s0  }
0x9: {  	[smem:$0x3FAB] =	sst s1  }
0xa: {  	[smem:$0x3FAC] =	sst s2  }
0xb: {  	[smem:$0x3FAD] =	sst s3  }
0xc: {  	[smem:$0x3FAE] =	sst s4  }
0xd: {  	[smem:$0x3FAF] =	sst s5  }
0xe: {  	[smem:$0x3FB0] =	sst s6  }
0xf: {  	[smem:$0x3FB1] =	sst s7  }
0x10: {  	[smem:$0x3FB2] =	sst s8  }
0x11: {  	[smem:$0x3FB3] =	sst s9;
	s0 =	simm.s32 @!p0 $0x0  }
0x12: {  	s1 =	sld [smem:$0x3F99];
	s0 =	simm.s32 @p0 $0x1  }
0x13: {  	[smem:$0x3FB4] =	sst s0;
	s0 =	simm.s32 @!p1 $0x0  }
0x14: {  	s2 =	sld [smem:$0x3F98];
	s0 =	simm.s32 @p1 $0x1  }
0x15: {  	[smem:$0x3FB5] =	sst s0;
	s0 =	simm.s32 @!p2 $0x0  }
0x16: {  	s3 =	sld [smem:$0x3FDB];
	s0 =	simm.s32 @p2 $0x1  }
0x17: {  	s4 =	simm.s32 $0x1BF5;
	[smem:$0x3FB7] =	sst s0  }
0x18: {  	s0 =	sld [smem:$0x3F9A];
	_ =	swait.ge [sflag:s4], $0x0  }
0x19: {  	s7 =	sld [smem:$0x3F9B]  }
0x1a: {  	s8 =	sadd.s32 $0xFFFFE003, lr  }
0x1b: {  	s9 =	sadd.s32 $0xFFFFFEF7, lr;
	s5 =	simm.s32 $0xFFFFFFFF;
	p2 =	slt.u32 s8, $0xFFFFF086  }
0x1c: {  	p1 =	slt.u32 s9, $0xF7A;
	s5 =	simm.s32 @!p2 $0x0  }
0x1d: {  	s5 =	simm.s32 @p1 $0x1;
	p0 =	seq.s32 s7, s2  }
0x1e: {  	s7 =	smul.u32 @!p0 $0xF7A, s2;
	p2 =	seq.s32 @!p0 s5, $0x0  }
0x1f: {  	s9 =	smul.u32 $0xF7A, s1;
	s8 =	simm.s32 @!p0 $0x1BF5;
	p2 =	por !p2, p0  }
0x20: {  	[sflag:s8] =	ssyncset.s32 @!p0 $0xFFFFF086;
	s6 =	sadd.s32 @!p0 s3, s7;
	s7 =	simm.s32 @!p0 $0x108  }
0x21: {  	s3 =	sadd.s32 s3, s9;
	s6 =	sadd.s32 @!p0 $0x88, s6;
	s7 =	simm.s32 @p2 $0x1082  }
0x22: {  	[simem:s7], [sflag:s8] =	dma.local @!p0 [hbm:s6], $0xF7A  }
0x23: {  	s9 =	sor.u32 $0xD0000000, s2;
	s6 =	simm.s32 $0x108;
	_ =	swait.ge @!p0 [sflag:s8], $0x0  }
0x24: {  	s3 =	sadd.s32 $0x88, s3;
	s6 =	simm.s32 @!p1 $0x1082;
	[sflag:s4] =	ssyncset.s32 $0xFFFFF086  }
0x25: {  	[simem:s6], [sflag:s4] =	dma.local [hbm:s3], $0xF7A  }
0x26: {  	[smem:$0x3F9B] =	sst s1;
	(tag) =	ssettag s2;
	_ =	strace s9  }
0x27: {  	s1 =	sld [smem:$0x3FAB]  }
0x28: {  	s2 =	sld [smem:$0x3FAC]  }
0x29: {  	s4 =	sld [smem:$0x3FAE]  }
0x2a: {  	p0 =	seq.s32 s5, $0x0;
	s5 =	sld [smem:$0x3FAF]  }
0x2b: {  	s6 =	sld [smem:$0x3FB0]  }
0x2c: {  	s7 =	sld [smem:$0x3FB1]  }
0x2d: {  	s3 =	simm.s32 $0x108;
	s8 =	sld [smem:$0x3FB2]  }
0x2e: {  	s3 =	simm.s32 @!p0 $0x1082;
	s9 =	sld [smem:$0x3FB3]  }
0x2f: {  	lr =	sadd.s32 s0, s3;
	s0 =	sld [smem:$0x3FAA]  }
0x30: {  	s3 =	sld [smem:$0x3FAD]  }
0x31: {  	[smem:$0x3FB6] =	sst s10  }
0x32: {  	s10 =	sld [smem:$0x3FB4];
	_ =	sdelay $0x3  }
0x33: {  	p0 =	seq.s32 s10, $0x1;
	s10 =	sld [smem:$0x3FB6];
	_ =	sdelay $0x3  }
0x34: {  	[smem:$0x3FB6] =	sst s10  }
0x35: {  	s10 =	sld [smem:$0x3FB5];
	_ =	sdelay $0x3  }
0x36: {  	p1 =	seq.s32 s10, $0x1;
	s10 =	sld [smem:$0x3FB6];
	_ =	sdelay $0x3  }
0x37: {  	[smem:$0x3FB6] =	sst s10  }
0x38: {  	s10 =	sld [smem:$0x3FB7]  }
0x39: {  	_ = 	snop;
	(pc) =	sbr.ind lr, $3  }
0x3a: {  	_ = 	snop  }
0x3b: {  	_ = 	snop  }
0x3c: {  	p2 =	seq.s32 s10, $0x1;
	s10 =	sld [smem:$0x3FB6]  }
0x3d: {  	_ =	shalt  }
0x3e: {  	_ =	shalt  }
0x3f: {  	_ =	shalt  }
0x40: {  	_ =	shalt  }
0x41: {  	_ =	shalt  }
0x42: {  	_ =	shalt  }
0x43: {  	_ =	shalt  }
0x44: {  	_ =	shalt  }
0x45: {  	_ =	shalt  }
0x46: {  	_ =	shalt  }
0x47: {  	_ =	shalt  }
0x48: {  	_ =	shalt  }
0x49: {  	_ =	shalt  }
0x4a: {  	_ =	shalt  }
0x4b: {  	_ =	shalt  }
0x4c: {  	_ =	shalt  }
0x4d: {  	_ =	shalt  }
0x4e: {  	_ =	shalt  }
0x4f: {  	_ =	shalt  }
0x50: {  	_ =	shalt  }
0x51: {  	_ =	shalt  }
0x52: {  	_ =	shalt  }
0x53: {  	_ =	shalt  }
0x54: {  	_ =	shalt  }
0x55: {  	_ =	shalt  }
0x56: {  	_ =	shalt  }
0x57: {  	_ =	shalt  }
0x58: {  	_ =	shalt  }
0x59: {  	_ =	shalt  }
0x5a: {  	_ =	shalt  }
0x5b: {  	_ =	shalt  }
0x5c: {  	_ =	shalt  }
0x5d: {  	_ =	shalt  }
0x5e: {  	_ =	shalt  }
0x5f: {  	_ =	shalt  }
0x60: {  	_ =	shalt  }
0x61: {  	_ =	shalt  }
0x62: {  	_ =	shalt  }
0x63: {  	_ =	shalt  }
0x64: {  	_ =	shalt  }
0x65: {  	_ =	shalt  }
0x66: {  	_ =	shalt  }
0x67: {  	_ =	shalt  }
0x68: {  	_ =	shalt  }
0x69: {  	_ =	shalt  }
0x6a: {  	_ =	shalt  }
0x6b: {  	_ =	shalt  }
0x6c: {  	_ =	shalt  }
0x6d: {  	_ =	shalt  }
0x6e: {  	_ =	shalt  }
0x6f: {  	_ =	shalt  }
0x70: {  	_ =	shalt  }
0x71: {  	_ =	shalt  }
0x72: {  	_ =	shalt  }
0x73: {  	_ =	shalt  }
0x74: {  	_ =	shalt  }
0x75: {  	_ =	shalt  }
0x76: {  	_ =	shalt  }
0x77: {  	_ =	shalt  }
0x78: {  	_ =	shalt  }
0x79: {  	_ =	shalt  }
0x7a: {  	_ =	shalt  }
0x7b: {  	_ =	shalt  }
0x7c: {  	_ =	shalt  }
0x7d: {  	_ =	shalt  }
0x7e: {  	_ =	shalt  }
0x7f: {  	_ =	shalt  }
0x80: {  	_ =	shalt  }
0x81: {  	_ =	shalt  }
0x82: {  	_ =	shalt  }
0x83: {  	_ =	shalt  }
0x84: {  	_ =	shalt  }
0x85: {  	_ =	shalt  }
0x86: {  	_ =	shalt  }
0x87: {  	_ =	shalt  }
.Lfunc_end0:
.L_simem_size_0:
called_computation.2_lowered:
.L_overlay_start_0:
0x88: {  	s2 =	sld [smem:$0x3FD9]  }
0x89: {  	s3 =	sld [smem:$0x3FFE];
	_ =	sdelay $0x1  }
0x8a: {  	s1 =	srdreg.scid  }
0x8b: {  	s0 =	sand.u32 $0x1, s1  }
0x8c: {  	s17 =	sshll.u32 s0, $0xA;
	s2 =	sadd.s32 s3, s2  }
0x8d: {  	s2 =	sadd.s32 s2, s17  }
0x8e: {  	[smem:$0x3FC2] =	sst s2  }
0x8f: {  	_ = 	snop  }
0x90: {  	s2 =	sld [smem:$0x3FD0];
	(tm) =	ssettm $0x1  }
0x91: {  	s18 =	sld [smem:$0x3FFB];
	_ =	sdelay $0x3  }
0x92: {  	_ =	strace s18  }
0x93: {  	s3 =	sld [smem:$0x3FFC];
	_ =	sdelay $0x3  }
0x94: {  	_ =	strace s3  }
0x95: {  	s3 =	sld [smem:$0x3FFD];
	_ =	sdelay $0x3  }
0x96: {  	_ =	strace s3  }
0x97: {  	_ =	strace $0x8FFFFFFF  }
0x98: {  	s19 =	sld [smem:$0x3FDB];
	_ =	sdelay $0x1  }
0x99: {  	s4 =	simm.s32 $_scs_section_size  }
0x9a: {  	s5 =	simm.s32 $_size__tile_overlayer_lowered;
	s6 =	simm.s32 $_tile_overlayer_lowered  }
0x9b: {  	s22 =	simm.s32 $0x1BFF;
	s21 =	sshll.u32 s6, $0x1;
	s3 =	sadd.s32 s4, s19  }
0x9c: {  	s7 =	simm.s32 $0x0;
	s20 =	sshll.u32 s5, $0x1;
	s5 =	sadd.s32 s21, s3  }
0x9d: {  	[timem:s7], [sflag:s22] =	dma.local [hbm:s5], s20  }
0x9e: {  	_ =	swait.ge [sflag:s22], s20  }
0x9f: {  	s4 =	ssub.s32 $0x0, s20;
	[sflag:s22] =	ssyncset.done $0x0  }
0xa0: {  	[sflag:s22] =	ssyncadd.s32 s4;
	_ =	sdelay $0x1  }
0xa1: {  	s23 =	simm.s32 $0x1B8B  }
0xa2: {  	_ =	swait.ge [sflag:s23], $0x1  }
0xa3: {  	[sflag:s23] =	ssyncset.done $0x0  }
0xa4: {  	s25 =	simm.s32 $0x1B8E;
	s24 =	sld [smem:$0x3FFE];
	[sflag:s23] =	ssyncadd.s32 $0xFFFFFFFF  }
0xa5: {  	s26 =	simm.s32 $execute0_lowered;
	[smem:$0x3FD2] =	sst s25  }
0xa6: {  	s5 =	sshll.u32 s26, $0x1;
	_ =	strace $0x8000004C;
	[dreg:$0x1] =	wrdreg $0xFFFFFFFF  }
0xa7: {  	s28 =	simm.s32 $_size_execute0_lowered;
	s3 =	sadd.s32 s3, s5;
	[dreg:$0x0] =	wrdreg $0x0  }
0xa8: {  	s5 =	sshll.u32 s28, $0x1;
	[dreg:$0x2] =	wrdreg s3  }
0xa9: {  	[dreg:$0x3] =	wrdreg s5  }
0xaa: {  	[dreg:$0x4] =	wrdreg $0xC0  }
0xab: {  	_ =	task [dreg:s7], $0x5FFFF  }
0xac: {  	[dreg:$0x1] =	wrdreg $0xFFFFFFFF  }
0xad: {  	[dreg:$0x0] =	wrdreg $0x60  }
0xae: {  	[dreg:$0x2] =	wrdreg s24  }
0xaf: {  	[dreg:$0x3] =	wrdreg s2  }
0xb0: {  	[dreg:$0x4] =	wrdreg $0xE3C00  }
0xb1: {  	[dreg:$0x5] =	wrdreg $0x9  }
0xb2: {  	_ =	task.clear_ibuf [dreg:s7], $0x6FFFF;
	_ =	strace $0x9000004C  }
0xb3: {  	s29 =	simm.s32 $0x9;
	_ =	strace $0x8000004E  }
0xb4: {  	_ =	swait.ge [sflag:s29], $0x1  }
0xb5: {  	[sflag:s29] =	ssyncadd.s32 $0xFFFFFFFF  }
0xb6: {  	_ =	strace $0x9000004E  }
0xb7: {  	_ =	sfence  }
0xb8: {  	s30 =	sld [smem:$0x0];
	_ =	sdelay $0x2  }
0xb9: {  	s31 =	sshll.u32 s1, $0xD;
	s1 =	sshrl.u32 s1, $0x2  }
0xba: {  	s3 =	sand.u32 $0x4000, s31;
	s1 =	sadd.s32 s1, s30  }
0xbb: {  	s0 =	sor.u32 s3, s0;
	s1 =	sshll.u32 s1, $0x11  }
0xbc: {  	s0 =	sor.u32 s1, s0  }
0xbd: {  	s0 =	sadd.s32 $0x8F2B, s0  }
0xbe: {  	[sflag:s0] =	ssyncadd.remote.s32 $0x1  }
0xbf: {  	_ =	sfence.sel $0xFFFF  }
0xc0: {  	[dreg:$0x0] =	wrdreg $0xFFFFFFFF;
	(pc) =	sbr.abs _section_cstart, $3  }
0xc1: {  	[dreg:$0x1] =	wrdreg $0xFFFFFFFF  }
0xc2: {  	_ =	task.clear_ibuf [dreg:s7], $0x2FFFF;
	_ =	strace $0x9FFFFFFF  }
0xc3: {  	(tm) =	ssettm $0x7FFFFFFF  }
tec
execute0_lowered:
.L_overlay_start_1:
0x0: {  	(tag) =	ssettag $0x1  }
0x1: {  	s0 =	srdreg.scid;
	s1 =	rddreg [dreg:$0x0]  }
0x2: {  	s10 =	stileid.u32;
	s5 =	rddreg [dreg:$0x1]  }
0x3: {  	s11 =	simm.s32 $0xD000;
	s16 =	simm.s32 $0x3;
	s17 =	simm.s32 $0x1  }
0x4: {  	s28 =	simm.s32 $0x7000;
	s30 =	simm.s32 $0x7800;
	s14 =	simm.s32 $0x8800  }
0x5: {  	s29 =	simm.s32 $0xA800;
	s31 =	simm.s32 $0xB000;
	s0 =	sand.u32 $0x1, s0  }
0x6: {  	s2 =	sshll.u32 s10, $0x1;
	s7 =	smul.u32 $0x278, s10;
	s4 =	sadd.s32 $0xD200, s1  }
0x7: {  	s18 =	smul.u32 $0x2780, s10;
	s19 =	sadd.s32 $0x12200, s1;
	s10 =	simm.s32 $0x0  }
0x8: {  	s3 =	sor.u32 s0, s2;
	s2 =	rddreg [dreg:$0x2];
	s8 =	smul.u32 $0x2780, s0  }
0x9: {  	s0 =	ssub.s32 $0x2, s0;
	s6 =	smul.u32 $0x500, s3;
	s3 =	simm.s32 $0x0  }
0xa: {  	s20 =	sshrl.u32 s0, $0x1;
	s22 =	sadd.s32 $0x13C0, s18;
	s23 =	sshrl.u32 s18, $0x3  }
0xb: {  	[smem:$0x7FF] =	sst s3;
	s7 =	sadd.s32 s7, s8;
	s0 =	ssub.s32 s0, s20  }
0xc: {  	s24 =	sshrl.u32 s22, $0x3;
	s8 =	sadd.s32 s18, s2;
	s18 =	simm.s32 $0x2  }
0xd: {  	s20 =	simm.s32 $0x5000;
	_ =	strace $0x8000004D;
	s9 =	sadd.s32 s6, s1  }
0xe: {  	s7 =	sshll.u32 s7, $0x1;
	s5 =	sadd.s32 s5, s6;
	s25 =	sadd.s32 s19, s24  }
0xf: {  	s0 =	smax.u32 s0, $0x1;
	s24 =	simm.s32 $0x9800;
	[dreg:$0x7] =	wrdreg s8  }
0x10: {  	s6 =	simm.s32 $0xC800;
	s1 =	sadd.s32 s7, s1;
	[dreg:$0x5] =	wrdreg s5  }
0x11: {  	s21 =	sadd.s32 $0x3200, s9;
	s5 =	sadd.s32 s19, s23;
	[dreg:$0x8] =	wrdreg s25  }
0x12: {  	s9 =	sadd.s32 s22, s2;
	[dreg:$0xc] =	wrdreg s0;
	s19 =	simm.s32 $0x80  }
0x13: {  	s23 =	simm.s32 $0x6000;
	s25 =	simm.s32 $0x6800;
	[dreg:$0x4] =	wrdreg s21  }
0x14: {  	s22 =	simm.s32 $0x9000;
	s0 =	simm.s32 $0xB800;
	[dreg:$0x6] =	wrdreg s5  }
0x15: {  	s26 =	sadd.s32 $0x17200, s1;
	s1 =	sadd.s32 $0x17478, s1;
	[dreg:$0x9] =	wrdreg s9  }
0x16: {  	s21 =	simm.s32 $0x5800;
	s5 =	simm.s32 $0xC000;
	[dreg:$0xa] =	wrdreg s26  }
0x17: {  	[dreg:$0xb] =	wrdreg s1;
	s1 =	simm.s32 $0x8000;
	s26 =	simm.s32 $0xA000  }
.LBB2_1:
0x18: {  	[dreg:$0xd] =	wrdreg s10  }
0x19: {  	s7 =	rddreg [dreg:$0x4]  }
0x1a: {  	[tilespmem:s3], [sflag:$0x1] =	stream.linear.gather [hbm4b:s7+s3], $0x2800, $0x38;
	[tilespmem:$0x10B40] =	vst v63  }
0x1b: {  	s12 =	rddreg [dreg:$0x5];
	s13 =	simm.s32 $0x2800  }
0x1c: {  	[tilespmem:s13], [sflag:$0x2] =	stream.linear.gather [hbm4b:s12+s3], $0x2800, $0x38;
	[tilespmem:$0x10B40] =	vst v63  }
0x1d: {  	s15 =	rddreg [dreg:$0x6]  }
0x1e: {  	[tilespmem:s11], [sflag:$0x3] =	stream.linear.gather [hbm4b:s15+s3], $0x13C0, $0x38;
	[tilespmem:$0x10B40] =	vst v63  }
0x1f: {  	_ =	swait.ge [sflag:s16], $0x13C0  }
0x20: {  	[sflag:s16] =	ssyncset.done $0x0  }
0x21: {  	[sflag:s16] =	ssyncadd.s32 $0xFFFFEC40  }
0x22: {  	[spmem:s8] =	stream.linear.scatter [tilespmem:s11], [sflag:$0x3], $0x13C0, $0x38;
	[tilespmem:$0x10B40] =	vst v63  }
0x23: {  	_ =	swait.ge [sflag:s16], $0x13C0  }
0x24: {  	[sflag:s16] =	ssyncset.done $0x0  }
0x25: {  	s8 =	rddreg [dreg:$0x8];
	[sflag:s16] =	ssyncadd.s32 $0xFFFFEC40  }
0x26: {  	[tilespmem:s11], [sflag:$0x3] =	stream.linear.gather [hbm4b:s8+s3], $0x13C0, $0x38;
	[tilespmem:$0x10B40] =	vst v63  }
0x27: {  	_ =	swait.ge [sflag:s16], $0x13C0  }
0x28: {  	[sflag:s16] =	ssyncset.done $0x0  }
0x29: {  	[sflag:s16] =	ssyncadd.s32 $0xFFFFEC40  }
0x2a: {  	[spmem:s9] =	stream.linear.scatter [tilespmem:s11], [sflag:$0x3], $0x13C0, $0x38;
	[tilespmem:$0x10B40] =	vst v63  }
0x2b: {  	_ =	swait.ge [sflag:s16], $0x13C0  }
0x2c: {  	[sflag:s16] =	ssyncset.done $0x0  }
0x2d: {  	[sflag:s16] =	ssyncadd.s32 $0xFFFFEC40  }
0x2e: {  	_ =	swait.ge [sflag:s17], $0x2800  }
0x2f: {  	[sflag:s17] =	ssyncset.done $0x0  }
0x30: {  	[sflag:s17] =	ssyncadd.s32 $0xFFFFD800  }
0x31: {  	_ =	swait.ge [sflag:s18], $0x2800  }
0x32: {  	[sflag:s18] =	ssyncset.done $0x0  }
0x33: {  	[sflag:s18] =	ssyncadd.s32 $0xFFFFD800  }
0x34: {  	[bflag:$0x0] =	sbarrier.arrive $0xFFFF  }
0x35: {  	[tilespmem:s20], [sflag:$0x1] =	stream.indirect.gather [hbm4b:s4+s19], $0x10, s3, s19, $0xb8;
	[tilespmem:$0x10B40] =	vst v63  }
0x36: {  	_ = 	snop  }
0x37: {  	[tilespmem:s21], [sflag:$0x1] =	stream.indirect.gather [hbm4b:s4+s19], $0x10, s19, s19, $0xb8;
	[tilespmem:$0x10B40] =	vst v63  }
0x38: {  	s9 =	simm.s32 $0x100  }
0x39: {  	[tilespmem:s23], [sflag:$0x1] =	stream.indirect.gather [hbm4b:s4+s19], $0x10, s9, s19, $0xb8;
	[tilespmem:$0x10B40] =	vst v63  }
0x3a: {  	s10 =	simm.s32 $0x180  }
0x3b: {  	[tilespmem:s25], [sflag:$0x1] =	stream.indirect.gather [hbm4b:s4+s19], $0x10, s10, s19, $0xb8;
	[tilespmem:$0x10B40] =	vst v63  }
0x3c: {  	s11 =	simm.s32 $0x200  }
0x3d: {  	[tilespmem:s28], [sflag:$0x1] =	stream.indirect.gather [hbm4b:s4+s19], $0x10, s11, s19, $0xb8;
	[tilespmem:$0x10B40] =	vst v63  }
0x3e: {  	s12 =	simm.s32 $0x280  }
0x3f: {  	[tilespmem:s30], [sflag:$0x1] =	stream.indirect.gather [hbm4b:s4+s19], $0x10, s12, s19, $0xb8;
	[tilespmem:$0x10B40] =	vst v63  }
0x40: {  	s13 =	simm.s32 $0x300  }
0x41: {  	[tilespmem:s1], [sflag:$0x1] =	stream.indirect.gather [hbm4b:s4+s19], $0x10, s13, s19, $0xb8;
	[tilespmem:$0x10B40] =	vst v63  }
0x42: {  	s15 =	simm.s32 $0x380  }
0x43: {  	[tilespmem:s14], [sflag:$0x1] =	stream.indirect.gather [hbm4b:s4+s19], $0x10, s15, s19, $0xb8;
	[tilespmem:$0x10B40] =	vst v63  }
0x44: {  	_ =	swait.ge [sflag:s17], $0x800  }
0x45: {  	[sflag:s17] =	ssyncset.done $0x0  }
0x46: {  	[sflag:s17] =	ssyncadd.s32 $0xFFFFF800  }
0x47: {  	_ =	swait.ge [sflag:s17], $0x800  }
0x48: {  	[sflag:s17] =	ssyncset.done $0x0  }
0x49: {  	[sflag:s17] =	ssyncadd.s32 $0xFFFFF800  }
0x4a: {  	_ =	swait.ge [sflag:s17], $0x800  }
0x4b: {  	[sflag:s17] =	ssyncset.done $0x0  }
0x4c: {  	[sflag:s17] =	ssyncadd.s32 $0xFFFFF800  }
0x4d: {  	_ =	swait.ge [sflag:s17], $0x800  }
0x4e: {  	[sflag:s17] =	ssyncset.done $0x0  }
0x4f: {  	[sflag:s17] =	ssyncadd.s32 $0xFFFFF800  }
0x50: {  	_ =	swait.ge [sflag:s17], $0x800  }
0x51: {  	[sflag:s17] =	ssyncset.done $0x0  }
0x52: {  	[sflag:s17] =	ssyncadd.s32 $0xFFFFF800  }
0x53: {  	_ =	swait.ge [sflag:s17], $0x800  }
0x54: {  	[sflag:s17] =	ssyncset.done $0x0  }
0x55: {  	[sflag:s17] =	ssyncadd.s32 $0xFFFFF800  }
0x56: {  	_ =	swait.ge [sflag:s17], $0x800  }
0x57: {  	[sflag:s17] =	ssyncset.done $0x0  }
0x58: {  	[sflag:s17] =	ssyncadd.s32 $0xFFFFF800  }
0x59: {  	_ =	swait.ge [sflag:s17], $0x800  }
0x5a: {  	p0 =	por $0x1, $0x1;
	[sflag:s17] =	ssyncset.done $0x0  }
0x5b: {  	s9 =	simm.s32 @!p0 $0x2;
	[sflag:s17] =	ssyncadd.s32 $0xFFFFF800  }
0x5c: {  	_ =	swait.ge @!p0 [sflag:s9], $0x800  }
0x5d: {  	[sflag:s9] =	ssyncset.done @!p0 $0x0  }
0x5e: {  	[sflag:s9] =	ssyncadd.s32 @!p0 $0xFFFFF800  }
0x5f: {  	_ =	swait.ge @!p0 [sflag:s9], $0x800  }
0x60: {  	[sflag:s9] =	ssyncset.done @!p0 $0x0  }
0x61: {  	[sflag:s9] =	ssyncadd.s32 @!p0 $0xFFFFF800  }
0x62: {  	_ =	swait.ge @!p0 [sflag:s9], $0x800  }
0x63: {  	[sflag:s9] =	ssyncset.done @!p0 $0x0  }
0x64: {  	[sflag:s9] =	ssyncadd.s32 @!p0 $0xFFFFF800  }
0x65: {  	_ =	swait.ge @!p0 [sflag:s9], $0x800  }
0x66: {  	[sflag:s9] =	ssyncset.done @!p0 $0x0  }
0x67: {  	[sflag:s9] =	ssyncadd.s32 @!p0 $0xFFFFF800  }
0x68: {  	_ =	swait.ge @!p0 [sflag:s9], $0x800  }
0x69: {  	[sflag:s9] =	ssyncset.done @!p0 $0x0  }
0x6a: {  	[sflag:s9] =	ssyncadd.s32 @!p0 $0xFFFFF800  }
0x6b: {  	_ =	swait.ge @!p0 [sflag:s9], $0x800  }
0x6c: {  	[sflag:s9] =	ssyncset.done @!p0 $0x0  }
0x6d: {  	[sflag:s9] =	ssyncadd.s32 @!p0 $0xFFFFF800  }
0x6e: {  	_ =	swait.ge @!p0 [sflag:s9], $0x800  }
0x6f: {  	[sflag:s9] =	ssyncset.done @!p0 $0x0  }
0x70: {  	[sflag:s9] =	ssyncadd.s32 @!p0 $0xFFFFF800  }
0x71: {  	_ =	swait.ge @!p0 [sflag:s9], $0x800  }
0x72: {  	[sflag:s9] =	ssyncset.done @!p0 $0x0  }
0x73: {  	s7 =	simm.s32 $0x400;
	[sflag:s9] =	ssyncadd.s32 @!p0 $0xFFFFF800  }
0x74: {  	[tilespmem:s22], [sflag:$0x1] =	stream.indirect.gather [hbm4b:s4+s19], $0x10, s7, s19, $0xb8;
	[tilespmem:$0x10B40] =	vst v63  }
0x75: {  	s8 =	simm.s32 $0x480  }
0x76: {  	[tilespmem:s24], [sflag:$0x1] =	stream.indirect.gather [hbm4b:s4+s19], $0x10, s8, s19, $0xb8;
	[tilespmem:$0x10B40] =	vst v63  }
0x77: {  	s10 =	simm.s32 $0x500  }
0x78: {  	[tilespmem:s26], [sflag:$0x1] =	stream.indirect.gather [hbm4b:s4+s19], $0x10, s10, s19, $0xb8;
	[tilespmem:$0x10B40] =	vst v63  }
0x79: {  	s11 =	simm.s32 $0x580  }
0x7a: {  	[tilespmem:s29], [sflag:$0x1] =	stream.indirect.gather [hbm4b:s4+s19], $0x10, s11, s19, $0xb8;
	[tilespmem:$0x10B40] =	vst v63  }
0x7b: {  	s12 =	simm.s32 $0x600  }
0x7c: {  	[tilespmem:s31], [sflag:$0x1] =	stream.indirect.gather [hbm4b:s4+s19], $0x10, s12, s19, $0xb8;
	[tilespmem:$0x10B40] =	vst v63  }
0x7d: {  	s13 =	simm.s32 $0x680  }
0x7e: {  	[tilespmem:s0], [sflag:$0x1] =	stream.indirect.gather [hbm4b:s4+s19], $0x10, s13, s19, $0xb8;
	[tilespmem:$0x10B40] =	vst v63  }
0x7f: {  	s15 =	simm.s32 $0x700  }
0x80: {  	[tilespmem:s5], [sflag:$0x1] =	stream.indirect.gather [hbm4b:s4+s19], $0x10, s15, s19, $0xb8;
	[tilespmem:$0x10B40] =	vst v63  }
0x81: {  	s3 =	simm.s32 $0x780  }
0x82: {  	[tilespmem:s6], [sflag:$0x1] =	stream.indirect.gather [hbm4b:s4+s19], $0x10, s3, s19, $0xb8;
	[tilespmem:$0x10B40] =	vst v63  }
0x83: {  	s7 =	simm.s32 $0x2800  }
0x84: {  	[spmem:s2] =	stream.indirect.scatter.add.f32 [tilespmem:s20], [sflag:$0x2], $0x10, s7, s19, $0xb8;
	[tilespmem:$0x10B40] =	vst v63  }
0x85: {  	s8 =	simm.s32 $0x2880  }
0x86: {  	[spmem:s2] =	stream.indirect.scatter.add.f32 [tilespmem:s21], [sflag:$0x2], $0x10, s8, s19, $0xb8;
	[tilespmem:$0x10B40] =	vst v63  }
0x87: {  	s10 =	simm.s32 $0x2900  }
0x88: {  	[spmem:s2] =	stream.indirect.scatter.add.f32 [tilespmem:s23], [sflag:$0x2], $0x10, s10, s19, $0xb8;
	[tilespmem:$0x10B40] =	vst v63  }
0x89: {  	s11 =	simm.s32 $0x2980  }
0x8a: {  	[spmem:s2] =	stream.indirect.scatter.add.f32 [tilespmem:s25], [sflag:$0x2], $0x10, s11, s19, $0xb8;
	[tilespmem:$0x10B40] =	vst v63  }
0x8b: {  	s12 =	simm.s32 $0x2A00  }
0x8c: {  	[spmem:s2] =	stream.indirect.scatter.add.f32 [tilespmem:s28], [sflag:$0x2], $0x10, s12, s19, $0xb8;
	[tilespmem:$0x10B40] =	vst v63  }
0x8d: {  	s13 =	simm.s32 $0x2A80  }
0x8e: {  	[spmem:s2] =	stream.indirect.scatter.add.f32 [tilespmem:s30], [sflag:$0x2], $0x10, s13, s19, $0xb8;
	[tilespmem:$0x10B40] =	vst v63  }
0x8f: {  	s15 =	simm.s32 $0x2B00  }
0x90: {  	[spmem:s2] =	stream.indirect.scatter.add.f32 [tilespmem:s1], [sflag:$0x2], $0x10, s15, s19, $0xb8;
	[tilespmem:$0x10B40] =	vst v63  }
0x91: {  	s3 =	simm.s32 $0x2B80  }
0x92: {  	[spmem:s2] =	stream.indirect.scatter.add.f32 [tilespmem:s14], [sflag:$0x2], $0x10, s3, s19, $0xb8;
	[tilespmem:$0x10B40] =	vst v63  }
0x93: {  	_ =	swait.ge [sflag:s17], $0x800  }
0x94: {  	[sflag:s17] =	ssyncset.done $0x0  }
0x95: {  	[sflag:s17] =	ssyncadd.s32 $0xFFFFF800  }
0x96: {  	_ =	swait.ge [sflag:s17], $0x800  }
0x97: {  	[sflag:s17] =	ssyncset.done $0x0  }
0x98: {  	[sflag:s17] =	ssyncadd.s32 $0xFFFFF800  }
0x99: {  	_ =	swait.ge [sflag:s17], $0x800  }
0x9a: {  	[sflag:s17] =	ssyncset.done $0x0  }
0x9b: {  	[sflag:s17] =	ssyncadd.s32 $0xFFFFF800  }
0x9c: {  	_ =	swait.ge [sflag:s17], $0x800  }
0x9d: {  	[sflag:s17] =	ssyncset.done $0x0  }
0x9e: {  	[sflag:s17] =	ssyncadd.s32 $0xFFFFF800  }
0x9f: {  	_ =	swait.ge [sflag:s17], $0x800  }
0xa0: {  	[sflag:s17] =	ssyncset.done $0x0  }
0xa1: {  	[sflag:s17] =	ssyncadd.s32 $0xFFFFF800  }
0xa2: {  	_ =	swait.ge [sflag:s17], $0x800  }
0xa3: {  	[sflag:s17] =	ssyncset.done $0x0  }
0xa4: {  	[sflag:s17] =	ssyncadd.s32 $0xFFFFF800  }
0xa5: {  	_ =	swait.ge [sflag:s17], $0x800  }
0xa6: {  	[sflag:s17] =	ssyncset.done $0x0  }
0xa7: {  	[sflag:s17] =	ssyncadd.s32 $0xFFFFF800  }
0xa8: {  	_ =	swait.ge [sflag:s17], $0x800  }
0xa9: {  	[sflag:s17] =	ssyncset.done $0x0  }
0xaa: {  	[sflag:s17] =	ssyncadd.s32 $0xFFFFF800  }
0xab: {  	_ =	swait.ge [sflag:s18], $0x800  }
0xac: {  	[sflag:s18] =	ssyncset.done $0x0  }
0xad: {  	[sflag:s18] =	ssyncadd.s32 $0xFFFFF800  }
0xae: {  	_ =	swait.ge [sflag:s18], $0x800  }
0xaf: {  	[sflag:s18] =	ssyncset.done $0x0  }
0xb0: {  	[sflag:s18] =	ssyncadd.s32 $0xFFFFF800  }
0xb1: {  	_ =	swait.ge [sflag:s18], $0x800  }
0xb2: {  	[sflag:s18] =	ssyncset.done $0x0  }
0xb3: {  	[sflag:s18] =	ssyncadd.s32 $0xFFFFF800  }
0xb4: {  	_ =	swait.ge [sflag:s18], $0x800  }
0xb5: {  	[sflag:s18] =	ssyncset.done $0x0  }
0xb6: {  	[sflag:s18] =	ssyncadd.s32 $0xFFFFF800  }
0xb7: {  	_ =	swait.ge [sflag:s18], $0x800  }
0xb8: {  	[sflag:s18] =	ssyncset.done $0x0  }
0xb9: {  	[sflag:s18] =	ssyncadd.s32 $0xFFFFF800  }
0xba: {  	_ =	swait.ge [sflag:s18], $0x800  }
0xbb: {  	[sflag:s18] =	ssyncset.done $0x0  }
0xbc: {  	[sflag:s18] =	ssyncadd.s32 $0xFFFFF800  }
0xbd: {  	_ =	swait.ge [sflag:s18], $0x800  }
0xbe: {  	[sflag:s18] =	ssyncset.done $0x0  }
0xbf: {  	[sflag:s18] =	ssyncadd.s32 $0xFFFFF800  }
0xc0: {  	p0 =	por $0x0, $0x0;
	_ =	swait.ge [sflag:s18], $0x800  }
0xc1: {  	s9 =	simm.s32 @!p0 $0x5000;
	[sflag:s18] =	ssyncset.done $0x0  }
0xc2: {  	s11 =	simm.s32 @!p0 $0x800;
	s12 =	simm.s32 @!p0 $0x80;
	[sflag:s18] =	ssyncadd.s32 $0xFFFFF800  }
0xc3: {  	[tilespmem:s9], [sflag:$0x1] =	stream.indirect.gather @!p0 [hbm4b:s4+s12], $0x10, s11, s12, $0xb8;
	[tilespmem:$0x10B40] =	vst v63  }
0xc4: {  	s9 =	simm.s32 @!p0 $0x880;
	s11 =	simm.s32 @!p0 $0x5800  }
0xc5: {  	[tilespmem:s11], [sflag:$0x1] =	stream.indirect.gather @!p0 [hbm4b:s4+s12], $0x10, s9, s12, $0xb8;
	[tilespmem:$0x10B40] =	vst v63  }
0xc6: {  	s9 =	simm.s32 @!p0 $0x900;
	s11 =	simm.s32 @!p0 $0x6000  }
0xc7: {  	[tilespmem:s11], [sflag:$0x1] =	stream.indirect.gather @!p0 [hbm4b:s4+s12], $0x10, s9, s12, $0xb8;
	[tilespmem:$0x10B40] =	vst v63  }
0xc8: {  	s9 =	simm.s32 @!p0 $0x980;
	s11 =	simm.s32 @!p0 $0x6800  }
0xc9: {  	[tilespmem:s11], [sflag:$0x1] =	stream.indirect.gather @!p0 [hbm4b:s4+s12], $0x10, s9, s12, $0xb8;
	[tilespmem:$0x10B40] =	vst v63  }
0xca: {  	s9 =	simm.s32 @!p0 $0xA00;
	s11 =	simm.s32 @!p0 $0x7000  }
0xcb: {  	[tilespmem:s11], [sflag:$0x1] =	stream.indirect.gather @!p0 [hbm4b:s4+s12], $0x10, s9, s12, $0xb8;
	[tilespmem:$0x10B40] =	vst v63  }
0xcc: {  	s9 =	simm.s32 @!p0 $0xA80;
	s11 =	simm.s32 @!p0 $0x7800  }
0xcd: {  	[tilespmem:s11], [sflag:$0x1] =	stream.indirect.gather @!p0 [hbm4b:s4+s12], $0x10, s9, s12, $0xb8;
	[tilespmem:$0x10B40] =	vst v63  }
0xce: {  	s9 =	simm.s32 @!p0 $0xB00;
	s11 =	simm.s32 @!p0 $0x8000  }
0xcf: {  	[tilespmem:s11], [sflag:$0x1] =	stream.indirect.gather @!p0 [hbm4b:s4+s12], $0x10, s9, s12, $0xb8;
	[tilespmem:$0x10B40] =	vst v63  }
0xd0: {  	s9 =	simm.s32 @!p0 $0xB80;
	s11 =	simm.s32 @!p0 $0x8800  }
0xd1: {  	[tilespmem:s11], [sflag:$0x1] =	stream.indirect.gather @!p0 [hbm4b:s4+s12], $0x10, s9, s12, $0xb8;
	[tilespmem:$0x10B40] =	vst v63  }
0xd2: {  	s7 =	simm.s32 $0x2C00  }
0xd3: {  	[spmem:s2] =	stream.indirect.scatter.add.f32 [tilespmem:s22], [sflag:$0x2], $0x10, s7, s19, $0xb8;
	[tilespmem:$0x10B40] =	vst v63  }
0xd4: {  	s8 =	simm.s32 $0x2C80  }
0xd5: {  	[spmem:s2] =	stream.indirect.scatter.add.f32 [tilespmem:s24], [sflag:$0x2], $0x10, s8, s19, $0xb8;
	[tilespmem:$0x10B40] =	vst v63  }
0xd6: {  	s10 =	simm.s32 $0x2D00  }
0xd7: {  	[spmem:s2] =	stream.indirect.scatter.add.f32 [tilespmem:s26], [sflag:$0x2], $0x10, s10, s19, $0xb8;
	[tilespmem:$0x10B40] =	vst v63  }
0xd8: {  	s11 =	simm.s32 $0x2D80  }
0xd9: {  	[spmem:s2] =	stream.indirect.scatter.add.f32 [tilespmem:s29], [sflag:$0x2], $0x10, s11, s19, $0xb8;
	[tilespmem:$0x10B40] =	vst v63  }
0xda: {  	s12 =	simm.s32 $0x2E00  }
0xdb: {  	[spmem:s2] =	stream.indirect.scatter.add.f32 [tilespmem:s31], [sflag:$0x2], $0x10, s12, s19, $0xb8;
	[tilespmem:$0x10B40] =	vst v63  }
0xdc: {  	s13 =	simm.s32 $0x2E80  }
0xdd: {  	[spmem:s2] =	stream.indirect.scatter.add.f32 [tilespmem:s0], [sflag:$0x2], $0x10, s13, s19, $0xb8;
	[tilespmem:$0x10B40] =	vst v63  }
0xde: {  	s15 =	simm.s32 $0x2F00;
	s9 =	simm.s32 $0x2000;
	s11 =	simm.s32 $0x2F80  }
0xdf: {  	[spmem:s2] =	stream.indirect.scatter.add.f32 [tilespmem:s5], [sflag:$0x2], $0x10, s15, s19, $0xb8;
	[tilespmem:$0x10B40] =	vst v63  }
.LBB2_2:
0xe0: {  	[spmem:s2] =	stream.indirect.scatter.add.f32 [tilespmem:s6], [sflag:$0x2], $0x10, s11, s19, $0xb8;
	[tilespmem:$0x10B40] =	vst v63  }
0xe1: {  	s11 =	smov.u32 s9;
	s9 =	sadd.s32 $0x2000, s9;
	_ =	swait.ge [sflag:s17], $0x800  }
0xe2: {  	p0 =	sne.s32 s9, $0xA000;
	[sflag:s17] =	ssyncset.done $0x0  }
0xe3: {  	[sflag:s17] =	ssyncadd.s32 $0xFFFFF800  }
0xe4: {  	_ =	swait.ge [sflag:s17], $0x800  }
0xe5: {  	[sflag:s17] =	ssyncset.done $0x0  }
0xe6: {  	[sflag:s17] =	ssyncadd.s32 $0xFFFFF800  }
0xe7: {  	_ =	swait.ge [sflag:s17], $0x800  }
0xe8: {  	[sflag:s17] =	ssyncset.done $0x0  }
0xe9: {  	[sflag:s17] =	ssyncadd.s32 $0xFFFFF800  }
0xea: {  	_ =	swait.ge [sflag:s17], $0x800  }
0xeb: {  	[sflag:s17] =	ssyncset.done $0x0  }
0xec: {  	[sflag:s17] =	ssyncadd.s32 $0xFFFFF800  }
0xed: {  	_ =	swait.ge [sflag:s17], $0x800  }
0xee: {  	[sflag:s17] =	ssyncset.done $0x0  }
0xef: {  	[sflag:s17] =	ssyncadd.s32 $0xFFFFF800  }
0xf0: {  	_ =	swait.ge [sflag:s17], $0x800  }
0xf1: {  	[sflag:s17] =	ssyncset.done $0x0  }
0xf2: {  	[sflag:s17] =	ssyncadd.s32 $0xFFFFF800  }
0xf3: {  	_ =	swait.ge [sflag:s17], $0x800  }
0xf4: {  	[sflag:s17] =	ssyncset.done $0x0  }
0xf5: {  	[sflag:s17] =	ssyncadd.s32 $0xFFFFF800  }
0xf6: {  	_ =	swait.ge [sflag:s17], $0x800  }
0xf7: {  	p1 =	seq.s32 s11, $0x0;
	[sflag:s17] =	ssyncset.done $0x0  }
0xf8: {  	s13 =	simm.s32 @!p1 $0x2;
	[sflag:s17] =	ssyncadd.s32 $0xFFFFF800  }
0xf9: {  	_ =	swait.ge @!p1 [sflag:s13], $0x800  }
0xfa: {  	[sflag:s13] =	ssyncset.done @!p1 $0x0  }
0xfb: {  	[sflag:s13] =	ssyncadd.s32 @!p1 $0xFFFFF800  }
0xfc: {  	_ =	swait.ge @!p1 [sflag:s13], $0x800  }
0xfd: {  	[sflag:s13] =	ssyncset.done @!p1 $0x0  }
0xfe: {  	[sflag:s13] =	ssyncadd.s32 @!p1 $0xFFFFF800  }
0xff: {  	_ =	swait.ge @!p1 [sflag:s13], $0x800  }
0x100: {  	[sflag:s13] =	ssyncset.done @!p1 $0x0  }
0x101: {  	[sflag:s13] =	ssyncadd.s32 @!p1 $0xFFFFF800  }
0x102: {  	_ =	swait.ge @!p1 [sflag:s13], $0x800  }
0x103: {  	[sflag:s13] =	ssyncset.done @!p1 $0x0  }
0x104: {  	[sflag:s13] =	ssyncadd.s32 @!p1 $0xFFFFF800  }
0x105: {  	_ =	swait.ge @!p1 [sflag:s13], $0x800  }
0x106: {  	[sflag:s13] =	ssyncset.done @!p1 $0x0  }
0x107: {  	[sflag:s13] =	ssyncadd.s32 @!p1 $0xFFFFF800  }
0x108: {  	_ =	swait.ge @!p1 [sflag:s13], $0x800  }
0x109: {  	[sflag:s13] =	ssyncset.done @!p1 $0x0  }
0x10a: {  	[sflag:s13] =	ssyncadd.s32 @!p1 $0xFFFFF800  }
0x10b: {  	_ =	swait.ge @!p1 [sflag:s13], $0x800  }
0x10c: {  	[sflag:s13] =	ssyncset.done @!p1 $0x0  }
0x10d: {  	[sflag:s13] =	ssyncadd.s32 @!p1 $0xFFFFF800  }
0x10e: {  	_ =	swait.ge @!p1 [sflag:s13], $0x800  }
0x10f: {  	s12 =	sshra.s32 s11, $0x2;
	[sflag:s13] =	ssyncset.done @!p1 $0x0  }
0x110: {  	[sflag:s13] =	ssyncadd.s32 @!p1 $0xFFFFF800;
	s13 =	sadd.s32 $0x400, s12  }
0x111: {  	[tilespmem:s22], [sflag:$0x1] =	stream.indirect.gather [hbm4b:s4+s19], $0x10, s13, s19, $0xb8;
	[tilespmem:$0x10B40] =	vst v63  }
0x112: {  	s13 =	sadd.s32 $0x480, s12  }
0x113: {  	[tilespmem:s24], [sflag:$0x1] =	stream.indirect.gather [hbm4b:s4+s19], $0x10, s13, s19, $0xb8;
	[tilespmem:$0x10B40] =	vst v63  }
0x114: {  	s13 =	sadd.s32 $0x500, s12  }
0x115: {  	[tilespmem:s26], [sflag:$0x1] =	stream.indirect.gather [hbm4b:s4+s19], $0x10, s13, s19, $0xb8;
	[tilespmem:$0x10B40] =	vst v63  }
0x116: {  	s13 =	sadd.s32 $0x580, s12  }
0x117: {  	[tilespmem:s29], [sflag:$0x1] =	stream.indirect.gather [hbm4b:s4+s19], $0x10, s13, s19, $0xb8;
	[tilespmem:$0x10B40] =	vst v63  }
0x118: {  	s13 =	sadd.s32 $0x600, s12  }
0x119: {  	[tilespmem:s31], [sflag:$0x1] =	stream.indirect.gather [hbm4b:s4+s19], $0x10, s13, s19, $0xb8;
	[tilespmem:$0x10B40] =	vst v63  }
0x11a: {  	s13 =	sadd.s32 $0x680, s12  }
0x11b: {  	[tilespmem:s0], [sflag:$0x1] =	stream.indirect.gather [hbm4b:s4+s19], $0x10, s13, s19, $0xb8;
	[tilespmem:$0x10B40] =	vst v63  }
0x11c: {  	s13 =	sadd.s32 $0x700, s12  }
0x11d: {  	[tilespmem:s5], [sflag:$0x1] =	stream.indirect.gather [hbm4b:s4+s19], $0x10, s13, s19, $0xb8;
	[tilespmem:$0x10B40] =	vst v63  }
0x11e: {  	s13 =	sadd.s32 $0x780, s12  }
0x11f: {  	[tilespmem:s6], [sflag:$0x1] =	stream.indirect.gather [hbm4b:s4+s19], $0x10, s13, s19, $0xb8;
	[tilespmem:$0x10B40] =	vst v63  }
0x120: {  	s13 =	sadd.s32 $0x2800, s12  }
0x121: {  	[spmem:s2] =	stream.indirect.scatter.add.f32 [tilespmem:s20], [sflag:$0x2], $0x10, s13, s19, $0xb8;
	[tilespmem:$0x10B40] =	vst v63  }
0x122: {  	s13 =	sadd.s32 $0x2880, s12  }
0x123: {  	[spmem:s2] =	stream.indirect.scatter.add.f32 [tilespmem:s21], [sflag:$0x2], $0x10, s13, s19, $0xb8;
	[tilespmem:$0x10B40] =	vst v63  }
0x124: {  	s13 =	sadd.s32 $0x2900, s12  }
0x125: {  	[spmem:s2] =	stream.indirect.scatter.add.f32 [tilespmem:s23], [sflag:$0x2], $0x10, s13, s19, $0xb8;
	[tilespmem:$0x10B40] =	vst v63  }
0x126: {  	s13 =	sadd.s32 $0x2980, s12  }
0x127: {  	[spmem:s2] =	stream.indirect.scatter.add.f32 [tilespmem:s25], [sflag:$0x2], $0x10, s13, s19, $0xb8;
	[tilespmem:$0x10B40] =	vst v63  }
0x128: {  	s13 =	sadd.s32 $0x2A00, s12  }
0x129: {  	[spmem:s2] =	stream.indirect.scatter.add.f32 [tilespmem:s28], [sflag:$0x2], $0x10, s13, s19, $0xb8;
	[tilespmem:$0x10B40] =	vst v63  }
0x12a: {  	s13 =	sadd.s32 $0x2A80, s12  }
0x12b: {  	[spmem:s2] =	stream.indirect.scatter.add.f32 [tilespmem:s30], [sflag:$0x2], $0x10, s13, s19, $0xb8;
	[tilespmem:$0x10B40] =	vst v63  }
0x12c: {  	s13 =	sadd.s32 $0x2B00, s12  }
0x12d: {  	[spmem:s2] =	stream.indirect.scatter.add.f32 [tilespmem:s1], [sflag:$0x2], $0x10, s13, s19, $0xb8;
	[tilespmem:$0x10B40] =	vst v63  }
0x12e: {  	s13 =	sadd.s32 $0x2B80, s12  }
0x12f: {  	[spmem:s2] =	stream.indirect.scatter.add.f32 [tilespmem:s14], [sflag:$0x2], $0x10, s13, s19, $0xb8;
	[tilespmem:$0x10B40] =	vst v63  }
0x130: {  	_ =	swait.ge [sflag:s17], $0x800  }
0x131: {  	[sflag:s17] =	ssyncset.done $0x0  }
0x132: {  	[sflag:s17] =	ssyncadd.s32 $0xFFFFF800  }
0x133: {  	_ =	swait.ge [sflag:s17], $0x800  }
0x134: {  	[sflag:s17] =	ssyncset.done $0x0  }
0x135: {  	[sflag:s17] =	ssyncadd.s32 $0xFFFFF800  }
0x136: {  	_ =	swait.ge [sflag:s17], $0x800  }
0x137: {  	[sflag:s17] =	ssyncset.done $0x0  }
0x138: {  	[sflag:s17] =	ssyncadd.s32 $0xFFFFF800  }
0x139: {  	_ =	swait.ge [sflag:s17], $0x800  }
0x13a: {  	[sflag:s17] =	ssyncset.done $0x0  }
0x13b: {  	[sflag:s17] =	ssyncadd.s32 $0xFFFFF800  }
0x13c: {  	_ =	swait.ge [sflag:s17], $0x800  }
0x13d: {  	[sflag:s17] =	ssyncset.done $0x0  }
0x13e: {  	[sflag:s17] =	ssyncadd.s32 $0xFFFFF800  }
0x13f: {  	_ =	swait.ge [sflag:s17], $0x800  }
0x140: {  	[sflag:s17] =	ssyncset.done $0x0  }
0x141: {  	[sflag:s17] =	ssyncadd.s32 $0xFFFFF800  }
0x142: {  	_ =	swait.ge [sflag:s17], $0x800  }
0x143: {  	[sflag:s17] =	ssyncset.done $0x0  }
0x144: {  	[sflag:s17] =	ssyncadd.s32 $0xFFFFF800  }
0x145: {  	_ =	swait.ge [sflag:s17], $0x800  }
0x146: {  	[sflag:s17] =	ssyncset.done $0x0  }
0x147: {  	[sflag:s17] =	ssyncadd.s32 $0xFFFFF800  }
0x148: {  	_ =	swait.ge [sflag:s18], $0x800  }
0x149: {  	[sflag:s18] =	ssyncset.done $0x0  }
0x14a: {  	[sflag:s18] =	ssyncadd.s32 $0xFFFFF800  }
0x14b: {  	_ =	swait.ge [sflag:s18], $0x800  }
0x14c: {  	[sflag:s18] =	ssyncset.done $0x0  }
0x14d: {  	[sflag:s18] =	ssyncadd.s32 $0xFFFFF800  }
0x14e: {  	_ =	swait.ge [sflag:s18], $0x800  }
0x14f: {  	[sflag:s18] =	ssyncset.done $0x0  }
0x150: {  	[sflag:s18] =	ssyncadd.s32 $0xFFFFF800  }
0x151: {  	_ =	swait.ge [sflag:s18], $0x800  }
0x152: {  	[sflag:s18] =	ssyncset.done $0x0  }
0x153: {  	[sflag:s18] =	ssyncadd.s32 $0xFFFFF800  }
0x154: {  	_ =	swait.ge [sflag:s18], $0x800  }
0x155: {  	[sflag:s18] =	ssyncset.done $0x0  }
0x156: {  	[sflag:s18] =	ssyncadd.s32 $0xFFFFF800  }
0x157: {  	_ =	swait.ge [sflag:s18], $0x800  }
0x158: {  	[sflag:s18] =	ssyncset.done $0x0  }
0x159: {  	[sflag:s18] =	ssyncadd.s32 $0xFFFFF800  }
0x15a: {  	_ =	swait.ge [sflag:s18], $0x800  }
0x15b: {  	[sflag:s18] =	ssyncset.done $0x0  }
0x15c: {  	[sflag:s18] =	ssyncadd.s32 $0xFFFFF800  }
0x15d: {  	p1 =	seq.s32 s11, $0x8000;
	_ =	swait.ge [sflag:s18], $0x800  }
0x15e: {  	s11 =	sshra.s32 @!p1 s11, $0x2;
	s13 =	simm.s32 @!p1 $0x5000;
	[sflag:s18] =	ssyncset.done $0x0  }
0x15f: {  	s10 =	simm.s32 @!p1 $0x80;
	s8 =	sadd.s32 @!p1 $0x800, s11;
	[sflag:s18] =	ssyncadd.s32 $0xFFFFF800  }
0x160: {  	[tilespmem:s13], [sflag:$0x1] =	stream.indirect.gather @!p1 [hbm4b:s4+s10], $0x10, s8, s10, $0xb8;
	[tilespmem:$0x10B40] =	vst v63  }
0x161: {  	s3 =	sadd.s32 @!p1 $0x900, s11;
	s8 =	sadd.s32 @!p1 $0x880, s11;
	s13 =	simm.s32 @!p1 $0x5800  }
0x162: {  	[tilespmem:s13], [sflag:$0x1] =	stream.indirect.gather @!p1 [hbm4b:s4+s10], $0x10, s8, s10, $0xb8;
	[tilespmem:$0x10B40] =	vst v63  }
0x163: {  	s15 =	sadd.s32 @!p1 $0xA00, s11;
	s8 =	simm.s32 @!p1 $0x6000;
	s13 =	sadd.s32 @!p1 $0x980, s11  }
0x164: {  	[tilespmem:s8], [sflag:$0x1] =	stream.indirect.gather @!p1 [hbm4b:s4+s10], $0x10, s3, s10, $0xb8;
	[tilespmem:$0x10B40] =	vst v63  }
0x165: {  	s7 =	sadd.s32 @!p1 $0xB00, s11;
	s3 =	simm.s32 @!p1 $0x6800;
	s8 =	sadd.s32 @!p1 $0xA80, s11  }
0x166: {  	[tilespmem:s3], [sflag:$0x1] =	stream.indirect.gather @!p1 [hbm4b:s4+s10], $0x10, s13, s10, $0xb8;
	[tilespmem:$0x10B40] =	vst v63  }
0x167: {  	s11 =	sadd.s32 @!p1 $0xB80, s11;
	s3 =	simm.s32 @!p1 $0x7000  }
0x168: {  	[tilespmem:s3], [sflag:$0x1] =	stream.indirect.gather @!p1 [hbm4b:s4+s10], $0x10, s15, s10, $0xb8;
	[tilespmem:$0x10B40] =	vst v63  }
0x169: {  	s3 =	simm.s32 @!p1 $0x7800  }
0x16a: {  	[tilespmem:s3], [sflag:$0x1] =	stream.indirect.gather @!p1 [hbm4b:s4+s10], $0x10, s8, s10, $0xb8;
	[tilespmem:$0x10B40] =	vst v63  }
0x16b: {  	s3 =	simm.s32 @!p1 $0x8000  }
0x16c: {  	[tilespmem:s3], [sflag:$0x1] =	stream.indirect.gather @!p1 [hbm4b:s4+s10], $0x10, s7, s10, $0xb8;
	[tilespmem:$0x10B40] =	vst v63  }
0x16d: {  	s3 =	simm.s32 @!p1 $0x8800  }
0x16e: {  	[tilespmem:s3], [sflag:$0x1] =	stream.indirect.gather @!p1 [hbm4b:s4+s10], $0x10, s11, s10, $0xb8;
	[tilespmem:$0x10B40] =	vst v63  }
0x16f: {  	s3 =	sadd.s32 $0x2C00, s12  }
0x170: {  	[spmem:s2] =	stream.indirect.scatter.add.f32 [tilespmem:s22], [sflag:$0x2], $0x10, s3, s19, $0xb8;
	[tilespmem:$0x10B40] =	vst v63  }
0x171: {  	s3 =	sadd.s32 $0x2C80, s12  }
0x172: {  	[spmem:s2] =	stream.indirect.scatter.add.f32 [tilespmem:s24], [sflag:$0x2], $0x10, s3, s19, $0xb8;
	[tilespmem:$0x10B40] =	vst v63  }
0x173: {  	s3 =	sadd.s32 $0x2D00, s12  }
0x174: {  	[spmem:s2] =	stream.indirect.scatter.add.f32 [tilespmem:s26], [sflag:$0x2], $0x10, s3, s19, $0xb8;
	[tilespmem:$0x10B40] =	vst v63  }
0x175: {  	s3 =	sadd.s32 $0x2D80, s12  }
0x176: {  	[spmem:s2] =	stream.indirect.scatter.add.f32 [tilespmem:s29], [sflag:$0x2], $0x10, s3, s19, $0xb8;
	[tilespmem:$0x10B40] =	vst v63  }
0x177: {  	s3 =	sadd.s32 $0x2E00, s12  }
0x178: {  	[spmem:s2] =	stream.indirect.scatter.add.f32 [tilespmem:s31], [sflag:$0x2], $0x10, s3, s19, $0xb8;
	[tilespmem:$0x10B40] =	vst v63  }
.Ltmp0:
0x179: {  	s3 =	sadd.s32 $0x2E80, s12;
	(pc) =	sbr.rel @p0 .LBB2_2-.Ltmp0, $4  }
0x17a: {  	[spmem:s2] =	stream.indirect.scatter.add.f32 [tilespmem:s0], [sflag:$0x2], $0x10, s3, s19, $0xb8;
	[tilespmem:$0x10B40] =	vst v63  }
0x17b: {  	s3 =	sadd.s32 $0x2F00, s12  }
0x17c: {  	[spmem:s2] =	stream.indirect.scatter.add.f32 [tilespmem:s5], [sflag:$0x2], $0x10, s3, s19, $0xb8;
	[tilespmem:$0x10B40] =	vst v63  }
0x17d: {  	s11 =	sadd.s32 $0x2F80, s12  }
0x17e: {  	[spmem:s2] =	stream.indirect.scatter.add.f32 [tilespmem:s6], [sflag:$0x2], $0x10, s11, s19, $0xb8;
	[tilespmem:$0x10B40] =	vst v63  }
0x17f: {  	_ =	swait.ge [sflag:s18], $0x800  }
0x180: {  	[sflag:s18] =	ssyncset.done $0x0  }
0x181: {  	[sflag:s18] =	ssyncadd.s32 $0xFFFFF800  }
0x182: {  	_ =	swait.ge [sflag:s18], $0x800  }
0x183: {  	[sflag:s18] =	ssyncset.done $0x0  }
0x184: {  	[sflag:s18] =	ssyncadd.s32 $0xFFFFF800  }
0x185: {  	_ =	swait.ge [sflag:s18], $0x800  }
0x186: {  	[sflag:s18] =	ssyncset.done $0x0  }
0x187: {  	[sflag:s18] =	ssyncadd.s32 $0xFFFFF800  }
0x188: {  	_ =	swait.ge [sflag:s18], $0x800  }
0x189: {  	[sflag:s18] =	ssyncset.done $0x0  }
0x18a: {  	[sflag:s18] =	ssyncadd.s32 $0xFFFFF800  }
0x18b: {  	_ =	swait.ge [sflag:s18], $0x800  }
0x18c: {  	[sflag:s18] =	ssyncset.done $0x0  }
0x18d: {  	[sflag:s18] =	ssyncadd.s32 $0xFFFFF800  }
0x18e: {  	_ =	swait.ge [sflag:s18], $0x800  }
0x18f: {  	[sflag:s18] =	ssyncset.done $0x0  }
0x190: {  	[sflag:s18] =	ssyncadd.s32 $0xFFFFF800  }
0x191: {  	_ =	swait.ge [sflag:s18], $0x800  }
0x192: {  	[sflag:s18] =	ssyncset.done $0x0  }
0x193: {  	[sflag:s18] =	ssyncadd.s32 $0xFFFFF800  }
0x194: {  	_ =	swait.ge [sflag:s18], $0x800  }
0x195: {  	[sflag:s18] =	ssyncset.done $0x0  }
0x196: {  	[sflag:s18] =	ssyncadd.s32 $0xFFFFF800  }
0x197: {  	[bflag:$0x0] =	sbarrier.arrive $0xFFFF  }
0x198: {  	s11 =	simm.s32 $0xD000;
	s8 =	rddreg [dreg:$0x7]  }
0x199: {  	[tilespmem:s11], [sflag:$0x3] =	stream.linear.gather [spmem:s8], $0x13C0, $0x38;
	[tilespmem:$0x10B40] =	vst v63  }
0x19a: {  	_ =	swait.ge [sflag:s16], $0x13C0  }
0x19b: {  	[sflag:s16] =	ssyncset.done $0x0  }
0x19c: {  	s3 =	simm.s32 $0x0;
	s7 =	rddreg [dreg:$0xa];
	[sflag:s16] =	ssyncadd.s32 $0xFFFFEC40  }
0x19d: {  	[hbm4b:s7+s3] =	stream.linear.scatter [tilespmem:s11], [sflag:$0x3], $0x13C0, $0x38;
	[tilespmem:$0x10B40] =	vst v63  }
0x19e: {  	_ =	swait.ge [sflag:s16], $0x13C0  }
0x19f: {  	[sflag:s16] =	ssyncset.done $0x0  }
0x1a0: {  	s9 =	rddreg [dreg:$0x9];
	[sflag:s16] =	ssyncadd.s32 $0xFFFFEC40  }
0x1a1: {  	[tilespmem:s11], [sflag:$0x3] =	stream.linear.gather [spmem:s9], $0x13C0, $0x38;
	[tilespmem:$0x10B40] =	vst v63  }
0x1a2: {  	_ =	swait.ge [sflag:s16], $0x13C0  }
0x1a3: {  	[sflag:s16] =	ssyncset.done $0x0  }
0x1a4: {  	s13 =	rddreg [dreg:$0xb];
	[sflag:s16] =	ssyncadd.s32 $0xFFFFEC40  }
0x1a5: {  	[hbm4b:s13+s3] =	stream.linear.scatter [tilespmem:s11], [sflag:$0x3], $0x13C0, $0x38;
	[tilespmem:$0x10B40] =	vst v63  }
0x1a6: {  	_ =	swait.ge [sflag:s16], $0x13C0  }
0x1a7: {  	s10 =	rddreg [dreg:$0xd]  }
0x1a8: {  	s15 =	rddreg [dreg:$0xc];
	s10 =	sadd.s32 $0x1, s10  }
0x1a9: {  	p0 =	sne.s32 s10, s15  }
.Ltmp1:
0x1aa: {  	_ = 	snop;
	(pc) =	sbr.rel @p0 .LBB2_1-.Ltmp1, $3  }
0x1ab: {  	_ =	sdelay $0x1  }
0x1ac: {  	[sflag:s16] =	ssyncset.done $0x0  }
0x1ad: {  	[sflag:s16] =	ssyncadd.s32 $0xFFFFEC40  }
0x1ae: {  	_ =	sfence.sel $0x180000  }
0x1af: {  	[bflag:$0x0] =	sbarrier.arrive $0xFFFF  }
0x1b0: {  	_ =	strace $0x9000004D  }
0x1b1: {  	s0 =	stileid.u32;
	[bflag:$0x2] =	sbarrier.arrive $0xFFFF  }
0x1b2: {  	p0 =	sne.s32 s0, $0x0;
	s0 =	rddreg [dreg:$0x3]  }
0x1b3: {  	s0 =	sadd.s32 @!p0 $0x100000, s0  }
0x1b4: {  	[sflag:s0] =	ssyncadd.tile.s32 @!p0 $0x1;
	_ =	shalt  }
.Lfunc_end2:
_tile_overlayer_lowered:
.L_overlay_start_2:
0x1b5: {  	(tag) =	ssettag $0x2  }
0x1b6: {  	s0 =	rddreg [dreg:$0x0];
	s2 =	stileid.u32  }
0x1b7: {  	s1 =	rddreg [dreg:$0x1];
	p0 =	sne.s32 s2, $0x0  }
0x1b8: {  	s3 =	rddreg [dreg:$0x2];
	[bflag:$0x3] =	sbarrier.arrive $0xFFFF;
	s2 =	simm.s32 @!p0 $0x1C03  }
0x1b9: {  	[timem:s3], [sflag:s2] =	dma.local @!p0 [hbm:s0], s1  }
0x1ba: {  	s0 =	simm.s32 @!p0 $0x3  }
0x1bb: {  	_ =	swait.ge @!p0 [sflag:s0], s1  }
0x1bc: {  	s1 =	ssub.s32 @!p0 $0x0, s1;
	[sflag:s0] =	ssyncset.done @!p0 $0x0  }
0x1bd: {  	[sflag:s0] =	ssyncadd.s32 @!p0 s1  }
0x1be: {  	[bflag:$0x3] =	sbarrier.arrive $0xFFFF  }
0x1bf: {  	_ =	shalt  }

// kernel: kernel.8.cloned.1.call-start
scs
__scs_entry_jumppad:
0x0: {  	(pc) =	sbr.rel $0x88, $3  }
0x1: {  	(tag) =	ssettag $0x0;
	lr =	simm.s32 $0x1  }
0x2: {  	[smem:$0x3F9B] =	sst lr;
	_ =	strace $0xD0000000  }
0x3: {  	_ = 	snop  }
0x4: {  	_ = 	snop  }
0x5: {  	_ = 	snop  }
0x6: {  	_ = 	snop  }
0x7: {  	_ = 	snop  }
__scs_overlays_trampoline_lowered:
0x8: {  	[smem:$0x3FAA] =	sst s0  }
0x9: {  	[smem:$0x3FAB] =	sst s1  }
0xa: {  	[smem:$0x3FAC] =	sst s2  }
0xb: {  	[smem:$0x3FAD] =	sst s3  }
0xc: {  	[smem:$0x3FAE] =	sst s4  }
0xd: {  	[smem:$0x3FAF] =	sst s5  }
0xe: {  	[smem:$0x3FB0] =	sst s6  }
0xf: {  	[smem:$0x3FB1] =	sst s7  }
0x10: {  	[smem:$0x3FB2] =	sst s8  }
0x11: {  	[smem:$0x3FB3] =	sst s9;
	s0 =	simm.s32 @!p0 $0x0  }
0x12: {  	s1 =	sld [smem:$0x3F99];
	s0 =	simm.s32 @p0 $0x1  }
0x13: {  	[smem:$0x3FB4] =	sst s0;
	s0 =	simm.s32 @!p1 $0x0  }
0x14: {  	s2 =	sld [smem:$0x3F98];
	s0 =	simm.s32 @p1 $0x1  }
0x15: {  	[smem:$0x3FB5] =	sst s0;
	s0 =	simm.s32 @!p2 $0x0  }
0x16: {  	s3 =	sld [smem:$0x3FDB];
	s0 =	simm.s32 @p2 $0x1  }
0x17: {  	s4 =	simm.s32 $0x1BF5;
	[smem:$0x3FB7] =	sst s0  }
0x18: {  	s0 =	sld [smem:$0x3F9A];
	_ =	swait.ge [sflag:s4], $0x0  }
0x19: {  	s7 =	sld [smem:$0x3F9B]  }
0x1a: {  	s8 =	sadd.s32 $0xFFFFE003, lr  }
0x1b: {  	s9 =	sadd.s32 $0xFFFFFEF7, lr;
	s5 =	simm.s32 $0xFFFFFFFF;
	p2 =	slt.u32 s8, $0xFFFFF086  }
0x1c: {  	p1 =	slt.u32 s9, $0xF7A;
	s5 =	simm.s32 @!p2 $0x0  }
0x1d: {  	s5 =	simm.s32 @p1 $0x1;
	p0 =	seq.s32 s7, s2  }
0x1e: {  	s7 =	smul.u32 @!p0 $0xF7A, s2;
	p2 =	seq.s32 @!p0 s5, $0x0  }
0x1f: {  	s9 =	smul.u32 $0xF7A, s1;
	s8 =	simm.s32 @!p0 $0x1BF5;
	p2 =	por !p2, p0  }
0x20: {  	[sflag:s8] =	ssyncset.s32 @!p0 $0xFFFFF086;
	s6 =	sadd.s32 @!p0 s3, s7;
	s7 =	simm.s32 @!p0 $0x108  }
0x21: {  	s3 =	sadd.s32 s3, s9;
	s6 =	sadd.s32 @!p0 $0x88, s6;
	s7 =	simm.s32 @p2 $0x1082  }
0x22: {  	[simem:s7], [sflag:s8] =	dma.local @!p0 [hbm:s6], $0xF7A  }
0x23: {  	s9 =	sor.u32 $0xD0000000, s2;
	s6 =	simm.s32 $0x108;
	_ =	swait.ge @!p0 [sflag:s8], $0x0  }
0x24: {  	s3 =	sadd.s32 $0x88, s3;
	s6 =	simm.s32 @!p1 $0x1082;
	[sflag:s4] =	ssyncset.s32 $0xFFFFF086  }
0x25: {  	[simem:s6], [sflag:s4] =	dma.local [hbm:s3], $0xF7A  }
0x26: {  	[smem:$0x3F9B] =	sst s1;
	(tag) =	ssettag s2;
	_ =	strace s9  }
0x27: {  	s1 =	sld [smem:$0x3FAB]  }
0x28: {  	s2 =	sld [smem:$0x3FAC]  }
0x29: {  	s4 =	sld [smem:$0x3FAE]  }
0x2a: {  	p0 =	seq.s32 s5, $0x0;
	s5 =	sld [smem:$0x3FAF]  }
0x2b: {  	s6 =	sld [smem:$0x3FB0]  }
0x2c: {  	s7 =	sld [smem:$0x3FB1]  }
0x2d: {  	s3 =	simm.s32 $0x108;
	s8 =	sld [smem:$0x3FB2]  }
0x2e: {  	s3 =	simm.s32 @!p0 $0x1082;
	s9 =	sld [smem:$0x3FB3]  }
0x2f: {  	lr =	sadd.s32 s0, s3;
	s0 =	sld [smem:$0x3FAA]  }
0x30: {  	s3 =	sld [smem:$0x3FAD]  }
0x31: {  	[smem:$0x3FB6] =	sst s10  }
0x32: {  	s10 =	sld [smem:$0x3FB4];
	_ =	sdelay $0x3  }
0x33: {  	p0 =	seq.s32 s10, $0x1;
	s10 =	sld [smem:$0x3FB6];
	_ =	sdelay $0x3  }
0x34: {  	[smem:$0x3FB6] =	sst s10  }
0x35: {  	s10 =	sld [smem:$0x3FB5];
	_ =	sdelay $0x3  }
0x36: {  	p1 =	seq.s32 s10, $0x1;
	s10 =	sld [smem:$0x3FB6];
	_ =	sdelay $0x3  }
0x37: {  	[smem:$0x3FB6] =	sst s10  }
0x38: {  	s10 =	sld [smem:$0x3FB7]  }
0x39: {  	_ = 	snop;
	(pc) =	sbr.ind lr, $3  }
0x3a: {  	_ = 	snop  }
0x3b: {  	_ = 	snop  }
0x3c: {  	p2 =	seq.s32 s10, $0x1;
	s10 =	sld [smem:$0x3FB6]  }
0x3d: {  	_ =	shalt  }
0x3e: {  	_ =	shalt  }
0x3f: {  	_ =	shalt  }
0x40: {  	_ =	shalt  }
0x41: {  	_ =	shalt  }
0x42: {  	_ =	shalt  }
0x43: {  	_ =	shalt  }
0x44: {  	_ =	shalt  }
0x45: {  	_ =	shalt  }
0x46: {  	_ =	shalt  }
0x47: {  	_ =	shalt  }
0x48: {  	_ =	shalt  }
0x49: {  	_ =	shalt  }
0x4a: {  	_ =	shalt  }
0x4b: {  	_ =	shalt  }
0x4c: {  	_ =	shalt  }
0x4d: {  	_ =	shalt  }
0x4e: {  	_ =	shalt  }
0x4f: {  	_ =	shalt  }
0x50: {  	_ =	shalt  }
0x51: {  	_ =	shalt  }
0x52: {  	_ =	shalt  }
0x53: {  	_ =	shalt  }
0x54: {  	_ =	shalt  }
0x55: {  	_ =	shalt  }
0x56: {  	_ =	shalt  }
0x57: {  	_ =	shalt  }
0x58: {  	_ =	shalt  }
0x59: {  	_ =	shalt  }
0x5a: {  	_ =	shalt  }
0x5b: {  	_ =	shalt  }
0x5c: {  	_ =	shalt  }
0x5d: {  	_ =	shalt  }
0x5e: {  	_ =	shalt  }
0x5f: {  	_ =	shalt  }
0x60: {  	_ =	shalt  }
0x61: {  	_ =	shalt  }
0x62: {  	_ =	shalt  }
0x63: {  	_ =	shalt  }
0x64: {  	_ =	shalt  }
0x65: {  	_ =	shalt  }
0x66: {  	_ =	shalt  }
0x67: {  	_ =	shalt  }
0x68: {  	_ =	shalt  }
0x69: {  	_ =	shalt  }
0x6a: {  	_ =	shalt  }
0x6b: {  	_ =	shalt  }
0x6c: {  	_ =	shalt  }
0x6d: {  	_ =	shalt  }
0x6e: {  	_ =	shalt  }
0x6f: {  	_ =	shalt  }
0x70: {  	_ =	shalt  }
0x71: {  	_ =	shalt  }
0x72: {  	_ =	shalt  }
0x73: {  	_ =	shalt  }
0x74: {  	_ =	shalt  }
0x75: {  	_ =	shalt  }
0x76: {  	_ =	shalt  }
0x77: {  	_ =	shalt  }
0x78: {  	_ =	shalt  }
0x79: {  	_ =	shalt  }
0x7a: {  	_ =	shalt  }
0x7b: {  	_ =	shalt  }
0x7c: {  	_ =	shalt  }
0x7d: {  	_ =	shalt  }
0x7e: {  	_ =	shalt  }
0x7f: {  	_ =	shalt  }
0x80: {  	_ =	shalt  }
0x81: {  	_ =	shalt  }
0x82: {  	_ =	shalt  }
0x83: {  	_ =	shalt  }
0x84: {  	_ =	shalt  }
0x85: {  	_ =	shalt  }
0x86: {  	_ =	shalt  }
0x87: {  	_ =	shalt  }
.Lfunc_end0:
.L_simem_size_0:
called_computation_lowered:
.L_overlay_start_0:
0x88: {  	s2 =	sld [smem:$0x3FD9]  }
0x89: {  	s3 =	sld [smem:$0x3FFE];
	_ =	sdelay $0x1  }
0x8a: {  	s1 =	srdreg.scid  }
0x8b: {  	s0 =	sand.u32 $0x1, s1  }
0x8c: {  	s17 =	sshll.u32 s0, $0xA;
	s2 =	sadd.s32 s3, s2  }
0x8d: {  	s2 =	sadd.s32 s2, s17  }
0x8e: {  	[smem:$0x3FC2] =	sst s2  }
0x8f: {  	_ = 	snop  }
0x90: {  	s2 =	sld [smem:$0x3FD0];
	(tm) =	ssettm $0x1  }
0x91: {  	s18 =	sld [smem:$0x3FFB];
	_ =	sdelay $0x3  }
0x92: {  	_ =	strace s18  }
0x93: {  	s3 =	sld [smem:$0x3FFC];
	_ =	sdelay $0x3  }
0x94: {  	_ =	strace s3  }
0x95: {  	s3 =	sld [smem:$0x3FFD];
	_ =	sdelay $0x3  }
0x96: {  	_ =	strace s3  }
0x97: {  	_ =	strace $0x8FFFFFFF  }
0x98: {  	s19 =	sld [smem:$0x3FDB];
	_ =	sdelay $0x1  }
0x99: {  	s4 =	simm.s32 $_scs_section_size  }
0x9a: {  	s5 =	simm.s32 $_size__tile_overlayer_lowered;
	s6 =	simm.s32 $_tile_overlayer_lowered  }
0x9b: {  	s22 =	simm.s32 $0x1BFF;
	s21 =	sshll.u32 s6, $0x1;
	s3 =	sadd.s32 s4, s19  }
0x9c: {  	s7 =	simm.s32 $0x0;
	s20 =	sshll.u32 s5, $0x1;
	s5 =	sadd.s32 s21, s3  }
0x9d: {  	[timem:s7], [sflag:s22] =	dma.local [hbm:s5], s20  }
0x9e: {  	_ =	swait.ge [sflag:s22], s20  }
0x9f: {  	s4 =	ssub.s32 $0x0, s20;
	[sflag:s22] =	ssyncset.done $0x0  }
0xa0: {  	[sflag:s22] =	ssyncadd.s32 s4;
	_ =	sdelay $0x1  }
0xa1: {  	s23 =	simm.s32 $0x1B8B  }
0xa2: {  	_ =	swait.ge [sflag:s23], $0x1  }
0xa3: {  	[sflag:s23] =	ssyncset.done $0x0  }
0xa4: {  	s25 =	simm.s32 $0x1B8E;
	s24 =	sld [smem:$0x3FFE];
	[sflag:s23] =	ssyncadd.s32 $0xFFFFFFFF  }
0xa5: {  	s26 =	simm.s32 $execute0_lowered;
	[smem:$0x3FD2] =	sst s25  }
0xa6: {  	s5 =	sshll.u32 s26, $0x1;
	_ =	strace $0x80000046;
	[dreg:$0x1] =	wrdreg $0xFFFFFFFF  }
0xa7: {  	s28 =	simm.s32 $_size_execute0_lowered;
	s3 =	sadd.s32 s3, s5;
	[dreg:$0x0] =	wrdreg $0x0  }
0xa8: {  	s5 =	sshll.u32 s28, $0x1;
	[dreg:$0x2] =	wrdreg s3  }
0xa9: {  	[dreg:$0x3] =	wrdreg s5  }
0xaa: {  	[dreg:$0x4] =	wrdreg $0xC0  }
0xab: {  	_ =	task [dreg:s7], $0x5FFFF  }
0xac: {  	[dreg:$0x1] =	wrdreg $0xFFFFFFFF  }
0xad: {  	[dreg:$0x0] =	wrdreg $0x60  }
0xae: {  	[dreg:$0x2] =	wrdreg s2  }
0xaf: {  	[dreg:$0x3] =	wrdreg s24  }
0xb0: {  	[dreg:$0x4] =	wrdreg $0x2AF80  }
0xb1: {  	[dreg:$0x5] =	wrdreg $0x9  }
0xb2: {  	_ =	task.clear_ibuf [dreg:s7], $0x6FFFF;
	_ =	strace $0x90000046  }
0xb3: {  	s29 =	simm.s32 $0x9;
	_ =	strace $0x80000048  }
0xb4: {  	_ =	swait.ge [sflag:s29], $0x1  }
0xb5: {  	[sflag:s29] =	ssyncadd.s32 $0xFFFFFFFF  }
0xb6: {  	_ =	strace $0x90000048  }
0xb7: {  	_ =	sfence  }
0xb8: {  	s30 =	sld [smem:$0x0];
	_ =	sdelay $0x2  }
0xb9: {  	s31 =	sshll.u32 s1, $0xD;
	s1 =	sshrl.u32 s1, $0x2  }
0xba: {  	s3 =	sand.u32 $0x4000, s31;
	s1 =	sadd.s32 s1, s30  }
0xbb: {  	s0 =	sor.u32 s3, s0;
	s1 =	sshll.u32 s1, $0x11  }
0xbc: {  	s0 =	sor.u32 s1, s0  }
0xbd: {  	s0 =	sadd.s32 $0x8F2B, s0  }
0xbe: {  	[sflag:s0] =	ssyncadd.remote.s32 $0x1  }
0xbf: {  	_ =	sfence.sel $0xFFFF  }
0xc0: {  	[dreg:$0x0] =	wrdreg $0xFFFFFFFF;
	(pc) =	sbr.abs _section_cstart, $3  }
0xc1: {  	[dreg:$0x1] =	wrdreg $0xFFFFFFFF  }
0xc2: {  	_ =	task.clear_ibuf [dreg:s7], $0x2FFFF;
	_ =	strace $0x9FFFFFFF  }
0xc3: {  	(tm) =	ssettm $0x7FFFFFFF  }
tec
execute0_lowered:
.L_overlay_start_1:
0x0: {  	(tag) =	ssettag $0x1  }
0x1: {  	s4 =	rddreg [dreg:$0x0]  }
0x2: {  	s5 =	rddreg [dreg:$0x1]  }
0x3: {  	s2 =	rddreg [dreg:$0x2]  }
0x4: {  	s0 =	rddreg [dreg:$0x3]  }
0x5: {  	s1 =	stileid.u32;
	s6 =	srdreg.scid;
	s3 =	simm.s32 $0x0  }
0x6: {  	s12 =	simm.s32 $0x80;
	s13 =	simm.s32 $0x2800;
	s14 =	simm.s32 $0x100  }
0x7: {  	s15 =	simm.s32 $0x180;
	s16 =	simm.s32 $0x200;
	s17 =	simm.s32 $0x280  }
0x8: {  	s18 =	simm.s32 $0x300;
	s19 =	simm.s32 $0x380;
	s20 =	simm.s32 $0x0  }
0x9: {  	s7 =	smul.u32 $0x278, s1;
	s6 =	sand.u32 $0x1, s6;
	[smem:$0x7FF] =	sst s3  }
0xa: {  	s9 =	sshll.u32 s1, $0x1;
	s8 =	smul.u32 $0x2780, s6;
	_ =	strace $0x80000047  }
0xb: {  	s9 =	sor.u32 s6, s9;
	s6 =	ssub.s32 $0x2, s6;
	s10 =	sshrl.u32 s7, $0x3  }
0xc: {  	s9 =	smul.u32 $0x500, s9;
	s31 =	sshrl.u32 s6, $0x1;
	s8 =	sadd.s32 s7, s8  }
0xd: {  	s10 =	sadd.s32 s10, s5;
	s11 =	ssub.s32 s6, s31;
	s6 =	sadd.s32 s7, s2  }
0xe: {  	s8 =	sshrl.u32 s8, $0x3;
	s4 =	sadd.s32 s4, s9;
	s9 =	simm.s32 $0x2880  }
0xf: {  	s8 =	sadd.s32 s8, s5;
	s5 =	sadd.s32 $0x2200, s10;
	s10 =	simm.s32 $0x2  }
0x10: {  	v0 =	vimm.f32 $1.000000000e+00;
	s7 =	sadd.s32 $0x2800, s8;
	s8 =	smax.u32 s11, $0x1;
	s11 =	simm.s32 $0x1  }
.LBB2_1:
0x11: {  	[tilespmem:s3], [sflag:$0x1] =	stream.linear.gather [hbm4b:s4+s3], $0x2800, $0x38;
	[tilespmem:$0x2D70] =	vst v63  }
0x12: {  	[tilespmem:$0x2800] =	vst v0  }
0x13: {  	[tilespmem:$0x2810] =	vst v0  }
0x14: {  	[tilespmem:$0x2820] =	vst v0  }
0x15: {  	[tilespmem:$0x2830] =	vst v0  }
0x16: {  	[tilespmem:$0x2840] =	vst v0  }
0x17: {  	[tilespmem:$0x2850] =	vst v0  }
0x18: {  	[tilespmem:$0x2860] =	vst v0  }
0x19: {  	[tilespmem:$0x2870] =	vst v0  }
0x1a: {  	[tilespmem:s9], [sflag:$0x2] =	stream.linear.gather [hbm4b:s5+s3], $0x278, $0x38;
	[tilespmem:$0x2D70] =	vst v63  }
0x1b: {  	_ =	swait.ge [sflag:s10], $0x278  }
0x1c: {  	[sflag:s10] =	ssyncset.done $0x0  }
0x1d: {  	[sflag:s10] =	ssyncadd.s32 $0xFFFFFD88  }
0x1e: {  	[spmem:s6] =	stream.linear.scatter [tilespmem:s9], [sflag:$0x2], $0x278, $0x38;
	[tilespmem:$0x2D70] =	vst v63  }
0x1f: {  	_ =	swait.ge [sflag:s10], $0x278  }
0x20: {  	[sflag:s10] =	ssyncset.done $0x0  }
0x21: {  	[sflag:s10] =	ssyncadd.s32 $0xFFFFFD88  }
0x22: {  	_ =	swait.ge [sflag:s11], $0x2800  }
0x23: {  	[sflag:s11] =	ssyncset.done $0x0  }
0x24: {  	[sflag:s11] =	ssyncadd.s32 $0xFFFFD800  }
0x25: {  	[bflag:$0x0] =	sbarrier.arrive $0xFFFF  }
0x26: {  	[spmem:s2] =	stream.indirect.scatter.add.f32 [tilespmem:s13], [sflag:$0x1], $0x1, s3, s12, $0xb8;
	[tilespmem:$0x2D70] =	vst v63  }
0x27: {  	_ = 	snop  }
0x28: {  	[spmem:s2] =	stream.indirect.scatter.add.f32 [tilespmem:s13], [sflag:$0x1], $0x1, s12, s12, $0xb8;
	[tilespmem:$0x2D70] =	vst v63  }
0x29: {  	_ = 	snop  }
0x2a: {  	[spmem:s2] =	stream.indirect.scatter.add.f32 [tilespmem:s13], [sflag:$0x1], $0x1, s14, s12, $0xb8;
	[tilespmem:$0x2D70] =	vst v63  }
0x2b: {  	_ = 	snop  }
0x2c: {  	[spmem:s2] =	stream.indirect.scatter.add.f32 [tilespmem:s13], [sflag:$0x1], $0x1, s15, s12, $0xb8;
	[tilespmem:$0x2D70] =	vst v63  }
0x2d: {  	_ = 	snop  }
0x2e: {  	[spmem:s2] =	stream.indirect.scatter.add.f32 [tilespmem:s13], [sflag:$0x1], $0x1, s16, s12, $0xb8;
	[tilespmem:$0x2D70] =	vst v63  }
0x2f: {  	_ = 	snop  }
0x30: {  	[spmem:s2] =	stream.indirect.scatter.add.f32 [tilespmem:s13], [sflag:$0x1], $0x1, s17, s12, $0xb8;
	[tilespmem:$0x2D70] =	vst v63  }
0x31: {  	_ = 	snop  }
0x32: {  	[spmem:s2] =	stream.indirect.scatter.add.f32 [tilespmem:s13], [sflag:$0x1], $0x1, s18, s12, $0xb8;
	[tilespmem:$0x2D70] =	vst v63  }
0x33: {  	_ = 	snop  }
0x34: {  	[spmem:s2] =	stream.indirect.scatter.add.f32 [tilespmem:s13], [sflag:$0x1], $0x1, s19, s12, $0xb8;
	[tilespmem:$0x2D70] =	vst v63  }
0x35: {  	s21 =	simm.s32 $0x400  }
0x36: {  	[spmem:s2] =	stream.indirect.scatter.add.f32 [tilespmem:s13], [sflag:$0x1], $0x1, s21, s12, $0xb8;
	[tilespmem:$0x2D70] =	vst v63  }
0x37: {  	s24 =	simm.s32 $0x480  }
0x38: {  	[spmem:s2] =	stream.indirect.scatter.add.f32 [tilespmem:s13], [sflag:$0x1], $0x1, s24, s12, $0xb8;
	[tilespmem:$0x2D70] =	vst v63  }
0x39: {  	s25 =	simm.s32 $0x500  }
0x3a: {  	[spmem:s2] =	stream.indirect.scatter.add.f32 [tilespmem:s13], [sflag:$0x1], $0x1, s25, s12, $0xb8;
	[tilespmem:$0x2D70] =	vst v63  }
0x3b: {  	s26 =	simm.s32 $0x580  }
0x3c: {  	[spmem:s2] =	stream.indirect.scatter.add.f32 [tilespmem:s13], [sflag:$0x1], $0x1, s26, s12, $0xb8;
	[tilespmem:$0x2D70] =	vst v63  }
0x3d: {  	s28 =	simm.s32 $0x600  }
0x3e: {  	[spmem:s2] =	stream.indirect.scatter.add.f32 [tilespmem:s13], [sflag:$0x1], $0x1, s28, s12, $0xb8;
	[tilespmem:$0x2D70] =	vst v63  }
0x3f: {  	s29 =	simm.s32 $0x680  }
0x40: {  	[spmem:s2] =	stream.indirect.scatter.add.f32 [tilespmem:s13], [sflag:$0x1], $0x1, s29, s12, $0xb8;
	[tilespmem:$0x2D70] =	vst v63  }
0x41: {  	s30 =	simm.s32 $0x700  }
0x42: {  	[spmem:s2] =	stream.indirect.scatter.add.f32 [tilespmem:s13], [sflag:$0x1], $0x1, s30, s12, $0xb8;
	[tilespmem:$0x2D70] =	vst v63  }
0x43: {  	s31 =	simm.s32 $0x780  }
0x44: {  	[spmem:s2] =	stream.indirect.scatter.add.f32 [tilespmem:s13], [sflag:$0x1], $0x1, s31, s12, $0xb8;
	[tilespmem:$0x2D70] =	vst v63  }
0x45: {  	_ =	swait.ge [sflag:s11], $0x80  }
0x46: {  	[sflag:s11] =	ssyncset.done $0x0  }
0x47: {  	[sflag:s11] =	ssyncadd.s32 $0xFFFFFF80  }
0x48: {  	_ =	swait.ge [sflag:s11], $0x80  }
0x49: {  	[sflag:s11] =	ssyncset.done $0x0  }
0x4a: {  	[sflag:s11] =	ssyncadd.s32 $0xFFFFFF80  }
0x4b: {  	_ =	swait.ge [sflag:s11], $0x80  }
0x4c: {  	[sflag:s11] =	ssyncset.done $0x0  }
0x4d: {  	[sflag:s11] =	ssyncadd.s32 $0xFFFFFF80  }
0x4e: {  	_ =	swait.ge [sflag:s11], $0x80  }
0x4f: {  	[sflag:s11] =	ssyncset.done $0x0  }
0x50: {  	[sflag:s11] =	ssyncadd.s32 $0xFFFFFF80  }
0x51: {  	_ =	swait.ge [sflag:s11], $0x80  }
0x52: {  	[sflag:s11] =	ssyncset.done $0x0  }
0x53: {  	[sflag:s11] =	ssyncadd.s32 $0xFFFFFF80  }
0x54: {  	_ =	swait.ge [sflag:s11], $0x80  }
0x55: {  	[sflag:s11] =	ssyncset.done $0x0  }
0x56: {  	[sflag:s11] =	ssyncadd.s32 $0xFFFFFF80  }
0x57: {  	_ =	swait.ge [sflag:s11], $0x80  }
0x58: {  	[sflag:s11] =	ssyncset.done $0x0  }
0x59: {  	[sflag:s11] =	ssyncadd.s32 $0xFFFFFF80  }
0x5a: {  	_ =	swait.ge [sflag:s11], $0x80  }
0x5b: {  	s23 =	simm.s32 $0x400;
	s24 =	simm.s32 $0x2000;
	[sflag:s11] =	ssyncset.done $0x0  }
.LBB2_2:
0x5c: {  	s25 =	sadd.s32 $0x400, s23  }
0x5d: {  	[sflag:s11] =	ssyncadd.s32 $0xFFFFFF80;
	s22 =	smov.u32 s24;
	s21 =	sadd.s32 $0x1000, s24  }
0x5e: {  	[spmem:s2] =	stream.indirect.scatter.add.f32 [tilespmem:s13], [sflag:$0x1], $0x1, s25, s12, $0xb8;
	[tilespmem:$0x2D70] =	vst v63  }
0x5f: {  	p0 =	sne.s32 s24, $0x8000;
	s24 =	sadd.s32 $0x480, s23  }
0x60: {  	[spmem:s2] =	stream.indirect.scatter.add.f32 [tilespmem:s13], [sflag:$0x1], $0x1, s24, s12, $0xb8;
	[tilespmem:$0x2D70] =	vst v63  }
0x61: {  	s24 =	sadd.s32 $0x500, s23  }
0x62: {  	[spmem:s2] =	stream.indirect.scatter.add.f32 [tilespmem:s13], [sflag:$0x1], $0x1, s24, s12, $0xb8;
	[tilespmem:$0x2D70] =	vst v63  }
0x63: {  	s24 =	sadd.s32 $0x580, s23  }
0x64: {  	[spmem:s2] =	stream.indirect.scatter.add.f32 [tilespmem:s13], [sflag:$0x1], $0x1, s24, s12, $0xb8;
	[tilespmem:$0x2D70] =	vst v63  }
0x65: {  	s24 =	sadd.s32 $0x600, s23  }
0x66: {  	[spmem:s2] =	stream.indirect.scatter.add.f32 [tilespmem:s13], [sflag:$0x1], $0x1, s24, s12, $0xb8;
	[tilespmem:$0x2D70] =	vst v63  }
0x67: {  	s24 =	sadd.s32 $0x680, s23  }
0x68: {  	[spmem:s2] =	stream.indirect.scatter.add.f32 [tilespmem:s13], [sflag:$0x1], $0x1, s24, s12, $0xb8;
	[tilespmem:$0x2D70] =	vst v63  }
0x69: {  	s24 =	sadd.s32 $0x700, s23  }
0x6a: {  	[spmem:s2] =	stream.indirect.scatter.add.f32 [tilespmem:s13], [sflag:$0x1], $0x1, s24, s12, $0xb8;
	[tilespmem:$0x2D70] =	vst v63  }
0x6b: {  	s23 =	sadd.s32 $0x780, s23  }
0x6c: {  	[spmem:s2] =	stream.indirect.scatter.add.f32 [tilespmem:s13], [sflag:$0x1], $0x1, s23, s12, $0xb8;
	[tilespmem:$0x2D70] =	vst v63  }
0x6d: {  	_ =	swait.ge [sflag:s11], $0x80  }
0x6e: {  	[sflag:s11] =	ssyncset.done $0x0  }
0x6f: {  	[sflag:s11] =	ssyncadd.s32 $0xFFFFFF80  }
0x70: {  	_ =	swait.ge [sflag:s11], $0x80  }
0x71: {  	[sflag:s11] =	ssyncset.done $0x0  }
0x72: {  	[sflag:s11] =	ssyncadd.s32 $0xFFFFFF80  }
0x73: {  	_ =	swait.ge [sflag:s11], $0x80  }
0x74: {  	[sflag:s11] =	ssyncset.done $0x0  }
0x75: {  	[sflag:s11] =	ssyncadd.s32 $0xFFFFFF80  }
0x76: {  	_ =	swait.ge [sflag:s11], $0x80  }
0x77: {  	[sflag:s11] =	ssyncset.done $0x0  }
0x78: {  	[sflag:s11] =	ssyncadd.s32 $0xFFFFFF80  }
0x79: {  	_ =	swait.ge [sflag:s11], $0x80  }
0x7a: {  	[sflag:s11] =	ssyncset.done $0x0  }
0x7b: {  	[sflag:s11] =	ssyncadd.s32 $0xFFFFFF80  }
0x7c: {  	_ =	swait.ge [sflag:s11], $0x80  }
0x7d: {  	[sflag:s11] =	ssyncset.done $0x0  }
0x7e: {  	[sflag:s11] =	ssyncadd.s32 $0xFFFFFF80  }
.Ltmp0:
0x7f: {  	_ =	swait.ge [sflag:s11], $0x80;
	(pc) =	sbr.rel @p0 .LBB2_2-.Ltmp0, $4  }
0x80: {  	[sflag:s11] =	ssyncset.done $0x0  }
0x81: {  	[sflag:s11] =	ssyncadd.s32 $0xFFFFFF80  }
0x82: {  	_ =	swait.ge [sflag:s11], $0x80  }
0x83: {  	s24 =	smov.u32 s21;
	s23 =	sshra.s32 s22, $0x2;
	[sflag:s11] =	ssyncset.done $0x0  }
0x84: {  	s21 =	sadd.s32 $0x400, s23;
	[sflag:s11] =	ssyncadd.s32 $0xFFFFFF80  }
0x85: {  	[spmem:s2] =	stream.indirect.scatter.add.f32 [tilespmem:s13], [sflag:$0x1], $0x1, s21, s12, $0xb8;
	[tilespmem:$0x2D70] =	vst v63  }
0x86: {  	s24 =	sadd.s32 $0x480, s23  }
0x87: {  	[spmem:s2] =	stream.indirect.scatter.add.f32 [tilespmem:s13], [sflag:$0x1], $0x1, s24, s12, $0xb8;
	[tilespmem:$0x2D70] =	vst v63  }
0x88: {  	s25 =	sadd.s32 $0x500, s23  }
0x89: {  	[spmem:s2] =	stream.indirect.scatter.add.f32 [tilespmem:s13], [sflag:$0x1], $0x1, s25, s12, $0xb8;
	[tilespmem:$0x2D70] =	vst v63  }
0x8a: {  	s26 =	sadd.s32 $0x580, s23  }
0x8b: {  	[spmem:s2] =	stream.indirect.scatter.add.f32 [tilespmem:s13], [sflag:$0x1], $0x1, s26, s12, $0xb8;
	[tilespmem:$0x2D70] =	vst v63  }
0x8c: {  	s28 =	sadd.s32 $0x600, s23  }
0x8d: {  	[spmem:s2] =	stream.indirect.scatter.add.f32 [tilespmem:s13], [sflag:$0x1], $0x1, s28, s12, $0xb8;
	[tilespmem:$0x2D70] =	vst v63  }
0x8e: {  	s29 =	sadd.s32 $0x680, s23  }
0x8f: {  	[spmem:s2] =	stream.indirect.scatter.add.f32 [tilespmem:s13], [sflag:$0x1], $0x1, s29, s12, $0xb8;
	[tilespmem:$0x2D70] =	vst v63  }
0x90: {  	s30 =	sadd.s32 $0x700, s23  }
0x91: {  	[spmem:s2] =	stream.indirect.scatter.add.f32 [tilespmem:s13], [sflag:$0x1], $0x1, s30, s12, $0xb8;
	[tilespmem:$0x2D70] =	vst v63  }
0x92: {  	s31 =	sadd.s32 $0x780, s23  }
0x93: {  	[spmem:s2] =	stream.indirect.scatter.add.f32 [tilespmem:s13], [sflag:$0x1], $0x1, s31, s12, $0xb8;
	[tilespmem:$0x2D70] =	vst v63  }
0x94: {  	_ =	swait.ge [sflag:s11], $0x80  }
0x95: {  	[sflag:s11] =	ssyncset.done $0x0  }
0x96: {  	[sflag:s11] =	ssyncadd.s32 $0xFFFFFF80  }
0x97: {  	_ =	swait.ge [sflag:s11], $0x80  }
0x98: {  	[sflag:s11] =	ssyncset.done $0x0  }
0x99: {  	[sflag:s11] =	ssyncadd.s32 $0xFFFFFF80  }
0x9a: {  	_ =	swait.ge [sflag:s11], $0x80  }
0x9b: {  	[sflag:s11] =	ssyncset.done $0x0  }
0x9c: {  	[sflag:s11] =	ssyncadd.s32 $0xFFFFFF80  }
0x9d: {  	_ =	swait.ge [sflag:s11], $0x80  }
0x9e: {  	[sflag:s11] =	ssyncset.done $0x0  }
0x9f: {  	[sflag:s11] =	ssyncadd.s32 $0xFFFFFF80  }
0xa0: {  	_ =	swait.ge [sflag:s11], $0x80  }
0xa1: {  	[sflag:s11] =	ssyncset.done $0x0  }
0xa2: {  	[sflag:s11] =	ssyncadd.s32 $0xFFFFFF80  }
0xa3: {  	_ =	swait.ge [sflag:s11], $0x80  }
0xa4: {  	[sflag:s11] =	ssyncset.done $0x0  }
0xa5: {  	[sflag:s11] =	ssyncadd.s32 $0xFFFFFF80  }
0xa6: {  	_ =	swait.ge [sflag:s11], $0x80  }
0xa7: {  	[sflag:s11] =	ssyncset.done $0x0  }
0xa8: {  	[sflag:s11] =	ssyncadd.s32 $0xFFFFFF80  }
0xa9: {  	_ =	swait.ge [sflag:s11], $0x80  }
0xaa: {  	[sflag:s11] =	ssyncset.done $0x0  }
0xab: {  	[sflag:s11] =	ssyncadd.s32 $0xFFFFFF80  }
0xac: {  	_ =	swait.ge [sflag:s11], $0x80  }
0xad: {  	[sflag:s11] =	ssyncset.done $0x0  }
0xae: {  	[sflag:s11] =	ssyncadd.s32 $0xFFFFFF80  }
0xaf: {  	_ =	swait.ge [sflag:s11], $0x80  }
0xb0: {  	[sflag:s11] =	ssyncset.done $0x0  }
0xb1: {  	[sflag:s11] =	ssyncadd.s32 $0xFFFFFF80  }
0xb2: {  	_ =	swait.ge [sflag:s11], $0x80  }
0xb3: {  	[sflag:s11] =	ssyncset.done $0x0  }
0xb4: {  	[sflag:s11] =	ssyncadd.s32 $0xFFFFFF80  }
0xb5: {  	_ =	swait.ge [sflag:s11], $0x80  }
0xb6: {  	[sflag:s11] =	ssyncset.done $0x0  }
0xb7: {  	[sflag:s11] =	ssyncadd.s32 $0xFFFFFF80  }
0xb8: {  	_ =	swait.ge [sflag:s11], $0x80  }
0xb9: {  	[sflag:s11] =	ssyncset.done $0x0  }
0xba: {  	[sflag:s11] =	ssyncadd.s32 $0xFFFFFF80  }
0xbb: {  	_ =	swait.ge [sflag:s11], $0x80  }
0xbc: {  	[sflag:s11] =	ssyncset.done $0x0  }
0xbd: {  	[sflag:s11] =	ssyncadd.s32 $0xFFFFFF80  }
0xbe: {  	_ =	swait.ge [sflag:s11], $0x80  }
0xbf: {  	[sflag:s11] =	ssyncset.done $0x0  }
0xc0: {  	[sflag:s11] =	ssyncadd.s32 $0xFFFFFF80  }
0xc1: {  	_ =	swait.ge [sflag:s11], $0x80  }
0xc2: {  	[sflag:s11] =	ssyncset.done $0x0  }
0xc3: {  	[sflag:s11] =	ssyncadd.s32 $0xFFFFFF80  }
0xc4: {  	[bflag:$0x0] =	sbarrier.arrive $0xFFFF  }
0xc5: {  	[tilespmem:s9], [sflag:$0x2] =	stream.linear.gather [spmem:s6], $0x278, $0x38;
	[tilespmem:$0x2D70] =	vst v63  }
0xc6: {  	s20 =	sadd.s32 $0x1, s20;
	_ =	swait.ge [sflag:s10], $0x278  }
0xc7: {  	p0 =	sne.s32 s20, s8;
	[sflag:s10] =	ssyncset.done $0x0  }
.Ltmp1:
0xc8: {  	[sflag:s10] =	ssyncadd.s32 $0xFFFFFD88;
	(pc) =	sbr.rel @p0 .LBB2_1-.Ltmp1, $4  }
0xc9: {  	[hbm4b:s7+s3] =	stream.linear.scatter [tilespmem:s9], [sflag:$0x2], $0x278, $0x38;
	[tilespmem:$0x2D70] =	vst v63  }
0xca: {  	_ =	swait.ge [sflag:s10], $0x278  }
0xcb: {  	[sflag:s10] =	ssyncset.done $0x0  }
0xcc: {  	[sflag:s10] =	ssyncadd.s32 $0xFFFFFD88  }
0xcd: {  	_ =	sfence.sel $0x180000  }
0xce: {  	[bflag:$0x0] =	sbarrier.arrive $0xFFFF  }
0xcf: {  	p0 =	sne.s32 s1, $0x0;
	_ =	strace $0x90000047  }
0xd0: {  	s0 =	sadd.s32 @!p0 $0x100000, s0;
	[bflag:$0x2] =	sbarrier.arrive $0xFFFF  }
0xd1: {  	[sflag:s0] =	ssyncadd.tile.s32 @!p0 $0x1;
	_ =	shalt  }
.Lfunc_end2:
_tile_overlayer_lowered:
.L_overlay_start_2:
0xd2: {  	(tag) =	ssettag $0x2  }
0xd3: {  	s0 =	rddreg [dreg:$0x0];
	s2 =	stileid.u32  }
0xd4: {  	s1 =	rddreg [dreg:$0x1];
	p0 =	sne.s32 s2, $0x0  }
0xd5: {  	s3 =	rddreg [dreg:$0x2];
	[bflag:$0x3] =	sbarrier.arrive $0xFFFF;
	s2 =	simm.s32 @!p0 $0x1C02  }
0xd6: {  	[timem:s3], [sflag:s2] =	dma.local @!p0 [hbm:s0], s1  }
0xd7: {  	s0 =	simm.s32 @!p0 $0x2  }
0xd8: {  	_ =	swait.ge @!p0 [sflag:s0], s1  }
0xd9: {  	s1 =	ssub.s32 @!p0 $0x0, s1;
	[sflag:s0] =	ssyncset.done @!p0 $0x0  }
0xda: {  	[sflag:s0] =	ssyncadd.s32 @!p0 s1  }
0xdb: {  	[bflag:$0x3] =	sbarrier.arrive $0xFFFF  }
0xdc: {  	_ =	shalt  }

</sc_bundles>
